<compile_context>
chip_gen: v7x
topology: tpu7x:2x2x1
jax: 0.10.2.dev20260603
libtpu: 0.0.44.dev20260713+nightly
codegen_flags: <defaults>
</compile_context>

<pallas_src>
import functools

import jax
import jax.numpy as jnp
import numpy as np
from jax import lax
from jax.experimental import pallas as pl
from jax.experimental.pallas import tpu as pltpu
from jax.experimental.pallas import tpu_sc as plsc

N = 10000
E = 320000
D_IN = 128
H = 64

NC = 2
NS = 16
NW = NC * NS
EW = E // NW
B = 80
S = EW // B
BA = 125
SA = EW // BA
NBUF = 8
RPS = 624
TAIL = N - NS * RPS

BN_SCALE = float(1.0 / np.sqrt(np.float32(1.0 + 1e-5)))

_MESH = plsc.VectorSubcoreMesh(
    core_axis_name="c", subcore_axis_name="s", num_cores=NC, num_subcores=NS)
_SC_PARAMS = pltpu.CompilerParams(use_tc_tiling_on_sc=False)



@functools.partial(
    pl.kernel,
    out_type=jax.ShapeDtypeStruct((NC, N), jnp.float32),
    mesh=_MESH,
    compiler_params=_SC_PARAMS,
    scratch_types=[
        pltpu.VMEM((S, B), jnp.int32),
        pltpu.VMEM((B,), jnp.float32),
        pltpu.VMEM_SHARED((N,), jnp.float32),
        [pltpu.SemaphoreType.DMA] * 5,
    ],
)
def _sc_degree(src_hbm, zeros_hbm, out_hbm, idx_v, ones_v, acc, sems):
    c = lax.axis_index("c")
    s = lax.axis_index("s")
    w = c * NS + s
    for i in range(B // 16):
        ones_v[pl.ds(i * 16, 16)] = jnp.ones((16,), jnp.float32)
    @pl.when(s == 0)
    def _():
        pltpu.sync_copy(zeros_hbm, acc)
    pltpu.sync_copy(src_hbm.at[w], idx_v)
    plsc.subcore_barrier()

    def body(i, carry):
        base = i * 5
        sds = [pltpu.async_copy(ones_v, acc.at[idx_v.at[base + b]],
                                sems[b], add=True) for b in range(5)]
        for sd in sds:
            sd.wait()
        return carry

    lax.fori_loop(0, S // 5, body, 0)
    plsc.subcore_barrier()
    @pl.when(s == 0)
    def _():
        pltpu.sync_copy(acc, out_hbm.at[c])


@functools.partial(
    pl.kernel,
    out_type=jax.ShapeDtypeStruct((NC, N, H), jnp.float32),
    mesh=_MESH,
    compiler_params=_SC_PARAMS,
    scratch_types=[
        pltpu.VMEM((SA, BA), jnp.int32),
        pltpu.VMEM((SA, BA), jnp.int32),
        [pltpu.VMEM((BA, H), jnp.float32)] * NBUF,
        [pltpu.SemaphoreType.DMA] * NBUF,
        [pltpu.SemaphoreType.DMA] * NBUF,
        pltpu.VMEM_SHARED((N, H), jnp.float32),
    ],
)
def _sc_edge_agg(y_hbm, src_hbm, dst_hbm, zeros_hbm, out_hbm,
                 src_v, dst_v, rows, gsems, ssems, acc):
    c = lax.axis_index("c")
    s = lax.axis_index("s")
    w = c * NS + s
    pltpu.sync_copy(zeros_hbm.at[pl.ds(s * RPS, RPS)],
                    acc.at[pl.ds(s * RPS, RPS)])
    @pl.when(s == 0)
    def _():
        pltpu.sync_copy(zeros_hbm.at[pl.ds(NS * RPS, TAIL)],
                        acc.at[pl.ds(NS * RPS, TAIL)])
    pltpu.sync_copy(src_hbm.at[w], src_v)
    pltpu.sync_copy(dst_hbm.at[w], dst_v)
    plsc.subcore_barrier()

    def body(i, carry):
        base = i * NBUF
        gds = [pltpu.async_copy(y_hbm.at[src_v.at[base + b]], rows[b],
                                gsems[b]) for b in range(NBUF)]
        sds = []
        for b in range(NBUF):
            gds[b].wait()
            sds.append(pltpu.async_copy(rows[b], acc.at[dst_v.at[base + b]],
                                        ssems[b], add=True))
        for b in range(NBUF):
            sds[b].wait()
        return carry

    lax.fori_loop(0, SA // NBUF, body, 0)
    plsc.subcore_barrier()
    pltpu.sync_copy(acc.at[pl.ds(s * RPS, RPS)],
                    out_hbm.at[c].at[pl.ds(s * RPS, RPS)])
    @pl.when(s == 0)
    def _():
        pltpu.sync_copy(acc.at[pl.ds(NS * RPS, TAIL)],
                        out_hbm.at[c].at[pl.ds(NS * RPS, TAIL)])



R = 2000
G = N // R
_TC_PARAMS = pltpu.CompilerParams(dimension_semantics=("parallel",))


def _bcast(shape):
    return pl.BlockSpec(shape, lambda i: (0,) * len(shape))


def _rows(*minor):
    nm = len(minor)
    return pl.BlockSpec((R,) + minor, lambda i: (i,) + (0,) * nm)


def _rows3(*minor):
    nm = len(minor)
    return pl.BlockSpec((2, R) + minor, lambda i: (0, i) + (0,) * nm)


def _tc0_body(deg_ref, x_ref, w0b_ref, dinv_ref, y0_ref):
    deg = deg_ref[0] + deg_ref[1]
    dinv = jnp.where(deg > 0.0,
                     lax.rsqrt(jnp.maximum(deg, 1e-12)),
                     0.0)
    dinv_ref[...] = dinv
    y0_ref[...] = jnp.dot(x_ref[...], w0b_ref[...],
                          preferred_element_type=jnp.float32) * dinv


_tc0 = pl.pallas_call(
    _tc0_body,
    grid=(G,),
    in_specs=[_rows3(1), _rows(D_IN), _bcast((D_IN, H))],
    out_specs=(_rows(1), _rows(H)),
    out_shape=(
        jax.ShapeDtypeStruct((N, 1), jnp.float32),
        jax.ShapeDtypeStruct((N, H), jnp.float32),
    ),
    compiler_params=_TC_PARAMS,
)


def _tc_mid_body(sp_ref, hin_ref, dinv_ref, g_ref, bb_ref, bias_ref,
                 wa_ref, wbn_ref, h_ref, y2_ref, *, residual):
    dinv = dinv_ref[...]
    hin = hin_ref[...]
    t = jnp.dot(hin, wa_ref[...], preferred_element_type=jnp.float32)
    msg = -dinv * (sp_ref[0] + sp_ref[1])
    pre = t + msg + bias_ref[...]
    h = jnp.maximum(pre * (g_ref[...] * BN_SCALE) + bb_ref[...], 0.0)
    if residual:
        h = h + hin
    h_ref[...] = h
    y2_ref[...] = jnp.dot(h, wbn_ref[...],
                          preferred_element_type=jnp.float32) * dinv


def _make_tc_mid(din, residual):
    return pl.pallas_call(
        functools.partial(_tc_mid_body, residual=residual),
        grid=(G,),
        in_specs=[_rows3(H), _rows(din), _rows(1), _bcast((1, H)),
                  _bcast((1, H)), _bcast((1, H)),
                  _bcast((din, H)), _bcast((H, H))],
        out_specs=(_rows(H), _rows(H)),
        out_shape=(
            jax.ShapeDtypeStruct((N, H), jnp.float32),
            jax.ShapeDtypeStruct((N, H), jnp.float32),
        ),
        compiler_params=_TC_PARAMS,
    )


_tc_mid0 = _make_tc_mid(D_IN, False)
_tc_mid1 = _make_tc_mid(H, True)


def _ln(h, g, b):
    m = jnp.mean(h, axis=-1, keepdims=True)
    v = jnp.mean((h - m) * (h - m), axis=-1, keepdims=True)
    return (h - m) * lax.rsqrt(v + 1e-5) * g + b


def _tc_final_body(sp_ref, hin_ref, dinv_ref, g_ref, bb_ref, bias_ref,
                   wa_ref, pmw1_ref, pmb1_ref, pmlng_ref, pmlnb_ref, pmw2_ref,
                   pmb2_ref, rmw1_ref, rmb1_ref, rmlng_ref, rmlnb_ref,
                   rmw2_ref, rmb2_ref, out_ref):
    dinv = dinv_ref[...]
    hin = hin_ref[...]
    t = jnp.dot(hin, wa_ref[...], preferred_element_type=jnp.float32)
    msg = -dinv * (sp_ref[0] + sp_ref[1])
    pre = t + msg + bias_ref[...]
    h2 = jnp.maximum(pre * (g_ref[...] * BN_SCALE) + bb_ref[...], 0.0)
    h2 = h2 + hin
    p1 = jnp.dot(h2, pmw1_ref[...],
                 preferred_element_type=jnp.float32) + pmb1_ref[...]
    p1 = jnp.maximum(_ln(p1, pmlng_ref[...], pmlnb_ref[...]), 0.0)
    pos = jnp.dot(p1, pmw2_ref[...],
                  preferred_element_type=jnp.float32) + pmb2_ref[...]
    r1 = jnp.dot(h2, rmw1_ref[...],
                 preferred_element_type=jnp.float32) + rmb1_ref[...]
    r1 = jnp.maximum(_ln(r1, rmlng_ref[...], rmlnb_ref[...]), 0.0)
    rad = jax.nn.sigmoid(jnp.dot(r1, rmw2_ref[...],
                                 preferred_element_type=jnp.float32)
                         + rmb2_ref[...])
    nrm = jnp.sqrt(jnp.sum(pos * pos, axis=-1, keepdims=True))
    out_ref[...] = pos / (nrm + 1e-8) * rad


_tc_final = pl.pallas_call(
    _tc_final_body,
    grid=(G,),
    in_specs=[_rows3(H), _rows(H), _rows(1), _bcast((1, H)), _bcast((1, H)),
              _bcast((1, H)), _bcast((H, H)),
              _bcast((H, H)), _bcast((1, H)), _bcast((1, H)), _bcast((1, H)),
              _bcast((H, 2)), _bcast((1, 2)),
              _bcast((H, H // 2)), _bcast((1, H // 2)), _bcast((1, H // 2)),
              _bcast((1, H // 2)), _bcast((H // 2, 1)), _bcast((1, 1))],
    out_specs=pl.BlockSpec((R, 2), lambda i: (i, 0)),
    out_shape=jax.ShapeDtypeStruct((N, 2), jnp.float32),
    compiler_params=_TC_PARAMS,
)



def kernel(x, edge_index, params):
    p = params
    src = edge_index[0].reshape(NW, SA, BA)
    dst = edge_index[1].reshape(NW, SA, BA)
    src_d = edge_index[0].reshape(NW, S, B)
    z1 = jnp.zeros((N,), jnp.float32)
    z64 = jnp.zeros((N, H), jnp.float32)

    degp = _sc_degree(src_d, z1)

    row = lambda v: v.reshape(1, -1)
    dinv, y0 = _tc0(degp.reshape(NC, N, 1), x, p["W0b"])
    s0 = _sc_edge_agg(y0, src, dst, z64)
    h, y1 = _tc_mid0(s0, x, dinv, row(p["bn0_g"]), row(p["bn0_b"]),
                     row(p["b0"]), p["W0a"], p["W1b"])
    s1 = _sc_edge_agg(y1, src, dst, z64)
    h1, y2 = _tc_mid1(s1, h, dinv, row(p["bn1_g"]), row(p["bn1_b"]),
                      row(p["b1"]), p["W1a"], p["W2b"])
    s2 = _sc_edge_agg(y2, src, dst, z64)
    out = _tc_final(s2, h1, dinv, row(p["bn2_g"]), row(p["bn2_b"]),
                    row(p["b2"]), p["W2a"],
                    p["pm_w1"], row(p["pm_b1"]), row(p["pm_lng"]),
                    row(p["pm_lnb"]), p["pm_w2"], row(p["pm_b2"]),
                    p["rm_w1"], row(p["rm_b1"]), row(p["rm_lng"]),
                    row(p["rm_lnb"]), p["rm_w2"], row(p["rm_b2"]))
    return out

# --- scband reference (transcript-rebuilt; emitter-appended) ---
"""Pipeline reference for scband-gnn-cheb-conv-6536940224661 (READ-ONLY COPY).

The authoritative reference and input builder live on the scoring server;
editing this copy changes nothing except your own understanding.
"""

import jax, jax.numpy as jnp
import numpy as np

N = 10000
E = 320000
D_IN = 128
H = 64


def _glorot(k, shape):
    lim = float(np.sqrt(6.0 / (shape[0] + shape[1])))
    return jax.random.uniform(k, shape, jnp.float32, -lim, lim)


def setup_inputs(seed: int = 0):
    key = jax.random.key(seed)
    ks = jax.random.split(key, 20)
    params = {
        "W0a": _glorot(ks[2], (D_IN, H)), "W0b": _glorot(ks[3], (D_IN, H)), "b0": jnp.zeros((H,), jnp.float32),
        "W1a": _glorot(ks[4], (H, H)), "W1b": _glorot(ks[5], (H, H)), "b1": jnp.zeros((H,), jnp.float32),
        "W2a": _glorot(ks[6], (H, H)), "W2b": _glorot(ks[7], (H, H)), "b2": jnp.zeros((H,), jnp.float32),
        "bn0_g": jnp.ones((H,), jnp.float32), "bn0_b": jnp.zeros((H,), jnp.float32),
        "bn1_g": jnp.ones((H,), jnp.float32), "bn1_b": jnp.zeros((H,), jnp.float32),
        "bn2_g": jnp.ones((H,), jnp.float32), "bn2_b": jnp.zeros((H,), jnp.float32),
        "pm_w1": _glorot(ks[8], (H, H)), "pm_b1": jnp.zeros((H,), jnp.float32),
        "pm_lng": jnp.ones((H,), jnp.float32), "pm_lnb": jnp.zeros((H,), jnp.float32),
        "pm_w2": _glorot(ks[9], (H, 2)), "pm_b2": jnp.zeros((2,), jnp.float32),
        "rm_w1": _glorot(ks[10], (H, H // 2)), "rm_b1": jnp.zeros((H // 2,), jnp.float32),
        "rm_lng": jnp.ones((H // 2,), jnp.float32), "rm_lnb": jnp.zeros((H // 2,), jnp.float32),
        "rm_w2": _glorot(ks[11], (H // 2, 1)), "rm_b2": jnp.zeros((1,), jnp.float32),
    }
    return {
        "x": jax.random.normal(ks[0], (N, D_IN), jnp.float32),
        "edge_index": jax.random.randint(ks[1], (2, E), 0, N, jnp.int32),
        "params": params,
    }


def _cheb(x, src, dst, dinv, W0, W1, b):
    # ChebConv with K=2, sym normalization, lambda_max=2.0:
    # L_hat = L_sym - I -> diagonal cancels, off-diag weight = -dinv[src]*dinv[dst]
    w = -dinv[src] * dinv[dst]
    tx1 = jnp.zeros(x.shape, x.dtype).at[dst].add(w[:, None] * x[src])
    return x @ W0 + tx1 @ W1 + b


def _bn_eval(h, g, b):
    # BatchNorm1d in eval mode with fresh running stats (mean=0, var=1)
    return h / jnp.sqrt(1.0 + 1e-5) * g + b


def _ln(h, g, b):
    m = jnp.mean(h, axis=-1, keepdims=True)
    v = jnp.var(h, axis=-1, keepdims=True)
    return (h - m) / jnp.sqrt(v + 1e-5) * g + b


def _forward(x, edge_index, p):
    src, dst = edge_index[0], edge_index[1]
    deg = jnp.zeros((x.shape[0],), jnp.float32).at[src].add(jnp.ones((src.shape[0],), jnp.float32))
    dinv = jnp.where(deg > 0, 1.0 / jnp.sqrt(jnp.maximum(deg, 1e-12)), 0.0)
    h = jax.nn.relu(_bn_eval(_cheb(x, src, dst, dinv, p["W0a"], p["W0b"], p["b0"]), p["bn0_g"], p["bn0_b"]))
    h1 = jax.nn.relu(_bn_eval(_cheb(h, src, dst, dinv, p["W1a"], p["W1b"], p["b1"]), p["bn1_g"], p["bn1_b"])) + h
    h2 = jax.nn.relu(_bn_eval(_cheb(h1, src, dst, dinv, p["W2a"], p["W2b"], p["b2"]), p["bn2_g"], p["bn2_b"])) + h1
    pos = jax.nn.relu(_ln(h2 @ p["pm_w1"] + p["pm_b1"], p["pm_lng"], p["pm_lnb"])) @ p["pm_w2"] + p["pm_b2"]
    rad = jax.nn.sigmoid(jax.nn.relu(_ln(h2 @ p["rm_w1"] + p["rm_b1"], p["rm_lng"], p["rm_lnb"])) @ p["rm_w2"] + p["rm_b2"])
    nrm = jnp.linalg.norm(pos, axis=-1, keepdims=True)
    return pos / (nrm + 1e-8) * rad


def reference(x, edge_index, params):
    return _forward(x, edge_index, params)

if __name__ == "__main__":
    import jax
    _d = setup_inputs()
    print(jax.jit(kernel)(*tuple(_d.values())))

</pallas_src>

<mosaic_0001>
#map = affine_map<(d0, d1) -> (0, 0)>
#map1 = affine_map<(d0, d1) -> (0, 0, 0)>
module attributes {stable_mosaic.version = 14 : i64} {
  func.func @_sc_edge_agg(%arg0: i32, %arg1: i32, %arg2: memref<10000x64xf32, #tpu.memory_space<hbm>>, %arg3: memref<32x80x125xi32, #tpu.memory_space<hbm>>, %arg4: memref<32x80x125xi32, #tpu.memory_space<hbm>>, %arg5: memref<10000x64xf32, #tpu.memory_space<hbm>>, %arg6: memref<2x10000x64xf32, #tpu.memory_space<hbm>>, %arg7: memref<80x125xi32, #tpu.memory_space<vmem>>, %arg8: memref<80x125xi32, #tpu.memory_space<vmem>>, %arg9: memref<125x64xf32, #tpu.memory_space<vmem>>, %arg10: memref<125x64xf32, #tpu.memory_space<vmem>>, %arg11: memref<125x64xf32, #tpu.memory_space<vmem>>, %arg12: memref<125x64xf32, #tpu.memory_space<vmem>>, %arg13: memref<125x64xf32, #tpu.memory_space<vmem>>, %arg14: memref<125x64xf32, #tpu.memory_space<vmem>>, %arg15: memref<125x64xf32, #tpu.memory_space<vmem>>, %arg16: memref<125x64xf32, #tpu.memory_space<vmem>>, %arg17: memref<!tpu.dma_semaphore, #tpu.memory_space<semaphore_mem>>, %arg18: memref<!tpu.dma_semaphore, #tpu.memory_space<semaphore_mem>>, %arg19: memref<!tpu.dma_semaphore, #tpu.memory_space<semaphore_mem>>, %arg20: memref<!tpu.dma_semaphore, #tpu.memory_space<semaphore_mem>>, %arg21: memref<!tpu.dma_semaphore, #tpu.memory_space<semaphore_mem>>, %arg22: memref<!tpu.dma_semaphore, #tpu.memory_space<semaphore_mem>>, %arg23: memref<!tpu.dma_semaphore, #tpu.memory_space<semaphore_mem>>, %arg24: memref<!tpu.dma_semaphore, #tpu.memory_space<semaphore_mem>>, %arg25: memref<!tpu.dma_semaphore, #tpu.memory_space<semaphore_mem>>, %arg26: memref<!tpu.dma_semaphore, #tpu.memory_space<semaphore_mem>>, %arg27: memref<!tpu.dma_semaphore, #tpu.memory_space<semaphore_mem>>, %arg28: memref<!tpu.dma_semaphore, #tpu.memory_space<semaphore_mem>>, %arg29: memref<!tpu.dma_semaphore, #tpu.memory_space<semaphore_mem>>, %arg30: memref<!tpu.dma_semaphore, #tpu.memory_space<semaphore_mem>>, %arg31: memref<!tpu.dma_semaphore, #tpu.memory_space<semaphore_mem>>, %arg32: memref<!tpu.dma_semaphore, #tpu.memory_space<semaphore_mem>>, %arg33: memref<10000x64xf32, #tpu.memory_space<vmem_shared>>) attributes {dimension_semantics = [#tpu.dimension_semantics<core_parallel>, #tpu.dimension_semantics<subcore_parallel>], iteration_bounds = array<i64: 2, 16>, scalar_prefetch = 0 : i64, scratch_operands = 27 : i64, tpu.core_type = #tpu.core_type<sc_vector_subcore>, window_params = [{transform_indices = #map}, {transform_indices = #map1}, {transform_indices = #map1}, {transform_indices = #map}, {transform_indices = #map1}]} {
    %mul3A = arith.constant 16 : i32
    %mul3A_0 = arith.muli %arg0, %mul3A : i32
    %add3A = arith.addi %mul3A_0, %arg1 : i32
    %mul3A_1 = arith.constant 624 : i32
    %mul3A_2 = arith.muli %arg1, %mul3A_1 : i32
    %mul3A_3 = arith.constant 624 : i32
    %mul3A_4 = arith.muli %arg1, %mul3A_3 : i32
    "tpu.region"() ({
      %run_scoped3A = tpu.sem_alloc : memref<!tpu.dma_semaphore, #tpu.memory_space<semaphore_mem>>
      %dma_start3A = arith.constant 0 : i32
      %dma_start3A_22 = tpu.memref_slice %arg33[%mul3A_4, %dma_start3A] : memref<10000x64xf32, #tpu.memory_space<vmem_shared>> -> memref<624x64xf32, #tpu.memory_space<vmem_shared>>
      %dma_start3A_23 = arith.constant 0 : i32
      %dma_start3A_24 = tpu.memref_slice %arg5[%mul3A_2, %dma_start3A_23] : memref<10000x64xf32, #tpu.memory_space<hbm>> -> memref<624x64xf32, #tpu.memory_space<hbm>>
      tpu.enqueue_dma source(%dma_start3A_24 : memref<624x64xf32, #tpu.memory_space<hbm>>) target(%dma_start3A_22 : memref<624x64xf32, #tpu.memory_space<vmem_shared>>) target_semaphore(%run_scoped3A : memref<!tpu.dma_semaphore, #tpu.memory_space<semaphore_mem>>)
      %dma_wait3A = arith.constant 0 : i32
      %dma_wait3A_25 = tpu.memref_slice %arg33[%mul3A_4, %dma_wait3A] : memref<10000x64xf32, #tpu.memory_space<vmem_shared>> -> memref<624x64xf32, #tpu.memory_space<vmem_shared>>
      %dma_wait3A_26 = arith.constant 0 : i32
      %dma_wait3A_27 = tpu.memref_slice %arg5[%mul3A_2, %dma_wait3A_26] : memref<10000x64xf32, #tpu.memory_space<hbm>> -> memref<624x64xf32, #tpu.memory_space<hbm>>
      tpu.wait_dma2 semaphore(%run_scoped3A : memref<!tpu.dma_semaphore, #tpu.memory_space<semaphore_mem>>) src(%dma_wait3A_27 : memref<624x64xf32, #tpu.memory_space<hbm>>) dst(%dma_wait3A_25 : memref<624x64xf32, #tpu.memory_space<vmem_shared>>)
      tpu.yield
    }) : () -> ()
    %eq3A = arith.constant 0 : i32
    %eq3A_5 = arith.cmpi eq, %arg1, %eq3A : i32
    %convert_element_type3A = arith.extui %eq3A_5 : i1 to i32
    %cond3A = arith.constant 0 : i32
    %cond3A_6 = arith.cmpi ne, %convert_element_type3A, %cond3A : i32
    scf.if %cond3A_6 {
      "tpu.region"() ({
        %run_scoped3A = tpu.sem_alloc : memref<!tpu.dma_semaphore, #tpu.memory_space<semaphore_mem>>
        %dma_start3A = arith.constant 9984 : i32
        %dma_start3A_22 = arith.constant 0 : i32
        %dma_start3A_23 = tpu.memref_slice %arg33[%dma_start3A, %dma_start3A_22] : memref<10000x64xf32, #tpu.memory_space<vmem_shared>> -> memref<16x64xf32, #tpu.memory_space<vmem_shared>>
        %dma_start3A_24 = arith.constant 9984 : i32
        %dma_start3A_25 = arith.constant 0 : i32
        %dma_start3A_26 = tpu.memref_slice %arg5[%dma_start3A_24, %dma_start3A_25] : memref<10000x64xf32, #tpu.memory_space<hbm>> -> memref<16x64xf32, #tpu.memory_space<hbm>>
        tpu.enqueue_dma source(%dma_start3A_26 : memref<16x64xf32, #tpu.memory_space<hbm>>) target(%dma_start3A_23 : memref<16x64xf32, #tpu.memory_space<vmem_shared>>) target_semaphore(%run_scoped3A : memref<!tpu.dma_semaphore, #tpu.memory_space<semaphore_mem>>)
        %dma_wait3A = arith.constant 9984 : i32
        %dma_wait3A_27 = arith.constant 0 : i32
        %dma_wait3A_28 = tpu.memref_slice %arg33[%dma_wait3A, %dma_wait3A_27] : memref<10000x64xf32, #tpu.memory_space<vmem_shared>> -> memref<16x64xf32, #tpu.memory_space<vmem_shared>>
        %dma_wait3A_29 = arith.constant 9984 : i32
        %dma_wait3A_30 = arith.constant 0 : i32
        %dma_wait3A_31 = tpu.memref_slice %arg5[%dma_wait3A_29, %dma_wait3A_30] : memref<10000x64xf32, #tpu.memory_space<hbm>> -> memref<16x64xf32, #tpu.memory_space<hbm>>
        tpu.wait_dma2 semaphore(%run_scoped3A : memref<!tpu.dma_semaphore, #tpu.memory_space<semaphore_mem>>) src(%dma_wait3A_31 : memref<16x64xf32, #tpu.memory_space<hbm>>) dst(%dma_wait3A_28 : memref<16x64xf32, #tpu.memory_space<vmem_shared>>)
        tpu.yield
      }) : () -> ()
    } else {
    }
    "tpu.region"() ({
      %run_scoped3A = tpu.sem_alloc : memref<!tpu.dma_semaphore, #tpu.memory_space<semaphore_mem>>
      %dma_start3A = arith.constant 0 : i32
      %dma_start3A_22 = arith.constant 0 : i32
      %dma_start3A_23 = tpu.memref_slice %arg3[%add3A, %dma_start3A, %dma_start3A_22] : memref<32x80x125xi32, #tpu.memory_space<hbm>> -> memref<1x80x125xi32, #tpu.memory_space<hbm>>
      %dma_start3A_24 = tpu.memref_squeeze %dma_start3A_23 : memref<1x80x125xi32, #tpu.memory_space<hbm>> -> memref<80x125xi32, #tpu.memory_space<hbm>>
      %dma_start3A_25 = arith.constant 0 : i32
      %dma_start3A_26 = arith.constant 0 : i32
      %dma_start3A_27 = tpu.memref_slice %arg3[%add3A, %dma_start3A_25, %dma_start3A_26] : memref<32x80x125xi32, #tpu.memory_space<hbm>> -> memref<1x80x125xi32, #tpu.memory_space<hbm>>
      %dma_start3A_28 = tpu.memref_squeeze %dma_start3A_27 : memref<1x80x125xi32, #tpu.memory_space<hbm>> -> memref<80x125xi32, #tpu.memory_space<hbm>>
      tpu.enqueue_dma source(%dma_start3A_28 : memref<80x125xi32, #tpu.memory_space<hbm>>) target(%arg7 : memref<80x125xi32, #tpu.memory_space<vmem>>) target_semaphore(%run_scoped3A : memref<!tpu.dma_semaphore, #tpu.memory_space<semaphore_mem>>)
      %dma_wait3A = arith.constant 0 : i32
      %dma_wait3A_29 = arith.constant 0 : i32
      %dma_wait3A_30 = tpu.memref_slice %arg3[%add3A, %dma_wait3A, %dma_wait3A_29] : memref<32x80x125xi32, #tpu.memory_space<hbm>> -> memref<1x80x125xi32, #tpu.memory_space<hbm>>
      %dma_wait3A_31 = tpu.memref_squeeze %dma_wait3A_30 : memref<1x80x125xi32, #tpu.memory_space<hbm>> -> memref<80x125xi32, #tpu.memory_space<hbm>>
      %dma_wait3A_32 = arith.constant 0 : i32
      %dma_wait3A_33 = arith.constant 0 : i32
      %dma_wait3A_34 = tpu.memref_slice %arg3[%add3A, %dma_wait3A_32, %dma_wait3A_33] : memref<32x80x125xi32, #tpu.memory_space<hbm>> -> memref<1x80x125xi32, #tpu.memory_space<hbm>>
      %dma_wait3A_35 = tpu.memref_squeeze %dma_wait3A_34 : memref<1x80x125xi32, #tpu.memory_space<hbm>> -> memref<80x125xi32, #tpu.memory_space<hbm>>
      tpu.wait_dma2 semaphore(%run_scoped3A : memref<!tpu.dma_semaphore, #tpu.memory_space<semaphore_mem>>) src(%dma_wait3A_35 : memref<80x125xi32, #tpu.memory_space<hbm>>) dst(%arg7 : memref<80x125xi32, #tpu.memory_space<vmem>>)
      tpu.yield
    }) : () -> ()
    "tpu.region"() ({
      %run_scoped3A = tpu.sem_alloc : memref<!tpu.dma_semaphore, #tpu.memory_space<semaphore_mem>>
      %dma_start3A = arith.constant 0 : i32
      %dma_start3A_22 = arith.constant 0 : i32
      %dma_start3A_23 = tpu.memref_slice %arg4[%add3A, %dma_start3A, %dma_start3A_22] : memref<32x80x125xi32, #tpu.memory_space<hbm>> -> memref<1x80x125xi32, #tpu.memory_space<hbm>>
      %dma_start3A_24 = tpu.memref_squeeze %dma_start3A_23 : memref<1x80x125xi32, #tpu.memory_space<hbm>> -> memref<80x125xi32, #tpu.memory_space<hbm>>
      %dma_start3A_25 = arith.constant 0 : i32
      %dma_start3A_26 = arith.constant 0 : i32
      %dma_start3A_27 = tpu.memref_slice %arg4[%add3A, %dma_start3A_25, %dma_start3A_26] : memref<32x80x125xi32, #tpu.memory_space<hbm>> -> memref<1x80x125xi32, #tpu.memory_space<hbm>>
      %dma_start3A_28 = tpu.memref_squeeze %dma_start3A_27 : memref<1x80x125xi32, #tpu.memory_space<hbm>> -> memref<80x125xi32, #tpu.memory_space<hbm>>
      tpu.enqueue_dma source(%dma_start3A_28 : memref<80x125xi32, #tpu.memory_space<hbm>>) target(%arg8 : memref<80x125xi32, #tpu.memory_space<vmem>>) target_semaphore(%run_scoped3A : memref<!tpu.dma_semaphore, #tpu.memory_space<semaphore_mem>>)
      %dma_wait3A = arith.constant 0 : i32
      %dma_wait3A_29 = arith.constant 0 : i32
      %dma_wait3A_30 = tpu.memref_slice %arg4[%add3A, %dma_wait3A, %dma_wait3A_29] : memref<32x80x125xi32, #tpu.memory_space<hbm>> -> memref<1x80x125xi32, #tpu.memory_space<hbm>>
      %dma_wait3A_31 = tpu.memref_squeeze %dma_wait3A_30 : memref<1x80x125xi32, #tpu.memory_space<hbm>> -> memref<80x125xi32, #tpu.memory_space<hbm>>
      %dma_wait3A_32 = arith.constant 0 : i32
      %dma_wait3A_33 = arith.constant 0 : i32
      %dma_wait3A_34 = tpu.memref_slice %arg4[%add3A, %dma_wait3A_32, %dma_wait3A_33] : memref<32x80x125xi32, #tpu.memory_space<hbm>> -> memref<1x80x125xi32, #tpu.memory_space<hbm>>
      %dma_wait3A_35 = tpu.memref_squeeze %dma_wait3A_34 : memref<1x80x125xi32, #tpu.memory_space<hbm>> -> memref<80x125xi32, #tpu.memory_space<hbm>>
      tpu.wait_dma2 semaphore(%run_scoped3A : memref<!tpu.dma_semaphore, #tpu.memory_space<semaphore_mem>>) src(%dma_wait3A_35 : memref<80x125xi32, #tpu.memory_space<hbm>>) dst(%arg8 : memref<80x125xi32, #tpu.memory_space<vmem>>)
      tpu.yield
    }) : () -> ()
    %barrier3A = arith.constant 0 : index
    tpu.barrier barrier_id(%barrier3A)
    %scan3A = arith.constant 0 : i32
    %scan3A_7 = arith.constant 0 : i32
    %scan3A_8 = arith.constant 10 : i32
    %scan3A_9 = arith.addi %scan3A_7, %scan3A_8 : i32
    %scan3A_10 = arith.constant 1 : i32
    scf.for %scan3A_22 = %scan3A_7 to %scan3A_9 step %scan3A_10  : i32 {
      %mul3A_23 = arith.constant 8 : i32
      %mul3A_24 = arith.muli %scan3A_22, %mul3A_23 : i32
      %add3A_25 = arith.constant 0 : i32
      %add3A_26 = arith.addi %mul3A_24, %add3A_25 : i32
      %dma_start3A = arith.constant 0 : i32
      %dma_start3A_27 = tpu.memref_slice %arg7[%add3A_26, %dma_start3A] : memref<80x125xi32, #tpu.memory_space<vmem>> -> memref<1x125xi32, #tpu.memory_space<vmem>>
      %dma_start3A_28 = tpu.memref_squeeze %dma_start3A_27 : memref<1x125xi32, #tpu.memory_space<vmem>> -> memref<125xi32, #tpu.memory_space<vmem>>
      %dma_start3A_29 = arith.constant 0 : i32
      %dma_start3A_30 = arith.constant 0 : i32
      %dma_start3A_31 = tpu.memref_slice %arg2[%dma_start3A_29, %dma_start3A_30] : memref<10000x64xf32, #tpu.memory_space<hbm>> -> memref<10000x64xf32, #tpu.memory_space<hbm>>
      tpu.enqueue_indirect_dma source(%dma_start3A_31 : memref<10000x64xf32, #tpu.memory_space<hbm>>) target(%arg9 : memref<125x64xf32, #tpu.memory_space<vmem>>) offsets(%dma_start3A_28 : memref<125xi32, #tpu.memory_space<vmem>>) semaphore(%arg17 : memref<!tpu.dma_semaphore, #tpu.memory_space<semaphore_mem>>)
      %add3A_32 = arith.constant 1 : i32
      %add3A_33 = arith.addi %mul3A_24, %add3A_32 : i32
      %dma_start3A_34 = arith.constant 0 : i32
      %dma_start3A_35 = tpu.memref_slice %arg7[%add3A_33, %dma_start3A_34] : memref<80x125xi32, #tpu.memory_space<vmem>> -> memref<1x125xi32, #tpu.memory_space<vmem>>
      %dma_start3A_36 = tpu.memref_squeeze %dma_start3A_35 : memref<1x125xi32, #tpu.memory_space<vmem>> -> memref<125xi32, #tpu.memory_space<vmem>>
      %dma_start3A_37 = arith.constant 0 : i32
      %dma_start3A_38 = arith.constant 0 : i32
      %dma_start3A_39 = tpu.memref_slice %arg2[%dma_start3A_37, %dma_start3A_38] : memref<10000x64xf32, #tpu.memory_space<hbm>> -> memref<10000x64xf32, #tpu.memory_space<hbm>>
      tpu.enqueue_indirect_dma source(%dma_start3A_39 : memref<10000x64xf32, #tpu.memory_space<hbm>>) target(%arg10 : memref<125x64xf32, #tpu.memory_space<vmem>>) offsets(%dma_start3A_36 : memref<125xi32, #tpu.memory_space<vmem>>) semaphore(%arg18 : memref<!tpu.dma_semaphore, #tpu.memory_space<semaphore_mem>>)
      %add3A_40 = arith.constant 2 : i32
      %add3A_41 = arith.addi %mul3A_24, %add3A_40 : i32
      %dma_start3A_42 = arith.constant 0 : i32
      %dma_start3A_43 = tpu.memref_slice %arg7[%add3A_41, %dma_start3A_42] : memref<80x125xi32, #tpu.memory_space<vmem>> -> memref<1x125xi32, #tpu.memory_space<vmem>>
      %dma_start3A_44 = tpu.memref_squeeze %dma_start3A_43 : memref<1x125xi32, #tpu.memory_space<vmem>> -> memref<125xi32, #tpu.memory_space<vmem>>
      %dma_start3A_45 = arith.constant 0 : i32
      %dma_start3A_46 = arith.constant 0 : i32
      %dma_start3A_47 = tpu.memref_slice %arg2[%dma_start3A_45, %dma_start3A_46] : memref<10000x64xf32, #tpu.memory_space<hbm>> -> memref<10000x64xf32, #tpu.memory_space<hbm>>
      tpu.enqueue_indirect_dma source(%dma_start3A_47 : memref<10000x64xf32, #tpu.memory_space<hbm>>) target(%arg11 : memref<125x64xf32, #tpu.memory_space<vmem>>) offsets(%dma_start3A_44 : memref<125xi32, #tpu.memory_space<vmem>>) semaphore(%arg19 : memref<!tpu.dma_semaphore, #tpu.memory_space<semaphore_mem>>)
      %add3A_48 = arith.constant 3 : i32
      %add3A_49 = arith.addi %mul3A_24, %add3A_48 : i32
      %dma_start3A_50 = arith.constant 0 : i32
      %dma_start3A_51 = tpu.memref_slice %arg7[%add3A_49, %dma_start3A_50] : memref<80x125xi32, #tpu.memory_space<vmem>> -> memref<1x125xi32, #tpu.memory_space<vmem>>
      %dma_start3A_52 = tpu.memref_squeeze %dma_start3A_51 : memref<1x125xi32, #tpu.memory_space<vmem>> -> memref<125xi32, #tpu.memory_space<vmem>>
      %dma_start3A_53 = arith.constant 0 : i32
      %dma_start3A_54 = arith.constant 0 : i32
      %dma_start3A_55 = tpu.memref_slice %arg2[%dma_start3A_53, %dma_start3A_54] : memref<10000x64xf32, #tpu.memory_space<hbm>> -> memref<10000x64xf32, #tpu.memory_space<hbm>>
      tpu.enqueue_indirect_dma source(%dma_start3A_55 : memref<10000x64xf32, #tpu.memory_space<hbm>>) target(%arg12 : memref<125x64xf32, #tpu.memory_space<vmem>>) offsets(%dma_start3A_52 : memref<125xi32, #tpu.memory_space<vmem>>) semaphore(%arg20 : memref<!tpu.dma_semaphore, #tpu.memory_space<semaphore_mem>>)
      %add3A_56 = arith.constant 4 : i32
      %add3A_57 = arith.addi %mul3A_24, %add3A_56 : i32
      %dma_start3A_58 = arith.constant 0 : i32
      %dma_start3A_59 = tpu.memref_slice %arg7[%add3A_57, %dma_start3A_58] : memref<80x125xi32, #tpu.memory_space<vmem>> -> memref<1x125xi32, #tpu.memory_space<vmem>>
      %dma_start3A_60 = tpu.memref_squeeze %dma_start3A_59 : memref<1x125xi32, #tpu.memory_space<vmem>> -> memref<125xi32, #tpu.memory_space<vmem>>
      %dma_start3A_61 = arith.constant 0 : i32
      %dma_start3A_62 = arith.constant 0 : i32
      %dma_start3A_63 = tpu.memref_slice %arg2[%dma_start3A_61, %dma_start3A_62] : memref<10000x64xf32, #tpu.memory_space<hbm>> -> memref<10000x64xf32, #tpu.memory_space<hbm>>
      tpu.enqueue_indirect_dma source(%dma_start3A_63 : memref<10000x64xf32, #tpu.memory_space<hbm>>) target(%arg13 : memref<125x64xf32, #tpu.memory_space<vmem>>) offsets(%dma_start3A_60 : memref<125xi32, #tpu.memory_space<vmem>>) semaphore(%arg21 : memref<!tpu.dma_semaphore, #tpu.memory_space<semaphore_mem>>)
      %add3A_64 = arith.constant 5 : i32
      %add3A_65 = arith.addi %mul3A_24, %add3A_64 : i32
      %dma_start3A_66 = arith.constant 0 : i32
      %dma_start3A_67 = tpu.memref_slice %arg7[%add3A_65, %dma_start3A_66] : memref<80x125xi32, #tpu.memory_space<vmem>> -> memref<1x125xi32, #tpu.memory_space<vmem>>
      %dma_start3A_68 = tpu.memref_squeeze %dma_start3A_67 : memref<1x125xi32, #tpu.memory_space<vmem>> -> memref<125xi32, #tpu.memory_space<vmem>>
      %dma_start3A_69 = arith.constant 0 : i32
      %dma_start3A_70 = arith.constant 0 : i32
      %dma_start3A_71 = tpu.memref_slice %arg2[%dma_start3A_69, %dma_start3A_70] : memref<10000x64xf32, #tpu.memory_space<hbm>> -> memref<10000x64xf32, #tpu.memory_space<hbm>>
      tpu.enqueue_indirect_dma source(%dma_start3A_71 : memref<10000x64xf32, #tpu.memory_space<hbm>>) target(%arg14 : memref<125x64xf32, #tpu.memory_space<vmem>>) offsets(%dma_start3A_68 : memref<125xi32, #tpu.memory_space<vmem>>) semaphore(%arg22 : memref<!tpu.dma_semaphore, #tpu.memory_space<semaphore_mem>>)
      %add3A_72 = arith.constant 6 : i32
      %add3A_73 = arith.addi %mul3A_24, %add3A_72 : i32
      %dma_start3A_74 = arith.constant 0 : i32
      %dma_start3A_75 = tpu.memref_slice %arg7[%add3A_73, %dma_start3A_74] : memref<80x125xi32, #tpu.memory_space<vmem>> -> memref<1x125xi32, #tpu.memory_space<vmem>>
      %dma_start3A_76 = tpu.memref_squeeze %dma_start3A_75 : memref<1x125xi32, #tpu.memory_space<vmem>> -> memref<125xi32, #tpu.memory_space<vmem>>
      %dma_start3A_77 = arith.constant 0 : i32
      %dma_start3A_78 = arith.constant 0 : i32
      %dma_start3A_79 = tpu.memref_slice %arg2[%dma_start3A_77, %dma_start3A_78] : memref<10000x64xf32, #tpu.memory_space<hbm>> -> memref<10000x64xf32, #tpu.memory_space<hbm>>
      tpu.enqueue_indirect_dma source(%dma_start3A_79 : memref<10000x64xf32, #tpu.memory_space<hbm>>) target(%arg15 : memref<125x64xf32, #tpu.memory_space<vmem>>) offsets(%dma_start3A_76 : memref<125xi32, #tpu.memory_space<vmem>>) semaphore(%arg23 : memref<!tpu.dma_semaphore, #tpu.memory_space<semaphore_mem>>)
      %add3A_80 = arith.constant 7 : i32
      %add3A_81 = arith.addi %mul3A_24, %add3A_80 : i32
      %dma_start3A_82 = arith.constant 0 : i32
      %dma_start3A_83 = tpu.memref_slice %arg7[%add3A_81, %dma_start3A_82] : memref<80x125xi32, #tpu.memory_space<vmem>> -> memref<1x125xi32, #tpu.memory_space<vmem>>
      %dma_start3A_84 = tpu.memref_squeeze %dma_start3A_83 : memref<1x125xi32, #tpu.memory_space<vmem>> -> memref<125xi32, #tpu.memory_space<vmem>>
      %dma_start3A_85 = arith.constant 0 : i32
      %dma_start3A_86 = arith.constant 0 : i32
      %dma_start3A_87 = tpu.memref_slice %arg2[%dma_start3A_85, %dma_start3A_86] : memref<10000x64xf32, #tpu.memory_space<hbm>> -> memref<10000x64xf32, #tpu.memory_space<hbm>>
      tpu.enqueue_indirect_dma source(%dma_start3A_87 : memref<10000x64xf32, #tpu.memory_space<hbm>>) target(%arg16 : memref<125x64xf32, #tpu.memory_space<vmem>>) offsets(%dma_start3A_84 : memref<125xi32, #tpu.memory_space<vmem>>) semaphore(%arg24 : memref<!tpu.dma_semaphore, #tpu.memory_space<semaphore_mem>>)
      %dma_wait3A = arith.constant 0 : i32
      %dma_wait3A_88 = tpu.memref_slice %arg7[%add3A_26, %dma_wait3A] : memref<80x125xi32, #tpu.memory_space<vmem>> -> memref<1x125xi32, #tpu.memory_space<vmem>>
      %dma_wait3A_89 = tpu.memref_squeeze %dma_wait3A_88 : memref<1x125xi32, #tpu.memory_space<vmem>> -> memref<125xi32, #tpu.memory_space<vmem>>
      %dma_wait3A_90 = arith.constant 0 : i32
      %dma_wait3A_91 = arith.constant 0 : i32
      %dma_wait3A_92 = tpu.memref_slice %arg2[%dma_wait3A_90, %dma_wait3A_91] : memref<10000x64xf32, #tpu.memory_space<hbm>> -> memref<10000x64xf32, #tpu.memory_space<hbm>>
      tpu.wait_indirect_dma semaphore(%arg17 : memref<!tpu.dma_semaphore, #tpu.memory_space<semaphore_mem>>) src(%dma_wait3A_92 : memref<10000x64xf32, #tpu.memory_space<hbm>>) dst(%arg9 : memref<125x64xf32, #tpu.memory_space<vmem>>)
      %add3A_93 = arith.constant 0 : i32
      %add3A_94 = arith.addi %mul3A_24, %add3A_93 : i32
      %dma_start3A_95 = arith.constant 0 : i32
      %dma_start3A_96 = tpu.memref_slice %arg8[%add3A_94, %dma_start3A_95] : memref<80x125xi32, #tpu.memory_space<vmem>> -> memref<1x125xi32, #tpu.memory_space<vmem>>
      %dma_start3A_97 = tpu.memref_squeeze %dma_start3A_96 : memref<1x125xi32, #tpu.memory_space<vmem>> -> memref<125xi32, #tpu.memory_space<vmem>>
      %dma_start3A_98 = arith.constant 0 : i32
      %dma_start3A_99 = arith.constant 0 : i32
      %dma_start3A_100 = tpu.memref_slice %arg33[%dma_start3A_98, %dma_start3A_99] : memref<10000x64xf32, #tpu.memory_space<vmem_shared>> -> memref<10000x64xf32, #tpu.memory_space<vmem_shared>>
      tpu.enqueue_indirect_dma source(%arg9 : memref<125x64xf32, #tpu.memory_space<vmem>>) target(%dma_start3A_100 : memref<10000x64xf32, #tpu.memory_space<vmem_shared>>) offsets(%dma_start3A_97 : memref<125xi32, #tpu.memory_space<vmem>>) semaphore(%arg25 : memref<!tpu.dma_semaphore, #tpu.memory_space<semaphore_mem>>) {add = true}
      %dma_wait3A_101 = arith.constant 0 : i32
      %dma_wait3A_102 = tpu.memref_slice %arg7[%add3A_33, %dma_wait3A_101] : memref<80x125xi32, #tpu.memory_space<vmem>> -> memref<1x125xi32, #tpu.memory_space<vmem>>
      %dma_wait3A_103 = tpu.memref_squeeze %dma_wait3A_102 : memref<1x125xi32, #tpu.memory_space<vmem>> -> memref<125xi32, #tpu.memory_space<vmem>>
      %dma_wait3A_104 = arith.constant 0 : i32
      %dma_wait3A_105 = arith.constant 0 : i32
      %dma_wait3A_106 = tpu.memref_slice %arg2[%dma_wait3A_104, %dma_wait3A_105] : memref<10000x64xf32, #tpu.memory_space<hbm>> -> memref<10000x64xf32, #tpu.memory_space<hbm>>
      tpu.wait_indirect_dma semaphore(%arg18 : memref<!tpu.dma_semaphore, #tpu.memory_space<semaphore_mem>>) src(%dma_wait3A_106 : memref<10000x64xf32, #tpu.memory_space<hbm>>) dst(%arg10 : memref<125x64xf32, #tpu.memory_space<vmem>>)
      %add3A_107 = arith.constant 1 : i32
      %add3A_108 = arith.addi %mul3A_24, %add3A_107 : i32
      %dma_start3A_109 = arith.constant 0 : i32
      %dma_start3A_110 = tpu.memref_slice %arg8[%add3A_108, %dma_start3A_109] : memref<80x125xi32, #tpu.memory_space<vmem>> -> memref<1x125xi32, #tpu.memory_space<vmem>>
      %dma_start3A_111 = tpu.memref_squeeze %dma_start3A_110 : memref<1x125xi32, #tpu.memory_space<vmem>> -> memref<125xi32, #tpu.memory_space<vmem>>
      %dma_start3A_112 = arith.constant 0 : i32
      %dma_start3A_113 = arith.constant 0 : i32
      %dma_start3A_114 = tpu.memref_slice %arg33[%dma_start3A_112, %dma_start3A_113] : memref<10000x64xf32, #tpu.memory_space<vmem_shared>> -> memref<10000x64xf32, #tpu.memory_space<vmem_shared>>
      tpu.enqueue_indirect_dma source(%arg10 : memref<125x64xf32, #tpu.memory_space<vmem>>) target(%dma_start3A_114 : memref<10000x64xf32, #tpu.memory_space<vmem_shared>>) offsets(%dma_start3A_111 : memref<125xi32, #tpu.memory_space<vmem>>) semaphore(%arg26 : memref<!tpu.dma_semaphore, #tpu.memory_space<semaphore_mem>>) {add = true}
      %dma_wait3A_115 = arith.constant 0 : i32
      %dma_wait3A_116 = tpu.memref_slice %arg7[%add3A_41, %dma_wait3A_115] : memref<80x125xi32, #tpu.memory_space<vmem>> -> memref<1x125xi32, #tpu.memory_space<vmem>>
      %dma_wait3A_117 = tpu.memref_squeeze %dma_wait3A_116 : memref<1x125xi32, #tpu.memory_space<vmem>> -> memref<125xi32, #tpu.memory_space<vmem>>
      %dma_wait3A_118 = arith.constant 0 : i32
      %dma_wait3A_119 = arith.constant 0 : i32
      %dma_wait3A_120 = tpu.memref_slice %arg2[%dma_wait3A_118, %dma_wait3A_119] : memref<10000x64xf32, #tpu.memory_space<hbm>> -> memref<10000x64xf32, #tpu.memory_space<hbm>>
      tpu.wait_indirect_dma semaphore(%arg19 : memref<!tpu.dma_semaphore, #tpu.memory_space<semaphore_mem>>) src(%dma_wait3A_120 : memref<10000x64xf32, #tpu.memory_space<hbm>>) dst(%arg11 : memref<125x64xf32, #tpu.memory_space<vmem>>)
      %add3A_121 = arith.constant 2 : i32
      %add3A_122 = arith.addi %mul3A_24, %add3A_121 : i32
      %dma_start3A_123 = arith.constant 0 : i32
      %dma_start3A_124 = tpu.memref_slice %arg8[%add3A_122, %dma_start3A_123] : memref<80x125xi32, #tpu.memory_space<vmem>> -> memref<1x125xi32, #tpu.memory_space<vmem>>
      %dma_start3A_125 = tpu.memref_squeeze %dma_start3A_124 : memref<1x125xi32, #tpu.memory_space<vmem>> -> memref<125xi32, #tpu.memory_space<vmem>>
      %dma_start3A_126 = arith.constant 0 : i32
      %dma_start3A_127 = arith.constant 0 : i32
      %dma_start3A_128 = tpu.memref_slice %arg33[%dma_start3A_126, %dma_start3A_127] : memref<10000x64xf32, #tpu.memory_space<vmem_shared>> -> memref<10000x64xf32, #tpu.memory_space<vmem_shared>>
      tpu.enqueue_indirect_dma source(%arg11 : memref<125x64xf32, #tpu.memory_space<vmem>>) target(%dma_start3A_128 : memref<10000x64xf32, #tpu.memory_space<vmem_shared>>) offsets(%dma_start3A_125 : memref<125xi32, #tpu.memory_space<vmem>>) semaphore(%arg27 : memref<!tpu.dma_semaphore, #tpu.memory_space<semaphore_mem>>) {add = true}
      %dma_wait3A_129 = arith.constant 0 : i32
      %dma_wait3A_130 = tpu.memref_slice %arg7[%add3A_49, %dma_wait3A_129] : memref<80x125xi32, #tpu.memory_space<vmem>> -> memref<1x125xi32, #tpu.memory_space<vmem>>
      %dma_wait3A_131 = tpu.memref_squeeze %dma_wait3A_130 : memref<1x125xi32, #tpu.memory_space<vmem>> -> memref<125xi32, #tpu.memory_space<vmem>>
      %dma_wait3A_132 = arith.constant 0 : i32
      %dma_wait3A_133 = arith.constant 0 : i32
      %dma_wait3A_134 = tpu.memref_slice %arg2[%dma_wait3A_132, %dma_wait3A_133] : memref<10000x64xf32, #tpu.memory_space<hbm>> -> memref<10000x64xf32, #tpu.memory_space<hbm>>
      tpu.wait_indirect_dma semaphore(%arg20 : memref<!tpu.dma_semaphore, #tpu.memory_space<semaphore_mem>>) src(%dma_wait3A_134 : memref<10000x64xf32, #tpu.memory_space<hbm>>) dst(%arg12 : memref<125x64xf32, #tpu.memory_space<vmem>>)
      %add3A_135 = arith.constant 3 : i32
      %add3A_136 = arith.addi %mul3A_24, %add3A_135 : i32
      %dma_start3A_137 = arith.constant 0 : i32
      %dma_start3A_138 = tpu.memref_slice %arg8[%add3A_136, %dma_start3A_137] : memref<80x125xi32, #tpu.memory_space<vmem>> -> memref<1x125xi32, #tpu.memory_space<vmem>>
      %dma_start3A_139 = tpu.memref_squeeze %dma_start3A_138 : memref<1x125xi32, #tpu.memory_space<vmem>> -> memref<125xi32, #tpu.memory_space<vmem>>
      %dma_start3A_140 = arith.constant 0 : i32
      %dma_start3A_141 = arith.constant 0 : i32
      %dma_start3A_142 = tpu.memref_slice %arg33[%dma_start3A_140, %dma_start3A_141] : memref<10000x64xf32, #tpu.memory_space<vmem_shared>> -> memref<10000x64xf32, #tpu.memory_space<vmem_shared>>
      tpu.enqueue_indirect_dma source(%arg12 : memref<125x64xf32, #tpu.memory_space<vmem>>) target(%dma_start3A_142 : memref<10000x64xf32, #tpu.memory_space<vmem_shared>>) offsets(%dma_start3A_139 : memref<125xi32, #tpu.memory_space<vmem>>) semaphore(%arg28 : memref<!tpu.dma_semaphore, #tpu.memory_space<semaphore_mem>>) {add = true}
      %dma_wait3A_143 = arith.constant 0 : i32
      %dma_wait3A_144 = tpu.memref_slice %arg7[%add3A_57, %dma_wait3A_143] : memref<80x125xi32, #tpu.memory_space<vmem>> -> memref<1x125xi32, #tpu.memory_space<vmem>>
      %dma_wait3A_145 = tpu.memref_squeeze %dma_wait3A_144 : memref<1x125xi32, #tpu.memory_space<vmem>> -> memref<125xi32, #tpu.memory_space<vmem>>
      %dma_wait3A_146 = arith.constant 0 : i32
      %dma_wait3A_147 = arith.constant 0 : i32
      %dma_wait3A_148 = tpu.memref_slice %arg2[%dma_wait3A_146, %dma_wait3A_147] : memref<10000x64xf32, #tpu.memory_space<hbm>> -> memref<10000x64xf32, #tpu.memory_space<hbm>>
      tpu.wait_indirect_dma semaphore(%arg21 : memref<!tpu.dma_semaphore, #tpu.memory_space<semaphore_mem>>) src(%dma_wait3A_148 : memref<10000x64xf32, #tpu.memory_space<hbm>>) dst(%arg13 : memref<125x64xf32, #tpu.memory_space<vmem>>)
      %add3A_149 = arith.constant 4 : i32
      %add3A_150 = arith.addi %mul3A_24, %add3A_149 : i32
      %dma_start3A_151 = arith.constant 0 : i32
      %dma_start3A_152 = tpu.memref_slice %arg8[%add3A_150, %dma_start3A_151] : memref<80x125xi32, #tpu.memory_space<vmem>> -> memref<1x125xi32, #tpu.memory_space<vmem>>
      %dma_start3A_153 = tpu.memref_squeeze %dma_start3A_152 : memref<1x125xi32, #tpu.memory_space<vmem>> -> memref<125xi32, #tpu.memory_space<vmem>>
      %dma_start3A_154 = arith.constant 0 : i32
      %dma_start3A_155 = arith.constant 0 : i32
      %dma_start3A_156 = tpu.memref_slice %arg33[%dma_start3A_154, %dma_start3A_155] : memref<10000x64xf32, #tpu.memory_space<vmem_shared>> -> memref<10000x64xf32, #tpu.memory_space<vmem_shared>>
      tpu.enqueue_indirect_dma source(%arg13 : memref<125x64xf32, #tpu.memory_space<vmem>>) target(%dma_start3A_156 : memref<10000x64xf32, #tpu.memory_space<vmem_shared>>) offsets(%dma_start3A_153 : memref<125xi32, #tpu.memory_space<vmem>>) semaphore(%arg29 : memref<!tpu.dma_semaphore, #tpu.memory_space<semaphore_mem>>) {add = true}
      %dma_wait3A_157 = arith.constant 0 : i32
      %dma_wait3A_158 = tpu.memref_slice %arg7[%add3A_65, %dma_wait3A_157] : memref<80x125xi32, #tpu.memory_space<vmem>> -> memref<1x125xi32, #tpu.memory_space<vmem>>
      %dma_wait3A_159 = tpu.memref_squeeze %dma_wait3A_158 : memref<1x125xi32, #tpu.memory_space<vmem>> -> memref<125xi32, #tpu.memory_space<vmem>>
      %dma_wait3A_160 = arith.constant 0 : i32
      %dma_wait3A_161 = arith.constant 0 : i32
      %dma_wait3A_162 = tpu.memref_slice %arg2[%dma_wait3A_160, %dma_wait3A_161] : memref<10000x64xf32, #tpu.memory_space<hbm>> -> memref<10000x64xf32, #tpu.memory_space<hbm>>
      tpu.wait_indirect_dma semaphore(%arg22 : memref<!tpu.dma_semaphore, #tpu.memory_space<semaphore_mem>>) src(%dma_wait3A_162 : memref<10000x64xf32, #tpu.memory_space<hbm>>) dst(%arg14 : memref<125x64xf32, #tpu.memory_space<vmem>>)
      %add3A_163 = arith.constant 5 : i32
      %add3A_164 = arith.addi %mul3A_24, %add3A_163 : i32
      %dma_start3A_165 = arith.constant 0 : i32
      %dma_start3A_166 = tpu.memref_slice %arg8[%add3A_164, %dma_start3A_165] : memref<80x125xi32, #tpu.memory_space<vmem>> -> memref<1x125xi32, #tpu.memory_space<vmem>>
      %dma_start3A_167 = tpu.memref_squeeze %dma_start3A_166 : memref<1x125xi32, #tpu.memory_space<vmem>> -> memref<125xi32, #tpu.memory_space<vmem>>
      %dma_start3A_168 = arith.constant 0 : i32
      %dma_start3A_169 = arith.constant 0 : i32
      %dma_start3A_170 = tpu.memref_slice %arg33[%dma_start3A_168, %dma_start3A_169] : memref<10000x64xf32, #tpu.memory_space<vmem_shared>> -> memref<10000x64xf32, #tpu.memory_space<vmem_shared>>
      tpu.enqueue_indirect_dma source(%arg14 : memref<125x64xf32, #tpu.memory_space<vmem>>) target(%dma_start3A_170 : memref<10000x64xf32, #tpu.memory_space<vmem_shared>>) offsets(%dma_start3A_167 : memref<125xi32, #tpu.memory_space<vmem>>) semaphore(%arg30 : memref<!tpu.dma_semaphore, #tpu.memory_space<semaphore_mem>>) {add = true}
      %dma_wait3A_171 = arith.constant 0 : i32
      %dma_wait3A_172 = tpu.memref_slice %arg7[%add3A_73, %dma_wait3A_171] : memref<80x125xi32, #tpu.memory_space<vmem>> -> memref<1x125xi32, #tpu.memory_space<vmem>>
      %dma_wait3A_173 = tpu.memref_squeeze %dma_wait3A_172 : memref<1x125xi32, #tpu.memory_space<vmem>> -> memref<125xi32, #tpu.memory_space<vmem>>
      %dma_wait3A_174 = arith.constant 0 : i32
      %dma_wait3A_175 = arith.constant 0 : i32
      %dma_wait3A_176 = tpu.memref_slice %arg2[%dma_wait3A_174, %dma_wait3A_175] : memref<10000x64xf32, #tpu.memory_space<hbm>> -> memref<10000x64xf32, #tpu.memory_space<hbm>>
      tpu.wait_indirect_dma semaphore(%arg23 : memref<!tpu.dma_semaphore, #tpu.memory_space<semaphore_mem>>) src(%dma_wait3A_176 : memref<10000x64xf32, #tpu.memory_space<hbm>>) dst(%arg15 : memref<125x64xf32, #tpu.memory_space<vmem>>)
      %add3A_177 = arith.constant 6 : i32
      %add3A_178 = arith.addi %mul3A_24, %add3A_177 : i32
      %dma_start3A_179 = arith.constant 0 : i32
      %dma_start3A_180 = tpu.memref_slice %arg8[%add3A_178, %dma_start3A_179] : memref<80x125xi32, #tpu.memory_space<vmem>> -> memref<1x125xi32, #tpu.memory_space<vmem>>
      %dma_start3A_181 = tpu.memref_squeeze %dma_start3A_180 : memref<1x125xi32, #tpu.memory_space<vmem>> -> memref<125xi32, #tpu.memory_space<vmem>>
      %dma_start3A_182 = arith.constant 0 : i32
      %dma_start3A_183 = arith.constant 0 : i32
      %dma_start3A_184 = tpu.memref_slice %arg33[%dma_start3A_182, %dma_start3A_183] : memref<10000x64xf32, #tpu.memory_space<vmem_shared>> -> memref<10000x64xf32, #tpu.memory_space<vmem_shared>>
      tpu.enqueue_indirect_dma source(%arg15 : memref<125x64xf32, #tpu.memory_space<vmem>>) target(%dma_start3A_184 : memref<10000x64xf32, #tpu.memory_space<vmem_shared>>) offsets(%dma_start3A_181 : memref<125xi32, #tpu.memory_space<vmem>>) semaphore(%arg31 : memref<!tpu.dma_semaphore, #tpu.memory_space<semaphore_mem>>) {add = true}
      %dma_wait3A_185 = arith.constant 0 : i32
      %dma_wait3A_186 = tpu.memref_slice %arg7[%add3A_81, %dma_wait3A_185] : memref<80x125xi32, #tpu.memory_space<vmem>> -> memref<1x125xi32, #tpu.memory_space<vmem>>
      %dma_wait3A_187 = tpu.memref_squeeze %dma_wait3A_186 : memref<1x125xi32, #tpu.memory_space<vmem>> -> memref<125xi32, #tpu.memory_space<vmem>>
      %dma_wait3A_188 = arith.constant 0 : i32
      %dma_wait3A_189 = arith.constant 0 : i32
      %dma_wait3A_190 = tpu.memref_slice %arg2[%dma_wait3A_188, %dma_wait3A_189] : memref<10000x64xf32, #tpu.memory_space<hbm>> -> memref<10000x64xf32, #tpu.memory_space<hbm>>
      tpu.wait_indirect_dma semaphore(%arg24 : memref<!tpu.dma_semaphore, #tpu.memory_space<semaphore_mem>>) src(%dma_wait3A_190 : memref<10000x64xf32, #tpu.memory_space<hbm>>) dst(%arg16 : memref<125x64xf32, #tpu.memory_space<vmem>>)
      %add3A_191 = arith.constant 7 : i32
      %add3A_192 = arith.addi %mul3A_24, %add3A_191 : i32
      %dma_start3A_193 = arith.constant 0 : i32
      %dma_start3A_194 = tpu.memref_slice %arg8[%add3A_192, %dma_start3A_193] : memref<80x125xi32, #tpu.memory_space<vmem>> -> memref<1x125xi32, #tpu.memory_space<vmem>>
      %dma_start3A_195 = tpu.memref_squeeze %dma_start3A_194 : memref<1x125xi32, #tpu.memory_space<vmem>> -> memref<125xi32, #tpu.memory_space<vmem>>
      %dma_start3A_196 = arith.constant 0 : i32
      %dma_start3A_197 = arith.constant 0 : i32
      %dma_start3A_198 = tpu.memref_slice %arg33[%dma_start3A_196, %dma_start3A_197] : memref<10000x64xf32, #tpu.memory_space<vmem_shared>> -> memref<10000x64xf32, #tpu.memory_space<vmem_shared>>
      tpu.enqueue_indirect_dma source(%arg16 : memref<125x64xf32, #tpu.memory_space<vmem>>) target(%dma_start3A_198 : memref<10000x64xf32, #tpu.memory_space<vmem_shared>>) offsets(%dma_start3A_195 : memref<125xi32, #tpu.memory_space<vmem>>) semaphore(%arg32 : memref<!tpu.dma_semaphore, #tpu.memory_space<semaphore_mem>>) {add = true}
      %dma_wait3A_199 = arith.constant 0 : i32
      %dma_wait3A_200 = tpu.memref_slice %arg8[%add3A_94, %dma_wait3A_199] : memref<80x125xi32, #tpu.memory_space<vmem>> -> memref<1x125xi32, #tpu.memory_space<vmem>>
      %dma_wait3A_201 = tpu.memref_squeeze %dma_wait3A_200 : memref<1x125xi32, #tpu.memory_space<vmem>> -> memref<125xi32, #tpu.memory_space<vmem>>
      %dma_wait3A_202 = arith.constant 0 : i32
      %dma_wait3A_203 = arith.constant 0 : i32
      %dma_wait3A_204 = tpu.memref_slice %arg33[%dma_wait3A_202, %dma_wait3A_203] : memref<10000x64xf32, #tpu.memory_space<vmem_shared>> -> memref<10000x64xf32, #tpu.memory_space<vmem_shared>>
      tpu.wait_indirect_dma semaphore(%arg25 : memref<!tpu.dma_semaphore, #tpu.memory_space<semaphore_mem>>) src(%arg9 : memref<125x64xf32, #tpu.memory_space<vmem>>) dst(%dma_wait3A_204 : memref<10000x64xf32, #tpu.memory_space<vmem_shared>>)
      %dma_wait3A_205 = arith.constant 0 : i32
      %dma_wait3A_206 = tpu.memref_slice %arg8[%add3A_108, %dma_wait3A_205] : memref<80x125xi32, #tpu.memory_space<vmem>> -> memref<1x125xi32, #tpu.memory_space<vmem>>
      %dma_wait3A_207 = tpu.memref_squeeze %dma_wait3A_206 : memref<1x125xi32, #tpu.memory_space<vmem>> -> memref<125xi32, #tpu.memory_space<vmem>>
      %dma_wait3A_208 = arith.constant 0 : i32
      %dma_wait3A_209 = arith.constant 0 : i32
      %dma_wait3A_210 = tpu.memref_slice %arg33[%dma_wait3A_208, %dma_wait3A_209] : memref<10000x64xf32, #tpu.memory_space<vmem_shared>> -> memref<10000x64xf32, #tpu.memory_space<vmem_shared>>
      tpu.wait_indirect_dma semaphore(%arg26 : memref<!tpu.dma_semaphore, #tpu.memory_space<semaphore_mem>>) src(%arg10 : memref<125x64xf32, #tpu.memory_space<vmem>>) dst(%dma_wait3A_210 : memref<10000x64xf32, #tpu.memory_space<vmem_shared>>)
      %dma_wait3A_211 = arith.constant 0 : i32
      %dma_wait3A_212 = tpu.memref_slice %arg8[%add3A_122, %dma_wait3A_211] : memref<80x125xi32, #tpu.memory_space<vmem>> -> memref<1x125xi32, #tpu.memory_space<vmem>>
      %dma_wait3A_213 = tpu.memref_squeeze %dma_wait3A_212 : memref<1x125xi32, #tpu.memory_space<vmem>> -> memref<125xi32, #tpu.memory_space<vmem>>
      %dma_wait3A_214 = arith.constant 0 : i32
      %dma_wait3A_215 = arith.constant 0 : i32
      %dma_wait3A_216 = tpu.memref_slice %arg33[%dma_wait3A_214, %dma_wait3A_215] : memref<10000x64xf32, #tpu.memory_space<vmem_shared>> -> memref<10000x64xf32, #tpu.memory_space<vmem_shared>>
      tpu.wait_indirect_dma semaphore(%arg27 : memref<!tpu.dma_semaphore, #tpu.memory_space<semaphore_mem>>) src(%arg11 : memref<125x64xf32, #tpu.memory_space<vmem>>) dst(%dma_wait3A_216 : memref<10000x64xf32, #tpu.memory_space<vmem_shared>>)
      %dma_wait3A_217 = arith.constant 0 : i32
      %dma_wait3A_218 = tpu.memref_slice %arg8[%add3A_136, %dma_wait3A_217] : memref<80x125xi32, #tpu.memory_space<vmem>> -> memref<1x125xi32, #tpu.memory_space<vmem>>
      %dma_wait3A_219 = tpu.memref_squeeze %dma_wait3A_218 : memref<1x125xi32, #tpu.memory_space<vmem>> -> memref<125xi32, #tpu.memory_space<vmem>>
      %dma_wait3A_220 = arith.constant 0 : i32
      %dma_wait3A_221 = arith.constant 0 : i32
      %dma_wait3A_222 = tpu.memref_slice %arg33[%dma_wait3A_220, %dma_wait3A_221] : memref<10000x64xf32, #tpu.memory_space<vmem_shared>> -> memref<10000x64xf32, #tpu.memory_space<vmem_shared>>
      tpu.wait_indirect_dma semaphore(%arg28 : memref<!tpu.dma_semaphore, #tpu.memory_space<semaphore_mem>>) src(%arg12 : memref<125x64xf32, #tpu.memory_space<vmem>>) dst(%dma_wait3A_222 : memref<10000x64xf32, #tpu.memory_space<vmem_shared>>)
      %dma_wait3A_223 = arith.constant 0 : i32
      %dma_wait3A_224 = tpu.memref_slice %arg8[%add3A_150, %dma_wait3A_223] : memref<80x125xi32, #tpu.memory_space<vmem>> -> memref<1x125xi32, #tpu.memory_space<vmem>>
      %dma_wait3A_225 = tpu.memref_squeeze %dma_wait3A_224 : memref<1x125xi32, #tpu.memory_space<vmem>> -> memref<125xi32, #tpu.memory_space<vmem>>
      %dma_wait3A_226 = arith.constant 0 : i32
      %dma_wait3A_227 = arith.constant 0 : i32
      %dma_wait3A_228 = tpu.memref_slice %arg33[%dma_wait3A_226, %dma_wait3A_227] : memref<10000x64xf32, #tpu.memory_space<vmem_shared>> -> memref<10000x64xf32, #tpu.memory_space<vmem_shared>>
      tpu.wait_indirect_dma semaphore(%arg29 : memref<!tpu.dma_semaphore, #tpu.memory_space<semaphore_mem>>) src(%arg13 : memref<125x64xf32, #tpu.memory_space<vmem>>) dst(%dma_wait3A_228 : memref<10000x64xf32, #tpu.memory_space<vmem_shared>>)
      %dma_wait3A_229 = arith.constant 0 : i32
      %dma_wait3A_230 = tpu.memref_slice %arg8[%add3A_164, %dma_wait3A_229] : memref<80x125xi32, #tpu.memory_space<vmem>> -> memref<1x125xi32, #tpu.memory_space<vmem>>
      %dma_wait3A_231 = tpu.memref_squeeze %dma_wait3A_230 : memref<1x125xi32, #tpu.memory_space<vmem>> -> memref<125xi32, #tpu.memory_space<vmem>>
      %dma_wait3A_232 = arith.constant 0 : i32
      %dma_wait3A_233 = arith.constant 0 : i32
      %dma_wait3A_234 = tpu.memref_slice %arg33[%dma_wait3A_232, %dma_wait3A_233] : memref<10000x64xf32, #tpu.memory_space<vmem_shared>> -> memref<10000x64xf32, #tpu.memory_space<vmem_shared>>
      tpu.wait_indirect_dma semaphore(%arg30 : memref<!tpu.dma_semaphore, #tpu.memory_space<semaphore_mem>>) src(%arg14 : memref<125x64xf32, #tpu.memory_space<vmem>>) dst(%dma_wait3A_234 : memref<10000x64xf32, #tpu.memory_space<vmem_shared>>)
      %dma_wait3A_235 = arith.constant 0 : i32
      %dma_wait3A_236 = tpu.memref_slice %arg8[%add3A_178, %dma_wait3A_235] : memref<80x125xi32, #tpu.memory_space<vmem>> -> memref<1x125xi32, #tpu.memory_space<vmem>>
      %dma_wait3A_237 = tpu.memref_squeeze %dma_wait3A_236 : memref<1x125xi32, #tpu.memory_space<vmem>> -> memref<125xi32, #tpu.memory_space<vmem>>
      %dma_wait3A_238 = arith.constant 0 : i32
      %dma_wait3A_239 = arith.constant 0 : i32
      %dma_wait3A_240 = tpu.memref_slice %arg33[%dma_wait3A_238, %dma_wait3A_239] : memref<10000x64xf32, #tpu.memory_space<vmem_shared>> -> memref<10000x64xf32, #tpu.memory_space<vmem_shared>>
      tpu.wait_indirect_dma semaphore(%arg31 : memref<!tpu.dma_semaphore, #tpu.memory_space<semaphore_mem>>) src(%arg15 : memref<125x64xf32, #tpu.memory_space<vmem>>) dst(%dma_wait3A_240 : memref<10000x64xf32, #tpu.memory_space<vmem_shared>>)
      %dma_wait3A_241 = arith.constant 0 : i32
      %dma_wait3A_242 = tpu.memref_slice %arg8[%add3A_192, %dma_wait3A_241] : memref<80x125xi32, #tpu.memory_space<vmem>> -> memref<1x125xi32, #tpu.memory_space<vmem>>
      %dma_wait3A_243 = tpu.memref_squeeze %dma_wait3A_242 : memref<1x125xi32, #tpu.memory_space<vmem>> -> memref<125xi32, #tpu.memory_space<vmem>>
      %dma_wait3A_244 = arith.constant 0 : i32
      %dma_wait3A_245 = arith.constant 0 : i32
      %dma_wait3A_246 = tpu.memref_slice %arg33[%dma_wait3A_244, %dma_wait3A_245] : memref<10000x64xf32, #tpu.memory_space<vmem_shared>> -> memref<10000x64xf32, #tpu.memory_space<vmem_shared>>
      tpu.wait_indirect_dma semaphore(%arg32 : memref<!tpu.dma_semaphore, #tpu.memory_space<semaphore_mem>>) src(%arg16 : memref<125x64xf32, #tpu.memory_space<vmem>>) dst(%dma_wait3A_246 : memref<10000x64xf32, #tpu.memory_space<vmem_shared>>)
    }
    %scan3A_11 = arith.constant 10 : i32
    %barrier3A_12 = arith.constant 0 : index
    tpu.barrier barrier_id(%barrier3A_12)
    %mul3A_13 = arith.constant 624 : i32
    %mul3A_14 = arith.muli %arg1, %mul3A_13 : i32
    %mul3A_15 = arith.constant 624 : i32
    %mul3A_16 = arith.muli %arg1, %mul3A_15 : i32
    "tpu.region"() ({
      %run_scoped3A = tpu.sem_alloc : memref<!tpu.dma_semaphore, #tpu.memory_space<semaphore_mem>>
      %dma_start3A = arith.constant 0 : i32
      %dma_start3A_22 = arith.constant 0 : i32
      %dma_start3A_23 = tpu.memref_slice %arg6[%arg0, %dma_start3A, %dma_start3A_22] : memref<2x10000x64xf32, #tpu.memory_space<hbm>> -> memref<1x10000x64xf32, #tpu.memory_space<hbm>>
      %dma_start3A_24 = tpu.memref_squeeze %dma_start3A_23 : memref<1x10000x64xf32, #tpu.memory_space<hbm>> -> memref<10000x64xf32, #tpu.memory_space<hbm>>
      %dma_start3A_25 = arith.constant 0 : i32
      %dma_start3A_26 = tpu.memref_slice %dma_start3A_24[%mul3A_16, %dma_start3A_25] : memref<10000x64xf32, #tpu.memory_space<hbm>> -> memref<624x64xf32, #tpu.memory_space<hbm>>
      %dma_start3A_27 = arith.constant 0 : i32
      %dma_start3A_28 = tpu.memref_slice %arg33[%mul3A_14, %dma_start3A_27] : memref<10000x64xf32, #tpu.memory_space<vmem_shared>> -> memref<624x64xf32, #tpu.memory_space<vmem_shared>>
      tpu.enqueue_dma source(%dma_start3A_28 : memref<624x64xf32, #tpu.memory_space<vmem_shared>>) target(%dma_start3A_26 : memref<624x64xf32, #tpu.memory_space<hbm>>) target_semaphore(%run_scoped3A : memref<!tpu.dma_semaphore, #tpu.memory_space<semaphore_mem>>)
      %dma_wait3A = arith.constant 0 : i32
      %dma_wait3A_29 = arith.constant 0 : i32
      %dma_wait3A_30 = tpu.memref_slice %arg6[%arg0, %dma_wait3A, %dma_wait3A_29] : memref<2x10000x64xf32, #tpu.memory_space<hbm>> -> memref<1x10000x64xf32, #tpu.memory_space<hbm>>
      %dma_wait3A_31 = tpu.memref_squeeze %dma_wait3A_30 : memref<1x10000x64xf32, #tpu.memory_space<hbm>> -> memref<10000x64xf32, #tpu.memory_space<hbm>>
      %dma_wait3A_32 = arith.constant 0 : i32
      %dma_wait3A_33 = tpu.memref_slice %dma_wait3A_31[%mul3A_16, %dma_wait3A_32] : memref<10000x64xf32, #tpu.memory_space<hbm>> -> memref<624x64xf32, #tpu.memory_space<hbm>>
      %dma_wait3A_34 = arith.constant 0 : i32
      %dma_wait3A_35 = tpu.memref_slice %arg33[%mul3A_14, %dma_wait3A_34] : memref<10000x64xf32, #tpu.memory_space<vmem_shared>> -> memref<624x64xf32, #tpu.memory_space<vmem_shared>>
      tpu.wait_dma2 semaphore(%run_scoped3A : memref<!tpu.dma_semaphore, #tpu.memory_space<semaphore_mem>>) src(%dma_wait3A_35 : memref<624x64xf32, #tpu.memory_space<vmem_shared>>) dst(%dma_wait3A_33 : memref<624x64xf32, #tpu.memory_space<hbm>>)
      tpu.yield
    }) : () -> ()
    %eq3A_17 = arith.constant 0 : i32
    %eq3A_18 = arith.cmpi eq, %arg1, %eq3A_17 : i32
    %convert_element_type3A_19 = arith.extui %eq3A_18 : i1 to i32
    %cond3A_20 = arith.constant 0 : i32
    %cond3A_21 = arith.cmpi ne, %convert_element_type3A_19, %cond3A_20 : i32
    scf.if %cond3A_21 {
      "tpu.region"() ({
        %run_scoped3A = tpu.sem_alloc : memref<!tpu.dma_semaphore, #tpu.memory_space<semaphore_mem>>
        %dma_start3A = arith.constant 0 : i32
        %dma_start3A_22 = arith.constant 0 : i32
        %dma_start3A_23 = tpu.memref_slice %arg6[%arg0, %dma_start3A, %dma_start3A_22] : memref<2x10000x64xf32, #tpu.memory_space<hbm>> -> memref<1x10000x64xf32, #tpu.memory_space<hbm>>
        %dma_start3A_24 = tpu.memref_squeeze %dma_start3A_23 : memref<1x10000x64xf32, #tpu.memory_space<hbm>> -> memref<10000x64xf32, #tpu.memory_space<hbm>>
        %dma_start3A_25 = arith.constant 9984 : i32
        %dma_start3A_26 = arith.constant 0 : i32
        %dma_start3A_27 = tpu.memref_slice %dma_start3A_24[%dma_start3A_25, %dma_start3A_26] : memref<10000x64xf32, #tpu.memory_space<hbm>> -> memref<16x64xf32, #tpu.memory_space<hbm>>
        %dma_start3A_28 = arith.constant 9984 : i32
        %dma_start3A_29 = arith.constant 0 : i32
        %dma_start3A_30 = tpu.memref_slice %arg33[%dma_start3A_28, %dma_start3A_29] : memref<10000x64xf32, #tpu.memory_space<vmem_shared>> -> memref<16x64xf32, #tpu.memory_space<vmem_shared>>
        tpu.enqueue_dma source(%dma_start3A_30 : memref<16x64xf32, #tpu.memory_space<vmem_shared>>) target(%dma_start3A_27 : memref<16x64xf32, #tpu.memory_space<hbm>>) target_semaphore(%run_scoped3A : memref<!tpu.dma_semaphore, #tpu.memory_space<semaphore_mem>>)
        %dma_wait3A = arith.constant 0 : i32
        %dma_wait3A_31 = arith.constant 0 : i32
        %dma_wait3A_32 = tpu.memref_slice %arg6[%arg0, %dma_wait3A, %dma_wait3A_31] : memref<2x10000x64xf32, #tpu.memory_space<hbm>> -> memref<1x10000x64xf32, #tpu.memory_space<hbm>>
        %dma_wait3A_33 = tpu.memref_squeeze %dma_wait3A_32 : memref<1x10000x64xf32, #tpu.memory_space<hbm>> -> memref<10000x64xf32, #tpu.memory_space<hbm>>
        %dma_wait3A_34 = arith.constant 9984 : i32
        %dma_wait3A_35 = arith.constant 0 : i32
        %dma_wait3A_36 = tpu.memref_slice %dma_wait3A_33[%dma_wait3A_34, %dma_wait3A_35] : memref<10000x64xf32, #tpu.memory_space<hbm>> -> memref<16x64xf32, #tpu.memory_space<hbm>>
        %dma_wait3A_37 = arith.constant 9984 : i32
        %dma_wait3A_38 = arith.constant 0 : i32
        %dma_wait3A_39 = tpu.memref_slice %arg33[%dma_wait3A_37, %dma_wait3A_38] : memref<10000x64xf32, #tpu.memory_space<vmem_shared>> -> memref<16x64xf32, #tpu.memory_space<vmem_shared>>
        tpu.wait_dma2 semaphore(%run_scoped3A : memref<!tpu.dma_semaphore, #tpu.memory_space<semaphore_mem>>) src(%dma_wait3A_39 : memref<16x64xf32, #tpu.memory_space<vmem_shared>>) dst(%dma_wait3A_36 : memref<16x64xf32, #tpu.memory_space<hbm>>)
        tpu.yield
      }) : () -> ()
    } else {
    }
    return
  }
}

#map = affine_map<(d0, d1) -> (0, 0)>
#map1 = affine_map<(d0, d1) -> (0, 0, 0)>
module attributes {stable_mosaic.version = 14 : i64} {
  func.func @_sc_edge_agg(%arg0: i32, %arg1: i32, %arg2: memref<10000x64xf32, #tpu.memory_space<hbm>>, %arg3: memref<32x80x125xi32, #tpu.memory_space<hbm>>, %arg4: memref<32x80x125xi32, #tpu.memory_space<hbm>>, %arg5: memref<10000x64xf32, #tpu.memory_space<hbm>>, %arg6: memref<2x10000x64xf32, #tpu.memory_space<hbm>>, %arg7: memref<80x125xi32, #tpu.memory_space<vmem>>, %arg8: memref<80x125xi32, #tpu.memory_space<vmem>>, %arg9: memref<125x64xf32, #tpu.memory_space<vmem>>, %arg10: memref<125x64xf32, #tpu.memory_space<vmem>>, %arg11: memref<125x64xf32, #tpu.memory_space<vmem>>, %arg12: memref<125x64xf32, #tpu.memory_space<vmem>>, %arg13: memref<125x64xf32, #tpu.memory_space<vmem>>, %arg14: memref<125x64xf32, #tpu.memory_space<vmem>>, %arg15: memref<125x64xf32, #tpu.memory_space<vmem>>, %arg16: memref<125x64xf32, #tpu.memory_space<vmem>>, %arg17: memref<!tpu.dma_semaphore, #tpu.memory_space<semaphore_mem>>, %arg18: memref<!tpu.dma_semaphore, #tpu.memory_space<semaphore_mem>>, %arg19: memref<!tpu.dma_semaphore, #tpu.memory_space<semaphore_mem>>, %arg20: memref<!tpu.dma_semaphore, #tpu.memory_space<semaphore_mem>>, %arg21: memref<!tpu.dma_semaphore, #tpu.memory_space<semaphore_mem>>, %arg22: memref<!tpu.dma_semaphore, #tpu.memory_space<semaphore_mem>>, %arg23: memref<!tpu.dma_semaphore, #tpu.memory_space<semaphore_mem>>, %arg24: memref<!tpu.dma_semaphore, #tpu.memory_space<semaphore_mem>>, %arg25: memref<!tpu.dma_semaphore, #tpu.memory_space<semaphore_mem>>, %arg26: memref<!tpu.dma_semaphore, #tpu.memory_space<semaphore_mem>>, %arg27: memref<!tpu.dma_semaphore, #tpu.memory_space<semaphore_mem>>, %arg28: memref<!tpu.dma_semaphore, #tpu.memory_space<semaphore_mem>>, %arg29: memref<!tpu.dma_semaphore, #tpu.memory_space<semaphore_mem>>, %arg30: memref<!tpu.dma_semaphore, #tpu.memory_space<semaphore_mem>>, %arg31: memref<!tpu.dma_semaphore, #tpu.memory_space<semaphore_mem>>, %arg32: memref<!tpu.dma_semaphore, #tpu.memory_space<semaphore_mem>>, %arg33: memref<10000x64xf32, #tpu.memory_space<vmem_shared>>) attributes {dimension_semantics = [#tpu.dimension_semantics<core_parallel>, #tpu.dimension_semantics<subcore_parallel>], iteration_bounds = array<i64: 2, 16>, scalar_prefetch = 0 : i64, scratch_operands = 27 : i64, tpu.core_type = #tpu.core_type<sc_vector_subcore>, window_params = [{transform_indices = #map}, {transform_indices = #map1}, {transform_indices = #map1}, {transform_indices = #map}, {transform_indices = #map1}]} {
    %mul3A = arith.constant 16 : i32
    %mul3A_0 = arith.muli %arg0, %mul3A : i32
    %add3A = arith.addi %mul3A_0, %arg1 : i32
    %mul3A_1 = arith.constant 624 : i32
    %mul3A_2 = arith.muli %arg1, %mul3A_1 : i32
    %mul3A_3 = arith.constant 624 : i32
    %mul3A_4 = arith.muli %arg1, %mul3A_3 : i32
    "tpu.region"() ({
      %run_scoped3A = tpu.sem_alloc : memref<!tpu.dma_semaphore, #tpu.memory_space<semaphore_mem>>
      %dma_start3A = arith.constant 0 : i32
      %dma_start3A_22 = tpu.memref_slice %arg33[%mul3A_4, %dma_start3A] : memref<10000x64xf32, #tpu.memory_space<vmem_shared>> -> memref<624x64xf32, #tpu.memory_space<vmem_shared>>
      %dma_start3A_23 = arith.constant 0 : i32
      %dma_start3A_24 = tpu.memref_slice %arg5[%mul3A_2, %dma_start3A_23] : memref<10000x64xf32, #tpu.memory_space<hbm>> -> memref<624x64xf32, #tpu.memory_space<hbm>>
      tpu.enqueue_dma source(%dma_start3A_24 : memref<624x64xf32, #tpu.memory_space<hbm>>) target(%dma_start3A_22 : memref<624x64xf32, #tpu.memory_space<vmem_shared>>) target_semaphore(%run_scoped3A : memref<!tpu.dma_semaphore, #tpu.memory_space<semaphore_mem>>)
      %dma_wait3A = arith.constant 0 : i32
      %dma_wait3A_25 = tpu.memref_slice %arg33[%mul3A_4, %dma_wait3A] : memref<10000x64xf32, #tpu.memory_space<vmem_shared>> -> memref<624x64xf32, #tpu.memory_space<vmem_shared>>
      %dma_wait3A_26 = arith.constant 0 : i32
      %dma_wait3A_27 = tpu.memref_slice %arg5[%mul3A_2, %dma_wait3A_26] : memref<10000x64xf32, #tpu.memory_space<hbm>> -> memref<624x64xf32, #tpu.memory_space<hbm>>
      tpu.wait_dma2 semaphore(%run_scoped3A : memref<!tpu.dma_semaphore, #tpu.memory_space<semaphore_mem>>) src(%dma_wait3A_27 : memref<624x64xf32, #tpu.memory_space<hbm>>) dst(%dma_wait3A_25 : memref<624x64xf32, #tpu.memory_space<vmem_shared>>)
      tpu.yield
    }) : () -> ()
    %eq3A = arith.constant 0 : i32
    %eq3A_5 = arith.cmpi eq, %arg1, %eq3A : i32
    %convert_element_type3A = arith.extui %eq3A_5 : i1 to i32
    %cond3A = arith.constant 0 : i32
    %cond3A_6 = arith.cmpi ne, %convert_element_type3A, %cond3A : i32
    scf.if %cond3A_6 {
      "tpu.region"() ({
        %run_scoped3A = tpu.sem_alloc : memref<!tpu.dma_semaphore, #tpu.memory_space<semaphore_mem>>
        %dma_start3A = arith.constant 9984 : i32
        %dma_start3A_22 = arith.constant 0 : i32
        %dma_start3A_23 = tpu.memref_slice %arg33[%dma_start3A, %dma_start3A_22] : memref<10000x64xf32, #tpu.memory_space<vmem_shared>> -> memref<16x64xf32, #tpu.memory_space<vmem_shared>>
        %dma_start3A_24 = arith.constant 9984 : i32
        %dma_start3A_25 = arith.constant 0 : i32
        %dma_start3A_26 = tpu.memref_slice %arg5[%dma_start3A_24, %dma_start3A_25] : memref<10000x64xf32, #tpu.memory_space<hbm>> -> memref<16x64xf32, #tpu.memory_space<hbm>>
        tpu.enqueue_dma source(%dma_start3A_26 : memref<16x64xf32, #tpu.memory_space<hbm>>) target(%dma_start3A_23 : memref<16x64xf32, #tpu.memory_space<vmem_shared>>) target_semaphore(%run_scoped3A : memref<!tpu.dma_semaphore, #tpu.memory_space<semaphore_mem>>)
        %dma_wait3A = arith.constant 9984 : i32
        %dma_wait3A_27 = arith.constant 0 : i32
        %dma_wait3A_28 = tpu.memref_slice %arg33[%dma_wait3A, %dma_wait3A_27] : memref<10000x64xf32, #tpu.memory_space<vmem_shared>> -> memref<16x64xf32, #tpu.memory_space<vmem_shared>>
        %dma_wait3A_29 = arith.constant 9984 : i32
        %dma_wait3A_30 = arith.constant 0 : i32
        %dma_wait3A_31 = tpu.memref_slice %arg5[%dma_wait3A_29, %dma_wait3A_30] : memref<10000x64xf32, #tpu.memory_space<hbm>> -> memref<16x64xf32, #tpu.memory_space<hbm>>
        tpu.wait_dma2 semaphore(%run_scoped3A : memref<!tpu.dma_semaphore, #tpu.memory_space<semaphore_mem>>) src(%dma_wait3A_31 : memref<16x64xf32, #tpu.memory_space<hbm>>) dst(%dma_wait3A_28 : memref<16x64xf32, #tpu.memory_space<vmem_shared>>)
        tpu.yield
      }) : () -> ()
    } else {
    }
    "tpu.region"() ({
      %run_scoped3A = tpu.sem_alloc : memref<!tpu.dma_semaphore, #tpu.memory_space<semaphore_mem>>
      %dma_start3A = arith.constant 0 : i32
      %dma_start3A_22 = arith.constant 0 : i32
      %dma_start3A_23 = tpu.memref_slice %arg3[%add3A, %dma_start3A, %dma_start3A_22] : memref<32x80x125xi32, #tpu.memory_space<hbm>> -> memref<1x80x125xi32, #tpu.memory_space<hbm>>
      %dma_start3A_24 = tpu.memref_squeeze %dma_start3A_23 : memref<1x80x125xi32, #tpu.memory_space<hbm>> -> memref<80x125xi32, #tpu.memory_space<hbm>>
      %dma_start3A_25 = arith.constant 0 : i32
      %dma_start3A_26 = arith.constant 0 : i32
      %dma_start3A_27 = tpu.memref_slice %arg3[%add3A, %dma_start3A_25, %dma_start3A_26] : memref<32x80x125xi32, #tpu.memory_space<hbm>> -> memref<1x80x125xi32, #tpu.memory_space<hbm>>
      %dma_start3A_28 = tpu.memref_squeeze %dma_start3A_27 : memref<1x80x125xi32, #tpu.memory_space<hbm>> -> memref<80x125xi32, #tpu.memory_space<hbm>>
      tpu.enqueue_dma source(%dma_start3A_28 : memref<80x125xi32, #tpu.memory_space<hbm>>) target(%arg7 : memref<80x125xi32, #tpu.memory_space<vmem>>) target_semaphore(%run_scoped3A : memref<!tpu.dma_semaphore, #tpu.memory_space<semaphore_mem>>)
      %dma_wait3A = arith.constant 0 : i32
      %dma_wait3A_29 = arith.constant 0 : i32
      %dma_wait3A_30 = tpu.memref_slice %arg3[%add3A, %dma_wait3A, %dma_wait3A_29] : memref<32x80x125xi32, #tpu.memory_space<hbm>> -> memref<1x80x125xi32, #tpu.memory_space<hbm>>
      %dma_wait3A_31 = tpu.memref_squeeze %dma_wait3A_30 : memref<1x80x125xi32, #tpu.memory_space<hbm>> -> memref<80x125xi32, #tpu.memory_space<hbm>>
      %dma_wait3A_32 = arith.constant 0 : i32
      %dma_wait3A_33 = arith.constant 0 : i32
      %dma_wait3A_34 = tpu.memref_slice %arg3[%add3A, %dma_wait3A_32, %dma_wait3A_33] : memref<32x80x125xi32, #tpu.memory_space<hbm>> -> memref<1x80x125xi32, #tpu.memory_space<hbm>>
      %dma_wait3A_35 = tpu.memref_squeeze %dma_wait3A_34 : memref<1x80x125xi32, #tpu.memory_space<hbm>> -> memref<80x125xi32, #tpu.memory_space<hbm>>
      tpu.wait_dma2 semaphore(%run_scoped3A : memref<!tpu.dma_semaphore, #tpu.memory_space<semaphore_mem>>) src(%dma_wait3A_35 : memref<80x125xi32, #tpu.memory_space<hbm>>) dst(%arg7 : memref<80x125xi32, #tpu.memory_space<vmem>>)
      tpu.yield
    }) : () -> ()
    "tpu.region"() ({
      %run_scoped3A = tpu.sem_alloc : memref<!tpu.dma_semaphore, #tpu.memory_space<semaphore_mem>>
      %dma_start3A = arith.constant 0 : i32
      %dma_start3A_22 = arith.constant 0 : i32
      %dma_start3A_23 = tpu.memref_slice %arg4[%add3A, %dma_start3A, %dma_start3A_22] : memref<32x80x125xi32, #tpu.memory_space<hbm>> -> memref<1x80x125xi32, #tpu.memory_space<hbm>>
      %dma_start3A_24 = tpu.memref_squeeze %dma_start3A_23 : memref<1x80x125xi32, #tpu.memory_space<hbm>> -> memref<80x125xi32, #tpu.memory_space<hbm>>
      %dma_start3A_25 = arith.constant 0 : i32
      %dma_start3A_26 = arith.constant 0 : i32
      %dma_start3A_27 = tpu.memref_slice %arg4[%add3A, %dma_start3A_25, %dma_start3A_26] : memref<32x80x125xi32, #tpu.memory_space<hbm>> -> memref<1x80x125xi32, #tpu.memory_space<hbm>>
      %dma_start3A_28 = tpu.memref_squeeze %dma_start3A_27 : memref<1x80x125xi32, #tpu.memory_space<hbm>> -> memref<80x125xi32, #tpu.memory_space<hbm>>
      tpu.enqueue_dma source(%dma_start3A_28 : memref<80x125xi32, #tpu.memory_space<hbm>>) target(%arg8 : memref<80x125xi32, #tpu.memory_space<vmem>>) target_semaphore(%run_scoped3A : memref<!tpu.dma_semaphore, #tpu.memory_space<semaphore_mem>>)
      %dma_wait3A = arith.constant 0 : i32
      %dma_wait3A_29 = arith.constant 0 : i32
      %dma_wait3A_30 = tpu.memref_slice %arg4[%add3A, %dma_wait3A, %dma_wait3A_29] : memref<32x80x125xi32, #tpu.memory_space<hbm>> -> memref<1x80x125xi32, #tpu.memory_space<hbm>>
      %dma_wait3A_31 = tpu.memref_squeeze %dma_wait3A_30 : memref<1x80x125xi32, #tpu.memory_space<hbm>> -> memref<80x125xi32, #tpu.memory_space<hbm>>
      %dma_wait3A_32 = arith.constant 0 : i32
      %dma_wait3A_33 = arith.constant 0 : i32
      %dma_wait3A_34 = tpu.memref_slice %arg4[%add3A, %dma_wait3A_32, %dma_wait3A_33] : memref<32x80x125xi32, #tpu.memory_space<hbm>> -> memref<1x80x125xi32, #tpu.memory_space<hbm>>
      %dma_wait3A_35 = tpu.memref_squeeze %dma_wait3A_34 : memref<1x80x125xi32, #tpu.memory_space<hbm>> -> memref<80x125xi32, #tpu.memory_space<hbm>>
      tpu.wait_dma2 semaphore(%run_scoped3A : memref<!tpu.dma_semaphore, #tpu.memory_space<semaphore_mem>>) src(%dma_wait3A_35 : memref<80x125xi32, #tpu.memory_space<hbm>>) dst(%arg8 : memref<80x125xi32, #tpu.memory_space<vmem>>)
      tpu.yield
    }) : () -> ()
    %barrier3A = arith.constant 0 : index
    tpu.barrier barrier_id(%barrier3A)
    %scan3A = arith.constant 0 : i32
    %scan3A_7 = arith.constant 0 : i32
    %scan3A_8 = arith.constant 10 : i32
    %scan3A_9 = arith.addi %scan3A_7, %scan3A_8 : i32
    %scan3A_10 = arith.constant 1 : i32
    scf.for %scan3A_22 = %scan3A_7 to %scan3A_9 step %scan3A_10  : i32 {
      %mul3A_23 = arith.constant 8 : i32
      %mul3A_24 = arith.muli %scan3A_22, %mul3A_23 : i32
      %add3A_25 = arith.constant 0 : i32
      %add3A_26 = arith.addi %mul3A_24, %add3A_25 : i32
      %dma_start3A = arith.constant 0 : i32
      %dma_start3A_27 = tpu.memref_slice %arg7[%add3A_26, %dma_start3A] : memref<80x125xi32, #tpu.memory_space<vmem>> -> memref<1x125xi32, #tpu.memory_space<vmem>>
      %dma_start3A_28 = tpu.memref_squeeze %dma_start3A_27 : memref<1x125xi32, #tpu.memory_space<vmem>> -> memref<125xi32, #tpu.memory_space<vmem>>
      %dma_start3A_29 = arith.constant 0 : i32
      %dma_start3A_30 = arith.constant 0 : i32
      %dma_start3A_31 = tpu.memref_slice %arg2[%dma_start3A_29, %dma_start3A_30] : memref<10000x64xf32, #tpu.memory_space<hbm>> -> memref<10000x64xf32, #tpu.memory_space<hbm>>
      tpu.enqueue_indirect_dma source(%dma_start3A_31 : memref<10000x64xf32, #tpu.memory_space<hbm>>) target(%arg9 : memref<125x64xf32, #tpu.memory_space<vmem>>) offsets(%dma_start3A_28 : memref<125xi32, #tpu.memory_space<vmem>>) semaphore(%arg17 : memref<!tpu.dma_semaphore, #tpu.memory_space<semaphore_mem>>)
      %add3A_32 = arith.constant 1 : i32
      %add3A_33 = arith.addi %mul3A_24, %add3A_32 : i32
      %dma_start3A_34 = arith.constant 0 : i32
      %dma_start3A_35 = tpu.memref_slice %arg7[%add3A_33, %dma_start3A_34] : memref<80x125xi32, #tpu.memory_space<vmem>> -> memref<1x125xi32, #tpu.memory_space<vmem>>
      %dma_start3A_36 = tpu.memref_squeeze %dma_start3A_35 : memref<1x125xi32, #tpu.memory_space<vmem>> -> memref<125xi32, #tpu.memory_space<vmem>>
      %dma_start3A_37 = arith.constant 0 : i32
      %dma_start3A_38 = arith.constant 0 : i32
      %dma_start3A_39 = tpu.memref_slice %arg2[%dma_start3A_37, %dma_start3A_38] : memref<10000x64xf32, #tpu.memory_space<hbm>> -> memref<10000x64xf32, #tpu.memory_space<hbm>>
      tpu.enqueue_indirect_dma source(%dma_start3A_39 : memref<10000x64xf32, #tpu.memory_space<hbm>>) target(%arg10 : memref<125x64xf32, #tpu.memory_space<vmem>>) offsets(%dma_start3A_36 : memref<125xi32, #tpu.memory_space<vmem>>) semaphore(%arg18 : memref<!tpu.dma_semaphore, #tpu.memory_space<semaphore_mem>>)
      %add3A_40 = arith.constant 2 : i32
      %add3A_41 = arith.addi %mul3A_24, %add3A_40 : i32
      %dma_start3A_42 = arith.constant 0 : i32
      %dma_start3A_43 = tpu.memref_slice %arg7[%add3A_41, %dma_start3A_42] : memref<80x125xi32, #tpu.memory_space<vmem>> -> memref<1x125xi32, #tpu.memory_space<vmem>>
      %dma_start3A_44 = tpu.memref_squeeze %dma_start3A_43 : memref<1x125xi32, #tpu.memory_space<vmem>> -> memref<125xi32, #tpu.memory_space<vmem>>
      %dma_start3A_45 = arith.constant 0 : i32
      %dma_start3A_46 = arith.constant 0 : i32
      %dma_start3A_47 = tpu.memref_slice %arg2[%dma_start3A_45, %dma_start3A_46] : memref<10000x64xf32, #tpu.memory_space<hbm>> -> memref<10000x64xf32, #tpu.memory_space<hbm>>
      tpu.enqueue_indirect_dma source(%dma_start3A_47 : memref<10000x64xf32, #tpu.memory_space<hbm>>) target(%arg11 : memref<125x64xf32, #tpu.memory_space<vmem>>) offsets(%dma_start3A_44 : memref<125xi32, #tpu.memory_space<vmem>>) semaphore(%arg19 : memref<!tpu.dma_semaphore, #tpu.memory_space<semaphore_mem>>)
      %add3A_48 = arith.constant 3 : i32
      %add3A_49 = arith.addi %mul3A_24, %add3A_48 : i32
      %dma_start3A_50 = arith.constant 0 : i32
      %dma_start3A_51 = tpu.memref_slice %arg7[%add3A_49, %dma_start3A_50] : memref<80x125xi32, #tpu.memory_space<vmem>> -> memref<1x125xi32, #tpu.memory_space<vmem>>
      %dma_start3A_52 = tpu.memref_squeeze %dma_start3A_51 : memref<1x125xi32, #tpu.memory_space<vmem>> -> memref<125xi32, #tpu.memory_space<vmem>>
      %dma_start3A_53 = arith.constant 0 : i32
      %dma_start3A_54 = arith.constant 0 : i32
      %dma_start3A_55 = tpu.memref_slice %arg2[%dma_start3A_53, %dma_start3A_54] : memref<10000x64xf32, #tpu.memory_space<hbm>> -> memref<10000x64xf32, #tpu.memory_space<hbm>>
      tpu.enqueue_indirect_dma source(%dma_start3A_55 : memref<10000x64xf32, #tpu.memory_space<hbm>>) target(%arg12 : memref<125x64xf32, #tpu.memory_space<vmem>>) offsets(%dma_start3A_52 : memref<125xi32, #tpu.memory_space<vmem>>) semaphore(%arg20 : memref<!tpu.dma_semaphore, #tpu.memory_space<semaphore_mem>>)
      %add3A_56 = arith.constant 4 : i32
      %add3A_57 = arith.addi %mul3A_24, %add3A_56 : i32
      %dma_start3A_58 = arith.constant 0 : i32
      %dma_start3A_59 = tpu.memref_slice %arg7[%add3A_57, %dma_start3A_58] : memref<80x125xi32, #tpu.memory_space<vmem>> -> memref<1x125xi32, #tpu.memory_space<vmem>>
      %dma_start3A_60 = tpu.memref_squeeze %dma_start3A_59 : memref<1x125xi32, #tpu.memory_space<vmem>> -> memref<125xi32, #tpu.memory_space<vmem>>
      %dma_start3A_61 = arith.constant 0 : i32
      %dma_start3A_62 = arith.constant 0 : i32
      %dma_start3A_63 = tpu.memref_slice %arg2[%dma_start3A_61, %dma_start3A_62] : memref<10000x64xf32, #tpu.memory_space<hbm>> -> memref<10000x64xf32, #tpu.memory_space<hbm>>
      tpu.enqueue_indirect_dma source(%dma_start3A_63 : memref<10000x64xf32, #tpu.memory_space<hbm>>) target(%arg13 : memref<125x64xf32, #tpu.memory_space<vmem>>) offsets(%dma_start3A_60 : memref<125xi32, #tpu.memory_space<vmem>>) semaphore(%arg21 : memref<!tpu.dma_semaphore, #tpu.memory_space<semaphore_mem>>)
      %add3A_64 = arith.constant 5 : i32
      %add3A_65 = arith.addi %mul3A_24, %add3A_64 : i32
      %dma_start3A_66 = arith.constant 0 : i32
      %dma_start3A_67 = tpu.memref_slice %arg7[%add3A_65, %dma_start3A_66] : memref<80x125xi32, #tpu.memory_space<vmem>> -> memref<1x125xi32, #tpu.memory_space<vmem>>
      %dma_start3A_68 = tpu.memref_squeeze %dma_start3A_67 : memref<1x125xi32, #tpu.memory_space<vmem>> -> memref<125xi32, #tpu.memory_space<vmem>>
      %dma_start3A_69 = arith.constant 0 : i32
      %dma_start3A_70 = arith.constant 0 : i32
      %dma_start3A_71 = tpu.memref_slice %arg2[%dma_start3A_69, %dma_start3A_70] : memref<10000x64xf32, #tpu.memory_space<hbm>> -> memref<10000x64xf32, #tpu.memory_space<hbm>>
      tpu.enqueue_indirect_dma source(%dma_start3A_71 : memref<10000x64xf32, #tpu.memory_space<hbm>>) target(%arg14 : memref<125x64xf32, #tpu.memory_space<vmem>>) offsets(%dma_start3A_68 : memref<125xi32, #tpu.memory_space<vmem>>) semaphore(%arg22 : memref<!tpu.dma_semaphore, #tpu.memory_space<semaphore_mem>>)
      %add3A_72 = arith.constant 6 : i32
      %add3A_73 = arith.addi %mul3A_24, %add3A_72 : i32
      %dma_start3A_74 = arith.constant 0 : i32
      %dma_start3A_75 = tpu.memref_slice %arg7[%add3A_73, %dma_start3A_74] : memref<80x125xi32, #tpu.memory_space<vmem>> -> memref<1x125xi32, #tpu.memory_space<vmem>>
      %dma_start3A_76 = tpu.memref_squeeze %dma_start3A_75 : memref<1x125xi32, #tpu.memory_space<vmem>> -> memref<125xi32, #tpu.memory_space<vmem>>
      %dma_start3A_77 = arith.constant 0 : i32
      %dma_start3A_78 = arith.constant 0 : i32
      %dma_start3A_79 = tpu.memref_slice %arg2[%dma_start3A_77, %dma_start3A_78] : memref<10000x64xf32, #tpu.memory_space<hbm>> -> memref<10000x64xf32, #tpu.memory_space<hbm>>
      tpu.enqueue_indirect_dma source(%dma_start3A_79 : memref<10000x64xf32, #tpu.memory_space<hbm>>) target(%arg15 : memref<125x64xf32, #tpu.memory_space<vmem>>) offsets(%dma_start3A_76 : memref<125xi32, #tpu.memory_space<vmem>>) semaphore(%arg23 : memref<!tpu.dma_semaphore, #tpu.memory_space<semaphore_mem>>)
      %add3A_80 = arith.constant 7 : i32
      %add3A_81 = arith.addi %mul3A_24, %add3A_80 : i32
      %dma_start3A_82 = arith.constant 0 : i32
      %dma_start3A_83 = tpu.memref_slice %arg7[%add3A_81, %dma_start3A_82] : memref<80x125xi32, #tpu.memory_space<vmem>> -> memref<1x125xi32, #tpu.memory_space<vmem>>
      %dma_start3A_84 = tpu.memref_squeeze %dma_start3A_83 : memref<1x125xi32, #tpu.memory_space<vmem>> -> memref<125xi32, #tpu.memory_space<vmem>>
      %dma_start3A_85 = arith.constant 0 : i32
      %dma_start3A_86 = arith.constant 0 : i32
      %dma_start3A_87 = tpu.memref_slice %arg2[%dma_start3A_85, %dma_start3A_86] : memref<10000x64xf32, #tpu.memory_space<hbm>> -> memref<10000x64xf32, #tpu.memory_space<hbm>>
      tpu.enqueue_indirect_dma source(%dma_start3A_87 : memref<10000x64xf32, #tpu.memory_space<hbm>>) target(%arg16 : memref<125x64xf32, #tpu.memory_space<vmem>>) offsets(%dma_start3A_84 : memref<125xi32, #tpu.memory_space<vmem>>) semaphore(%arg24 : memref<!tpu.dma_semaphore, #tpu.memory_space<semaphore_mem>>)
      %dma_wait3A = arith.constant 0 : i32
      %dma_wait3A_88 = tpu.memref_slice %arg7[%add3A_26, %dma_wait3A] : memref<80x125xi32, #tpu.memory_space<vmem>> -> memref<1x125xi32, #tpu.memory_space<vmem>>
      %dma_wait3A_89 = tpu.memref_squeeze %dma_wait3A_88 : memref<1x125xi32, #tpu.memory_space<vmem>> -> memref<125xi32, #tpu.memory_space<vmem>>
      %dma_wait3A_90 = arith.constant 0 : i32
      %dma_wait3A_91 = arith.constant 0 : i32
      %dma_wait3A_92 = tpu.memref_slice %arg2[%dma_wait3A_90, %dma_wait3A_91] : memref<10000x64xf32, #tpu.memory_space<hbm>> -> memref<10000x64xf32, #tpu.memory_space<hbm>>
      tpu.wait_indirect_dma semaphore(%arg17 : memref<!tpu.dma_semaphore, #tpu.memory_space<semaphore_mem>>) src(%dma_wait3A_92 : memref<10000x64xf32, #tpu.memory_space<hbm>>) dst(%arg9 : memref<125x64xf32, #tpu.memory_space<vmem>>)
      %add3A_93 = arith.constant 0 : i32
      %add3A_94 = arith.addi %mul3A_24, %add3A_93 : i32
      %dma_start3A_95 = arith.constant 0 : i32
      %dma_start3A_96 = tpu.memref_slice %arg8[%add3A_94, %dma_start3A_95] : memref<80x125xi32, #tpu.memory_space<vmem>> -> memref<1x125xi32, #tpu.memory_space<vmem>>
      %dma_start3A_97 = tpu.memref_squeeze %dma_start3A_96 : memref<1x125xi32, #tpu.memory_space<vmem>> -> memref<125xi32, #tpu.memory_space<vmem>>
      %dma_start3A_98 = arith.constant 0 : i32
      %dma_start3A_99 = arith.constant 0 : i32
      %dma_start3A_100 = tpu.memref_slice %arg33[%dma_start3A_98, %dma_start3A_99] : memref<10000x64xf32, #tpu.memory_space<vmem_shared>> -> memref<10000x64xf32, #tpu.memory_space<vmem_shared>>
      tpu.enqueue_indirect_dma source(%arg9 : memref<125x64xf32, #tpu.memory_space<vmem>>) target(%dma_start3A_100 : memref<10000x64xf32, #tpu.memory_space<vmem_shared>>) offsets(%dma_start3A_97 : memref<125xi32, #tpu.memory_space<vmem>>) semaphore(%arg25 : memref<!tpu.dma_semaphore, #tpu.memory_space<semaphore_mem>>) {add = true}
      %dma_wait3A_101 = arith.constant 0 : i32
      %dma_wait3A_102 = tpu.memref_slice %arg7[%add3A_33, %dma_wait3A_101] : memref<80x125xi32, #tpu.memory_space<vmem>> -> memref<1x125xi32, #tpu.memory_space<vmem>>
      %dma_wait3A_103 = tpu.memref_squeeze %dma_wait3A_102 : memref<1x125xi32, #tpu.memory_space<vmem>> -> memref<125xi32, #tpu.memory_space<vmem>>
      %dma_wait3A_104 = arith.constant 0 : i32
      %dma_wait3A_105 = arith.constant 0 : i32
      %dma_wait3A_106 = tpu.memref_slice %arg2[%dma_wait3A_104, %dma_wait3A_105] : memref<10000x64xf32, #tpu.memory_space<hbm>> -> memref<10000x64xf32, #tpu.memory_space<hbm>>
      tpu.wait_indirect_dma semaphore(%arg18 : memref<!tpu.dma_semaphore, #tpu.memory_space<semaphore_mem>>) src(%dma_wait3A_106 : memref<10000x64xf32, #tpu.memory_space<hbm>>) dst(%arg10 : memref<125x64xf32, #tpu.memory_space<vmem>>)
      %add3A_107 = arith.constant 1 : i32
      %add3A_108 = arith.addi %mul3A_24, %add3A_107 : i32
      %dma_start3A_109 = arith.constant 0 : i32
      %dma_start3A_110 = tpu.memref_slice %arg8[%add3A_108, %dma_start3A_109] : memref<80x125xi32, #tpu.memory_space<vmem>> -> memref<1x125xi32, #tpu.memory_space<vmem>>
      %dma_start3A_111 = tpu.memref_squeeze %dma_start3A_110 : memref<1x125xi32, #tpu.memory_space<vmem>> -> memref<125xi32, #tpu.memory_space<vmem>>
      %dma_start3A_112 = arith.constant 0 : i32
      %dma_start3A_113 = arith.constant 0 : i32
      %dma_start3A_114 = tpu.memref_slice %arg33[%dma_start3A_112, %dma_start3A_113] : memref<10000x64xf32, #tpu.memory_space<vmem_shared>> -> memref<10000x64xf32, #tpu.memory_space<vmem_shared>>
      tpu.enqueue_indirect_dma source(%arg10 : memref<125x64xf32, #tpu.memory_space<vmem>>) target(%dma_start3A_114 : memref<10000x64xf32, #tpu.memory_space<vmem_shared>>) offsets(%dma_start3A_111 : memref<125xi32, #tpu.memory_space<vmem>>) semaphore(%arg26 : memref<!tpu.dma_semaphore, #tpu.memory_space<semaphore_mem>>) {add = true}
      %dma_wait3A_115 = arith.constant 0 : i32
      %dma_wait3A_116 = tpu.memref_slice %arg7[%add3A_41, %dma_wait3A_115] : memref<80x125xi32, #tpu.memory_space<vmem>> -> memref<1x125xi32, #tpu.memory_space<vmem>>
      %dma_wait3A_117 = tpu.memref_squeeze %dma_wait3A_116 : memref<1x125xi32, #tpu.memory_space<vmem>> -> memref<125xi32, #tpu.memory_space<vmem>>
      %dma_wait3A_118 = arith.constant 0 : i32
      %dma_wait3A_119 = arith.constant 0 : i32
      %dma_wait3A_120 = tpu.memref_slice %arg2[%dma_wait3A_118, %dma_wait3A_119] : memref<10000x64xf32, #tpu.memory_space<hbm>> -> memref<10000x64xf32, #tpu.memory_space<hbm>>
      tpu.wait_indirect_dma semaphore(%arg19 : memref<!tpu.dma_semaphore, #tpu.memory_space<semaphore_mem>>) src(%dma_wait3A_120 : memref<10000x64xf32, #tpu.memory_space<hbm>>) dst(%arg11 : memref<125x64xf32, #tpu.memory_space<vmem>>)
      %add3A_121 = arith.constant 2 : i32
      %add3A_122 = arith.addi %mul3A_24, %add3A_121 : i32
      %dma_start3A_123 = arith.constant 0 : i32
      %dma_start3A_124 = tpu.memref_slice %arg8[%add3A_122, %dma_start3A_123] : memref<80x125xi32, #tpu.memory_space<vmem>> -> memref<1x125xi32, #tpu.memory_space<vmem>>
      %dma_start3A_125 = tpu.memref_squeeze %dma_start3A_124 : memref<1x125xi32, #tpu.memory_space<vmem>> -> memref<125xi32, #tpu.memory_space<vmem>>
      %dma_start3A_126 = arith.constant 0 : i32
      %dma_start3A_127 = arith.constant 0 : i32
      %dma_start3A_128 = tpu.memref_slice %arg33[%dma_start3A_126, %dma_start3A_127] : memref<10000x64xf32, #tpu.memory_space<vmem_shared>> -> memref<10000x64xf32, #tpu.memory_space<vmem_shared>>
      tpu.enqueue_indirect_dma source(%arg11 : memref<125x64xf32, #tpu.memory_space<vmem>>) target(%dma_start3A_128 : memref<10000x64xf32, #tpu.memory_space<vmem_shared>>) offsets(%dma_start3A_125 : memref<125xi32, #tpu.memory_space<vmem>>) semaphore(%arg27 : memref<!tpu.dma_semaphore, #tpu.memory_space<semaphore_mem>>) {add = true}
      %dma_wait3A_129 = arith.constant 0 : i32
      %dma_wait3A_130 = tpu.memref_slice %arg7[%add3A_49, %dma_wait3A_129] : memref<80x125xi32, #tpu.memory_space<vmem>> -> memref<1x125xi32, #tpu.memory_space<vmem>>
      %dma_wait3A_131 = tpu.memref_squeeze %dma_wait3A_130 : memref<1x125xi32, #tpu.memory_space<vmem>> -> memref<125xi32, #tpu.memory_space<vmem>>
      %dma_wait3A_132 = arith.constant 0 : i32
      %dma_wait3A_133 = arith.constant 0 : i32
      %dma_wait3A_134 = tpu.memref_slice %arg2[%dma_wait3A_132, %dma_wait3A_133] : memref<10000x64xf32, #tpu.memory_space<hbm>> -> memref<10000x64xf32, #tpu.memory_space<hbm>>
      tpu.wait_indirect_dma semaphore(%arg20 : memref<!tpu.dma_semaphore, #tpu.memory_space<semaphore_mem>>) src(%dma_wait3A_134 : memref<10000x64xf32, #tpu.memory_space<hbm>>) dst(%arg12 : memref<125x64xf32, #tpu.memory_space<vmem>>)
      %add3A_135 = arith.constant 3 : i32
      %add3A_136 = arith.addi %mul3A_24, %add3A_135 : i32
      %dma_start3A_137 = arith.constant 0 : i32
      %dma_start3A_138 = tpu.memref_slice %arg8[%add3A_136, %dma_start3A_137] : memref<80x125xi32, #tpu.memory_space<vmem>> -> memref<1x125xi32, #tpu.memory_space<vmem>>
      %dma_start3A_139 = tpu.memref_squeeze %dma_start3A_138 : memref<1x125xi32, #tpu.memory_space<vmem>> -> memref<125xi32, #tpu.memory_space<vmem>>
      %dma_start3A_140 = arith.constant 0 : i32
      %dma_start3A_141 = arith.constant 0 : i32
      %dma_start3A_142 = tpu.memref_slice %arg33[%dma_start3A_140, %dma_start3A_141] : memref<10000x64xf32, #tpu.memory_space<vmem_shared>> -> memref<10000x64xf32, #tpu.memory_space<vmem_shared>>
      tpu.enqueue_indirect_dma source(%arg12 : memref<125x64xf32, #tpu.memory_space<vmem>>) target(%dma_start3A_142 : memref<10000x64xf32, #tpu.memory_space<vmem_shared>>) offsets(%dma_start3A_139 : memref<125xi32, #tpu.memory_space<vmem>>) semaphore(%arg28 : memref<!tpu.dma_semaphore, #tpu.memory_space<semaphore_mem>>) {add = true}
      %dma_wait3A_143 = arith.constant 0 : i32
      %dma_wait3A_144 = tpu.memref_slice %arg7[%add3A_57, %dma_wait3A_143] : memref<80x125xi32, #tpu.memory_space<vmem>> -> memref<1x125xi32, #tpu.memory_space<vmem>>
      %dma_wait3A_145 = tpu.memref_squeeze %dma_wait3A_144 : memref<1x125xi32, #tpu.memory_space<vmem>> -> memref<125xi32, #tpu.memory_space<vmem>>
      %dma_wait3A_146 = arith.constant 0 : i32
      %dma_wait3A_147 = arith.constant 0 : i32
      %dma_wait3A_148 = tpu.memref_slice %arg2[%dma_wait3A_146, %dma_wait3A_147] : memref<10000x64xf32, #tpu.memory_space<hbm>> -> memref<10000x64xf32, #tpu.memory_space<hbm>>
      tpu.wait_indirect_dma semaphore(%arg21 : memref<!tpu.dma_semaphore, #tpu.memory_space<semaphore_mem>>) src(%dma_wait3A_148 : memref<10000x64xf32, #tpu.memory_space<hbm>>) dst(%arg13 : memref<125x64xf32, #tpu.memory_space<vmem>>)
      %add3A_149 = arith.constant 4 : i32
      %add3A_150 = arith.addi %mul3A_24, %add3A_149 : i32
      %dma_start3A_151 = arith.constant 0 : i32
      %dma_start3A_152 = tpu.memref_slice %arg8[%add3A_150, %dma_start3A_151] : memref<80x125xi32, #tpu.memory_space<vmem>> -> memref<1x125xi32, #tpu.memory_space<vmem>>
      %dma_start3A_153 = tpu.memref_squeeze %dma_start3A_152 : memref<1x125xi32, #tpu.memory_space<vmem>> -> memref<125xi32, #tpu.memory_space<vmem>>
      %dma_start3A_154 = arith.constant 0 : i32
      %dma_start3A_155 = arith.constant 0 : i32
      %dma_start3A_156 = tpu.memref_slice %arg33[%dma_start3A_154, %dma_start3A_155] : memref<10000x64xf32, #tpu.memory_space<vmem_shared>> -> memref<10000x64xf32, #tpu.memory_space<vmem_shared>>
      tpu.enqueue_indirect_dma source(%arg13 : memref<125x64xf32, #tpu.memory_space<vmem>>) target(%dma_start3A_156 : memref<10000x64xf32, #tpu.memory_space<vmem_shared>>) offsets(%dma_start3A_153 : memref<125xi32, #tpu.memory_space<vmem>>) semaphore(%arg29 : memref<!tpu.dma_semaphore, #tpu.memory_space<semaphore_mem>>) {add = true}
      %dma_wait3A_157 = arith.constant 0 : i32
      %dma_wait3A_158 = tpu.memref_slice %arg7[%add3A_65, %dma_wait3A_157] : memref<80x125xi32, #tpu.memory_space<vmem>> -> memref<1x125xi32, #tpu.memory_space<vmem>>
      %dma_wait3A_159 = tpu.memref_squeeze %dma_wait3A_158 : memref<1x125xi32, #tpu.memory_space<vmem>> -> memref<125xi32, #tpu.memory_space<vmem>>
      %dma_wait3A_160 = arith.constant 0 : i32
      %dma_wait3A_161 = arith.constant 0 : i32
      %dma_wait3A_162 = tpu.memref_slice %arg2[%dma_wait3A_160, %dma_wait3A_161] : memref<10000x64xf32, #tpu.memory_space<hbm>> -> memref<10000x64xf32, #tpu.memory_space<hbm>>
      tpu.wait_indirect_dma semaphore(%arg22 : memref<!tpu.dma_semaphore, #tpu.memory_space<semaphore_mem>>) src(%dma_wait3A_162 : memref<10000x64xf32, #tpu.memory_space<hbm>>) dst(%arg14 : memref<125x64xf32, #tpu.memory_space<vmem>>)
      %add3A_163 = arith.constant 5 : i32
      %add3A_164 = arith.addi %mul3A_24, %add3A_163 : i32
      %dma_start3A_165 = arith.constant 0 : i32
      %dma_start3A_166 = tpu.memref_slice %arg8[%add3A_164, %dma_start3A_165] : memref<80x125xi32, #tpu.memory_space<vmem>> -> memref<1x125xi32, #tpu.memory_space<vmem>>
      %dma_start3A_167 = tpu.memref_squeeze %dma_start3A_166 : memref<1x125xi32, #tpu.memory_space<vmem>> -> memref<125xi32, #tpu.memory_space<vmem>>
      %dma_start3A_168 = arith.constant 0 : i32
      %dma_start3A_169 = arith.constant 0 : i32
      %dma_start3A_170 = tpu.memref_slice %arg33[%dma_start3A_168, %dma_start3A_169] : memref<10000x64xf32, #tpu.memory_space<vmem_shared>> -> memref<10000x64xf32, #tpu.memory_space<vmem_shared>>
      tpu.enqueue_indirect_dma source(%arg14 : memref<125x64xf32, #tpu.memory_space<vmem>>) target(%dma_start3A_170 : memref<10000x64xf32, #tpu.memory_space<vmem_shared>>) offsets(%dma_start3A_167 : memref<125xi32, #tpu.memory_space<vmem>>) semaphore(%arg30 : memref<!tpu.dma_semaphore, #tpu.memory_space<semaphore_mem>>) {add = true}
      %dma_wait3A_171 = arith.constant 0 : i32
      %dma_wait3A_172 = tpu.memref_slice %arg7[%add3A_73, %dma_wait3A_171] : memref<80x125xi32, #tpu.memory_space<vmem>> -> memref<1x125xi32, #tpu.memory_space<vmem>>
      %dma_wait3A_173 = tpu.memref_squeeze %dma_wait3A_172 : memref<1x125xi32, #tpu.memory_space<vmem>> -> memref<125xi32, #tpu.memory_space<vmem>>
      %dma_wait3A_174 = arith.constant 0 : i32
      %dma_wait3A_175 = arith.constant 0 : i32
      %dma_wait3A_176 = tpu.memref_slice %arg2[%dma_wait3A_174, %dma_wait3A_175] : memref<10000x64xf32, #tpu.memory_space<hbm>> -> memref<10000x64xf32, #tpu.memory_space<hbm>>
      tpu.wait_indirect_dma semaphore(%arg23 : memref<!tpu.dma_semaphore, #tpu.memory_space<semaphore_mem>>) src(%dma_wait3A_176 : memref<10000x64xf32, #tpu.memory_space<hbm>>) dst(%arg15 : memref<125x64xf32, #tpu.memory_space<vmem>>)
      %add3A_177 = arith.constant 6 : i32
      %add3A_178 = arith.addi %mul3A_24, %add3A_177 : i32
      %dma_start3A_179 = arith.constant 0 : i32
      %dma_start3A_180 = tpu.memref_slice %arg8[%add3A_178, %dma_start3A_179] : memref<80x125xi32, #tpu.memory_space<vmem>> -> memref<1x125xi32, #tpu.memory_space<vmem>>
      %dma_start3A_181 = tpu.memref_squeeze %dma_start3A_180 : memref<1x125xi32, #tpu.memory_space<vmem>> -> memref<125xi32, #tpu.memory_space<vmem>>
      %dma_start3A_182 = arith.constant 0 : i32
      %dma_start3A_183 = arith.constant 0 : i32
      %dma_start3A_184 = tpu.memref_slice %arg33[%dma_start3A_182, %dma_start3A_183] : memref<10000x64xf32, #tpu.memory_space<vmem_shared>> -> memref<10000x64xf32, #tpu.memory_space<vmem_shared>>
      tpu.enqueue_indirect_dma source(%arg15 : memref<125x64xf32, #tpu.memory_space<vmem>>) target(%dma_start3A_184 : memref<10000x64xf32, #tpu.memory_space<vmem_shared>>) offsets(%dma_start3A_181 : memref<125xi32, #tpu.memory_space<vmem>>) semaphore(%arg31 : memref<!tpu.dma_semaphore, #tpu.memory_space<semaphore_mem>>) {add = true}
      %dma_wait3A_185 = arith.constant 0 : i32
      %dma_wait3A_186 = tpu.memref_slice %arg7[%add3A_81, %dma_wait3A_185] : memref<80x125xi32, #tpu.memory_space<vmem>> -> memref<1x125xi32, #tpu.memory_space<vmem>>
      %dma_wait3A_187 = tpu.memref_squeeze %dma_wait3A_186 : memref<1x125xi32, #tpu.memory_space<vmem>> -> memref<125xi32, #tpu.memory_space<vmem>>
      %dma_wait3A_188 = arith.constant 0 : i32
      %dma_wait3A_189 = arith.constant 0 : i32
      %dma_wait3A_190 = tpu.memref_slice %arg2[%dma_wait3A_188, %dma_wait3A_189] : memref<10000x64xf32, #tpu.memory_space<hbm>> -> memref<10000x64xf32, #tpu.memory_space<hbm>>
      tpu.wait_indirect_dma semaphore(%arg24 : memref<!tpu.dma_semaphore, #tpu.memory_space<semaphore_mem>>) src(%dma_wait3A_190 : memref<10000x64xf32, #tpu.memory_space<hbm>>) dst(%arg16 : memref<125x64xf32, #tpu.memory_space<vmem>>)
      %add3A_191 = arith.constant 7 : i32
      %add3A_192 = arith.addi %mul3A_24, %add3A_191 : i32
      %dma_start3A_193 = arith.constant 0 : i32
      %dma_start3A_194 = tpu.memref_slice %arg8[%add3A_192, %dma_start3A_193] : memref<80x125xi32, #tpu.memory_space<vmem>> -> memref<1x125xi32, #tpu.memory_space<vmem>>
      %dma_start3A_195 = tpu.memref_squeeze %dma_start3A_194 : memref<1x125xi32, #tpu.memory_space<vmem>> -> memref<125xi32, #tpu.memory_space<vmem>>
      %dma_start3A_196 = arith.constant 0 : i32
      %dma_start3A_197 = arith.constant 0 : i32
      %dma_start3A_198 = tpu.memref_slice %arg33[%dma_start3A_196, %dma_start3A_197] : memref<10000x64xf32, #tpu.memory_space<vmem_shared>> -> memref<10000x64xf32, #tpu.memory_space<vmem_shared>>
      tpu.enqueue_indirect_dma source(%arg16 : memref<125x64xf32, #tpu.memory_space<vmem>>) target(%dma_start3A_198 : memref<10000x64xf32, #tpu.memory_space<vmem_shared>>) offsets(%dma_start3A_195 : memref<125xi32, #tpu.memory_space<vmem>>) semaphore(%arg32 : memref<!tpu.dma_semaphore, #tpu.memory_space<semaphore_mem>>) {add = true}
      %dma_wait3A_199 = arith.constant 0 : i32
      %dma_wait3A_200 = tpu.memref_slice %arg8[%add3A_94, %dma_wait3A_199] : memref<80x125xi32, #tpu.memory_space<vmem>> -> memref<1x125xi32, #tpu.memory_space<vmem>>
      %dma_wait3A_201 = tpu.memref_squeeze %dma_wait3A_200 : memref<1x125xi32, #tpu.memory_space<vmem>> -> memref<125xi32, #tpu.memory_space<vmem>>
      %dma_wait3A_202 = arith.constant 0 : i32
      %dma_wait3A_203 = arith.constant 0 : i32
      %dma_wait3A_204 = tpu.memref_slice %arg33[%dma_wait3A_202, %dma_wait3A_203] : memref<10000x64xf32, #tpu.memory_space<vmem_shared>> -> memref<10000x64xf32, #tpu.memory_space<vmem_shared>>
      tpu.wait_indirect_dma semaphore(%arg25 : memref<!tpu.dma_semaphore, #tpu.memory_space<semaphore_mem>>) src(%arg9 : memref<125x64xf32, #tpu.memory_space<vmem>>) dst(%dma_wait3A_204 : memref<10000x64xf32, #tpu.memory_space<vmem_shared>>)
      %dma_wait3A_205 = arith.constant 0 : i32
      %dma_wait3A_206 = tpu.memref_slice %arg8[%add3A_108, %dma_wait3A_205] : memref<80x125xi32, #tpu.memory_space<vmem>> -> memref<1x125xi32, #tpu.memory_space<vmem>>
      %dma_wait3A_207 = tpu.memref_squeeze %dma_wait3A_206 : memref<1x125xi32, #tpu.memory_space<vmem>> -> memref<125xi32, #tpu.memory_space<vmem>>
      %dma_wait3A_208 = arith.constant 0 : i32
      %dma_wait3A_209 = arith.constant 0 : i32
      %dma_wait3A_210 = tpu.memref_slice %arg33[%dma_wait3A_208, %dma_wait3A_209] : memref<10000x64xf32, #tpu.memory_space<vmem_shared>> -> memref<10000x64xf32, #tpu.memory_space<vmem_shared>>
      tpu.wait_indirect_dma semaphore(%arg26 : memref<!tpu.dma_semaphore, #tpu.memory_space<semaphore_mem>>) src(%arg10 : memref<125x64xf32, #tpu.memory_space<vmem>>) dst(%dma_wait3A_210 : memref<10000x64xf32, #tpu.memory_space<vmem_shared>>)
      %dma_wait3A_211 = arith.constant 0 : i32
      %dma_wait3A_212 = tpu.memref_slice %arg8[%add3A_122, %dma_wait3A_211] : memref<80x125xi32, #tpu.memory_space<vmem>> -> memref<1x125xi32, #tpu.memory_space<vmem>>
      %dma_wait3A_213 = tpu.memref_squeeze %dma_wait3A_212 : memref<1x125xi32, #tpu.memory_space<vmem>> -> memref<125xi32, #tpu.memory_space<vmem>>
      %dma_wait3A_214 = arith.constant 0 : i32
      %dma_wait3A_215 = arith.constant 0 : i32
      %dma_wait3A_216 = tpu.memref_slice %arg33[%dma_wait3A_214, %dma_wait3A_215] : memref<10000x64xf32, #tpu.memory_space<vmem_shared>> -> memref<10000x64xf32, #tpu.memory_space<vmem_shared>>
      tpu.wait_indirect_dma semaphore(%arg27 : memref<!tpu.dma_semaphore, #tpu.memory_space<semaphore_mem>>) src(%arg11 : memref<125x64xf32, #tpu.memory_space<vmem>>) dst(%dma_wait3A_216 : memref<10000x64xf32, #tpu.memory_space<vmem_shared>>)
      %dma_wait3A_217 = arith.constant 0 : i32
      %dma_wait3A_218 = tpu.memref_slice %arg8[%add3A_136, %dma_wait3A_217] : memref<80x125xi32, #tpu.memory_space<vmem>> -> memref<1x125xi32, #tpu.memory_space<vmem>>
      %dma_wait3A_219 = tpu.memref_squeeze %dma_wait3A_218 : memref<1x125xi32, #tpu.memory_space<vmem>> -> memref<125xi32, #tpu.memory_space<vmem>>
      %dma_wait3A_220 = arith.constant 0 : i32
      %dma_wait3A_221 = arith.constant 0 : i32
      %dma_wait3A_222 = tpu.memref_slice %arg33[%dma_wait3A_220, %dma_wait3A_221] : memref<10000x64xf32, #tpu.memory_space<vmem_shared>> -> memref<10000x64xf32, #tpu.memory_space<vmem_shared>>
      tpu.wait_indirect_dma semaphore(%arg28 : memref<!tpu.dma_semaphore, #tpu.memory_space<semaphore_mem>>) src(%arg12 : memref<125x64xf32, #tpu.memory_space<vmem>>) dst(%dma_wait3A_222 : memref<10000x64xf32, #tpu.memory_space<vmem_shared>>)
      %dma_wait3A_223 = arith.constant 0 : i32
      %dma_wait3A_224 = tpu.memref_slice %arg8[%add3A_150, %dma_wait3A_223] : memref<80x125xi32, #tpu.memory_space<vmem>> -> memref<1x125xi32, #tpu.memory_space<vmem>>
      %dma_wait3A_225 = tpu.memref_squeeze %dma_wait3A_224 : memref<1x125xi32, #tpu.memory_space<vmem>> -> memref<125xi32, #tpu.memory_space<vmem>>
      %dma_wait3A_226 = arith.constant 0 : i32
      %dma_wait3A_227 = arith.constant 0 : i32
      %dma_wait3A_228 = tpu.memref_slice %arg33[%dma_wait3A_226, %dma_wait3A_227] : memref<10000x64xf32, #tpu.memory_space<vmem_shared>> -> memref<10000x64xf32, #tpu.memory_space<vmem_shared>>
      tpu.wait_indirect_dma semaphore(%arg29 : memref<!tpu.dma_semaphore, #tpu.memory_space<semaphore_mem>>) src(%arg13 : memref<125x64xf32, #tpu.memory_space<vmem>>) dst(%dma_wait3A_228 : memref<10000x64xf32, #tpu.memory_space<vmem_shared>>)
      %dma_wait3A_229 = arith.constant 0 : i32
      %dma_wait3A_230 = tpu.memref_slice %arg8[%add3A_164, %dma_wait3A_229] : memref<80x125xi32, #tpu.memory_space<vmem>> -> memref<1x125xi32, #tpu.memory_space<vmem>>
      %dma_wait3A_231 = tpu.memref_squeeze %dma_wait3A_230 : memref<1x125xi32, #tpu.memory_space<vmem>> -> memref<125xi32, #tpu.memory_space<vmem>>
      %dma_wait3A_232 = arith.constant 0 : i32
      %dma_wait3A_233 = arith.constant 0 : i32
      %dma_wait3A_234 = tpu.memref_slice %arg33[%dma_wait3A_232, %dma_wait3A_233] : memref<10000x64xf32, #tpu.memory_space<vmem_shared>> -> memref<10000x64xf32, #tpu.memory_space<vmem_shared>>
      tpu.wait_indirect_dma semaphore(%arg30 : memref<!tpu.dma_semaphore, #tpu.memory_space<semaphore_mem>>) src(%arg14 : memref<125x64xf32, #tpu.memory_space<vmem>>) dst(%dma_wait3A_234 : memref<10000x64xf32, #tpu.memory_space<vmem_shared>>)
      %dma_wait3A_235 = arith.constant 0 : i32
      %dma_wait3A_236 = tpu.memref_slice %arg8[%add3A_178, %dma_wait3A_235] : memref<80x125xi32, #tpu.memory_space<vmem>> -> memref<1x125xi32, #tpu.memory_space<vmem>>
      %dma_wait3A_237 = tpu.memref_squeeze %dma_wait3A_236 : memref<1x125xi32, #tpu.memory_space<vmem>> -> memref<125xi32, #tpu.memory_space<vmem>>
      %dma_wait3A_238 = arith.constant 0 : i32
      %dma_wait3A_239 = arith.constant 0 : i32
      %dma_wait3A_240 = tpu.memref_slice %arg33[%dma_wait3A_238, %dma_wait3A_239] : memref<10000x64xf32, #tpu.memory_space<vmem_shared>> -> memref<10000x64xf32, #tpu.memory_space<vmem_shared>>
      tpu.wait_indirect_dma semaphore(%arg31 : memref<!tpu.dma_semaphore, #tpu.memory_space<semaphore_mem>>) src(%arg15 : memref<125x64xf32, #tpu.memory_space<vmem>>) dst(%dma_wait3A_240 : memref<10000x64xf32, #tpu.memory_space<vmem_shared>>)
      %dma_wait3A_241 = arith.constant 0 : i32
      %dma_wait3A_242 = tpu.memref_slice %arg8[%add3A_192, %dma_wait3A_241] : memref<80x125xi32, #tpu.memory_space<vmem>> -> memref<1x125xi32, #tpu.memory_space<vmem>>
      %dma_wait3A_243 = tpu.memref_squeeze %dma_wait3A_242 : memref<1x125xi32, #tpu.memory_space<vmem>> -> memref<125xi32, #tpu.memory_space<vmem>>
      %dma_wait3A_244 = arith.constant 0 : i32
      %dma_wait3A_245 = arith.constant 0 : i32
      %dma_wait3A_246 = tpu.memref_slice %arg33[%dma_wait3A_244, %dma_wait3A_245] : memref<10000x64xf32, #tpu.memory_space<vmem_shared>> -> memref<10000x64xf32, #tpu.memory_space<vmem_shared>>
      tpu.wait_indirect_dma semaphore(%arg32 : memref<!tpu.dma_semaphore, #tpu.memory_space<semaphore_mem>>) src(%arg16 : memref<125x64xf32, #tpu.memory_space<vmem>>) dst(%dma_wait3A_246 : memref<10000x64xf32, #tpu.memory_space<vmem_shared>>)
    }
    %scan3A_11 = arith.constant 10 : i32
    %barrier3A_12 = arith.constant 0 : index
    tpu.barrier barrier_id(%barrier3A_12)
    %mul3A_13 = arith.constant 624 : i32
    %mul3A_14 = arith.muli %arg1, %mul3A_13 : i32
    %mul3A_15 = arith.constant 624 : i32
    %mul3A_16 = arith.muli %arg1, %mul3A_15 : i32
    "tpu.region"() ({
      %run_scoped3A = tpu.sem_alloc : memref<!tpu.dma_semaphore, #tpu.memory_space<semaphore_mem>>
      %dma_start3A = arith.constant 0 : i32
      %dma_start3A_22 = arith.constant 0 : i32
      %dma_start3A_23 = tpu.memref_slice %arg6[%arg0, %dma_start3A, %dma_start3A_22] : memref<2x10000x64xf32, #tpu.memory_space<hbm>> -> memref<1x10000x64xf32, #tpu.memory_space<hbm>>
      %dma_start3A_24 = tpu.memref_squeeze %dma_start3A_23 : memref<1x10000x64xf32, #tpu.memory_space<hbm>> -> memref<10000x64xf32, #tpu.memory_space<hbm>>
      %dma_start3A_25 = arith.constant 0 : i32
      %dma_start3A_26 = tpu.memref_slice %dma_start3A_24[%mul3A_16, %dma_start3A_25] : memref<10000x64xf32, #tpu.memory_space<hbm>> -> memref<624x64xf32, #tpu.memory_space<hbm>>
      %dma_start3A_27 = arith.constant 0 : i32
      %dma_start3A_28 = tpu.memref_slice %arg33[%mul3A_14, %dma_start3A_27] : memref<10000x64xf32, #tpu.memory_space<vmem_shared>> -> memref<624x64xf32, #tpu.memory_space<vmem_shared>>
      tpu.enqueue_dma source(%dma_start3A_28 : memref<624x64xf32, #tpu.memory_space<vmem_shared>>) target(%dma_start3A_26 : memref<624x64xf32, #tpu.memory_space<hbm>>) target_semaphore(%run_scoped3A : memref<!tpu.dma_semaphore, #tpu.memory_space<semaphore_mem>>)
      %dma_wait3A = arith.constant 0 : i32
      %dma_wait3A_29 = arith.constant 0 : i32
      %dma_wait3A_30 = tpu.memref_slice %arg6[%arg0, %dma_wait3A, %dma_wait3A_29] : memref<2x10000x64xf32, #tpu.memory_space<hbm>> -> memref<1x10000x64xf32, #tpu.memory_space<hbm>>
      %dma_wait3A_31 = tpu.memref_squeeze %dma_wait3A_30 : memref<1x10000x64xf32, #tpu.memory_space<hbm>> -> memref<10000x64xf32, #tpu.memory_space<hbm>>
      %dma_wait3A_32 = arith.constant 0 : i32
      %dma_wait3A_33 = tpu.memref_slice %dma_wait3A_31[%mul3A_16, %dma_wait3A_32] : memref<10000x64xf32, #tpu.memory_space<hbm>> -> memref<624x64xf32, #tpu.memory_space<hbm>>
      %dma_wait3A_34 = arith.constant 0 : i32
      %dma_wait3A_35 = tpu.memref_slice %arg33[%mul3A_14, %dma_wait3A_34] : memref<10000x64xf32, #tpu.memory_space<vmem_shared>> -> memref<624x64xf32, #tpu.memory_space<vmem_shared>>
      tpu.wait_dma2 semaphore(%run_scoped3A : memref<!tpu.dma_semaphore, #tpu.memory_space<semaphore_mem>>) src(%dma_wait3A_35 : memref<624x64xf32, #tpu.memory_space<vmem_shared>>) dst(%dma_wait3A_33 : memref<624x64xf32, #tpu.memory_space<hbm>>)
      tpu.yield
    }) : () -> ()
    %eq3A_17 = arith.constant 0 : i32
    %eq3A_18 = arith.cmpi eq, %arg1, %eq3A_17 : i32
    %convert_element_type3A_19 = arith.extui %eq3A_18 : i1 to i32
    %cond3A_20 = arith.constant 0 : i32
    %cond3A_21 = arith.cmpi ne, %convert_element_type3A_19, %cond3A_20 : i32
    scf.if %cond3A_21 {
      "tpu.region"() ({
        %run_scoped3A = tpu.sem_alloc : memref<!tpu.dma_semaphore, #tpu.memory_space<semaphore_mem>>
        %dma_start3A = arith.constant 0 : i32
        %dma_start3A_22 = arith.constant 0 : i32
        %dma_start3A_23 = tpu.memref_slice %arg6[%arg0, %dma_start3A, %dma_start3A_22] : memref<2x10000x64xf32, #tpu.memory_space<hbm>> -> memref<1x10000x64xf32, #tpu.memory_space<hbm>>
        %dma_start3A_24 = tpu.memref_squeeze %dma_start3A_23 : memref<1x10000x64xf32, #tpu.memory_space<hbm>> -> memref<10000x64xf32, #tpu.memory_space<hbm>>
        %dma_start3A_25 = arith.constant 9984 : i32
        %dma_start3A_26 = arith.constant 0 : i32
        %dma_start3A_27 = tpu.memref_slice %dma_start3A_24[%dma_start3A_25, %dma_start3A_26] : memref<10000x64xf32, #tpu.memory_space<hbm>> -> memref<16x64xf32, #tpu.memory_space<hbm>>
        %dma_start3A_28 = arith.constant 9984 : i32
        %dma_start3A_29 = arith.constant 0 : i32
        %dma_start3A_30 = tpu.memref_slice %arg33[%dma_start3A_28, %dma_start3A_29] : memref<10000x64xf32, #tpu.memory_space<vmem_shared>> -> memref<16x64xf32, #tpu.memory_space<vmem_shared>>
        tpu.enqueue_dma source(%dma_start3A_30 : memref<16x64xf32, #tpu.memory_space<vmem_shared>>) target(%dma_start3A_27 : memref<16x64xf32, #tpu.memory_space<hbm>>) target_semaphore(%run_scoped3A : memref<!tpu.dma_semaphore, #tpu.memory_space<semaphore_mem>>)
        %dma_wait3A = arith.constant 0 : i32
        %dma_wait3A_31 = arith.constant 0 : i32
        %dma_wait3A_32 = tpu.memref_slice %arg6[%arg0, %dma_wait3A, %dma_wait3A_31] : memref<2x10000x64xf32, #tpu.memory_space<hbm>> -> memref<1x10000x64xf32, #tpu.memory_space<hbm>>
        %dma_wait3A_33 = tpu.memref_squeeze %dma_wait3A_32 : memref<1x10000x64xf32, #tpu.memory_space<hbm>> -> memref<10000x64xf32, #tpu.memory_space<hbm>>
        %dma_wait3A_34 = arith.constant 9984 : i32
        %dma_wait3A_35 = arith.constant 0 : i32
        %dma_wait3A_36 = tpu.memref_slice %dma_wait3A_33[%dma_wait3A_34, %dma_wait3A_35] : memref<10000x64xf32, #tpu.memory_space<hbm>> -> memref<16x64xf32, #tpu.memory_space<hbm>>
        %dma_wait3A_37 = arith.constant 9984 : i32
        %dma_wait3A_38 = arith.constant 0 : i32
        %dma_wait3A_39 = tpu.memref_slice %arg33[%dma_wait3A_37, %dma_wait3A_38] : memref<10000x64xf32, #tpu.memory_space<vmem_shared>> -> memref<16x64xf32, #tpu.memory_space<vmem_shared>>
        tpu.wait_dma2 semaphore(%run_scoped3A : memref<!tpu.dma_semaphore, #tpu.memory_space<semaphore_mem>>) src(%dma_wait3A_39 : memref<16x64xf32, #tpu.memory_space<vmem_shared>>) dst(%dma_wait3A_36 : memref<16x64xf32, #tpu.memory_space<hbm>>)
        tpu.yield
      }) : () -> ()
    } else {
    }
    return
  }
}

#map = affine_map<(d0, d1) -> (0, 0)>
#map1 = affine_map<(d0, d1) -> (0, 0, 0)>
module attributes {stable_mosaic.version = 14 : i64} {
  func.func @_sc_edge_agg(%arg0: i32, %arg1: i32, %arg2: memref<10000x64xf32, #tpu.memory_space<hbm>>, %arg3: memref<32x80x125xi32, #tpu.memory_space<hbm>>, %arg4: memref<32x80x125xi32, #tpu.memory_space<hbm>>, %arg5: memref<10000x64xf32, #tpu.memory_space<hbm>>, %arg6: memref<2x10000x64xf32, #tpu.memory_space<hbm>>, %arg7: memref<80x125xi32, #tpu.memory_space<vmem>>, %arg8: memref<80x125xi32, #tpu.memory_space<vmem>>, %arg9: memref<125x64xf32, #tpu.memory_space<vmem>>, %arg10: memref<125x64xf32, #tpu.memory_space<vmem>>, %arg11: memref<125x64xf32, #tpu.memory_space<vmem>>, %arg12: memref<125x64xf32, #tpu.memory_space<vmem>>, %arg13: memref<125x64xf32, #tpu.memory_space<vmem>>, %arg14: memref<125x64xf32, #tpu.memory_space<vmem>>, %arg15: memref<125x64xf32, #tpu.memory_space<vmem>>, %arg16: memref<125x64xf32, #tpu.memory_space<vmem>>, %arg17: memref<!tpu.dma_semaphore, #tpu.memory_space<semaphore_mem>>, %arg18: memref<!tpu.dma_semaphore, #tpu.memory_space<semaphore_mem>>, %arg19: memref<!tpu.dma_semaphore, #tpu.memory_space<semaphore_mem>>, %arg20: memref<!tpu.dma_semaphore, #tpu.memory_space<semaphore_mem>>, %arg21: memref<!tpu.dma_semaphore, #tpu.memory_space<semaphore_mem>>, %arg22: memref<!tpu.dma_semaphore, #tpu.memory_space<semaphore_mem>>, %arg23: memref<!tpu.dma_semaphore, #tpu.memory_space<semaphore_mem>>, %arg24: memref<!tpu.dma_semaphore, #tpu.memory_space<semaphore_mem>>, %arg25: memref<!tpu.dma_semaphore, #tpu.memory_space<semaphore_mem>>, %arg26: memref<!tpu.dma_semaphore, #tpu.memory_space<semaphore_mem>>, %arg27: memref<!tpu.dma_semaphore, #tpu.memory_space<semaphore_mem>>, %arg28: memref<!tpu.dma_semaphore, #tpu.memory_space<semaphore_mem>>, %arg29: memref<!tpu.dma_semaphore, #tpu.memory_space<semaphore_mem>>, %arg30: memref<!tpu.dma_semaphore, #tpu.memory_space<semaphore_mem>>, %arg31: memref<!tpu.dma_semaphore, #tpu.memory_space<semaphore_mem>>, %arg32: memref<!tpu.dma_semaphore, #tpu.memory_space<semaphore_mem>>, %arg33: memref<10000x64xf32, #tpu.memory_space<vmem_shared>>) attributes {dimension_semantics = [#tpu.dimension_semantics<core_parallel>, #tpu.dimension_semantics<subcore_parallel>], iteration_bounds = array<i64: 2, 16>, scalar_prefetch = 0 : i64, scratch_operands = 27 : i64, tpu.core_type = #tpu.core_type<sc_vector_subcore>, window_params = [{transform_indices = #map}, {transform_indices = #map1}, {transform_indices = #map1}, {transform_indices = #map}, {transform_indices = #map1}]} {
    %mul3A = arith.constant 16 : i32
    %mul3A_0 = arith.muli %arg0, %mul3A : i32
    %add3A = arith.addi %mul3A_0, %arg1 : i32
    %mul3A_1 = arith.constant 624 : i32
    %mul3A_2 = arith.muli %arg1, %mul3A_1 : i32
    %mul3A_3 = arith.constant 624 : i32
    %mul3A_4 = arith.muli %arg1, %mul3A_3 : i32
    "tpu.region"() ({
      %run_scoped3A = tpu.sem_alloc : memref<!tpu.dma_semaphore, #tpu.memory_space<semaphore_mem>>
      %dma_start3A = arith.constant 0 : i32
      %dma_start3A_22 = tpu.memref_slice %arg33[%mul3A_4, %dma_start3A] : memref<10000x64xf32, #tpu.memory_space<vmem_shared>> -> memref<624x64xf32, #tpu.memory_space<vmem_shared>>
      %dma_start3A_23 = arith.constant 0 : i32
      %dma_start3A_24 = tpu.memref_slice %arg5[%mul3A_2, %dma_start3A_23] : memref<10000x64xf32, #tpu.memory_space<hbm>> -> memref<624x64xf32, #tpu.memory_space<hbm>>
      tpu.enqueue_dma source(%dma_start3A_24 : memref<624x64xf32, #tpu.memory_space<hbm>>) target(%dma_start3A_22 : memref<624x64xf32, #tpu.memory_space<vmem_shared>>) target_semaphore(%run_scoped3A : memref<!tpu.dma_semaphore, #tpu.memory_space<semaphore_mem>>)
      %dma_wait3A = arith.constant 0 : i32
      %dma_wait3A_25 = tpu.memref_slice %arg33[%mul3A_4, %dma_wait3A] : memref<10000x64xf32, #tpu.memory_space<vmem_shared>> -> memref<624x64xf32, #tpu.memory_space<vmem_shared>>
      %dma_wait3A_26 = arith.constant 0 : i32
      %dma_wait3A_27 = tpu.memref_slice %arg5[%mul3A_2, %dma_wait3A_26] : memref<10000x64xf32, #tpu.memory_space<hbm>> -> memref<624x64xf32, #tpu.memory_space<hbm>>
      tpu.wait_dma2 semaphore(%run_scoped3A : memref<!tpu.dma_semaphore, #tpu.memory_space<semaphore_mem>>) src(%dma_wait3A_27 : memref<624x64xf32, #tpu.memory_space<hbm>>) dst(%dma_wait3A_25 : memref<624x64xf32, #tpu.memory_space<vmem_shared>>)
      tpu.yield
    }) : () -> ()
    %eq3A = arith.constant 0 : i32
    %eq3A_5 = arith.cmpi eq, %arg1, %eq3A : i32
    %convert_element_type3A = arith.extui %eq3A_5 : i1 to i32
    %cond3A = arith.constant 0 : i32
    %cond3A_6 = arith.cmpi ne, %convert_element_type3A, %cond3A : i32
    scf.if %cond3A_6 {
      "tpu.region"() ({
        %run_scoped3A = tpu.sem_alloc : memref<!tpu.dma_semaphore, #tpu.memory_space<semaphore_mem>>
        %dma_start3A = arith.constant 9984 : i32
        %dma_start3A_22 = arith.constant 0 : i32
        %dma_start3A_23 = tpu.memref_slice %arg33[%dma_start3A, %dma_start3A_22] : memref<10000x64xf32, #tpu.memory_space<vmem_shared>> -> memref<16x64xf32, #tpu.memory_space<vmem_shared>>
        %dma_start3A_24 = arith.constant 9984 : i32
        %dma_start3A_25 = arith.constant 0 : i32
        %dma_start3A_26 = tpu.memref_slice %arg5[%dma_start3A_24, %dma_start3A_25] : memref<10000x64xf32, #tpu.memory_space<hbm>> -> memref<16x64xf32, #tpu.memory_space<hbm>>
        tpu.enqueue_dma source(%dma_start3A_26 : memref<16x64xf32, #tpu.memory_space<hbm>>) target(%dma_start3A_23 : memref<16x64xf32, #tpu.memory_space<vmem_shared>>) target_semaphore(%run_scoped3A : memref<!tpu.dma_semaphore, #tpu.memory_space<semaphore_mem>>)
        %dma_wait3A = arith.constant 9984 : i32
        %dma_wait3A_27 = arith.constant 0 : i32
        %dma_wait3A_28 = tpu.memref_slice %arg33[%dma_wait3A, %dma_wait3A_27] : memref<10000x64xf32, #tpu.memory_space<vmem_shared>> -> memref<16x64xf32, #tpu.memory_space<vmem_shared>>
        %dma_wait3A_29 = arith.constant 9984 : i32
        %dma_wait3A_30 = arith.constant 0 : i32
        %dma_wait3A_31 = tpu.memref_slice %arg5[%dma_wait3A_29, %dma_wait3A_30] : memref<10000x64xf32, #tpu.memory_space<hbm>> -> memref<16x64xf32, #tpu.memory_space<hbm>>
        tpu.wait_dma2 semaphore(%run_scoped3A : memref<!tpu.dma_semaphore, #tpu.memory_space<semaphore_mem>>) src(%dma_wait3A_31 : memref<16x64xf32, #tpu.memory_space<hbm>>) dst(%dma_wait3A_28 : memref<16x64xf32, #tpu.memory_space<vmem_shared>>)
        tpu.yield
      }) : () -> ()
    } else {
    }
    "tpu.region"() ({
      %run_scoped3A = tpu.sem_alloc : memref<!tpu.dma_semaphore, #tpu.memory_space<semaphore_mem>>
      %dma_start3A = arith.constant 0 : i32
      %dma_start3A_22 = arith.constant 0 : i32
      %dma_start3A_23 = tpu.memref_slice %arg3[%add3A, %dma_start3A, %dma_start3A_22] : memref<32x80x125xi32, #tpu.memory_space<hbm>> -> memref<1x80x125xi32, #tpu.memory_space<hbm>>
      %dma_start3A_24 = tpu.memref_squeeze %dma_start3A_23 : memref<1x80x125xi32, #tpu.memory_space<hbm>> -> memref<80x125xi32, #tpu.memory_space<hbm>>
      %dma_start3A_25 = arith.constant 0 : i32
      %dma_start3A_26 = arith.constant 0 : i32
      %dma_start3A_27 = tpu.memref_slice %arg3[%add3A, %dma_start3A_25, %dma_start3A_26] : memref<32x80x125xi32, #tpu.memory_space<hbm>> -> memref<1x80x125xi32, #tpu.memory_space<hbm>>
      %dma_start3A_28 = tpu.memref_squeeze %dma_start3A_27 : memref<1x80x125xi32, #tpu.memory_space<hbm>> -> memref<80x125xi32, #tpu.memory_space<hbm>>
      tpu.enqueue_dma source(%dma_start3A_28 : memref<80x125xi32, #tpu.memory_space<hbm>>) target(%arg7 : memref<80x125xi32, #tpu.memory_space<vmem>>) target_semaphore(%run_scoped3A : memref<!tpu.dma_semaphore, #tpu.memory_space<semaphore_mem>>)
      %dma_wait3A = arith.constant 0 : i32
      %dma_wait3A_29 = arith.constant 0 : i32
      %dma_wait3A_30 = tpu.memref_slice %arg3[%add3A, %dma_wait3A, %dma_wait3A_29] : memref<32x80x125xi32, #tpu.memory_space<hbm>> -> memref<1x80x125xi32, #tpu.memory_space<hbm>>
      %dma_wait3A_31 = tpu.memref_squeeze %dma_wait3A_30 : memref<1x80x125xi32, #tpu.memory_space<hbm>> -> memref<80x125xi32, #tpu.memory_space<hbm>>
      %dma_wait3A_32 = arith.constant 0 : i32
      %dma_wait3A_33 = arith.constant 0 : i32
      %dma_wait3A_34 = tpu.memref_slice %arg3[%add3A, %dma_wait3A_32, %dma_wait3A_33] : memref<32x80x125xi32, #tpu.memory_space<hbm>> -> memref<1x80x125xi32, #tpu.memory_space<hbm>>
      %dma_wait3A_35 = tpu.memref_squeeze %dma_wait3A_34 : memref<1x80x125xi32, #tpu.memory_space<hbm>> -> memref<80x125xi32, #tpu.memory_space<hbm>>
      tpu.wait_dma2 semaphore(%run_scoped3A : memref<!tpu.dma_semaphore, #tpu.memory_space<semaphore_mem>>) src(%dma_wait3A_35 : memref<80x125xi32, #tpu.memory_space<hbm>>) dst(%arg7 : memref<80x125xi32, #tpu.memory_space<vmem>>)
      tpu.yield
    }) : () -> ()
    "tpu.region"() ({
      %run_scoped3A = tpu.sem_alloc : memref<!tpu.dma_semaphore, #tpu.memory_space<semaphore_mem>>
      %dma_start3A = arith.constant 0 : i32
      %dma_start3A_22 = arith.constant 0 : i32
      %dma_start3A_23 = tpu.memref_slice %arg4[%add3A, %dma_start3A, %dma_start3A_22] : memref<32x80x125xi32, #tpu.memory_space<hbm>> -> memref<1x80x125xi32, #tpu.memory_space<hbm>>
      %dma_start3A_24 = tpu.memref_squeeze %dma_start3A_23 : memref<1x80x125xi32, #tpu.memory_space<hbm>> -> memref<80x125xi32, #tpu.memory_space<hbm>>
      %dma_start3A_25 = arith.constant 0 : i32
      %dma_start3A_26 = arith.constant 0 : i32
      %dma_start3A_27 = tpu.memref_slice %arg4[%add3A, %dma_start3A_25, %dma_start3A_26] : memref<32x80x125xi32, #tpu.memory_space<hbm>> -> memref<1x80x125xi32, #tpu.memory_space<hbm>>
      %dma_start3A_28 = tpu.memref_squeeze %dma_start3A_27 : memref<1x80x125xi32, #tpu.memory_space<hbm>> -> memref<80x125xi32, #tpu.memory_space<hbm>>
      tpu.enqueue_dma source(%dma_start3A_28 : memref<80x125xi32, #tpu.memory_space<hbm>>) target(%arg8 : memref<80x125xi32, #tpu.memory_space<vmem>>) target_semaphore(%run_scoped3A : memref<!tpu.dma_semaphore, #tpu.memory_space<semaphore_mem>>)
      %dma_wait3A = arith.constant 0 : i32
      %dma_wait3A_29 = arith.constant 0 : i32
      %dma_wait3A_30 = tpu.memref_slice %arg4[%add3A, %dma_wait3A, %dma_wait3A_29] : memref<32x80x125xi32, #tpu.memory_space<hbm>> -> memref<1x80x125xi32, #tpu.memory_space<hbm>>
      %dma_wait3A_31 = tpu.memref_squeeze %dma_wait3A_30 : memref<1x80x125xi32, #tpu.memory_space<hbm>> -> memref<80x125xi32, #tpu.memory_space<hbm>>
      %dma_wait3A_32 = arith.constant 0 : i32
      %dma_wait3A_33 = arith.constant 0 : i32
      %dma_wait3A_34 = tpu.memref_slice %arg4[%add3A, %dma_wait3A_32, %dma_wait3A_33] : memref<32x80x125xi32, #tpu.memory_space<hbm>> -> memref<1x80x125xi32, #tpu.memory_space<hbm>>
      %dma_wait3A_35 = tpu.memref_squeeze %dma_wait3A_34 : memref<1x80x125xi32, #tpu.memory_space<hbm>> -> memref<80x125xi32, #tpu.memory_space<hbm>>
      tpu.wait_dma2 semaphore(%run_scoped3A : memref<!tpu.dma_semaphore, #tpu.memory_space<semaphore_mem>>) src(%dma_wait3A_35 : memref<80x125xi32, #tpu.memory_space<hbm>>) dst(%arg8 : memref<80x125xi32, #tpu.memory_space<vmem>>)
      tpu.yield
    }) : () -> ()
    %barrier3A = arith.constant 0 : index
    tpu.barrier barrier_id(%barrier3A)
    %scan3A = arith.constant 0 : i32
    %scan3A_7 = arith.constant 0 : i32
    %scan3A_8 = arith.constant 10 : i32
    %scan3A_9 = arith.addi %scan3A_7, %scan3A_8 : i32
    %scan3A_10 = arith.constant 1 : i32
    scf.for %scan3A_22 = %scan3A_7 to %scan3A_9 step %scan3A_10  : i32 {
      %mul3A_23 = arith.constant 8 : i32
      %mul3A_24 = arith.muli %scan3A_22, %mul3A_23 : i32
      %add3A_25 = arith.constant 0 : i32
      %add3A_26 = arith.addi %mul3A_24, %add3A_25 : i32
      %dma_start3A = arith.constant 0 : i32
      %dma_start3A_27 = tpu.memref_slice %arg7[%add3A_26, %dma_start3A] : memref<80x125xi32, #tpu.memory_space<vmem>> -> memref<1x125xi32, #tpu.memory_space<vmem>>
      %dma_start3A_28 = tpu.memref_squeeze %dma_start3A_27 : memref<1x125xi32, #tpu.memory_space<vmem>> -> memref<125xi32, #tpu.memory_space<vmem>>
      %dma_start3A_29 = arith.constant 0 : i32
      %dma_start3A_30 = arith.constant 0 : i32
      %dma_start3A_31 = tpu.memref_slice %arg2[%dma_start3A_29, %dma_start3A_30] : memref<10000x64xf32, #tpu.memory_space<hbm>> -> memref<10000x64xf32, #tpu.memory_space<hbm>>
      tpu.enqueue_indirect_dma source(%dma_start3A_31 : memref<10000x64xf32, #tpu.memory_space<hbm>>) target(%arg9 : memref<125x64xf32, #tpu.memory_space<vmem>>) offsets(%dma_start3A_28 : memref<125xi32, #tpu.memory_space<vmem>>) semaphore(%arg17 : memref<!tpu.dma_semaphore, #tpu.memory_space<semaphore_mem>>)
      %add3A_32 = arith.constant 1 : i32
      %add3A_33 = arith.addi %mul3A_24, %add3A_32 : i32
      %dma_start3A_34 = arith.constant 0 : i32
      %dma_start3A_35 = tpu.memref_slice %arg7[%add3A_33, %dma_start3A_34] : memref<80x125xi32, #tpu.memory_space<vmem>> -> memref<1x125xi32, #tpu.memory_space<vmem>>
      %dma_start3A_36 = tpu.memref_squeeze %dma_start3A_35 : memref<1x125xi32, #tpu.memory_space<vmem>> -> memref<125xi32, #tpu.memory_space<vmem>>
      %dma_start3A_37 = arith.constant 0 : i32
      %dma_start3A_38 = arith.constant 0 : i32
      %dma_start3A_39 = tpu.memref_slice %arg2[%dma_start3A_37, %dma_start3A_38] : memref<10000x64xf32, #tpu.memory_space<hbm>> -> memref<10000x64xf32, #tpu.memory_space<hbm>>
      tpu.enqueue_indirect_dma source(%dma_start3A_39 : memref<10000x64xf32, #tpu.memory_space<hbm>>) target(%arg10 : memref<125x64xf32, #tpu.memory_space<vmem>>) offsets(%dma_start3A_36 : memref<125xi32, #tpu.memory_space<vmem>>) semaphore(%arg18 : memref<!tpu.dma_semaphore, #tpu.memory_space<semaphore_mem>>)
      %add3A_40 = arith.constant 2 : i32
      %add3A_41 = arith.addi %mul3A_24, %add3A_40 : i32
      %dma_start3A_42 = arith.constant 0 : i32
      %dma_start3A_43 = tpu.memref_slice %arg7[%add3A_41, %dma_start3A_42] : memref<80x125xi32, #tpu.memory_space<vmem>> -> memref<1x125xi32, #tpu.memory_space<vmem>>
      %dma_start3A_44 = tpu.memref_squeeze %dma_start3A_43 : memref<1x125xi32, #tpu.memory_space<vmem>> -> memref<125xi32, #tpu.memory_space<vmem>>
      %dma_start3A_45 = arith.constant 0 : i32
      %dma_start3A_46 = arith.constant 0 : i32
      %dma_start3A_47 = tpu.memref_slice %arg2[%dma_start3A_45, %dma_start3A_46] : memref<10000x64xf32, #tpu.memory_space<hbm>> -> memref<10000x64xf32, #tpu.memory_space<hbm>>
      tpu.enqueue_indirect_dma source(%dma_start3A_47 : memref<10000x64xf32, #tpu.memory_space<hbm>>) target(%arg11 : memref<125x64xf32, #tpu.memory_space<vmem>>) offsets(%dma_start3A_44 : memref<125xi32, #tpu.memory_space<vmem>>) semaphore(%arg19 : memref<!tpu.dma_semaphore, #tpu.memory_space<semaphore_mem>>)
      %add3A_48 = arith.constant 3 : i32
      %add3A_49 = arith.addi %mul3A_24, %add3A_48 : i32
      %dma_start3A_50 = arith.constant 0 : i32
      %dma_start3A_51 = tpu.memref_slice %arg7[%add3A_49, %dma_start3A_50] : memref<80x125xi32, #tpu.memory_space<vmem>> -> memref<1x125xi32, #tpu.memory_space<vmem>>
      %dma_start3A_52 = tpu.memref_squeeze %dma_start3A_51 : memref<1x125xi32, #tpu.memory_space<vmem>> -> memref<125xi32, #tpu.memory_space<vmem>>
      %dma_start3A_53 = arith.constant 0 : i32
      %dma_start3A_54 = arith.constant 0 : i32
      %dma_start3A_55 = tpu.memref_slice %arg2[%dma_start3A_53, %dma_start3A_54] : memref<10000x64xf32, #tpu.memory_space<hbm>> -> memref<10000x64xf32, #tpu.memory_space<hbm>>
      tpu.enqueue_indirect_dma source(%dma_start3A_55 : memref<10000x64xf32, #tpu.memory_space<hbm>>) target(%arg12 : memref<125x64xf32, #tpu.memory_space<vmem>>) offsets(%dma_start3A_52 : memref<125xi32, #tpu.memory_space<vmem>>) semaphore(%arg20 : memref<!tpu.dma_semaphore, #tpu.memory_space<semaphore_mem>>)
      %add3A_56 = arith.constant 4 : i32
      %add3A_57 = arith.addi %mul3A_24, %add3A_56 : i32
      %dma_start3A_58 = arith.constant 0 : i32
      %dma_start3A_59 = tpu.memref_slice %arg7[%add3A_57, %dma_start3A_58] : memref<80x125xi32, #tpu.memory_space<vmem>> -> memref<1x125xi32, #tpu.memory_space<vmem>>
      %dma_start3A_60 = tpu.memref_squeeze %dma_start3A_59 : memref<1x125xi32, #tpu.memory_space<vmem>> -> memref<125xi32, #tpu.memory_space<vmem>>
      %dma_start3A_61 = arith.constant 0 : i32
      %dma_start3A_62 = arith.constant 0 : i32
      %dma_start3A_63 = tpu.memref_slice %arg2[%dma_start3A_61, %dma_start3A_62] : memref<10000x64xf32, #tpu.memory_space<hbm>> -> memref<10000x64xf32, #tpu.memory_space<hbm>>
      tpu.enqueue_indirect_dma source(%dma_start3A_63 : memref<10000x64xf32, #tpu.memory_space<hbm>>) target(%arg13 : memref<125x64xf32, #tpu.memory_space<vmem>>) offsets(%dma_start3A_60 : memref<125xi32, #tpu.memory_space<vmem>>) semaphore(%arg21 : memref<!tpu.dma_semaphore, #tpu.memory_space<semaphore_mem>>)
      %add3A_64 = arith.constant 5 : i32
      %add3A_65 = arith.addi %mul3A_24, %add3A_64 : i32
      %dma_start3A_66 = arith.constant 0 : i32
      %dma_start3A_67 = tpu.memref_slice %arg7[%add3A_65, %dma_start3A_66] : memref<80x125xi32, #tpu.memory_space<vmem>> -> memref<1x125xi32, #tpu.memory_space<vmem>>
      %dma_start3A_68 = tpu.memref_squeeze %dma_start3A_67 : memref<1x125xi32, #tpu.memory_space<vmem>> -> memref<125xi32, #tpu.memory_space<vmem>>
      %dma_start3A_69 = arith.constant 0 : i32
      %dma_start3A_70 = arith.constant 0 : i32
      %dma_start3A_71 = tpu.memref_slice %arg2[%dma_start3A_69, %dma_start3A_70] : memref<10000x64xf32, #tpu.memory_space<hbm>> -> memref<10000x64xf32, #tpu.memory_space<hbm>>
      tpu.enqueue_indirect_dma source(%dma_start3A_71 : memref<10000x64xf32, #tpu.memory_space<hbm>>) target(%arg14 : memref<125x64xf32, #tpu.memory_space<vmem>>) offsets(%dma_start3A_68 : memref<125xi32, #tpu.memory_space<vmem>>) semaphore(%arg22 : memref<!tpu.dma_semaphore, #tpu.memory_space<semaphore_mem>>)
      %add3A_72 = arith.constant 6 : i32
      %add3A_73 = arith.addi %mul3A_24, %add3A_72 : i32
      %dma_start3A_74 = arith.constant 0 : i32
      %dma_start3A_75 = tpu.memref_slice %arg7[%add3A_73, %dma_start3A_74] : memref<80x125xi32, #tpu.memory_space<vmem>> -> memref<1x125xi32, #tpu.memory_space<vmem>>
      %dma_start3A_76 = tpu.memref_squeeze %dma_start3A_75 : memref<1x125xi32, #tpu.memory_space<vmem>> -> memref<125xi32, #tpu.memory_space<vmem>>
      %dma_start3A_77 = arith.constant 0 : i32
      %dma_start3A_78 = arith.constant 0 : i32
      %dma_start3A_79 = tpu.memref_slice %arg2[%dma_start3A_77, %dma_start3A_78] : memref<10000x64xf32, #tpu.memory_space<hbm>> -> memref<10000x64xf32, #tpu.memory_space<hbm>>
      tpu.enqueue_indirect_dma source(%dma_start3A_79 : memref<10000x64xf32, #tpu.memory_space<hbm>>) target(%arg15 : memref<125x64xf32, #tpu.memory_space<vmem>>) offsets(%dma_start3A_76 : memref<125xi32, #tpu.memory_space<vmem>>) semaphore(%arg23 : memref<!tpu.dma_semaphore, #tpu.memory_space<semaphore_mem>>)
      %add3A_80 = arith.constant 7 : i32
      %add3A_81 = arith.addi %mul3A_24, %add3A_80 : i32
      %dma_start3A_82 = arith.constant 0 : i32
      %dma_start3A_83 = tpu.memref_slice %arg7[%add3A_81, %dma_start3A_82] : memref<80x125xi32, #tpu.memory_space<vmem>> -> memref<1x125xi32, #tpu.memory_space<vmem>>
      %dma_start3A_84 = tpu.memref_squeeze %dma_start3A_83 : memref<1x125xi32, #tpu.memory_space<vmem>> -> memref<125xi32, #tpu.memory_space<vmem>>
      %dma_start3A_85 = arith.constant 0 : i32
      %dma_start3A_86 = arith.constant 0 : i32
      %dma_start3A_87 = tpu.memref_slice %arg2[%dma_start3A_85, %dma_start3A_86] : memref<10000x64xf32, #tpu.memory_space<hbm>> -> memref<10000x64xf32, #tpu.memory_space<hbm>>
      tpu.enqueue_indirect_dma source(%dma_start3A_87 : memref<10000x64xf32, #tpu.memory_space<hbm>>) target(%arg16 : memref<125x64xf32, #tpu.memory_space<vmem>>) offsets(%dma_start3A_84 : memref<125xi32, #tpu.memory_space<vmem>>) semaphore(%arg24 : memref<!tpu.dma_semaphore, #tpu.memory_space<semaphore_mem>>)
      %dma_wait3A = arith.constant 0 : i32
      %dma_wait3A_88 = tpu.memref_slice %arg7[%add3A_26, %dma_wait3A] : memref<80x125xi32, #tpu.memory_space<vmem>> -> memref<1x125xi32, #tpu.memory_space<vmem>>
      %dma_wait3A_89 = tpu.memref_squeeze %dma_wait3A_88 : memref<1x125xi32, #tpu.memory_space<vmem>> -> memref<125xi32, #tpu.memory_space<vmem>>
      %dma_wait3A_90 = arith.constant 0 : i32
      %dma_wait3A_91 = arith.constant 0 : i32
      %dma_wait3A_92 = tpu.memref_slice %arg2[%dma_wait3A_90, %dma_wait3A_91] : memref<10000x64xf32, #tpu.memory_space<hbm>> -> memref<10000x64xf32, #tpu.memory_space<hbm>>
      tpu.wait_indirect_dma semaphore(%arg17 : memref<!tpu.dma_semaphore, #tpu.memory_space<semaphore_mem>>) src(%dma_wait3A_92 : memref<10000x64xf32, #tpu.memory_space<hbm>>) dst(%arg9 : memref<125x64xf32, #tpu.memory_space<vmem>>)
      %add3A_93 = arith.constant 0 : i32
      %add3A_94 = arith.addi %mul3A_24, %add3A_93 : i32
      %dma_start3A_95 = arith.constant 0 : i32
      %dma_start3A_96 = tpu.memref_slice %arg8[%add3A_94, %dma_start3A_95] : memref<80x125xi32, #tpu.memory_space<vmem>> -> memref<1x125xi32, #tpu.memory_space<vmem>>
      %dma_start3A_97 = tpu.memref_squeeze %dma_start3A_96 : memref<1x125xi32, #tpu.memory_space<vmem>> -> memref<125xi32, #tpu.memory_space<vmem>>
      %dma_start3A_98 = arith.constant 0 : i32
      %dma_start3A_99 = arith.constant 0 : i32
      %dma_start3A_100 = tpu.memref_slice %arg33[%dma_start3A_98, %dma_start3A_99] : memref<10000x64xf32, #tpu.memory_space<vmem_shared>> -> memref<10000x64xf32, #tpu.memory_space<vmem_shared>>
      tpu.enqueue_indirect_dma source(%arg9 : memref<125x64xf32, #tpu.memory_space<vmem>>) target(%dma_start3A_100 : memref<10000x64xf32, #tpu.memory_space<vmem_shared>>) offsets(%dma_start3A_97 : memref<125xi32, #tpu.memory_space<vmem>>) semaphore(%arg25 : memref<!tpu.dma_semaphore, #tpu.memory_space<semaphore_mem>>) {add = true}
      %dma_wait3A_101 = arith.constant 0 : i32
      %dma_wait3A_102 = tpu.memref_slice %arg7[%add3A_33, %dma_wait3A_101] : memref<80x125xi32, #tpu.memory_space<vmem>> -> memref<1x125xi32, #tpu.memory_space<vmem>>
      %dma_wait3A_103 = tpu.memref_squeeze %dma_wait3A_102 : memref<1x125xi32, #tpu.memory_space<vmem>> -> memref<125xi32, #tpu.memory_space<vmem>>
      %dma_wait3A_104 = arith.constant 0 : i32
      %dma_wait3A_105 = arith.constant 0 : i32
      %dma_wait3A_106 = tpu.memref_slice %arg2[%dma_wait3A_104, %dma_wait3A_105] : memref<10000x64xf32, #tpu.memory_space<hbm>> -> memref<10000x64xf32, #tpu.memory_space<hbm>>
      tpu.wait_indirect_dma semaphore(%arg18 : memref<!tpu.dma_semaphore, #tpu.memory_space<semaphore_mem>>) src(%dma_wait3A_106 : memref<10000x64xf32, #tpu.memory_space<hbm>>) dst(%arg10 : memref<125x64xf32, #tpu.memory_space<vmem>>)
      %add3A_107 = arith.constant 1 : i32
      %add3A_108 = arith.addi %mul3A_24, %add3A_107 : i32
      %dma_start3A_109 = arith.constant 0 : i32
      %dma_start3A_110 = tpu.memref_slice %arg8[%add3A_108, %dma_start3A_109] : memref<80x125xi32, #tpu.memory_space<vmem>> -> memref<1x125xi32, #tpu.memory_space<vmem>>
      %dma_start3A_111 = tpu.memref_squeeze %dma_start3A_110 : memref<1x125xi32, #tpu.memory_space<vmem>> -> memref<125xi32, #tpu.memory_space<vmem>>
      %dma_start3A_112 = arith.constant 0 : i32
      %dma_start3A_113 = arith.constant 0 : i32
      %dma_start3A_114 = tpu.memref_slice %arg33[%dma_start3A_112, %dma_start3A_113] : memref<10000x64xf32, #tpu.memory_space<vmem_shared>> -> memref<10000x64xf32, #tpu.memory_space<vmem_shared>>
      tpu.enqueue_indirect_dma source(%arg10 : memref<125x64xf32, #tpu.memory_space<vmem>>) target(%dma_start3A_114 : memref<10000x64xf32, #tpu.memory_space<vmem_shared>>) offsets(%dma_start3A_111 : memref<125xi32, #tpu.memory_space<vmem>>) semaphore(%arg26 : memref<!tpu.dma_semaphore, #tpu.memory_space<semaphore_mem>>) {add = true}
      %dma_wait3A_115 = arith.constant 0 : i32
      %dma_wait3A_116 = tpu.memref_slice %arg7[%add3A_41, %dma_wait3A_115] : memref<80x125xi32, #tpu.memory_space<vmem>> -> memref<1x125xi32, #tpu.memory_space<vmem>>
      %dma_wait3A_117 = tpu.memref_squeeze %dma_wait3A_116 : memref<1x125xi32, #tpu.memory_space<vmem>> -> memref<125xi32, #tpu.memory_space<vmem>>
      %dma_wait3A_118 = arith.constant 0 : i32
      %dma_wait3A_119 = arith.constant 0 : i32
      %dma_wait3A_120 = tpu.memref_slice %arg2[%dma_wait3A_118, %dma_wait3A_119] : memref<10000x64xf32, #tpu.memory_space<hbm>> -> memref<10000x64xf32, #tpu.memory_space<hbm>>
      tpu.wait_indirect_dma semaphore(%arg19 : memref<!tpu.dma_semaphore, #tpu.memory_space<semaphore_mem>>) src(%dma_wait3A_120 : memref<10000x64xf32, #tpu.memory_space<hbm>>) dst(%arg11 : memref<125x64xf32, #tpu.memory_space<vmem>>)
      %add3A_121 = arith.constant 2 : i32
      %add3A_122 = arith.addi %mul3A_24, %add3A_121 : i32
      %dma_start3A_123 = arith.constant 0 : i32
      %dma_start3A_124 = tpu.memref_slice %arg8[%add3A_122, %dma_start3A_123] : memref<80x125xi32, #tpu.memory_space<vmem>> -> memref<1x125xi32, #tpu.memory_space<vmem>>
      %dma_start3A_125 = tpu.memref_squeeze %dma_start3A_124 : memref<1x125xi32, #tpu.memory_space<vmem>> -> memref<125xi32, #tpu.memory_space<vmem>>
      %dma_start3A_126 = arith.constant 0 : i32
      %dma_start3A_127 = arith.constant 0 : i32
      %dma_start3A_128 = tpu.memref_slice %arg33[%dma_start3A_126, %dma_start3A_127] : memref<10000x64xf32, #tpu.memory_space<vmem_shared>> -> memref<10000x64xf32, #tpu.memory_space<vmem_shared>>
      tpu.enqueue_indirect_dma source(%arg11 : memref<125x64xf32, #tpu.memory_space<vmem>>) target(%dma_start3A_128 : memref<10000x64xf32, #tpu.memory_space<vmem_shared>>) offsets(%dma_start3A_125 : memref<125xi32, #tpu.memory_space<vmem>>) semaphore(%arg27 : memref<!tpu.dma_semaphore, #tpu.memory_space<semaphore_mem>>) {add = true}
      %dma_wait3A_129 = arith.constant 0 : i32
      %dma_wait3A_130 = tpu.memref_slice %arg7[%add3A_49, %dma_wait3A_129] : memref<80x125xi32, #tpu.memory_space<vmem>> -> memref<1x125xi32, #tpu.memory_space<vmem>>
      %dma_wait3A_131 = tpu.memref_squeeze %dma_wait3A_130 : memref<1x125xi32, #tpu.memory_space<vmem>> -> memref<125xi32, #tpu.memory_space<vmem>>
      %dma_wait3A_132 = arith.constant 0 : i32
      %dma_wait3A_133 = arith.constant 0 : i32
      %dma_wait3A_134 = tpu.memref_slice %arg2[%dma_wait3A_132, %dma_wait3A_133] : memref<10000x64xf32, #tpu.memory_space<hbm>> -> memref<10000x64xf32, #tpu.memory_space<hbm>>
      tpu.wait_indirect_dma semaphore(%arg20 : memref<!tpu.dma_semaphore, #tpu.memory_space<semaphore_mem>>) src(%dma_wait3A_134 : memref<10000x64xf32, #tpu.memory_space<hbm>>) dst(%arg12 : memref<125x64xf32, #tpu.memory_space<vmem>>)
      %add3A_135 = arith.constant 3 : i32
      %add3A_136 = arith.addi %mul3A_24, %add3A_135 : i32
      %dma_start3A_137 = arith.constant 0 : i32
      %dma_start3A_138 = tpu.memref_slice %arg8[%add3A_136, %dma_start3A_137] : memref<80x125xi32, #tpu.memory_space<vmem>> -> memref<1x125xi32, #tpu.memory_space<vmem>>
      %dma_start3A_139 = tpu.memref_squeeze %dma_start3A_138 : memref<1x125xi32, #tpu.memory_space<vmem>> -> memref<125xi32, #tpu.memory_space<vmem>>
      %dma_start3A_140 = arith.constant 0 : i32
      %dma_start3A_141 = arith.constant 0 : i32
      %dma_start3A_142 = tpu.memref_slice %arg33[%dma_start3A_140, %dma_start3A_141] : memref<10000x64xf32, #tpu.memory_space<vmem_shared>> -> memref<10000x64xf32, #tpu.memory_space<vmem_shared>>
      tpu.enqueue_indirect_dma source(%arg12 : memref<125x64xf32, #tpu.memory_space<vmem>>) target(%dma_start3A_142 : memref<10000x64xf32, #tpu.memory_space<vmem_shared>>) offsets(%dma_start3A_139 : memref<125xi32, #tpu.memory_space<vmem>>) semaphore(%arg28 : memref<!tpu.dma_semaphore, #tpu.memory_space<semaphore_mem>>) {add = true}
      %dma_wait3A_143 = arith.constant 0 : i32
      %dma_wait3A_144 = tpu.memref_slice %arg7[%add3A_57, %dma_wait3A_143] : memref<80x125xi32, #tpu.memory_space<vmem>> -> memref<1x125xi32, #tpu.memory_space<vmem>>
      %dma_wait3A_145 = tpu.memref_squeeze %dma_wait3A_144 : memref<1x125xi32, #tpu.memory_space<vmem>> -> memref<125xi32, #tpu.memory_space<vmem>>
      %dma_wait3A_146 = arith.constant 0 : i32
      %dma_wait3A_147 = arith.constant 0 : i32
      %dma_wait3A_148 = tpu.memref_slice %arg2[%dma_wait3A_146, %dma_wait3A_147] : memref<10000x64xf32, #tpu.memory_space<hbm>> -> memref<10000x64xf32, #tpu.memory_space<hbm>>
      tpu.wait_indirect_dma semaphore(%arg21 : memref<!tpu.dma_semaphore, #tpu.memory_space<semaphore_mem>>) src(%dma_wait3A_148 : memref<10000x64xf32, #tpu.memory_space<hbm>>) dst(%arg13 : memref<125x64xf32, #tpu.memory_space<vmem>>)
      %add3A_149 = arith.constant 4 : i32
      %add3A_150 = arith.addi %mul3A_24, %add3A_149 : i32
      %dma_start3A_151 = arith.constant 0 : i32
      %dma_start3A_152 = tpu.memref_slice %arg8[%add3A_150, %dma_start3A_151] : memref<80x125xi32, #tpu.memory_space<vmem>> -> memref<1x125xi32, #tpu.memory_space<vmem>>
      %dma_start3A_153 = tpu.memref_squeeze %dma_start3A_152 : memref<1x125xi32, #tpu.memory_space<vmem>> -> memref<125xi32, #tpu.memory_space<vmem>>
      %dma_start3A_154 = arith.constant 0 : i32
      %dma_start3A_155 = arith.constant 0 : i32
      %dma_start3A_156 = tpu.memref_slice %arg33[%dma_start3A_154, %dma_start3A_155] : memref<10000x64xf32, #tpu.memory_space<vmem_shared>> -> memref<10000x64xf32, #tpu.memory_space<vmem_shared>>
      tpu.enqueue_indirect_dma source(%arg13 : memref<125x64xf32, #tpu.memory_space<vmem>>) target(%dma_start3A_156 : memref<10000x64xf32, #tpu.memory_space<vmem_shared>>) offsets(%dma_start3A_153 : memref<125xi32, #tpu.memory_space<vmem>>) semaphore(%arg29 : memref<!tpu.dma_semaphore, #tpu.memory_space<semaphore_mem>>) {add = true}
      %dma_wait3A_157 = arith.constant 0 : i32
      %dma_wait3A_158 = tpu.memref_slice %arg7[%add3A_65, %dma_wait3A_157] : memref<80x125xi32, #tpu.memory_space<vmem>> -> memref<1x125xi32, #tpu.memory_space<vmem>>
      %dma_wait3A_159 = tpu.memref_squeeze %dma_wait3A_158 : memref<1x125xi32, #tpu.memory_space<vmem>> -> memref<125xi32, #tpu.memory_space<vmem>>
      %dma_wait3A_160 = arith.constant 0 : i32
      %dma_wait3A_161 = arith.constant 0 : i32
      %dma_wait3A_162 = tpu.memref_slice %arg2[%dma_wait3A_160, %dma_wait3A_161] : memref<10000x64xf32, #tpu.memory_space<hbm>> -> memref<10000x64xf32, #tpu.memory_space<hbm>>
      tpu.wait_indirect_dma semaphore(%arg22 : memref<!tpu.dma_semaphore, #tpu.memory_space<semaphore_mem>>) src(%dma_wait3A_162 : memref<10000x64xf32, #tpu.memory_space<hbm>>) dst(%arg14 : memref<125x64xf32, #tpu.memory_space<vmem>>)
      %add3A_163 = arith.constant 5 : i32
      %add3A_164 = arith.addi %mul3A_24, %add3A_163 : i32
      %dma_start3A_165 = arith.constant 0 : i32
      %dma_start3A_166 = tpu.memref_slice %arg8[%add3A_164, %dma_start3A_165] : memref<80x125xi32, #tpu.memory_space<vmem>> -> memref<1x125xi32, #tpu.memory_space<vmem>>
      %dma_start3A_167 = tpu.memref_squeeze %dma_start3A_166 : memref<1x125xi32, #tpu.memory_space<vmem>> -> memref<125xi32, #tpu.memory_space<vmem>>
      %dma_start3A_168 = arith.constant 0 : i32
      %dma_start3A_169 = arith.constant 0 : i32
      %dma_start3A_170 = tpu.memref_slice %arg33[%dma_start3A_168, %dma_start3A_169] : memref<10000x64xf32, #tpu.memory_space<vmem_shared>> -> memref<10000x64xf32, #tpu.memory_space<vmem_shared>>
      tpu.enqueue_indirect_dma source(%arg14 : memref<125x64xf32, #tpu.memory_space<vmem>>) target(%dma_start3A_170 : memref<10000x64xf32, #tpu.memory_space<vmem_shared>>) offsets(%dma_start3A_167 : memref<125xi32, #tpu.memory_space<vmem>>) semaphore(%arg30 : memref<!tpu.dma_semaphore, #tpu.memory_space<semaphore_mem>>) {add = true}
      %dma_wait3A_171 = arith.constant 0 : i32
      %dma_wait3A_172 = tpu.memref_slice %arg7[%add3A_73, %dma_wait3A_171] : memref<80x125xi32, #tpu.memory_space<vmem>> -> memref<1x125xi32, #tpu.memory_space<vmem>>
      %dma_wait3A_173 = tpu.memref_squeeze %dma_wait3A_172 : memref<1x125xi32, #tpu.memory_space<vmem>> -> memref<125xi32, #tpu.memory_space<vmem>>
      %dma_wait3A_174 = arith.constant 0 : i32
      %dma_wait3A_175 = arith.constant 0 : i32
      %dma_wait3A_176 = tpu.memref_slice %arg2[%dma_wait3A_174, %dma_wait3A_175] : memref<10000x64xf32, #tpu.memory_space<hbm>> -> memref<10000x64xf32, #tpu.memory_space<hbm>>
      tpu.wait_indirect_dma semaphore(%arg23 : memref<!tpu.dma_semaphore, #tpu.memory_space<semaphore_mem>>) src(%dma_wait3A_176 : memref<10000x64xf32, #tpu.memory_space<hbm>>) dst(%arg15 : memref<125x64xf32, #tpu.memory_space<vmem>>)
      %add3A_177 = arith.constant 6 : i32
      %add3A_178 = arith.addi %mul3A_24, %add3A_177 : i32
      %dma_start3A_179 = arith.constant 0 : i32
      %dma_start3A_180 = tpu.memref_slice %arg8[%add3A_178, %dma_start3A_179] : memref<80x125xi32, #tpu.memory_space<vmem>> -> memref<1x125xi32, #tpu.memory_space<vmem>>
      %dma_start3A_181 = tpu.memref_squeeze %dma_start3A_180 : memref<1x125xi32, #tpu.memory_space<vmem>> -> memref<125xi32, #tpu.memory_space<vmem>>
      %dma_start3A_182 = arith.constant 0 : i32
      %dma_start3A_183 = arith.constant 0 : i32
      %dma_start3A_184 = tpu.memref_slice %arg33[%dma_start3A_182, %dma_start3A_183] : memref<10000x64xf32, #tpu.memory_space<vmem_shared>> -> memref<10000x64xf32, #tpu.memory_space<vmem_shared>>
      tpu.enqueue_indirect_dma source(%arg15 : memref<125x64xf32, #tpu.memory_space<vmem>>) target(%dma_start3A_184 : memref<10000x64xf32, #tpu.memory_space<vmem_shared>>) offsets(%dma_start3A_181 : memref<125xi32, #tpu.memory_space<vmem>>) semaphore(%arg31 : memref<!tpu.dma_semaphore, #tpu.memory_space<semaphore_mem>>) {add = true}
      %dma_wait3A_185 = arith.constant 0 : i32
      %dma_wait3A_186 = tpu.memref_slice %arg7[%add3A_81, %dma_wait3A_185] : memref<80x125xi32, #tpu.memory_space<vmem>> -> memref<1x125xi32, #tpu.memory_space<vmem>>
      %dma_wait3A_187 = tpu.memref_squeeze %dma_wait3A_186 : memref<1x125xi32, #tpu.memory_space<vmem>> -> memref<125xi32, #tpu.memory_space<vmem>>
      %dma_wait3A_188 = arith.constant 0 : i32
      %dma_wait3A_189 = arith.constant 0 : i32
      %dma_wait3A_190 = tpu.memref_slice %arg2[%dma_wait3A_188, %dma_wait3A_189] : memref<10000x64xf32, #tpu.memory_space<hbm>> -> memref<10000x64xf32, #tpu.memory_space<hbm>>
      tpu.wait_indirect_dma semaphore(%arg24 : memref<!tpu.dma_semaphore, #tpu.memory_space<semaphore_mem>>) src(%dma_wait3A_190 : memref<10000x64xf32, #tpu.memory_space<hbm>>) dst(%arg16 : memref<125x64xf32, #tpu.memory_space<vmem>>)
      %add3A_191 = arith.constant 7 : i32
      %add3A_192 = arith.addi %mul3A_24, %add3A_191 : i32
      %dma_start3A_193 = arith.constant 0 : i32
      %dma_start3A_194 = tpu.memref_slice %arg8[%add3A_192, %dma_start3A_193] : memref<80x125xi32, #tpu.memory_space<vmem>> -> memref<1x125xi32, #tpu.memory_space<vmem>>
      %dma_start3A_195 = tpu.memref_squeeze %dma_start3A_194 : memref<1x125xi32, #tpu.memory_space<vmem>> -> memref<125xi32, #tpu.memory_space<vmem>>
      %dma_start3A_196 = arith.constant 0 : i32
      %dma_start3A_197 = arith.constant 0 : i32
      %dma_start3A_198 = tpu.memref_slice %arg33[%dma_start3A_196, %dma_start3A_197] : memref<10000x64xf32, #tpu.memory_space<vmem_shared>> -> memref<10000x64xf32, #tpu.memory_space<vmem_shared>>
      tpu.enqueue_indirect_dma source(%arg16 : memref<125x64xf32, #tpu.memory_space<vmem>>) target(%dma_start3A_198 : memref<10000x64xf32, #tpu.memory_space<vmem_shared>>) offsets(%dma_start3A_195 : memref<125xi32, #tpu.memory_space<vmem>>) semaphore(%arg32 : memref<!tpu.dma_semaphore, #tpu.memory_space<semaphore_mem>>) {add = true}
      %dma_wait3A_199 = arith.constant 0 : i32
      %dma_wait3A_200 = tpu.memref_slice %arg8[%add3A_94, %dma_wait3A_199] : memref<80x125xi32, #tpu.memory_space<vmem>> -> memref<1x125xi32, #tpu.memory_space<vmem>>
      %dma_wait3A_201 = tpu.memref_squeeze %dma_wait3A_200 : memref<1x125xi32, #tpu.memory_space<vmem>> -> memref<125xi32, #tpu.memory_space<vmem>>
      %dma_wait3A_202 = arith.constant 0 : i32
      %dma_wait3A_203 = arith.constant 0 : i32
      %dma_wait3A_204 = tpu.memref_slice %arg33[%dma_wait3A_202, %dma_wait3A_203] : memref<10000x64xf32, #tpu.memory_space<vmem_shared>> -> memref<10000x64xf32, #tpu.memory_space<vmem_shared>>
      tpu.wait_indirect_dma semaphore(%arg25 : memref<!tpu.dma_semaphore, #tpu.memory_space<semaphore_mem>>) src(%arg9 : memref<125x64xf32, #tpu.memory_space<vmem>>) dst(%dma_wait3A_204 : memref<10000x64xf32, #tpu.memory_space<vmem_shared>>)
      %dma_wait3A_205 = arith.constant 0 : i32
      %dma_wait3A_206 = tpu.memref_slice %arg8[%add3A_108, %dma_wait3A_205] : memref<80x125xi32, #tpu.memory_space<vmem>> -> memref<1x125xi32, #tpu.memory_space<vmem>>
      %dma_wait3A_207 = tpu.memref_squeeze %dma_wait3A_206 : memref<1x125xi32, #tpu.memory_space<vmem>> -> memref<125xi32, #tpu.memory_space<vmem>>
      %dma_wait3A_208 = arith.constant 0 : i32
      %dma_wait3A_209 = arith.constant 0 : i32
      %dma_wait3A_210 = tpu.memref_slice %arg33[%dma_wait3A_208, %dma_wait3A_209] : memref<10000x64xf32, #tpu.memory_space<vmem_shared>> -> memref<10000x64xf32, #tpu.memory_space<vmem_shared>>
      tpu.wait_indirect_dma semaphore(%arg26 : memref<!tpu.dma_semaphore, #tpu.memory_space<semaphore_mem>>) src(%arg10 : memref<125x64xf32, #tpu.memory_space<vmem>>) dst(%dma_wait3A_210 : memref<10000x64xf32, #tpu.memory_space<vmem_shared>>)
      %dma_wait3A_211 = arith.constant 0 : i32
      %dma_wait3A_212 = tpu.memref_slice %arg8[%add3A_122, %dma_wait3A_211] : memref<80x125xi32, #tpu.memory_space<vmem>> -> memref<1x125xi32, #tpu.memory_space<vmem>>
      %dma_wait3A_213 = tpu.memref_squeeze %dma_wait3A_212 : memref<1x125xi32, #tpu.memory_space<vmem>> -> memref<125xi32, #tpu.memory_space<vmem>>
      %dma_wait3A_214 = arith.constant 0 : i32
      %dma_wait3A_215 = arith.constant 0 : i32
      %dma_wait3A_216 = tpu.memref_slice %arg33[%dma_wait3A_214, %dma_wait3A_215] : memref<10000x64xf32, #tpu.memory_space<vmem_shared>> -> memref<10000x64xf32, #tpu.memory_space<vmem_shared>>
      tpu.wait_indirect_dma semaphore(%arg27 : memref<!tpu.dma_semaphore, #tpu.memory_space<semaphore_mem>>) src(%arg11 : memref<125x64xf32, #tpu.memory_space<vmem>>) dst(%dma_wait3A_216 : memref<10000x64xf32, #tpu.memory_space<vmem_shared>>)
      %dma_wait3A_217 = arith.constant 0 : i32
      %dma_wait3A_218 = tpu.memref_slice %arg8[%add3A_136, %dma_wait3A_217] : memref<80x125xi32, #tpu.memory_space<vmem>> -> memref<1x125xi32, #tpu.memory_space<vmem>>
      %dma_wait3A_219 = tpu.memref_squeeze %dma_wait3A_218 : memref<1x125xi32, #tpu.memory_space<vmem>> -> memref<125xi32, #tpu.memory_space<vmem>>
      %dma_wait3A_220 = arith.constant 0 : i32
      %dma_wait3A_221 = arith.constant 0 : i32
      %dma_wait3A_222 = tpu.memref_slice %arg33[%dma_wait3A_220, %dma_wait3A_221] : memref<10000x64xf32, #tpu.memory_space<vmem_shared>> -> memref<10000x64xf32, #tpu.memory_space<vmem_shared>>
      tpu.wait_indirect_dma semaphore(%arg28 : memref<!tpu.dma_semaphore, #tpu.memory_space<semaphore_mem>>) src(%arg12 : memref<125x64xf32, #tpu.memory_space<vmem>>) dst(%dma_wait3A_222 : memref<10000x64xf32, #tpu.memory_space<vmem_shared>>)
      %dma_wait3A_223 = arith.constant 0 : i32
      %dma_wait3A_224 = tpu.memref_slice %arg8[%add3A_150, %dma_wait3A_223] : memref<80x125xi32, #tpu.memory_space<vmem>> -> memref<1x125xi32, #tpu.memory_space<vmem>>
      %dma_wait3A_225 = tpu.memref_squeeze %dma_wait3A_224 : memref<1x125xi32, #tpu.memory_space<vmem>> -> memref<125xi32, #tpu.memory_space<vmem>>
      %dma_wait3A_226 = arith.constant 0 : i32
      %dma_wait3A_227 = arith.constant 0 : i32
      %dma_wait3A_228 = tpu.memref_slice %arg33[%dma_wait3A_226, %dma_wait3A_227] : memref<10000x64xf32, #tpu.memory_space<vmem_shared>> -> memref<10000x64xf32, #tpu.memory_space<vmem_shared>>
      tpu.wait_indirect_dma semaphore(%arg29 : memref<!tpu.dma_semaphore, #tpu.memory_space<semaphore_mem>>) src(%arg13 : memref<125x64xf32, #tpu.memory_space<vmem>>) dst(%dma_wait3A_228 : memref<10000x64xf32, #tpu.memory_space<vmem_shared>>)
      %dma_wait3A_229 = arith.constant 0 : i32
      %dma_wait3A_230 = tpu.memref_slice %arg8[%add3A_164, %dma_wait3A_229] : memref<80x125xi32, #tpu.memory_space<vmem>> -> memref<1x125xi32, #tpu.memory_space<vmem>>
      %dma_wait3A_231 = tpu.memref_squeeze %dma_wait3A_230 : memref<1x125xi32, #tpu.memory_space<vmem>> -> memref<125xi32, #tpu.memory_space<vmem>>
      %dma_wait3A_232 = arith.constant 0 : i32
      %dma_wait3A_233 = arith.constant 0 : i32
      %dma_wait3A_234 = tpu.memref_slice %arg33[%dma_wait3A_232, %dma_wait3A_233] : memref<10000x64xf32, #tpu.memory_space<vmem_shared>> -> memref<10000x64xf32, #tpu.memory_space<vmem_shared>>
      tpu.wait_indirect_dma semaphore(%arg30 : memref<!tpu.dma_semaphore, #tpu.memory_space<semaphore_mem>>) src(%arg14 : memref<125x64xf32, #tpu.memory_space<vmem>>) dst(%dma_wait3A_234 : memref<10000x64xf32, #tpu.memory_space<vmem_shared>>)
      %dma_wait3A_235 = arith.constant 0 : i32
      %dma_wait3A_236 = tpu.memref_slice %arg8[%add3A_178, %dma_wait3A_235] : memref<80x125xi32, #tpu.memory_space<vmem>> -> memref<1x125xi32, #tpu.memory_space<vmem>>
      %dma_wait3A_237 = tpu.memref_squeeze %dma_wait3A_236 : memref<1x125xi32, #tpu.memory_space<vmem>> -> memref<125xi32, #tpu.memory_space<vmem>>
      %dma_wait3A_238 = arith.constant 0 : i32
      %dma_wait3A_239 = arith.constant 0 : i32
      %dma_wait3A_240 = tpu.memref_slice %arg33[%dma_wait3A_238, %dma_wait3A_239] : memref<10000x64xf32, #tpu.memory_space<vmem_shared>> -> memref<10000x64xf32, #tpu.memory_space<vmem_shared>>
      tpu.wait_indirect_dma semaphore(%arg31 : memref<!tpu.dma_semaphore, #tpu.memory_space<semaphore_mem>>) src(%arg15 : memref<125x64xf32, #tpu.memory_space<vmem>>) dst(%dma_wait3A_240 : memref<10000x64xf32, #tpu.memory_space<vmem_shared>>)
      %dma_wait3A_241 = arith.constant 0 : i32
      %dma_wait3A_242 = tpu.memref_slice %arg8[%add3A_192, %dma_wait3A_241] : memref<80x125xi32, #tpu.memory_space<vmem>> -> memref<1x125xi32, #tpu.memory_space<vmem>>
      %dma_wait3A_243 = tpu.memref_squeeze %dma_wait3A_242 : memref<1x125xi32, #tpu.memory_space<vmem>> -> memref<125xi32, #tpu.memory_space<vmem>>
      %dma_wait3A_244 = arith.constant 0 : i32
      %dma_wait3A_245 = arith.constant 0 : i32
      %dma_wait3A_246 = tpu.memref_slice %arg33[%dma_wait3A_244, %dma_wait3A_245] : memref<10000x64xf32, #tpu.memory_space<vmem_shared>> -> memref<10000x64xf32, #tpu.memory_space<vmem_shared>>
      tpu.wait_indirect_dma semaphore(%arg32 : memref<!tpu.dma_semaphore, #tpu.memory_space<semaphore_mem>>) src(%arg16 : memref<125x64xf32, #tpu.memory_space<vmem>>) dst(%dma_wait3A_246 : memref<10000x64xf32, #tpu.memory_space<vmem_shared>>)
    }
    %scan3A_11 = arith.constant 10 : i32
    %barrier3A_12 = arith.constant 0 : index
    tpu.barrier barrier_id(%barrier3A_12)
    %mul3A_13 = arith.constant 624 : i32
    %mul3A_14 = arith.muli %arg1, %mul3A_13 : i32
    %mul3A_15 = arith.constant 624 : i32
    %mul3A_16 = arith.muli %arg1, %mul3A_15 : i32
    "tpu.region"() ({
      %run_scoped3A = tpu.sem_alloc : memref<!tpu.dma_semaphore, #tpu.memory_space<semaphore_mem>>
      %dma_start3A = arith.constant 0 : i32
      %dma_start3A_22 = arith.constant 0 : i32
      %dma_start3A_23 = tpu.memref_slice %arg6[%arg0, %dma_start3A, %dma_start3A_22] : memref<2x10000x64xf32, #tpu.memory_space<hbm>> -> memref<1x10000x64xf32, #tpu.memory_space<hbm>>
      %dma_start3A_24 = tpu.memref_squeeze %dma_start3A_23 : memref<1x10000x64xf32, #tpu.memory_space<hbm>> -> memref<10000x64xf32, #tpu.memory_space<hbm>>
      %dma_start3A_25 = arith.constant 0 : i32
      %dma_start3A_26 = tpu.memref_slice %dma_start3A_24[%mul3A_16, %dma_start3A_25] : memref<10000x64xf32, #tpu.memory_space<hbm>> -> memref<624x64xf32, #tpu.memory_space<hbm>>
      %dma_start3A_27 = arith.constant 0 : i32
      %dma_start3A_28 = tpu.memref_slice %arg33[%mul3A_14, %dma_start3A_27] : memref<10000x64xf32, #tpu.memory_space<vmem_shared>> -> memref<624x64xf32, #tpu.memory_space<vmem_shared>>
      tpu.enqueue_dma source(%dma_start3A_28 : memref<624x64xf32, #tpu.memory_space<vmem_shared>>) target(%dma_start3A_26 : memref<624x64xf32, #tpu.memory_space<hbm>>) target_semaphore(%run_scoped3A : memref<!tpu.dma_semaphore, #tpu.memory_space<semaphore_mem>>)
      %dma_wait3A = arith.constant 0 : i32
      %dma_wait3A_29 = arith.constant 0 : i32
      %dma_wait3A_30 = tpu.memref_slice %arg6[%arg0, %dma_wait3A, %dma_wait3A_29] : memref<2x10000x64xf32, #tpu.memory_space<hbm>> -> memref<1x10000x64xf32, #tpu.memory_space<hbm>>
      %dma_wait3A_31 = tpu.memref_squeeze %dma_wait3A_30 : memref<1x10000x64xf32, #tpu.memory_space<hbm>> -> memref<10000x64xf32, #tpu.memory_space<hbm>>
      %dma_wait3A_32 = arith.constant 0 : i32
      %dma_wait3A_33 = tpu.memref_slice %dma_wait3A_31[%mul3A_16, %dma_wait3A_32] : memref<10000x64xf32, #tpu.memory_space<hbm>> -> memref<624x64xf32, #tpu.memory_space<hbm>>
      %dma_wait3A_34 = arith.constant 0 : i32
      %dma_wait3A_35 = tpu.memref_slice %arg33[%mul3A_14, %dma_wait3A_34] : memref<10000x64xf32, #tpu.memory_space<vmem_shared>> -> memref<624x64xf32, #tpu.memory_space<vmem_shared>>
      tpu.wait_dma2 semaphore(%run_scoped3A : memref<!tpu.dma_semaphore, #tpu.memory_space<semaphore_mem>>) src(%dma_wait3A_35 : memref<624x64xf32, #tpu.memory_space<vmem_shared>>) dst(%dma_wait3A_33 : memref<624x64xf32, #tpu.memory_space<hbm>>)
      tpu.yield
    }) : () -> ()
    %eq3A_17 = arith.constant 0 : i32
    %eq3A_18 = arith.cmpi eq, %arg1, %eq3A_17 : i32
    %convert_element_type3A_19 = arith.extui %eq3A_18 : i1 to i32
    %cond3A_20 = arith.constant 0 : i32
    %cond3A_21 = arith.cmpi ne, %convert_element_type3A_19, %cond3A_20 : i32
    scf.if %cond3A_21 {
      "tpu.region"() ({
        %run_scoped3A = tpu.sem_alloc : memref<!tpu.dma_semaphore, #tpu.memory_space<semaphore_mem>>
        %dma_start3A = arith.constant 0 : i32
        %dma_start3A_22 = arith.constant 0 : i32
        %dma_start3A_23 = tpu.memref_slice %arg6[%arg0, %dma_start3A, %dma_start3A_22] : memref<2x10000x64xf32, #tpu.memory_space<hbm>> -> memref<1x10000x64xf32, #tpu.memory_space<hbm>>
        %dma_start3A_24 = tpu.memref_squeeze %dma_start3A_23 : memref<1x10000x64xf32, #tpu.memory_space<hbm>> -> memref<10000x64xf32, #tpu.memory_space<hbm>>
        %dma_start3A_25 = arith.constant 9984 : i32
        %dma_start3A_26 = arith.constant 0 : i32
        %dma_start3A_27 = tpu.memref_slice %dma_start3A_24[%dma_start3A_25, %dma_start3A_26] : memref<10000x64xf32, #tpu.memory_space<hbm>> -> memref<16x64xf32, #tpu.memory_space<hbm>>
        %dma_start3A_28 = arith.constant 9984 : i32
        %dma_start3A_29 = arith.constant 0 : i32
        %dma_start3A_30 = tpu.memref_slice %arg33[%dma_start3A_28, %dma_start3A_29] : memref<10000x64xf32, #tpu.memory_space<vmem_shared>> -> memref<16x64xf32, #tpu.memory_space<vmem_shared>>
        tpu.enqueue_dma source(%dma_start3A_30 : memref<16x64xf32, #tpu.memory_space<vmem_shared>>) target(%dma_start3A_27 : memref<16x64xf32, #tpu.memory_space<hbm>>) target_semaphore(%run_scoped3A : memref<!tpu.dma_semaphore, #tpu.memory_space<semaphore_mem>>)
        %dma_wait3A = arith.constant 0 : i32
        %dma_wait3A_31 = arith.constant 0 : i32
        %dma_wait3A_32 = tpu.memref_slice %arg6[%arg0, %dma_wait3A, %dma_wait3A_31] : memref<2x10000x64xf32, #tpu.memory_space<hbm>> -> memref<1x10000x64xf32, #tpu.memory_space<hbm>>
        %dma_wait3A_33 = tpu.memref_squeeze %dma_wait3A_32 : memref<1x10000x64xf32, #tpu.memory_space<hbm>> -> memref<10000x64xf32, #tpu.memory_space<hbm>>
        %dma_wait3A_34 = arith.constant 9984 : i32
        %dma_wait3A_35 = arith.constant 0 : i32
        %dma_wait3A_36 = tpu.memref_slice %dma_wait3A_33[%dma_wait3A_34, %dma_wait3A_35] : memref<10000x64xf32, #tpu.memory_space<hbm>> -> memref<16x64xf32, #tpu.memory_space<hbm>>
        %dma_wait3A_37 = arith.constant 9984 : i32
        %dma_wait3A_38 = arith.constant 0 : i32
        %dma_wait3A_39 = tpu.memref_slice %arg33[%dma_wait3A_37, %dma_wait3A_38] : memref<10000x64xf32, #tpu.memory_space<vmem_shared>> -> memref<16x64xf32, #tpu.memory_space<vmem_shared>>
        tpu.wait_dma2 semaphore(%run_scoped3A : memref<!tpu.dma_semaphore, #tpu.memory_space<semaphore_mem>>) src(%dma_wait3A_39 : memref<16x64xf32, #tpu.memory_space<vmem_shared>>) dst(%dma_wait3A_36 : memref<16x64xf32, #tpu.memory_space<hbm>>)
        tpu.yield
      }) : () -> ()
    } else {
    }
    return
  }
}

#map = affine_map<(d0, d1) -> (0, 0, 0)>
#map1 = affine_map<(d0, d1) -> (0)>
#map2 = affine_map<(d0, d1) -> (0, 0)>
module attributes {stable_mosaic.version = 14 : i64} {
  func.func @_sc_degree(%arg0: i32, %arg1: i32, %arg2: memref<32x125x80xi32, #tpu.memory_space<hbm>>, %arg3: memref<10000xf32, #tpu.memory_space<hbm>>, %arg4: memref<2x10000xf32, #tpu.memory_space<hbm>>, %arg5: memref<125x80xi32, #tpu.memory_space<vmem>>, %arg6: memref<80xf32, #tpu.memory_space<vmem>>, %arg7: memref<10000xf32, #tpu.memory_space<vmem_shared>>, %arg8: memref<!tpu.dma_semaphore, #tpu.memory_space<semaphore_mem>>, %arg9: memref<!tpu.dma_semaphore, #tpu.memory_space<semaphore_mem>>, %arg10: memref<!tpu.dma_semaphore, #tpu.memory_space<semaphore_mem>>, %arg11: memref<!tpu.dma_semaphore, #tpu.memory_space<semaphore_mem>>, %arg12: memref<!tpu.dma_semaphore, #tpu.memory_space<semaphore_mem>>) attributes {dimension_semantics = [#tpu.dimension_semantics<core_parallel>, #tpu.dimension_semantics<subcore_parallel>], iteration_bounds = array<i64: 2, 16>, scalar_prefetch = 0 : i64, scratch_operands = 8 : i64, tpu.core_type = #tpu.core_type<sc_vector_subcore>, window_params = [{transform_indices = #map}, {transform_indices = #map1}, {transform_indices = #map2}]} {
    %mul3A = arith.constant 16 : i32
    %mul3A_0 = arith.muli %arg0, %mul3A : i32
    %add3A = arith.addi %mul3A_0, %arg1 : i32
    %broadcast_in_dim3A = arith.constant 1.000000e+00 : f32
    %broadcast_in_dim3A_1 = vector.broadcast %broadcast_in_dim3A : f32 to vector<16xf32>
    %swap3A = arith.constant 0 : index
    %swap3A_2 = tpu.vector_load %arg6[%swap3A] {strides = array<i32>} : memref<80xf32, #tpu.memory_space<vmem>>, vector<16xf32>,
    %swap3A_3 = vector.shape_cast %swap3A_2 : vector<16xf32> to vector<16xf32>
    %swap3A_4 = vector.shape_cast %broadcast_in_dim3A_1 : vector<16xf32> to vector<16xf32>
    tpu.vector_store %arg6[%swap3A], %swap3A_4 {strides = array<i32>} : memref<80xf32, #tpu.memory_space<vmem>>, vector<16xf32>,
    %broadcast_in_dim3A_5 = arith.constant 1.000000e+00 : f32
    %broadcast_in_dim3A_6 = vector.broadcast %broadcast_in_dim3A_5 : f32 to vector<16xf32>
    %swap3A_7 = arith.constant 16 : index
    %swap3A_8 = tpu.vector_load %arg6[%swap3A_7] {strides = array<i32>} : memref<80xf32, #tpu.memory_space<vmem>>, vector<16xf32>,
    %swap3A_9 = vector.shape_cast %swap3A_8 : vector<16xf32> to vector<16xf32>
    %swap3A_10 = vector.shape_cast %broadcast_in_dim3A_6 : vector<16xf32> to vector<16xf32>
    tpu.vector_store %arg6[%swap3A_7], %swap3A_10 {strides = array<i32>} : memref<80xf32, #tpu.memory_space<vmem>>, vector<16xf32>,
    %broadcast_in_dim3A_11 = arith.constant 1.000000e+00 : f32
    %broadcast_in_dim3A_12 = vector.broadcast %broadcast_in_dim3A_11 : f32 to vector<16xf32>
    %swap3A_13 = arith.constant 32 : index
    %swap3A_14 = tpu.vector_load %arg6[%swap3A_13] {strides = array<i32>} : memref<80xf32, #tpu.memory_space<vmem>>, vector<16xf32>,
    %swap3A_15 = vector.shape_cast %swap3A_14 : vector<16xf32> to vector<16xf32>
    %swap3A_16 = vector.shape_cast %broadcast_in_dim3A_12 : vector<16xf32> to vector<16xf32>
    tpu.vector_store %arg6[%swap3A_13], %swap3A_16 {strides = array<i32>} : memref<80xf32, #tpu.memory_space<vmem>>, vector<16xf32>,
    %broadcast_in_dim3A_17 = arith.constant 1.000000e+00 : f32
    %broadcast_in_dim3A_18 = vector.broadcast %broadcast_in_dim3A_17 : f32 to vector<16xf32>
    %swap3A_19 = arith.constant 48 : index
    %swap3A_20 = tpu.vector_load %arg6[%swap3A_19] {strides = array<i32>} : memref<80xf32, #tpu.memory_space<vmem>>, vector<16xf32>,
    %swap3A_21 = vector.shape_cast %swap3A_20 : vector<16xf32> to vector<16xf32>
    %swap3A_22 = vector.shape_cast %broadcast_in_dim3A_18 : vector<16xf32> to vector<16xf32>
    tpu.vector_store %arg6[%swap3A_19], %swap3A_22 {strides = array<i32>} : memref<80xf32, #tpu.memory_space<vmem>>, vector<16xf32>,
    %broadcast_in_dim3A_23 = arith.constant 1.000000e+00 : f32
    %broadcast_in_dim3A_24 = vector.broadcast %broadcast_in_dim3A_23 : f32 to vector<16xf32>
    %swap3A_25 = arith.constant 64 : index
    %swap3A_26 = tpu.vector_load %arg6[%swap3A_25] {strides = array<i32>} : memref<80xf32, #tpu.memory_space<vmem>>, vector<16xf32>,
    %swap3A_27 = vector.shape_cast %swap3A_26 : vector<16xf32> to vector<16xf32>
    %swap3A_28 = vector.shape_cast %broadcast_in_dim3A_24 : vector<16xf32> to vector<16xf32>
    tpu.vector_store %arg6[%swap3A_25], %swap3A_28 {strides = array<i32>} : memref<80xf32, #tpu.memory_space<vmem>>, vector<16xf32>,
    %eq3A = arith.constant 0 : i32
    %eq3A_29 = arith.cmpi eq, %arg1, %eq3A : i32
    %convert_element_type3A = arith.extui %eq3A_29 : i1 to i32
    %cond3A = arith.constant 0 : i32
    %cond3A_30 = arith.cmpi ne, %convert_element_type3A, %cond3A : i32
    scf.if %cond3A_30 {
      "tpu.region"() ({
        %run_scoped3A = tpu.sem_alloc : memref<!tpu.dma_semaphore, #tpu.memory_space<semaphore_mem>>
        tpu.enqueue_dma source(%arg3 : memref<10000xf32, #tpu.memory_space<hbm>>) target(%arg7 : memref<10000xf32, #tpu.memory_space<vmem_shared>>) target_semaphore(%run_scoped3A : memref<!tpu.dma_semaphore, #tpu.memory_space<semaphore_mem>>)
        tpu.wait_dma2 semaphore(%run_scoped3A : memref<!tpu.dma_semaphore, #tpu.memory_space<semaphore_mem>>) src(%arg3 : memref<10000xf32, #tpu.memory_space<hbm>>) dst(%arg7 : memref<10000xf32, #tpu.memory_space<vmem_shared>>)
        tpu.yield
      }) : () -> ()
    } else {
    }
    "tpu.region"() ({
      %run_scoped3A = tpu.sem_alloc : memref<!tpu.dma_semaphore, #tpu.memory_space<semaphore_mem>>
      %dma_start3A = arith.constant 0 : i32
      %dma_start3A_42 = arith.constant 0 : i32
      %dma_start3A_43 = tpu.memref_slice %arg2[%add3A, %dma_start3A, %dma_start3A_42] : memref<32x125x80xi32, #tpu.memory_space<hbm>> -> memref<1x125x80xi32, #tpu.memory_space<hbm>>
      %dma_start3A_44 = tpu.memref_squeeze %dma_start3A_43 : memref<1x125x80xi32, #tpu.memory_space<hbm>> -> memref<125x80xi32, #tpu.memory_space<hbm>>
      %dma_start3A_45 = arith.constant 0 : i32
      %dma_start3A_46 = arith.constant 0 : i32
      %dma_start3A_47 = tpu.memref_slice %arg2[%add3A, %dma_start3A_45, %dma_start3A_46] : memref<32x125x80xi32, #tpu.memory_space<hbm>> -> memref<1x125x80xi32, #tpu.memory_space<hbm>>
      %dma_start3A_48 = tpu.memref_squeeze %dma_start3A_47 : memref<1x125x80xi32, #tpu.memory_space<hbm>> -> memref<125x80xi32, #tpu.memory_space<hbm>>
      tpu.enqueue_dma source(%dma_start3A_48 : memref<125x80xi32, #tpu.memory_space<hbm>>) target(%arg5 : memref<125x80xi32, #tpu.memory_space<vmem>>) target_semaphore(%run_scoped3A : memref<!tpu.dma_semaphore, #tpu.memory_space<semaphore_mem>>)
      %dma_wait3A = arith.constant 0 : i32
      %dma_wait3A_49 = arith.constant 0 : i32
      %dma_wait3A_50 = tpu.memref_slice %arg2[%add3A, %dma_wait3A, %dma_wait3A_49] : memref<32x125x80xi32, #tpu.memory_space<hbm>> -> memref<1x125x80xi32, #tpu.memory_space<hbm>>
      %dma_wait3A_51 = tpu.memref_squeeze %dma_wait3A_50 : memref<1x125x80xi32, #tpu.memory_space<hbm>> -> memref<125x80xi32, #tpu.memory_space<hbm>>
      %dma_wait3A_52 = arith.constant 0 : i32
      %dma_wait3A_53 = arith.constant 0 : i32
      %dma_wait3A_54 = tpu.memref_slice %arg2[%add3A, %dma_wait3A_52, %dma_wait3A_53] : memref<32x125x80xi32, #tpu.memory_space<hbm>> -> memref<1x125x80xi32, #tpu.memory_space<hbm>>
      %dma_wait3A_55 = tpu.memref_squeeze %dma_wait3A_54 : memref<1x125x80xi32, #tpu.memory_space<hbm>> -> memref<125x80xi32, #tpu.memory_space<hbm>>
      tpu.wait_dma2 semaphore(%run_scoped3A : memref<!tpu.dma_semaphore, #tpu.memory_space<semaphore_mem>>) src(%dma_wait3A_55 : memref<125x80xi32, #tpu.memory_space<hbm>>) dst(%arg5 : memref<125x80xi32, #tpu.memory_space<vmem>>)
      tpu.yield
    }) : () -> ()
    %barrier3A = arith.constant 0 : index
    tpu.barrier barrier_id(%barrier3A)
    %scan3A = arith.constant 0 : i32
    %scan3A_31 = arith.constant 0 : i32
    %scan3A_32 = arith.constant 25 : i32
    %scan3A_33 = arith.addi %scan3A_31, %scan3A_32 : i32
    %scan3A_34 = arith.constant 1 : i32
    scf.for %scan3A_42 = %scan3A_31 to %scan3A_33 step %scan3A_34  : i32 {
      %mul3A_43 = arith.constant 5 : i32
      %mul3A_44 = arith.muli %scan3A_42, %mul3A_43 : i32
      %add3A_45 = arith.constant 0 : i32
      %add3A_46 = arith.addi %mul3A_44, %add3A_45 : i32
      %dma_start3A = arith.constant 0 : i32
      %dma_start3A_47 = tpu.memref_slice %arg5[%add3A_46, %dma_start3A] : memref<125x80xi32, #tpu.memory_space<vmem>> -> memref<1x80xi32, #tpu.memory_space<vmem>>
      %dma_start3A_48 = tpu.memref_squeeze %dma_start3A_47 : memref<1x80xi32, #tpu.memory_space<vmem>> -> memref<80xi32, #tpu.memory_space<vmem>>
      %dma_start3A_49 = arith.constant 0 : i32
      %dma_start3A_50 = tpu.memref_slice %arg7[%dma_start3A_49] : memref<10000xf32, #tpu.memory_space<vmem_shared>> -> memref<10000xf32, #tpu.memory_space<vmem_shared>>
      tpu.enqueue_indirect_dma source(%arg6 : memref<80xf32, #tpu.memory_space<vmem>>) target(%dma_start3A_50 : memref<10000xf32, #tpu.memory_space<vmem_shared>>) offsets(%dma_start3A_48 : memref<80xi32, #tpu.memory_space<vmem>>) semaphore(%arg8 : memref<!tpu.dma_semaphore, #tpu.memory_space<semaphore_mem>>) {add = true}
      %add3A_51 = arith.constant 1 : i32
      %add3A_52 = arith.addi %mul3A_44, %add3A_51 : i32
      %dma_start3A_53 = arith.constant 0 : i32
      %dma_start3A_54 = tpu.memref_slice %arg5[%add3A_52, %dma_start3A_53] : memref<125x80xi32, #tpu.memory_space<vmem>> -> memref<1x80xi32, #tpu.memory_space<vmem>>
      %dma_start3A_55 = tpu.memref_squeeze %dma_start3A_54 : memref<1x80xi32, #tpu.memory_space<vmem>> -> memref<80xi32, #tpu.memory_space<vmem>>
      %dma_start3A_56 = arith.constant 0 : i32
      %dma_start3A_57 = tpu.memref_slice %arg7[%dma_start3A_56] : memref<10000xf32, #tpu.memory_space<vmem_shared>> -> memref<10000xf32, #tpu.memory_space<vmem_shared>>
      tpu.enqueue_indirect_dma source(%arg6 : memref<80xf32, #tpu.memory_space<vmem>>) target(%dma_start3A_57 : memref<10000xf32, #tpu.memory_space<vmem_shared>>) offsets(%dma_start3A_55 : memref<80xi32, #tpu.memory_space<vmem>>) semaphore(%arg9 : memref<!tpu.dma_semaphore, #tpu.memory_space<semaphore_mem>>) {add = true}
      %add3A_58 = arith.constant 2 : i32
      %add3A_59 = arith.addi %mul3A_44, %add3A_58 : i32
      %dma_start3A_60 = arith.constant 0 : i32
      %dma_start3A_61 = tpu.memref_slice %arg5[%add3A_59, %dma_start3A_60] : memref<125x80xi32, #tpu.memory_space<vmem>> -> memref<1x80xi32, #tpu.memory_space<vmem>>
      %dma_start3A_62 = tpu.memref_squeeze %dma_start3A_61 : memref<1x80xi32, #tpu.memory_space<vmem>> -> memref<80xi32, #tpu.memory_space<vmem>>
      %dma_start3A_63 = arith.constant 0 : i32
      %dma_start3A_64 = tpu.memref_slice %arg7[%dma_start3A_63] : memref<10000xf32, #tpu.memory_space<vmem_shared>> -> memref<10000xf32, #tpu.memory_space<vmem_shared>>
      tpu.enqueue_indirect_dma source(%arg6 : memref<80xf32, #tpu.memory_space<vmem>>) target(%dma_start3A_64 : memref<10000xf32, #tpu.memory_space<vmem_shared>>) offsets(%dma_start3A_62 : memref<80xi32, #tpu.memory_space<vmem>>) semaphore(%arg10 : memref<!tpu.dma_semaphore, #tpu.memory_space<semaphore_mem>>) {add = true}
      %add3A_65 = arith.constant 3 : i32
      %add3A_66 = arith.addi %mul3A_44, %add3A_65 : i32
      %dma_start3A_67 = arith.constant 0 : i32
      %dma_start3A_68 = tpu.memref_slice %arg5[%add3A_66, %dma_start3A_67] : memref<125x80xi32, #tpu.memory_space<vmem>> -> memref<1x80xi32, #tpu.memory_space<vmem>>
      %dma_start3A_69 = tpu.memref_squeeze %dma_start3A_68 : memref<1x80xi32, #tpu.memory_space<vmem>> -> memref<80xi32, #tpu.memory_space<vmem>>
      %dma_start3A_70 = arith.constant 0 : i32
      %dma_start3A_71 = tpu.memref_slice %arg7[%dma_start3A_70] : memref<10000xf32, #tpu.memory_space<vmem_shared>> -> memref<10000xf32, #tpu.memory_space<vmem_shared>>
      tpu.enqueue_indirect_dma source(%arg6 : memref<80xf32, #tpu.memory_space<vmem>>) target(%dma_start3A_71 : memref<10000xf32, #tpu.memory_space<vmem_shared>>) offsets(%dma_start3A_69 : memref<80xi32, #tpu.memory_space<vmem>>) semaphore(%arg11 : memref<!tpu.dma_semaphore, #tpu.memory_space<semaphore_mem>>) {add = true}
      %add3A_72 = arith.constant 4 : i32
      %add3A_73 = arith.addi %mul3A_44, %add3A_72 : i32
      %dma_start3A_74 = arith.constant 0 : i32
      %dma_start3A_75 = tpu.memref_slice %arg5[%add3A_73, %dma_start3A_74] : memref<125x80xi32, #tpu.memory_space<vmem>> -> memref<1x80xi32, #tpu.memory_space<vmem>>
      %dma_start3A_76 = tpu.memref_squeeze %dma_start3A_75 : memref<1x80xi32, #tpu.memory_space<vmem>> -> memref<80xi32, #tpu.memory_space<vmem>>
      %dma_start3A_77 = arith.constant 0 : i32
      %dma_start3A_78 = tpu.memref_slice %arg7[%dma_start3A_77] : memref<10000xf32, #tpu.memory_space<vmem_shared>> -> memref<10000xf32, #tpu.memory_space<vmem_shared>>
      tpu.enqueue_indirect_dma source(%arg6 : memref<80xf32, #tpu.memory_space<vmem>>) target(%dma_start3A_78 : memref<10000xf32, #tpu.memory_space<vmem_shared>>) offsets(%dma_start3A_76 : memref<80xi32, #tpu.memory_space<vmem>>) semaphore(%arg12 : memref<!tpu.dma_semaphore, #tpu.memory_space<semaphore_mem>>) {add = true}
      %dma_wait3A = arith.constant 0 : i32
      %dma_wait3A_79 = tpu.memref_slice %arg5[%add3A_46, %dma_wait3A] : memref<125x80xi32, #tpu.memory_space<vmem>> -> memref<1x80xi32, #tpu.memory_space<vmem>>
      %dma_wait3A_80 = tpu.memref_squeeze %dma_wait3A_79 : memref<1x80xi32, #tpu.memory_space<vmem>> -> memref<80xi32, #tpu.memory_space<vmem>>
      %dma_wait3A_81 = arith.constant 0 : i32
      %dma_wait3A_82 = tpu.memref_slice %arg7[%dma_wait3A_81] : memref<10000xf32, #tpu.memory_space<vmem_shared>> -> memref<10000xf32, #tpu.memory_space<vmem_shared>>
      tpu.wait_indirect_dma semaphore(%arg8 : memref<!tpu.dma_semaphore, #tpu.memory_space<semaphore_mem>>) src(%arg6 : memref<80xf32, #tpu.memory_space<vmem>>) dst(%dma_wait3A_82 : memref<10000xf32, #tpu.memory_space<vmem_shared>>)
      %dma_wait3A_83 = arith.constant 0 : i32
      %dma_wait3A_84 = tpu.memref_slice %arg5[%add3A_52, %dma_wait3A_83] : memref<125x80xi32, #tpu.memory_space<vmem>> -> memref<1x80xi32, #tpu.memory_space<vmem>>
      %dma_wait3A_85 = tpu.memref_squeeze %dma_wait3A_84 : memref<1x80xi32, #tpu.memory_space<vmem>> -> memref<80xi32, #tpu.memory_space<vmem>>
      %dma_wait3A_86 = arith.constant 0 : i32
      %dma_wait3A_87 = tpu.memref_slice %arg7[%dma_wait3A_86] : memref<10000xf32, #tpu.memory_space<vmem_shared>> -> memref<10000xf32, #tpu.memory_space<vmem_shared>>
      tpu.wait_indirect_dma semaphore(%arg9 : memref<!tpu.dma_semaphore, #tpu.memory_space<semaphore_mem>>) src(%arg6 : memref<80xf32, #tpu.memory_space<vmem>>) dst(%dma_wait3A_87 : memref<10000xf32, #tpu.memory_space<vmem_shared>>)
      %dma_wait3A_88 = arith.constant 0 : i32
      %dma_wait3A_89 = tpu.memref_slice %arg5[%add3A_59, %dma_wait3A_88] : memref<125x80xi32, #tpu.memory_space<vmem>> -> memref<1x80xi32, #tpu.memory_space<vmem>>
      %dma_wait3A_90 = tpu.memref_squeeze %dma_wait3A_89 : memref<1x80xi32, #tpu.memory_space<vmem>> -> memref<80xi32, #tpu.memory_space<vmem>>
      %dma_wait3A_91 = arith.constant 0 : i32
      %dma_wait3A_92 = tpu.memref_slice %arg7[%dma_wait3A_91] : memref<10000xf32, #tpu.memory_space<vmem_shared>> -> memref<10000xf32, #tpu.memory_space<vmem_shared>>
      tpu.wait_indirect_dma semaphore(%arg10 : memref<!tpu.dma_semaphore, #tpu.memory_space<semaphore_mem>>) src(%arg6 : memref<80xf32, #tpu.memory_space<vmem>>) dst(%dma_wait3A_92 : memref<10000xf32, #tpu.memory_space<vmem_shared>>)
      %dma_wait3A_93 = arith.constant 0 : i32
      %dma_wait3A_94 = tpu.memref_slice %arg5[%add3A_66, %dma_wait3A_93] : memref<125x80xi32, #tpu.memory_space<vmem>> -> memref<1x80xi32, #tpu.memory_space<vmem>>
      %dma_wait3A_95 = tpu.memref_squeeze %dma_wait3A_94 : memref<1x80xi32, #tpu.memory_space<vmem>> -> memref<80xi32, #tpu.memory_space<vmem>>
      %dma_wait3A_96 = arith.constant 0 : i32
      %dma_wait3A_97 = tpu.memref_slice %arg7[%dma_wait3A_96] : memref<10000xf32, #tpu.memory_space<vmem_shared>> -> memref<10000xf32, #tpu.memory_space<vmem_shared>>
      tpu.wait_indirect_dma semaphore(%arg11 : memref<!tpu.dma_semaphore, #tpu.memory_space<semaphore_mem>>) src(%arg6 : memref<80xf32, #tpu.memory_space<vmem>>) dst(%dma_wait3A_97 : memref<10000xf32, #tpu.memory_space<vmem_shared>>)
      %dma_wait3A_98 = arith.constant 0 : i32
      %dma_wait3A_99 = tpu.memref_slice %arg5[%add3A_73, %dma_wait3A_98] : memref<125x80xi32, #tpu.memory_space<vmem>> -> memref<1x80xi32, #tpu.memory_space<vmem>>
      %dma_wait3A_100 = tpu.memref_squeeze %dma_wait3A_99 : memref<1x80xi32, #tpu.memory_space<vmem>> -> memref<80xi32, #tpu.memory_space<vmem>>
      %dma_wait3A_101 = arith.constant 0 : i32
      %dma_wait3A_102 = tpu.memref_slice %arg7[%dma_wait3A_101] : memref<10000xf32, #tpu.memory_space<vmem_shared>> -> memref<10000xf32, #tpu.memory_space<vmem_shared>>
      tpu.wait_indirect_dma semaphore(%arg12 : memref<!tpu.dma_semaphore, #tpu.memory_space<semaphore_mem>>) src(%arg6 : memref<80xf32, #tpu.memory_space<vmem>>) dst(%dma_wait3A_102 : memref<10000xf32, #tpu.memory_space<vmem_shared>>)
    }
    %scan3A_35 = arith.constant 25 : i32
    %barrier3A_36 = arith.constant 0 : index
    tpu.barrier barrier_id(%barrier3A_36)
    %eq3A_37 = arith.constant 0 : i32
    %eq3A_38 = arith.cmpi eq, %arg1, %eq3A_37 : i32
    %convert_element_type3A_39 = arith.extui %eq3A_38 : i1 to i32
    %cond3A_40 = arith.constant 0 : i32
    %cond3A_41 = arith.cmpi ne, %convert_element_type3A_39, %cond3A_40 : i32
    scf.if %cond3A_41 {
      "tpu.region"() ({
        %run_scoped3A = tpu.sem_alloc : memref<!tpu.dma_semaphore, #tpu.memory_space<semaphore_mem>>
        %dma_start3A = arith.constant 0 : i32
        %dma_start3A_42 = tpu.memref_slice %arg4[%arg0, %dma_start3A] : memref<2x10000xf32, #tpu.memory_space<hbm>> -> memref<1x10000xf32, #tpu.memory_space<hbm>>
        %dma_start3A_43 = tpu.memref_squeeze %dma_start3A_42 : memref<1x10000xf32, #tpu.memory_space<hbm>> -> memref<10000xf32, #tpu.memory_space<hbm>>
        tpu.enqueue_dma source(%arg7 : memref<10000xf32, #tpu.memory_space<vmem_shared>>) target(%dma_start3A_43 : memref<10000xf32, #tpu.memory_space<hbm>>) target_semaphore(%run_scoped3A : memref<!tpu.dma_semaphore, #tpu.memory_space<semaphore_mem>>)
        %dma_wait3A = arith.constant 0 : i32
        %dma_wait3A_44 = tpu.memref_slice %arg4[%arg0, %dma_wait3A] : memref<2x10000xf32, #tpu.memory_space<hbm>> -> memref<1x10000xf32, #tpu.memory_space<hbm>>
        %dma_wait3A_45 = tpu.memref_squeeze %dma_wait3A_44 : memref<1x10000xf32, #tpu.memory_space<hbm>> -> memref<10000xf32, #tpu.memory_space<hbm>>
        tpu.wait_dma2 semaphore(%run_scoped3A : memref<!tpu.dma_semaphore, #tpu.memory_space<semaphore_mem>>) src(%arg7 : memref<10000xf32, #tpu.memory_space<vmem_shared>>) dst(%dma_wait3A_45 : memref<10000xf32, #tpu.memory_space<hbm>>)
        tpu.yield
      }) : () -> ()
    } else {
    }
    return
  }
}

module attributes {stable_mosaic.version = 14 : i64} {
  func.func @_tc0_body(%arg0: i32, %arg1: memref<2x2000x1xf32, #tpu.memory_space<vmem>>, %arg2: memref<2000x128xf32, #tpu.memory_space<vmem>>, %arg3: memref<128x64xf32, #tpu.memory_space<vmem>>, %arg4: memref<2000x1xf32, #tpu.memory_space<vmem>>, %arg5: memref<2000x64xf32, #tpu.memory_space<vmem>>) attributes {dimension_semantics = [#tpu.dimension_semantics<parallel>], iteration_bounds = array<i64: 5>, scalar_prefetch = 0 : i64, scratch_operands = 0 : i64, tpu.core_type = #tpu.core_type<tc>, window_params = [{transform_indices = @transform_0, window_bounds = array<i64: 2, 2000, 1>}, {transform_indices = @transform_1, window_bounds = array<i64: 2000, 128>}, {pipeline_mode = #tpu.pipeline_mode<synchronous>, transform_indices = @transform_2, window_bounds = array<i64: 128, 64>}, {transform_indices = @transform_3, window_bounds = array<i64: 2000, 1>}, {transform_indices = @transform_4, window_bounds = array<i64: 2000, 64>}]} {
    %get3A = arith.constant 0 : index
    %get3A_0 = arith.constant 0 : index
    %get3A_1 = arith.constant 0 : index
    %get3A_2 = vector.load %arg1[%get3A, %get3A_0, %get3A_1] : memref<2x2000x1xf32, #tpu.memory_space<vmem>>, vector<1x2000x1xf32>
    %get3A_3 = vector.shape_cast %get3A_2 : vector<1x2000x1xf32> to vector<2000x1xf32>
    %get3A_4 = arith.constant 1 : index
    %get3A_5 = arith.constant 0 : index
    %get3A_6 = arith.constant 0 : index
    %get3A_7 = vector.load %arg1[%get3A_4, %get3A_5, %get3A_6] : memref<2x2000x1xf32, #tpu.memory_space<vmem>>, vector<1x2000x1xf32>
    %get3A_8 = vector.shape_cast %get3A_7 : vector<1x2000x1xf32> to vector<2000x1xf32>
    %add3A = arith.addf %get3A_3, %get3A_8 : vector<2000x1xf32>
    %gt3A = arith.constant 0.000000e+00 : f32
    %gt3A_9 = vector.broadcast %gt3A : f32 to vector<2000x1xf32>
    %gt3A_10 = arith.cmpf ogt, %add3A, %gt3A_9 : vector<2000x1xf32>
    %max3A = arith.constant 9.99999996E-13 : f32
    %max3A_11 = vector.broadcast %max3A : f32 to vector<2000x1xf32>
    %max3A_12 = arith.maximumf %add3A, %max3A_11 : vector<2000x1xf32>
    %rsqrt3A = math.rsqrt %max3A_12 : vector<2000x1xf32>
    %jit3A = arith.constant 0.000000e+00 : f32
    %broadcast_in_dim3A = vector.broadcast %jit3A : f32 to vector<2000x1xf32>
    %select_n3A = arith.select %gt3A_10, %rsqrt3A, %broadcast_in_dim3A : vector<2000x1xi1>, vector<2000x1xf32>
    %swap3A = arith.constant 0 : index
    %swap3A_13 = arith.constant 0 : index
    %swap3A_14 = vector.load %arg4[%swap3A, %swap3A_13] : memref<2000x1xf32, #tpu.memory_space<vmem>>, vector<2000x1xf32>
    tpu.vector_store %arg4[%swap3A, %swap3A_13], %select_n3A {strides = array<i32>} : memref<2000x1xf32, #tpu.memory_space<vmem>>, vector<2000x1xf32>,
    %get3A_15 = arith.constant 0 : index
    %get3A_16 = arith.constant 0 : index
    %get3A_17 = vector.load %arg2[%get3A_15, %get3A_16] : memref<2000x128xf32, #tpu.memory_space<vmem>>, vector<2000x128xf32>
    %get3A_18 = arith.constant 0 : index
    %get3A_19 = arith.constant 0 : index
    %get3A_20 = vector.load %arg3[%get3A_18, %get3A_19] : memref<128x64xf32, #tpu.memory_space<vmem>>, vector<128x64xf32>
    %dot_general3A = arith.constant dense<0.000000e+00> : vector<2000x64xf32>
    %dot_general3A_21 = tpu.matmul %get3A_17, %get3A_20, %dot_general3A {dimension_numbers = #tpu.dot_dimension_numbers<[1], [0], [0], [1], [0, 0, 1, 1], [], []>, transpose_lhs_hint = false} : vector<2000x128xf32>, vector<128x64xf32>, vector<2000x64xf32> -> vector<2000x64xf32>
    %mul3A = vector.broadcast %select_n3A : vector<2000x1xf32> to vector<2000x64xf32>
    %mul3A_22 = arith.mulf %dot_general3A_21, %mul3A : vector<2000x64xf32>
    %swap3A_23 = arith.constant 0 : index
    %swap3A_24 = arith.constant 0 : index
    %swap3A_25 = vector.load %arg5[%swap3A_23, %swap3A_24] : memref<2000x64xf32, #tpu.memory_space<vmem>>, vector<2000x64xf32>
    tpu.vector_store %arg5[%swap3A_23, %swap3A_24], %mul3A_22 {strides = array<i32>} : memref<2000x64xf32, #tpu.memory_space<vmem>>, vector<2000x64xf32>,
    return
  }
  func.func @transform_0(%arg0: i32) -> (i32, i32, i32) {
    %c0_i32 = arith.constant 0 : i32
    %c0_i32_0 = arith.constant 0 : i32
    %c0_i32_1 = arith.constant 0 : i32
    return %c0_i32, %arg0, %c0_i32_0 : i32, i32, i32
  }
  func.func @transform_1(%arg0: i32) -> (i32, i32) {
    %c0_i32 = arith.constant 0 : i32
    %c0_i32_0 = arith.constant 0 : i32
    return %arg0, %c0_i32 : i32, i32
  }
  func.func @transform_2(%arg0: i32) -> (i32, i32) {
    %c0_i32 = arith.constant 0 : i32
    %c0_i32_0 = arith.constant 0 : i32
    %c0_i32_1 = arith.constant 0 : i32
    return %c0_i32, %c0_i32_0 : i32, i32
  }
  func.func @transform_3(%arg0: i32) -> (i32, i32) {
    %c0_i32 = arith.constant 0 : i32
    %c0_i32_0 = arith.constant 0 : i32
    return %arg0, %c0_i32 : i32, i32
  }
  func.func @transform_4(%arg0: i32) -> (i32, i32) {
    %c0_i32 = arith.constant 0 : i32
    %c0_i32_0 = arith.constant 0 : i32
    return %arg0, %c0_i32 : i32, i32
  }
}

module attributes {stable_mosaic.version = 14 : i64} {
  func.func @_tc_mid_body(%arg0: i32, %arg1: memref<2x2000x64xf32, #tpu.memory_space<vmem>>, %arg2: memref<2000x128xf32, #tpu.memory_space<vmem>>, %arg3: memref<2000x1xf32, #tpu.memory_space<vmem>>, %arg4: memref<1x64xf32, #tpu.memory_space<vmem>>, %arg5: memref<1x64xf32, #tpu.memory_space<vmem>>, %arg6: memref<1x64xf32, #tpu.memory_space<vmem>>, %arg7: memref<128x64xf32, #tpu.memory_space<vmem>>, %arg8: memref<64x64xf32, #tpu.memory_space<vmem>>, %arg9: memref<2000x64xf32, #tpu.memory_space<vmem>>, %arg10: memref<2000x64xf32, #tpu.memory_space<vmem>>) attributes {dimension_semantics = [#tpu.dimension_semantics<parallel>], iteration_bounds = array<i64: 5>, scalar_prefetch = 0 : i64, scratch_operands = 0 : i64, tpu.core_type = #tpu.core_type<tc>, window_params = [{transform_indices = @transform_0, window_bounds = array<i64: 2, 2000, 64>}, {transform_indices = @transform_1, window_bounds = array<i64: 2000, 128>}, {transform_indices = @transform_2, window_bounds = array<i64: 2000, 1>}, {pipeline_mode = #tpu.pipeline_mode<synchronous>, transform_indices = @transform_3, window_bounds = array<i64: 1, 64>}, {pipeline_mode = #tpu.pipeline_mode<synchronous>, transform_indices = @transform_4, window_bounds = array<i64: 1, 64>}, {pipeline_mode = #tpu.pipeline_mode<synchronous>, transform_indices = @transform_5, window_bounds = array<i64: 1, 64>}, {pipeline_mode = #tpu.pipeline_mode<synchronous>, transform_indices = @transform_6, window_bounds = array<i64: 128, 64>}, {pipeline_mode = #tpu.pipeline_mode<synchronous>, transform_indices = @transform_7, window_bounds = array<i64: 64, 64>}, {transform_indices = @transform_8, window_bounds = array<i64: 2000, 64>}, {transform_indices = @transform_9, window_bounds = array<i64: 2000, 64>}]} {
    %get3A = arith.constant 0 : index
    %get3A_0 = arith.constant 0 : index
    %get3A_1 = vector.load %arg3[%get3A, %get3A_0] : memref<2000x1xf32, #tpu.memory_space<vmem>>, vector<2000x1xf32>
    %get3A_2 = arith.constant 0 : index
    %get3A_3 = arith.constant 0 : index
    %get3A_4 = vector.load %arg2[%get3A_2, %get3A_3] : memref<2000x128xf32, #tpu.memory_space<vmem>>, vector<2000x128xf32>
    %get3A_5 = arith.constant 0 : index
    %get3A_6 = arith.constant 0 : index
    %get3A_7 = vector.load %arg7[%get3A_5, %get3A_6] : memref<128x64xf32, #tpu.memory_space<vmem>>, vector<128x64xf32>
    %dot_general3A = arith.constant dense<0.000000e+00> : vector<2000x64xf32>
    %dot_general3A_8 = tpu.matmul %get3A_4, %get3A_7, %dot_general3A {dimension_numbers = #tpu.dot_dimension_numbers<[1], [0], [0], [1], [0, 0, 1, 1], [], []>, transpose_lhs_hint = false} : vector<2000x128xf32>, vector<128x64xf32>, vector<2000x64xf32> -> vector<2000x64xf32>
    %neg3A = arith.constant 0.000000e+00 : f32
    %neg3A_9 = vector.broadcast %neg3A : f32 to vector<2000x1xf32>
    %neg3A_10 = arith.subf %neg3A_9, %get3A_1 : vector<2000x1xf32>
    %get3A_11 = arith.constant 0 : index
    %get3A_12 = arith.constant 0 : index
    %get3A_13 = arith.constant 0 : index
    %get3A_14 = vector.load %arg1[%get3A_11, %get3A_12, %get3A_13] : memref<2x2000x64xf32, #tpu.memory_space<vmem>>, vector<1x2000x64xf32>
    %get3A_15 = vector.shape_cast %get3A_14 : vector<1x2000x64xf32> to vector<2000x64xf32>
    %get3A_16 = arith.constant 1 : index
    %get3A_17 = arith.constant 0 : index
    %get3A_18 = arith.constant 0 : index
    %get3A_19 = vector.load %arg1[%get3A_16, %get3A_17, %get3A_18] : memref<2x2000x64xf32, #tpu.memory_space<vmem>>, vector<1x2000x64xf32>
    %get3A_20 = vector.shape_cast %get3A_19 : vector<1x2000x64xf32> to vector<2000x64xf32>
    %add3A = arith.addf %get3A_15, %get3A_20 : vector<2000x64xf32>
    %mul3A = vector.broadcast %neg3A_10 : vector<2000x1xf32> to vector<2000x64xf32>
    %mul3A_21 = arith.mulf %mul3A, %add3A : vector<2000x64xf32>
    %add3A_22 = arith.addf %dot_general3A_8, %mul3A_21 : vector<2000x64xf32>
    %get3A_23 = arith.constant 0 : index
    %get3A_24 = arith.constant 0 : index
    %get3A_25 = vector.load %arg6[%get3A_23, %get3A_24] : memref<1x64xf32, #tpu.memory_space<vmem>>, vector<1x64xf32>
    %add3A_26 = vector.broadcast %get3A_25 : vector<1x64xf32> to vector<2000x64xf32>
    %add3A_27 = arith.addf %add3A_22, %add3A_26 : vector<2000x64xf32>
    %get3A_28 = arith.constant 0 : index
    %get3A_29 = arith.constant 0 : index
    %get3A_30 = vector.load %arg4[%get3A_28, %get3A_29] : memref<1x64xf32, #tpu.memory_space<vmem>>, vector<1x64xf32>
    %mul3A_31 = arith.constant 0.999994993 : f32
    %mul3A_32 = vector.broadcast %mul3A_31 : f32 to vector<1x64xf32>
    %mul3A_33 = arith.mulf %get3A_30, %mul3A_32 : vector<1x64xf32>
    %mul3A_34 = vector.broadcast %mul3A_33 : vector<1x64xf32> to vector<2000x64xf32>
    %mul3A_35 = arith.mulf %add3A_27, %mul3A_34 : vector<2000x64xf32>
    %get3A_36 = arith.constant 0 : index
    %get3A_37 = arith.constant 0 : index
    %get3A_38 = vector.load %arg5[%get3A_36, %get3A_37] : memref<1x64xf32, #tpu.memory_space<vmem>>, vector<1x64xf32>
    %add3A_39 = vector.broadcast %get3A_38 : vector<1x64xf32> to vector<2000x64xf32>
    %add3A_40 = arith.addf %mul3A_35, %add3A_39 : vector<2000x64xf32>
    %max3A = arith.constant 0.000000e+00 : f32
    %max3A_41 = vector.broadcast %max3A : f32 to vector<2000x64xf32>
    %max3A_42 = arith.maximumf %add3A_40, %max3A_41 : vector<2000x64xf32>
    %swap3A = arith.constant 0 : index
    %swap3A_43 = arith.constant 0 : index
    %swap3A_44 = vector.load %arg9[%swap3A, %swap3A_43] : memref<2000x64xf32, #tpu.memory_space<vmem>>, vector<2000x64xf32>
    tpu.vector_store %arg9[%swap3A, %swap3A_43], %max3A_42 {strides = array<i32>} : memref<2000x64xf32, #tpu.memory_space<vmem>>, vector<2000x64xf32>,
    %get3A_45 = arith.constant 0 : index
    %get3A_46 = arith.constant 0 : index
    %get3A_47 = vector.load %arg8[%get3A_45, %get3A_46] : memref<64x64xf32, #tpu.memory_space<vmem>>, vector<64x64xf32>
    %dot_general3A_48 = arith.constant dense<0.000000e+00> : vector<2000x64xf32>
    %dot_general3A_49 = tpu.matmul %max3A_42, %get3A_47, %dot_general3A_48 {dimension_numbers = #tpu.dot_dimension_numbers<[1], [0], [0], [1], [0, 0, 1, 1], [], []>, transpose_lhs_hint = false} : vector<2000x64xf32>, vector<64x64xf32>, vector<2000x64xf32> -> vector<2000x64xf32>
    %mul3A_50 = vector.broadcast %get3A_1 : vector<2000x1xf32> to vector<2000x64xf32>
    %mul3A_51 = arith.mulf %dot_general3A_49, %mul3A_50 : vector<2000x64xf32>
    %swap3A_52 = arith.constant 0 : index
    %swap3A_53 = arith.constant 0 : index
    %swap3A_54 = vector.load %arg10[%swap3A_52, %swap3A_53] : memref<2000x64xf32, #tpu.memory_space<vmem>>, vector<2000x64xf32>
    tpu.vector_store %arg10[%swap3A_52, %swap3A_53], %mul3A_51 {strides = array<i32>} : memref<2000x64xf32, #tpu.memory_space<vmem>>, vector<2000x64xf32>,
    return
  }
  func.func @transform_0(%arg0: i32) -> (i32, i32, i32) {
    %c0_i32 = arith.constant 0 : i32
    %c0_i32_0 = arith.constant 0 : i32
    %c0_i32_1 = arith.constant 0 : i32
    return %c0_i32, %arg0, %c0_i32_0 : i32, i32, i32
  }
  func.func @transform_1(%arg0: i32) -> (i32, i32) {
    %c0_i32 = arith.constant 0 : i32
    %c0_i32_0 = arith.constant 0 : i32
    return %arg0, %c0_i32 : i32, i32
  }
  func.func @transform_2(%arg0: i32) -> (i32, i32) {
    %c0_i32 = arith.constant 0 : i32
    %c0_i32_0 = arith.constant 0 : i32
    return %arg0, %c0_i32 : i32, i32
  }
  func.func @transform_3(%arg0: i32) -> (i32, i32) {
    %c0_i32 = arith.constant 0 : i32
    %c0_i32_0 = arith.constant 0 : i32
    %c0_i32_1 = arith.constant 0 : i32
    return %c0_i32, %c0_i32_0 : i32, i32
  }
  func.func @transform_4(%arg0: i32) -> (i32, i32) {
    %c0_i32 = arith.constant 0 : i32
    %c0_i32_0 = arith.constant 0 : i32
    %c0_i32_1 = arith.constant 0 : i32
    return %c0_i32, %c0_i32_0 : i32, i32
  }
  func.func @transform_5(%arg0: i32) -> (i32, i32) {
    %c0_i32 = arith.constant 0 : i32
    %c0_i32_0 = arith.constant 0 : i32
    %c0_i32_1 = arith.constant 0 : i32
    return %c0_i32, %c0_i32_0 : i32, i32
  }
  func.func @transform_6(%arg0: i32) -> (i32, i32) {
    %c0_i32 = arith.constant 0 : i32
    %c0_i32_0 = arith.constant 0 : i32
    %c0_i32_1 = arith.constant 0 : i32
    return %c0_i32, %c0_i32_0 : i32, i32
  }
  func.func @transform_7(%arg0: i32) -> (i32, i32) {
    %c0_i32 = arith.constant 0 : i32
    %c0_i32_0 = arith.constant 0 : i32
    %c0_i32_1 = arith.constant 0 : i32
    return %c0_i32, %c0_i32_0 : i32, i32
  }
  func.func @transform_8(%arg0: i32) -> (i32, i32) {
    %c0_i32 = arith.constant 0 : i32
    %c0_i32_0 = arith.constant 0 : i32
    return %arg0, %c0_i32 : i32, i32
  }
  func.func @transform_9(%arg0: i32) -> (i32, i32) {
    %c0_i32 = arith.constant 0 : i32
    %c0_i32_0 = arith.constant 0 : i32
    return %arg0, %c0_i32 : i32, i32
  }
}

module attributes {stable_mosaic.version = 14 : i64} {
  func.func @_tc_mid_body(%arg0: i32, %arg1: memref<2x2000x64xf32, #tpu.memory_space<vmem>>, %arg2: memref<2000x64xf32, #tpu.memory_space<vmem>>, %arg3: memref<2000x1xf32, #tpu.memory_space<vmem>>, %arg4: memref<1x64xf32, #tpu.memory_space<vmem>>, %arg5: memref<1x64xf32, #tpu.memory_space<vmem>>, %arg6: memref<1x64xf32, #tpu.memory_space<vmem>>, %arg7: memref<64x64xf32, #tpu.memory_space<vmem>>, %arg8: memref<64x64xf32, #tpu.memory_space<vmem>>, %arg9: memref<2000x64xf32, #tpu.memory_space<vmem>>, %arg10: memref<2000x64xf32, #tpu.memory_space<vmem>>) attributes {dimension_semantics = [#tpu.dimension_semantics<parallel>], iteration_bounds = array<i64: 5>, scalar_prefetch = 0 : i64, scratch_operands = 0 : i64, tpu.core_type = #tpu.core_type<tc>, window_params = [{transform_indices = @transform_0, window_bounds = array<i64: 2, 2000, 64>}, {transform_indices = @transform_1, window_bounds = array<i64: 2000, 64>}, {transform_indices = @transform_2, window_bounds = array<i64: 2000, 1>}, {pipeline_mode = #tpu.pipeline_mode<synchronous>, transform_indices = @transform_3, window_bounds = array<i64: 1, 64>}, {pipeline_mode = #tpu.pipeline_mode<synchronous>, transform_indices = @transform_4, window_bounds = array<i64: 1, 64>}, {pipeline_mode = #tpu.pipeline_mode<synchronous>, transform_indices = @transform_5, window_bounds = array<i64: 1, 64>}, {pipeline_mode = #tpu.pipeline_mode<synchronous>, transform_indices = @transform_6, window_bounds = array<i64: 64, 64>}, {pipeline_mode = #tpu.pipeline_mode<synchronous>, transform_indices = @transform_7, window_bounds = array<i64: 64, 64>}, {transform_indices = @transform_8, window_bounds = array<i64: 2000, 64>}, {transform_indices = @transform_9, window_bounds = array<i64: 2000, 64>}]} {
    %get3A = arith.constant 0 : index
    %get3A_0 = arith.constant 0 : index
    %get3A_1 = vector.load %arg3[%get3A, %get3A_0] : memref<2000x1xf32, #tpu.memory_space<vmem>>, vector<2000x1xf32>
    %get3A_2 = arith.constant 0 : index
    %get3A_3 = arith.constant 0 : index
    %get3A_4 = vector.load %arg2[%get3A_2, %get3A_3] : memref<2000x64xf32, #tpu.memory_space<vmem>>, vector<2000x64xf32>
    %get3A_5 = arith.constant 0 : index
    %get3A_6 = arith.constant 0 : index
    %get3A_7 = vector.load %arg7[%get3A_5, %get3A_6] : memref<64x64xf32, #tpu.memory_space<vmem>>, vector<64x64xf32>
    %dot_general3A = arith.constant dense<0.000000e+00> : vector<2000x64xf32>
    %dot_general3A_8 = tpu.matmul %get3A_4, %get3A_7, %dot_general3A {dimension_numbers = #tpu.dot_dimension_numbers<[1], [0], [0], [1], [0, 0, 1, 1], [], []>, transpose_lhs_hint = false} : vector<2000x64xf32>, vector<64x64xf32>, vector<2000x64xf32> -> vector<2000x64xf32>
    %neg3A = arith.constant 0.000000e+00 : f32
    %neg3A_9 = vector.broadcast %neg3A : f32 to vector<2000x1xf32>
    %neg3A_10 = arith.subf %neg3A_9, %get3A_1 : vector<2000x1xf32>
    %get3A_11 = arith.constant 0 : index
    %get3A_12 = arith.constant 0 : index
    %get3A_13 = arith.constant 0 : index
    %get3A_14 = vector.load %arg1[%get3A_11, %get3A_12, %get3A_13] : memref<2x2000x64xf32, #tpu.memory_space<vmem>>, vector<1x2000x64xf32>
    %get3A_15 = vector.shape_cast %get3A_14 : vector<1x2000x64xf32> to vector<2000x64xf32>
    %get3A_16 = arith.constant 1 : index
    %get3A_17 = arith.constant 0 : index
    %get3A_18 = arith.constant 0 : index
    %get3A_19 = vector.load %arg1[%get3A_16, %get3A_17, %get3A_18] : memref<2x2000x64xf32, #tpu.memory_space<vmem>>, vector<1x2000x64xf32>
    %get3A_20 = vector.shape_cast %get3A_19 : vector<1x2000x64xf32> to vector<2000x64xf32>
    %add3A = arith.addf %get3A_15, %get3A_20 : vector<2000x64xf32>
    %mul3A = vector.broadcast %neg3A_10 : vector<2000x1xf32> to vector<2000x64xf32>
    %mul3A_21 = arith.mulf %mul3A, %add3A : vector<2000x64xf32>
    %add3A_22 = arith.addf %dot_general3A_8, %mul3A_21 : vector<2000x64xf32>
    %get3A_23 = arith.constant 0 : index
    %get3A_24 = arith.constant 0 : index
    %get3A_25 = vector.load %arg6[%get3A_23, %get3A_24] : memref<1x64xf32, #tpu.memory_space<vmem>>, vector<1x64xf32>
    %add3A_26 = vector.broadcast %get3A_25 : vector<1x64xf32> to vector<2000x64xf32>
    %add3A_27 = arith.addf %add3A_22, %add3A_26 : vector<2000x64xf32>
    %get3A_28 = arith.constant 0 : index
    %get3A_29 = arith.constant 0 : index
    %get3A_30 = vector.load %arg4[%get3A_28, %get3A_29] : memref<1x64xf32, #tpu.memory_space<vmem>>, vector<1x64xf32>
    %mul3A_31 = arith.constant 0.999994993 : f32
    %mul3A_32 = vector.broadcast %mul3A_31 : f32 to vector<1x64xf32>
    %mul3A_33 = arith.mulf %get3A_30, %mul3A_32 : vector<1x64xf32>
    %mul3A_34 = vector.broadcast %mul3A_33 : vector<1x64xf32> to vector<2000x64xf32>
    %mul3A_35 = arith.mulf %add3A_27, %mul3A_34 : vector<2000x64xf32>
    %get3A_36 = arith.constant 0 : index
    %get3A_37 = arith.constant 0 : index
    %get3A_38 = vector.load %arg5[%get3A_36, %get3A_37] : memref<1x64xf32, #tpu.memory_space<vmem>>, vector<1x64xf32>
    %add3A_39 = vector.broadcast %get3A_38 : vector<1x64xf32> to vector<2000x64xf32>
    %add3A_40 = arith.addf %mul3A_35, %add3A_39 : vector<2000x64xf32>
    %max3A = arith.constant 0.000000e+00 : f32
    %max3A_41 = vector.broadcast %max3A : f32 to vector<2000x64xf32>
    %max3A_42 = arith.maximumf %add3A_40, %max3A_41 : vector<2000x64xf32>
    %add3A_43 = arith.addf %max3A_42, %get3A_4 : vector<2000x64xf32>
    %swap3A = arith.constant 0 : index
    %swap3A_44 = arith.constant 0 : index
    %swap3A_45 = vector.load %arg9[%swap3A, %swap3A_44] : memref<2000x64xf32, #tpu.memory_space<vmem>>, vector<2000x64xf32>
    tpu.vector_store %arg9[%swap3A, %swap3A_44], %add3A_43 {strides = array<i32>} : memref<2000x64xf32, #tpu.memory_space<vmem>>, vector<2000x64xf32>,
    %get3A_46 = arith.constant 0 : index
    %get3A_47 = arith.constant 0 : index
    %get3A_48 = vector.load %arg8[%get3A_46, %get3A_47] : memref<64x64xf32, #tpu.memory_space<vmem>>, vector<64x64xf32>
    %dot_general3A_49 = arith.constant dense<0.000000e+00> : vector<2000x64xf32>
    %dot_general3A_50 = tpu.matmul %add3A_43, %get3A_48, %dot_general3A_49 {dimension_numbers = #tpu.dot_dimension_numbers<[1], [0], [0], [1], [0, 0, 1, 1], [], []>, transpose_lhs_hint = false} : vector<2000x64xf32>, vector<64x64xf32>, vector<2000x64xf32> -> vector<2000x64xf32>
    %mul3A_51 = vector.broadcast %get3A_1 : vector<2000x1xf32> to vector<2000x64xf32>
    %mul3A_52 = arith.mulf %dot_general3A_50, %mul3A_51 : vector<2000x64xf32>
    %swap3A_53 = arith.constant 0 : index
    %swap3A_54 = arith.constant 0 : index
    %swap3A_55 = vector.load %arg10[%swap3A_53, %swap3A_54] : memref<2000x64xf32, #tpu.memory_space<vmem>>, vector<2000x64xf32>
    tpu.vector_store %arg10[%swap3A_53, %swap3A_54], %mul3A_52 {strides = array<i32>} : memref<2000x64xf32, #tpu.memory_space<vmem>>, vector<2000x64xf32>,
    return
  }
  func.func @transform_0(%arg0: i32) -> (i32, i32, i32) {
    %c0_i32 = arith.constant 0 : i32
    %c0_i32_0 = arith.constant 0 : i32
    %c0_i32_1 = arith.constant 0 : i32
    return %c0_i32, %arg0, %c0_i32_0 : i32, i32, i32
  }
  func.func @transform_1(%arg0: i32) -> (i32, i32) {
    %c0_i32 = arith.constant 0 : i32
    %c0_i32_0 = arith.constant 0 : i32
    return %arg0, %c0_i32 : i32, i32
  }
  func.func @transform_2(%arg0: i32) -> (i32, i32) {
    %c0_i32 = arith.constant 0 : i32
    %c0_i32_0 = arith.constant 0 : i32
    return %arg0, %c0_i32 : i32, i32
  }
  func.func @transform_3(%arg0: i32) -> (i32, i32) {
    %c0_i32 = arith.constant 0 : i32
    %c0_i32_0 = arith.constant 0 : i32
    %c0_i32_1 = arith.constant 0 : i32
    return %c0_i32, %c0_i32_0 : i32, i32
  }
  func.func @transform_4(%arg0: i32) -> (i32, i32) {
    %c0_i32 = arith.constant 0 : i32
    %c0_i32_0 = arith.constant 0 : i32
    %c0_i32_1 = arith.constant 0 : i32
    return %c0_i32, %c0_i32_0 : i32, i32
  }
  func.func @transform_5(%arg0: i32) -> (i32, i32) {
    %c0_i32 = arith.constant 0 : i32
    %c0_i32_0 = arith.constant 0 : i32
    %c0_i32_1 = arith.constant 0 : i32
    return %c0_i32, %c0_i32_0 : i32, i32
  }
  func.func @transform_6(%arg0: i32) -> (i32, i32) {
    %c0_i32 = arith.constant 0 : i32
    %c0_i32_0 = arith.constant 0 : i32
    %c0_i32_1 = arith.constant 0 : i32
    return %c0_i32, %c0_i32_0 : i32, i32
  }
  func.func @transform_7(%arg0: i32) -> (i32, i32) {
    %c0_i32 = arith.constant 0 : i32
    %c0_i32_0 = arith.constant 0 : i32
    %c0_i32_1 = arith.constant 0 : i32
    return %c0_i32, %c0_i32_0 : i32, i32
  }
  func.func @transform_8(%arg0: i32) -> (i32, i32) {
    %c0_i32 = arith.constant 0 : i32
    %c0_i32_0 = arith.constant 0 : i32
    return %arg0, %c0_i32 : i32, i32
  }
  func.func @transform_9(%arg0: i32) -> (i32, i32) {
    %c0_i32 = arith.constant 0 : i32
    %c0_i32_0 = arith.constant 0 : i32
    return %arg0, %c0_i32 : i32, i32
  }
}

module attributes {stable_mosaic.version = 14 : i64} {
  func.func @_tc_final_body(%arg0: i32, %arg1: memref<2x2000x64xf32, #tpu.memory_space<vmem>>, %arg2: memref<2000x64xf32, #tpu.memory_space<vmem>>, %arg3: memref<2000x1xf32, #tpu.memory_space<vmem>>, %arg4: memref<1x64xf32, #tpu.memory_space<vmem>>, %arg5: memref<1x64xf32, #tpu.memory_space<vmem>>, %arg6: memref<1x64xf32, #tpu.memory_space<vmem>>, %arg7: memref<64x64xf32, #tpu.memory_space<vmem>>, %arg8: memref<64x64xf32, #tpu.memory_space<vmem>>, %arg9: memref<1x64xf32, #tpu.memory_space<vmem>>, %arg10: memref<1x64xf32, #tpu.memory_space<vmem>>, %arg11: memref<1x64xf32, #tpu.memory_space<vmem>>, %arg12: memref<64x2xf32, #tpu.memory_space<vmem>>, %arg13: memref<1x2xf32, #tpu.memory_space<vmem>>, %arg14: memref<64x32xf32, #tpu.memory_space<vmem>>, %arg15: memref<1x32xf32, #tpu.memory_space<vmem>>, %arg16: memref<1x32xf32, #tpu.memory_space<vmem>>, %arg17: memref<1x32xf32, #tpu.memory_space<vmem>>, %arg18: memref<32x1xf32, #tpu.memory_space<vmem>>, %arg19: memref<1x1xf32, #tpu.memory_space<vmem>>, %arg20: memref<2000x2xf32, #tpu.memory_space<vmem>>) attributes {dimension_semantics = [#tpu.dimension_semantics<parallel>], iteration_bounds = array<i64: 5>, scalar_prefetch = 0 : i64, scratch_operands = 0 : i64, tpu.core_type = #tpu.core_type<tc>, window_params = [{transform_indices = @transform_0, window_bounds = array<i64: 2, 2000, 64>}, {transform_indices = @transform_1, window_bounds = array<i64: 2000, 64>}, {transform_indices = @transform_2, window_bounds = array<i64: 2000, 1>}, {pipeline_mode = #tpu.pipeline_mode<synchronous>, transform_indices = @transform_3, window_bounds = array<i64: 1, 64>}, {pipeline_mode = #tpu.pipeline_mode<synchronous>, transform_indices = @transform_4, window_bounds = array<i64: 1, 64>}, {pipeline_mode = #tpu.pipeline_mode<synchronous>, transform_indices = @transform_5, window_bounds = array<i64: 1, 64>}, {pipeline_mode = #tpu.pipeline_mode<synchronous>, transform_indices = @transform_6, window_bounds = array<i64: 64, 64>}, {pipeline_mode = #tpu.pipeline_mode<synchronous>, transform_indices = @transform_7, window_bounds = array<i64: 64, 64>}, {pipeline_mode = #tpu.pipeline_mode<synchronous>, transform_indices = @transform_8, window_bounds = array<i64: 1, 64>}, {pipeline_mode = #tpu.pipeline_mode<synchronous>, transform_indices = @transform_9, window_bounds = array<i64: 1, 64>}, {pipeline_mode = #tpu.pipeline_mode<synchronous>, transform_indices = @transform_10, window_bounds = array<i64: 1, 64>}, {pipeline_mode = #tpu.pipeline_mode<synchronous>, transform_indices = @transform_11, window_bounds = array<i64: 64, 2>}, {pipeline_mode = #tpu.pipeline_mode<synchronous>, transform_indices = @transform_12, window_bounds = array<i64: 1, 2>}, {pipeline_mode = #tpu.pipeline_mode<synchronous>, transform_indices = @transform_13, window_bounds = array<i64: 64, 32>}, {pipeline_mode = #tpu.pipeline_mode<synchronous>, transform_indices = @transform_14, window_bounds = array<i64: 1, 32>}, {pipeline_mode = #tpu.pipeline_mode<synchronous>, transform_indices = @transform_15, window_bounds = array<i64: 1, 32>}, {pipeline_mode = #tpu.pipeline_mode<synchronous>, transform_indices = @transform_16, window_bounds = array<i64: 1, 32>}, {pipeline_mode = #tpu.pipeline_mode<synchronous>, transform_indices = @transform_17, window_bounds = array<i64: 32, 1>}, {pipeline_mode = #tpu.pipeline_mode<synchronous>, transform_indices = @transform_18, window_bounds = array<i64: 1, 1>}, {transform_indices = @transform_19, window_bounds = array<i64: 2000, 2>}]} {
    %get3A = arith.constant 0 : index
    %get3A_0 = arith.constant 0 : index
    %get3A_1 = vector.load %arg3[%get3A, %get3A_0] : memref<2000x1xf32, #tpu.memory_space<vmem>>, vector<2000x1xf32>
    %get3A_2 = arith.constant 0 : index
    %get3A_3 = arith.constant 0 : index
    %get3A_4 = vector.load %arg2[%get3A_2, %get3A_3] : memref<2000x64xf32, #tpu.memory_space<vmem>>, vector<2000x64xf32>
    %get3A_5 = arith.constant 0 : index
    %get3A_6 = arith.constant 0 : index
    %get3A_7 = vector.load %arg7[%get3A_5, %get3A_6] : memref<64x64xf32, #tpu.memory_space<vmem>>, vector<64x64xf32>
    %dot_general3A = arith.constant dense<0.000000e+00> : vector<2000x64xf32>
    %dot_general3A_8 = tpu.matmul %get3A_4, %get3A_7, %dot_general3A {dimension_numbers = #tpu.dot_dimension_numbers<[1], [0], [0], [1], [0, 0, 1, 1], [], []>, transpose_lhs_hint = false} : vector<2000x64xf32>, vector<64x64xf32>, vector<2000x64xf32> -> vector<2000x64xf32>
    %neg3A = arith.constant 0.000000e+00 : f32
    %neg3A_9 = vector.broadcast %neg3A : f32 to vector<2000x1xf32>
    %neg3A_10 = arith.subf %neg3A_9, %get3A_1 : vector<2000x1xf32>
    %get3A_11 = arith.constant 0 : index
    %get3A_12 = arith.constant 0 : index
    %get3A_13 = arith.constant 0 : index
    %get3A_14 = vector.load %arg1[%get3A_11, %get3A_12, %get3A_13] : memref<2x2000x64xf32, #tpu.memory_space<vmem>>, vector<1x2000x64xf32>
    %get3A_15 = vector.shape_cast %get3A_14 : vector<1x2000x64xf32> to vector<2000x64xf32>
    %get3A_16 = arith.constant 1 : index
    %get3A_17 = arith.constant 0 : index
    %get3A_18 = arith.constant 0 : index
    %get3A_19 = vector.load %arg1[%get3A_16, %get3A_17, %get3A_18] : memref<2x2000x64xf32, #tpu.memory_space<vmem>>, vector<1x2000x64xf32>
    %get3A_20 = vector.shape_cast %get3A_19 : vector<1x2000x64xf32> to vector<2000x64xf32>
    %add3A = arith.addf %get3A_15, %get3A_20 : vector<2000x64xf32>
    %mul3A = vector.broadcast %neg3A_10 : vector<2000x1xf32> to vector<2000x64xf32>
    %mul3A_21 = arith.mulf %mul3A, %add3A : vector<2000x64xf32>
    %add3A_22 = arith.addf %dot_general3A_8, %mul3A_21 : vector<2000x64xf32>
    %get3A_23 = arith.constant 0 : index
    %get3A_24 = arith.constant 0 : index
    %get3A_25 = vector.load %arg6[%get3A_23, %get3A_24] : memref<1x64xf32, #tpu.memory_space<vmem>>, vector<1x64xf32>
    %add3A_26 = vector.broadcast %get3A_25 : vector<1x64xf32> to vector<2000x64xf32>
    %add3A_27 = arith.addf %add3A_22, %add3A_26 : vector<2000x64xf32>
    %get3A_28 = arith.constant 0 : index
    %get3A_29 = arith.constant 0 : index
    %get3A_30 = vector.load %arg4[%get3A_28, %get3A_29] : memref<1x64xf32, #tpu.memory_space<vmem>>, vector<1x64xf32>
    %mul3A_31 = arith.constant 0.999994993 : f32
    %mul3A_32 = vector.broadcast %mul3A_31 : f32 to vector<1x64xf32>
    %mul3A_33 = arith.mulf %get3A_30, %mul3A_32 : vector<1x64xf32>
    %mul3A_34 = vector.broadcast %mul3A_33 : vector<1x64xf32> to vector<2000x64xf32>
    %mul3A_35 = arith.mulf %add3A_27, %mul3A_34 : vector<2000x64xf32>
    %get3A_36 = arith.constant 0 : index
    %get3A_37 = arith.constant 0 : index
    %get3A_38 = vector.load %arg5[%get3A_36, %get3A_37] : memref<1x64xf32, #tpu.memory_space<vmem>>, vector<1x64xf32>
    %add3A_39 = vector.broadcast %get3A_38 : vector<1x64xf32> to vector<2000x64xf32>
    %add3A_40 = arith.addf %mul3A_35, %add3A_39 : vector<2000x64xf32>
    %max3A = arith.constant 0.000000e+00 : f32
    %max3A_41 = vector.broadcast %max3A : f32 to vector<2000x64xf32>
    %max3A_42 = arith.maximumf %add3A_40, %max3A_41 : vector<2000x64xf32>
    %add3A_43 = arith.addf %max3A_42, %get3A_4 : vector<2000x64xf32>
    %get3A_44 = arith.constant 0 : index
    %get3A_45 = arith.constant 0 : index
    %get3A_46 = vector.load %arg8[%get3A_44, %get3A_45] : memref<64x64xf32, #tpu.memory_space<vmem>>, vector<64x64xf32>
    %dot_general3A_47 = arith.constant dense<0.000000e+00> : vector<2000x64xf32>
    %dot_general3A_48 = tpu.matmul %add3A_43, %get3A_46, %dot_general3A_47 {dimension_numbers = #tpu.dot_dimension_numbers<[1], [0], [0], [1], [0, 0, 1, 1], [], []>, transpose_lhs_hint = false} : vector<2000x64xf32>, vector<64x64xf32>, vector<2000x64xf32> -> vector<2000x64xf32>
    %get3A_49 = arith.constant 0 : index
    %get3A_50 = arith.constant 0 : index
    %get3A_51 = vector.load %arg9[%get3A_49, %get3A_50] : memref<1x64xf32, #tpu.memory_space<vmem>>, vector<1x64xf32>
    %add3A_52 = vector.broadcast %get3A_51 : vector<1x64xf32> to vector<2000x64xf32>
    %add3A_53 = arith.addf %dot_general3A_48, %add3A_52 : vector<2000x64xf32>
    %get3A_54 = arith.constant 0 : index
    %get3A_55 = arith.constant 0 : index
    %get3A_56 = vector.load %arg10[%get3A_54, %get3A_55] : memref<1x64xf32, #tpu.memory_space<vmem>>, vector<1x64xf32>
    %get3A_57 = arith.constant 0 : index
    %get3A_58 = arith.constant 0 : index
    %get3A_59 = vector.load %arg11[%get3A_57, %get3A_58] : memref<1x64xf32, #tpu.memory_space<vmem>>, vector<1x64xf32>
    %reduce_sum3A = arith.constant dense<0.000000e+00> : vector<2000xf32>
    %reduce_sum3A_60 = vector.multi_reduction <add>, %add3A_53, %reduce_sum3A [1] : vector<2000x64xf32> to vector<2000xf32>
    %broadcast_in_dim3A = vector.shape_cast %reduce_sum3A_60 : vector<2000xf32> to vector<2000x1xf32>
    %div3A = arith.constant 6.400000e+01 : f32
    %div3A_61 = vector.broadcast %div3A : f32 to vector<2000x1xf32>
    %div3A_62 = arith.divf %broadcast_in_dim3A, %div3A_61 : vector<2000x1xf32>
    %jit3A = arith.constant 0 : i32
    %reduce_sum3A_63 = arith.constant dense<0.000000e+00> : vector<2000xf32>
    %reduce_sum3A_64 = vector.multi_reduction <add>, %add3A_53, %reduce_sum3A_63 [1] : vector<2000x64xf32> to vector<2000xf32>
    %broadcast_in_dim3A_65 = vector.shape_cast %reduce_sum3A_64 : vector<2000xf32> to vector<2000x1xf32>
    %div3A_66 = arith.constant 6.400000e+01 : f32
    %div3A_67 = vector.broadcast %div3A_66 : f32 to vector<2000x1xf32>
    %div3A_68 = arith.divf %broadcast_in_dim3A_65, %div3A_67 : vector<2000x1xf32>
    %sub3A = vector.broadcast %div3A_68 : vector<2000x1xf32> to vector<2000x64xf32>
    %sub3A_69 = arith.subf %add3A_53, %sub3A : vector<2000x64xf32>
    %square3A = arith.mulf %sub3A_69, %sub3A_69 : vector<2000x64xf32>
    %convert_element_type3A = arith.sitofp %jit3A : i32 to f32
    %sub3A_70 = arith.constant 6.400000e+01 : f32
    %sub3A_71 = arith.subf %sub3A_70, %convert_element_type3A : f32
    %reduce_sum3A_72 = arith.constant dense<0.000000e+00> : vector<2000xf32>
    %reduce_sum3A_73 = vector.multi_reduction <add>, %square3A, %reduce_sum3A_72 [1] : vector<2000x64xf32> to vector<2000xf32>
    %broadcast_in_dim3A_74 = vector.shape_cast %reduce_sum3A_73 : vector<2000xf32> to vector<2000x1xf32>
    %div3A_75 = vector.broadcast %sub3A_71 : f32 to vector<2000x1xf32>
    %div3A_76 = arith.divf %broadcast_in_dim3A_74, %div3A_75 : vector<2000x1xf32>
    %gt3A = arith.constant 0.000000e+00 : f32
    %gt3A_77 = arith.cmpf ogt, %sub3A_71, %gt3A : f32
    %jit3A_78 = arith.constant 0x7FC00000 : f32
    %broadcast_in_dim3A_79 = vector.broadcast %jit3A_78 : f32 to vector<2000x1xf32>
    %select_n3A = arith.select %gt3A_77, %div3A_76, %broadcast_in_dim3A_79 : vector<2000x1xf32>
    %sub3A_80 = vector.broadcast %div3A_62 : vector<2000x1xf32> to vector<2000x64xf32>
    %sub3A_81 = arith.subf %add3A_53, %sub3A_80 : vector<2000x64xf32>
    %add3A_82 = arith.constant 9.99999974E-6 : f32
    %add3A_83 = vector.broadcast %add3A_82 : f32 to vector<2000x1xf32>
    %add3A_84 = arith.addf %select_n3A, %add3A_83 : vector<2000x1xf32>
    %sqrt3A = math.sqrt %add3A_84 : vector<2000x1xf32>
    %div3A_85 = vector.broadcast %sqrt3A : vector<2000x1xf32> to vector<2000x64xf32>
    %div3A_86 = arith.divf %sub3A_81, %div3A_85 : vector<2000x64xf32>
    %mul3A_87 = vector.broadcast %get3A_56 : vector<1x64xf32> to vector<2000x64xf32>
    %mul3A_88 = arith.mulf %div3A_86, %mul3A_87 : vector<2000x64xf32>
    %add3A_89 = vector.broadcast %get3A_59 : vector<1x64xf32> to vector<2000x64xf32>
    %add3A_90 = arith.addf %mul3A_88, %add3A_89 : vector<2000x64xf32>
    %max3A_91 = arith.constant 0.000000e+00 : f32
    %max3A_92 = vector.broadcast %max3A_91 : f32 to vector<2000x64xf32>
    %max3A_93 = arith.maximumf %add3A_90, %max3A_92 : vector<2000x64xf32>
    %get3A_94 = arith.constant 0 : index
    %get3A_95 = arith.constant 0 : index
    %get3A_96 = vector.load %arg12[%get3A_94, %get3A_95] : memref<64x2xf32, #tpu.memory_space<vmem>>, vector<64x2xf32>
    %dot_general3A_97 = arith.constant dense<0.000000e+00> : vector<2000x2xf32>
    %dot_general3A_98 = tpu.matmul %max3A_93, %get3A_96, %dot_general3A_97 {dimension_numbers = #tpu.dot_dimension_numbers<[1], [0], [0], [1], [0, 0, 1, 1], [], []>, transpose_lhs_hint = false} : vector<2000x64xf32>, vector<64x2xf32>, vector<2000x2xf32> -> vector<2000x2xf32>
    %get3A_99 = arith.constant 0 : index
    %get3A_100 = arith.constant 0 : index
    %get3A_101 = vector.load %arg13[%get3A_99, %get3A_100] : memref<1x2xf32, #tpu.memory_space<vmem>>, vector<1x2xf32>
    %add3A_102 = vector.broadcast %get3A_101 : vector<1x2xf32> to vector<2000x2xf32>
    %add3A_103 = arith.addf %dot_general3A_98, %add3A_102 : vector<2000x2xf32>
    %get3A_104 = arith.constant 0 : index
    %get3A_105 = arith.constant 0 : index
    %get3A_106 = vector.load %arg14[%get3A_104, %get3A_105] : memref<64x32xf32, #tpu.memory_space<vmem>>, vector<64x32xf32>
    %dot_general3A_107 = arith.constant dense<0.000000e+00> : vector<2000x32xf32>
    %dot_general3A_108 = tpu.matmul %add3A_43, %get3A_106, %dot_general3A_107 {dimension_numbers = #tpu.dot_dimension_numbers<[1], [0], [0], [1], [0, 0, 1, 1], [], []>, transpose_lhs_hint = false} : vector<2000x64xf32>, vector<64x32xf32>, vector<2000x32xf32> -> vector<2000x32xf32>
    %get3A_109 = arith.constant 0 : index
    %get3A_110 = arith.constant 0 : index
    %get3A_111 = vector.load %arg15[%get3A_109, %get3A_110] : memref<1x32xf32, #tpu.memory_space<vmem>>, vector<1x32xf32>
    %add3A_112 = vector.broadcast %get3A_111 : vector<1x32xf32> to vector<2000x32xf32>
    %add3A_113 = arith.addf %dot_general3A_108, %add3A_112 : vector<2000x32xf32>
    %get3A_114 = arith.constant 0 : index
    %get3A_115 = arith.constant 0 : index
    %get3A_116 = vector.load %arg16[%get3A_114, %get3A_115] : memref<1x32xf32, #tpu.memory_space<vmem>>, vector<1x32xf32>
    %get3A_117 = arith.constant 0 : index
    %get3A_118 = arith.constant 0 : index
    %get3A_119 = vector.load %arg17[%get3A_117, %get3A_118] : memref<1x32xf32, #tpu.memory_space<vmem>>, vector<1x32xf32>
    %reduce_sum3A_120 = arith.constant dense<0.000000e+00> : vector<2000xf32>
    %reduce_sum3A_121 = vector.multi_reduction <add>, %add3A_113, %reduce_sum3A_120 [1] : vector<2000x32xf32> to vector<2000xf32>
    %broadcast_in_dim3A_122 = vector.shape_cast %reduce_sum3A_121 : vector<2000xf32> to vector<2000x1xf32>
    %div3A_123 = arith.constant 3.200000e+01 : f32
    %div3A_124 = vector.broadcast %div3A_123 : f32 to vector<2000x1xf32>
    %div3A_125 = arith.divf %broadcast_in_dim3A_122, %div3A_124 : vector<2000x1xf32>
    %jit3A_126 = arith.constant 0 : i32
    %reduce_sum3A_127 = arith.constant dense<0.000000e+00> : vector<2000xf32>
    %reduce_sum3A_128 = vector.multi_reduction <add>, %add3A_113, %reduce_sum3A_127 [1] : vector<2000x32xf32> to vector<2000xf32>
    %broadcast_in_dim3A_129 = vector.shape_cast %reduce_sum3A_128 : vector<2000xf32> to vector<2000x1xf32>
    %div3A_130 = arith.constant 3.200000e+01 : f32
    %div3A_131 = vector.broadcast %div3A_130 : f32 to vector<2000x1xf32>
    %div3A_132 = arith.divf %broadcast_in_dim3A_129, %div3A_131 : vector<2000x1xf32>
    %sub3A_133 = vector.broadcast %div3A_132 : vector<2000x1xf32> to vector<2000x32xf32>
    %sub3A_134 = arith.subf %add3A_113, %sub3A_133 : vector<2000x32xf32>
    %square3A_135 = arith.mulf %sub3A_134, %sub3A_134 : vector<2000x32xf32>
    %convert_element_type3A_136 = arith.sitofp %jit3A_126 : i32 to f32
    %sub3A_137 = arith.constant 3.200000e+01 : f32
    %sub3A_138 = arith.subf %sub3A_137, %convert_element_type3A_136 : f32
    %reduce_sum3A_139 = arith.constant dense<0.000000e+00> : vector<2000xf32>
    %reduce_sum3A_140 = vector.multi_reduction <add>, %square3A_135, %reduce_sum3A_139 [1] : vector<2000x32xf32> to vector<2000xf32>
    %broadcast_in_dim3A_141 = vector.shape_cast %reduce_sum3A_140 : vector<2000xf32> to vector<2000x1xf32>
    %div3A_142 = vector.broadcast %sub3A_138 : f32 to vector<2000x1xf32>
    %div3A_143 = arith.divf %broadcast_in_dim3A_141, %div3A_142 : vector<2000x1xf32>
    %gt3A_144 = arith.constant 0.000000e+00 : f32
    %gt3A_145 = arith.cmpf ogt, %sub3A_138, %gt3A_144 : f32
    %jit3A_146 = arith.constant 0x7FC00000 : f32
    %broadcast_in_dim3A_147 = vector.broadcast %jit3A_146 : f32 to vector<2000x1xf32>
    %select_n3A_148 = arith.select %gt3A_145, %div3A_143, %broadcast_in_dim3A_147 : vector<2000x1xf32>
    %sub3A_149 = vector.broadcast %div3A_125 : vector<2000x1xf32> to vector<2000x32xf32>
    %sub3A_150 = arith.subf %add3A_113, %sub3A_149 : vector<2000x32xf32>
    %add3A_151 = arith.constant 9.99999974E-6 : f32
    %add3A_152 = vector.broadcast %add3A_151 : f32 to vector<2000x1xf32>
    %add3A_153 = arith.addf %select_n3A_148, %add3A_152 : vector<2000x1xf32>
    %sqrt3A_154 = math.sqrt %add3A_153 : vector<2000x1xf32>
    %div3A_155 = vector.broadcast %sqrt3A_154 : vector<2000x1xf32> to vector<2000x32xf32>
    %div3A_156 = arith.divf %sub3A_150, %div3A_155 : vector<2000x32xf32>
    %mul3A_157 = vector.broadcast %get3A_116 : vector<1x32xf32> to vector<2000x32xf32>
    %mul3A_158 = arith.mulf %div3A_156, %mul3A_157 : vector<2000x32xf32>
    %add3A_159 = vector.broadcast %get3A_119 : vector<1x32xf32> to vector<2000x32xf32>
    %add3A_160 = arith.addf %mul3A_158, %add3A_159 : vector<2000x32xf32>
    %max3A_161 = arith.constant 0.000000e+00 : f32
    %max3A_162 = vector.broadcast %max3A_161 : f32 to vector<2000x32xf32>
    %max3A_163 = arith.maximumf %add3A_160, %max3A_162 : vector<2000x32xf32>
    %get3A_164 = arith.constant 0 : index
    %get3A_165 = arith.constant 0 : index
    %get3A_166 = vector.load %arg18[%get3A_164, %get3A_165] : memref<32x1xf32, #tpu.memory_space<vmem>>, vector<32x1xf32>
    %dot_general3A_167 = arith.constant dense<0.000000e+00> : vector<2000x1xf32>
    %dot_general3A_168 = tpu.matmul %max3A_163, %get3A_166, %dot_general3A_167 {dimension_numbers = #tpu.dot_dimension_numbers<[1], [0], [0], [1], [0, 0, 1, 1], [], []>, transpose_lhs_hint = false} : vector<2000x32xf32>, vector<32x1xf32>, vector<2000x1xf32> -> vector<2000x1xf32>
    %get3A_169 = arith.constant 0 : index
    %get3A_170 = arith.constant 0 : index
    %get3A_171 = vector.load %arg19[%get3A_169, %get3A_170] : memref<1x1xf32, #tpu.memory_space<vmem>>, vector<1x1xf32>
    %add3A_172 = vector.broadcast %get3A_171 : vector<1x1xf32> to vector<2000x1xf32>
    %add3A_173 = arith.addf %dot_general3A_168, %add3A_172 : vector<2000x1xf32>
    %logistic3A = arith.negf %add3A_173 : vector<2000x1xf32>
    %logistic3A_174 = math.exp %logistic3A : vector<2000x1xf32>
    %logistic3A_175 = arith.constant 1.000000e+00 : f32
    %logistic3A_176 = vector.broadcast %logistic3A_175 : f32 to vector<2000x1xf32>
    %logistic3A_177 = arith.addf %logistic3A_176, %logistic3A_174 : vector<2000x1xf32>
    %logistic3A_178 = arith.divf %logistic3A_176, %logistic3A_177 : vector<2000x1xf32>
    %mul3A_179 = arith.mulf %add3A_103, %add3A_103 : vector<2000x2xf32>
    %reduce_sum3A_180 = arith.constant dense<0.000000e+00> : vector<2000xf32>
    %reduce_sum3A_181 = vector.multi_reduction <add>, %mul3A_179, %reduce_sum3A_180 [1] : vector<2000x2xf32> to vector<2000xf32>
    %broadcast_in_dim3A_182 = vector.shape_cast %reduce_sum3A_181 : vector<2000xf32> to vector<2000x1xf32>
    %sqrt3A_183 = math.sqrt %broadcast_in_dim3A_182 : vector<2000x1xf32>
    %add3A_184 = arith.constant 9.99999993E-9 : f32
    %add3A_185 = vector.broadcast %add3A_184 : f32 to vector<2000x1xf32>
    %add3A_186 = arith.addf %sqrt3A_183, %add3A_185 : vector<2000x1xf32>
    %div3A_187 = vector.broadcast %add3A_186 : vector<2000x1xf32> to vector<2000x2xf32>
    %div3A_188 = arith.divf %add3A_103, %div3A_187 : vector<2000x2xf32>
    %mul3A_189 = vector.broadcast %logistic3A_178 : vector<2000x1xf32> to vector<2000x2xf32>
    %mul3A_190 = arith.mulf %div3A_188, %mul3A_189 : vector<2000x2xf32>
    %swap3A = arith.constant 0 : index
    %swap3A_191 = arith.constant 0 : index
    %swap3A_192 = vector.load %arg20[%swap3A, %swap3A_191] : memref<2000x2xf32, #tpu.memory_space<vmem>>, vector<2000x2xf32>
    tpu.vector_store %arg20[%swap3A, %swap3A_191], %mul3A_190 {strides = array<i32>} : memref<2000x2xf32, #tpu.memory_space<vmem>>, vector<2000x2xf32>,
    return
  }
  func.func @transform_0(%arg0: i32) -> (i32, i32, i32) {
    %c0_i32 = arith.constant 0 : i32
    %c0_i32_0 = arith.constant 0 : i32
    %c0_i32_1 = arith.constant 0 : i32
    return %c0_i32, %arg0, %c0_i32_0 : i32, i32, i32
  }
  func.func @transform_1(%arg0: i32) -> (i32, i32) {
    %c0_i32 = arith.constant 0 : i32
    %c0_i32_0 = arith.constant 0 : i32
    return %arg0, %c0_i32 : i32, i32
  }
  func.func @transform_2(%arg0: i32) -> (i32, i32) {
    %c0_i32 = arith.constant 0 : i32
    %c0_i32_0 = arith.constant 0 : i32
    return %arg0, %c0_i32 : i32, i32
  }
  func.func @transform_3(%arg0: i32) -> (i32, i32) {
    %c0_i32 = arith.constant 0 : i32
    %c0_i32_0 = arith.constant 0 : i32
    %c0_i32_1 = arith.constant 0 : i32
    return %c0_i32, %c0_i32_0 : i32, i32
  }
  func.func @transform_4(%arg0: i32) -> (i32, i32) {
    %c0_i32 = arith.constant 0 : i32
    %c0_i32_0 = arith.constant 0 : i32
    %c0_i32_1 = arith.constant 0 : i32
    return %c0_i32, %c0_i32_0 : i32, i32
  }
  func.func @transform_5(%arg0: i32) -> (i32, i32) {
    %c0_i32 = arith.constant 0 : i32
    %c0_i32_0 = arith.constant 0 : i32
    %c0_i32_1 = arith.constant 0 : i32
    return %c0_i32, %c0_i32_0 : i32, i32
  }
  func.func @transform_6(%arg0: i32) -> (i32, i32) {
    %c0_i32 = arith.constant 0 : i32
    %c0_i32_0 = arith.constant 0 : i32
    %c0_i32_1 = arith.constant 0 : i32
    return %c0_i32, %c0_i32_0 : i32, i32
  }
  func.func @transform_7(%arg0: i32) -> (i32, i32) {
    %c0_i32 = arith.constant 0 : i32
    %c0_i32_0 = arith.constant 0 : i32
    %c0_i32_1 = arith.constant 0 : i32
    return %c0_i32, %c0_i32_0 : i32, i32
  }
  func.func @transform_8(%arg0: i32) -> (i32, i32) {
    %c0_i32 = arith.constant 0 : i32
    %c0_i32_0 = arith.constant 0 : i32
    %c0_i32_1 = arith.constant 0 : i32
    return %c0_i32, %c0_i32_0 : i32, i32
  }
  func.func @transform_9(%arg0: i32) -> (i32, i32) {
    %c0_i32 = arith.constant 0 : i32
    %c0_i32_0 = arith.constant 0 : i32
    %c0_i32_1 = arith.constant 0 : i32
    return %c0_i32, %c0_i32_0 : i32, i32
  }
  func.func @transform_10(%arg0: i32) -> (i32, i32) {
    %c0_i32 = arith.constant 0 : i32
    %c0_i32_0 = arith.constant 0 : i32
    %c0_i32_1 = arith.constant 0 : i32
    return %c0_i32, %c0_i32_0 : i32, i32
  }
  func.func @transform_11(%arg0: i32) -> (i32, i32) {
    %c0_i32 = arith.constant 0 : i32
    %c0_i32_0 = arith.constant 0 : i32
    %c0_i32_1 = arith.constant 0 : i32
    return %c0_i32, %c0_i32_0 : i32, i32
  }
  func.func @transform_12(%arg0: i32) -> (i32, i32) {
    %c0_i32 = arith.constant 0 : i32
    %c0_i32_0 = arith.constant 0 : i32
    %c0_i32_1 = arith.constant 0 : i32
    return %c0_i32, %c0_i32_0 : i32, i32
  }
  func.func @transform_13(%arg0: i32) -> (i32, i32) {
    %c0_i32 = arith.constant 0 : i32
    %c0_i32_0 = arith.constant 0 : i32
    %c0_i32_1 = arith.constant 0 : i32
    return %c0_i32, %c0_i32_0 : i32, i32
  }
  func.func @transform_14(%arg0: i32) -> (i32, i32) {
    %c0_i32 = arith.constant 0 : i32
    %c0_i32_0 = arith.constant 0 : i32
    %c0_i32_1 = arith.constant 0 : i32
    return %c0_i32, %c0_i32_0 : i32, i32
  }
  func.func @transform_15(%arg0: i32) -> (i32, i32) {
    %c0_i32 = arith.constant 0 : i32
    %c0_i32_0 = arith.constant 0 : i32
    %c0_i32_1 = arith.constant 0 : i32
    return %c0_i32, %c0_i32_0 : i32, i32
  }
  func.func @transform_16(%arg0: i32) -> (i32, i32) {
    %c0_i32 = arith.constant 0 : i32
    %c0_i32_0 = arith.constant 0 : i32
    %c0_i32_1 = arith.constant 0 : i32
    return %c0_i32, %c0_i32_0 : i32, i32
  }
  func.func @transform_17(%arg0: i32) -> (i32, i32) {
    %c0_i32 = arith.constant 0 : i32
    %c0_i32_0 = arith.constant 0 : i32
    %c0_i32_1 = arith.constant 0 : i32
    return %c0_i32, %c0_i32_0 : i32, i32
  }
  func.func @transform_18(%arg0: i32) -> (i32, i32) {
    %c0_i32 = arith.constant 0 : i32
    %c0_i32_0 = arith.constant 0 : i32
    %c0_i32_1 = arith.constant 0 : i32
    return %c0_i32, %c0_i32_0 : i32, i32
  }
  func.func @transform_19(%arg0: i32) -> (i32, i32) {
    %c0_i32 = arith.constant 0 : i32
    %c0_i32_0 = arith.constant 0 : i32
    return %arg0, %c0_i32 : i32, i32
  }
}

</mosaic_0001>

<sc_bundles>
// kernel: kernel.10.cloned.1.call-start
scs
__scs_entry_jumppad:
0x0: {  	(pc) =	sbr.rel $0x88, $3  }
0x1: {  	(tag) =	ssettag $0x0;
	lr =	simm.s32 $0x1  }
0x2: {  	[smem:$0x3F84] =	sst lr;
	_ =	strace $0xD0000000  }
0x3: {  	_ = 	snop  }
0x4: {  	_ = 	snop  }
0x5: {  	_ = 	snop  }
0x6: {  	_ = 	snop  }
0x7: {  	_ = 	snop  }
__scs_overlays_trampoline_lowered:
0x8: {  	[smem:$0x3F93] =	sst s0  }
0x9: {  	[smem:$0x3F94] =	sst s1  }
0xa: {  	[smem:$0x3F95] =	sst s2  }
0xb: {  	[smem:$0x3F96] =	sst s3  }
0xc: {  	[smem:$0x3F97] =	sst s4  }
0xd: {  	[smem:$0x3F98] =	sst s5  }
0xe: {  	[smem:$0x3F99] =	sst s6  }
0xf: {  	[smem:$0x3F9A] =	sst s7  }
0x10: {  	[smem:$0x3F9B] =	sst s8  }
0x11: {  	[smem:$0x3F9C] =	sst s9;
	s0 =	simm.s32 @!p0 $0x0  }
0x12: {  	s1 =	sld [smem:$0x3F82];
	s0 =	simm.s32 @p0 $0x1  }
0x13: {  	[smem:$0x3F9D] =	sst s0;
	s0 =	simm.s32 @!p1 $0x0  }
0x14: {  	s2 =	sld [smem:$0x3F81];
	s0 =	simm.s32 @p1 $0x1  }
0x15: {  	[smem:$0x3F9E] =	sst s0;
	s0 =	simm.s32 @!p2 $0x0  }
0x16: {  	s3 =	sld [smem:$0x3FDB];
	s0 =	simm.s32 @p2 $0x1  }
0x17: {  	s4 =	simm.s32 $0x1BF5;
	[smem:$0x3FA0] =	sst s0  }
0x18: {  	s0 =	sld [smem:$0x3F83];
	_ =	swait.ge [sflag:s4], $0x0  }
0x19: {  	s7 =	sld [smem:$0x3F84]  }
0x1a: {  	s8 =	sadd.s32 $0xFFFFE003, lr  }
0x1b: {  	s9 =	sadd.s32 $0xFFFFFEF7, lr;
	s5 =	simm.s32 $0xFFFFFFFF;
	p2 =	slt.u32 s8, $0xFFFFF086  }
0x1c: {  	p1 =	slt.u32 s9, $0xF7A;
	s5 =	simm.s32 @!p2 $0x0  }
0x1d: {  	s5 =	simm.s32 @p1 $0x1;
	p0 =	seq.s32 s7, s2  }
0x1e: {  	s7 =	smul.u32 @!p0 $0xF7A, s2;
	p2 =	seq.s32 @!p0 s5, $0x0  }
0x1f: {  	s9 =	smul.u32 $0xF7A, s1;
	s8 =	simm.s32 @!p0 $0x1BF5;
	p2 =	por !p2, p0  }
0x20: {  	[sflag:s8] =	ssyncset.s32 @!p0 $0xFFFFF086;
	s6 =	sadd.s32 @!p0 s3, s7;
	s7 =	simm.s32 @!p0 $0x108  }
0x21: {  	s3 =	sadd.s32 s3, s9;
	s6 =	sadd.s32 @!p0 $0x88, s6;
	s7 =	simm.s32 @p2 $0x1082  }
0x22: {  	[simem:s7], [sflag:s8] =	dma.local @!p0 [hbm:s6], $0xF7A  }
0x23: {  	s9 =	sor.u32 $0xD0000000, s2;
	s6 =	simm.s32 $0x108;
	_ =	swait.ge @!p0 [sflag:s8], $0x0  }
0x24: {  	s3 =	sadd.s32 $0x88, s3;
	s6 =	simm.s32 @!p1 $0x1082;
	[sflag:s4] =	ssyncset.s32 $0xFFFFF086  }
0x25: {  	[simem:s6], [sflag:s4] =	dma.local [hbm:s3], $0xF7A  }
0x26: {  	[smem:$0x3F84] =	sst s1;
	(tag) =	ssettag s2;
	_ =	strace s9  }
0x27: {  	s1 =	sld [smem:$0x3F94]  }
0x28: {  	s2 =	sld [smem:$0x3F95]  }
0x29: {  	s4 =	sld [smem:$0x3F97]  }
0x2a: {  	p0 =	seq.s32 s5, $0x0;
	s5 =	sld [smem:$0x3F98]  }
0x2b: {  	s6 =	sld [smem:$0x3F99]  }
0x2c: {  	s7 =	sld [smem:$0x3F9A]  }
0x2d: {  	s3 =	simm.s32 $0x108;
	s8 =	sld [smem:$0x3F9B]  }
0x2e: {  	s3 =	simm.s32 @!p0 $0x1082;
	s9 =	sld [smem:$0x3F9C]  }
0x2f: {  	lr =	sadd.s32 s0, s3;
	s0 =	sld [smem:$0x3F93]  }
0x30: {  	s3 =	sld [smem:$0x3F96]  }
0x31: {  	[smem:$0x3F9F] =	sst s10  }
0x32: {  	s10 =	sld [smem:$0x3F9D];
	_ =	sdelay $0x3  }
0x33: {  	p0 =	seq.s32 s10, $0x1;
	s10 =	sld [smem:$0x3F9F];
	_ =	sdelay $0x3  }
0x34: {  	[smem:$0x3F9F] =	sst s10  }
0x35: {  	s10 =	sld [smem:$0x3F9E];
	_ =	sdelay $0x3  }
0x36: {  	p1 =	seq.s32 s10, $0x1;
	s10 =	sld [smem:$0x3F9F];
	_ =	sdelay $0x3  }
0x37: {  	[smem:$0x3F9F] =	sst s10  }
0x38: {  	s10 =	sld [smem:$0x3FA0]  }
0x39: {  	_ = 	snop;
	(pc) =	sbr.ind lr, $3  }
0x3a: {  	_ = 	snop  }
0x3b: {  	_ = 	snop  }
0x3c: {  	p2 =	seq.s32 s10, $0x1;
	s10 =	sld [smem:$0x3F9F]  }
0x3d: {  	_ =	shalt  }
0x3e: {  	_ =	shalt  }
0x3f: {  	_ =	shalt  }
0x40: {  	_ =	shalt  }
0x41: {  	_ =	shalt  }
0x42: {  	_ =	shalt  }
0x43: {  	_ =	shalt  }
0x44: {  	_ =	shalt  }
0x45: {  	_ =	shalt  }
0x46: {  	_ =	shalt  }
0x47: {  	_ =	shalt  }
0x48: {  	_ =	shalt  }
0x49: {  	_ =	shalt  }
0x4a: {  	_ =	shalt  }
0x4b: {  	_ =	shalt  }
0x4c: {  	_ =	shalt  }
0x4d: {  	_ =	shalt  }
0x4e: {  	_ =	shalt  }
0x4f: {  	_ =	shalt  }
0x50: {  	_ =	shalt  }
0x51: {  	_ =	shalt  }
0x52: {  	_ =	shalt  }
0x53: {  	_ =	shalt  }
0x54: {  	_ =	shalt  }
0x55: {  	_ =	shalt  }
0x56: {  	_ =	shalt  }
0x57: {  	_ =	shalt  }
0x58: {  	_ =	shalt  }
0x59: {  	_ =	shalt  }
0x5a: {  	_ =	shalt  }
0x5b: {  	_ =	shalt  }
0x5c: {  	_ =	shalt  }
0x5d: {  	_ =	shalt  }
0x5e: {  	_ =	shalt  }
0x5f: {  	_ =	shalt  }
0x60: {  	_ =	shalt  }
0x61: {  	_ =	shalt  }
0x62: {  	_ =	shalt  }
0x63: {  	_ =	shalt  }
0x64: {  	_ =	shalt  }
0x65: {  	_ =	shalt  }
0x66: {  	_ =	shalt  }
0x67: {  	_ =	shalt  }
0x68: {  	_ =	shalt  }
0x69: {  	_ =	shalt  }
0x6a: {  	_ =	shalt  }
0x6b: {  	_ =	shalt  }
0x6c: {  	_ =	shalt  }
0x6d: {  	_ =	shalt  }
0x6e: {  	_ =	shalt  }
0x6f: {  	_ =	shalt  }
0x70: {  	_ =	shalt  }
0x71: {  	_ =	shalt  }
0x72: {  	_ =	shalt  }
0x73: {  	_ =	shalt  }
0x74: {  	_ =	shalt  }
0x75: {  	_ =	shalt  }
0x76: {  	_ =	shalt  }
0x77: {  	_ =	shalt  }
0x78: {  	_ =	shalt  }
0x79: {  	_ =	shalt  }
0x7a: {  	_ =	shalt  }
0x7b: {  	_ =	shalt  }
0x7c: {  	_ =	shalt  }
0x7d: {  	_ =	shalt  }
0x7e: {  	_ =	shalt  }
0x7f: {  	_ =	shalt  }
0x80: {  	_ =	shalt  }
0x81: {  	_ =	shalt  }
0x82: {  	_ =	shalt  }
0x83: {  	_ =	shalt  }
0x84: {  	_ =	shalt  }
0x85: {  	_ =	shalt  }
0x86: {  	_ =	shalt  }
0x87: {  	_ =	shalt  }
.Lfunc_end0:
.L_simem_size_0:
called_computation_lowered:
.L_overlay_start_0:
0x88: {  	s2 =	sld [smem:$0x3FD9]  }
0x89: {  	s3 =	sld [smem:$0x3FFE];
	_ =	sdelay $0x1  }
0x8a: {  	s1 =	srdreg.scid  }
0x8b: {  	s0 =	sand.u32 $0x1, s1  }
0x8c: {  	s17 =	sshll.u32 s0, $0xA;
	s2 =	sadd.s32 s3, s2  }
0x8d: {  	s2 =	sadd.s32 s2, s17  }
0x8e: {  	[smem:$0x3FAB] =	sst s2  }
0x8f: {  	_ = 	snop  }
0x90: {  	s2 =	sld [smem:$0x3FD0];
	(tm) =	ssettm $0x1  }
0x91: {  	s18 =	sld [smem:$0x3FFB];
	_ =	sdelay $0x3  }
0x92: {  	_ =	strace s18  }
0x93: {  	s3 =	sld [smem:$0x3FFC];
	_ =	sdelay $0x3  }
0x94: {  	_ =	strace s3  }
0x95: {  	s3 =	sld [smem:$0x3FFD];
	_ =	sdelay $0x3  }
0x96: {  	_ =	strace s3  }
0x97: {  	_ =	strace $0x8FFFFFFF  }
0x98: {  	s19 =	sld [smem:$0x3FDB];
	_ =	sdelay $0x1  }
0x99: {  	s4 =	simm.s32 $_scs_section_size  }
0x9a: {  	s5 =	simm.s32 $_size__tile_overlayer_lowered;
	s6 =	simm.s32 $_tile_overlayer_lowered  }
0x9b: {  	s22 =	simm.s32 $0x1BFF;
	s21 =	sshll.u32 s6, $0x1;
	s3 =	sadd.s32 s4, s19  }
0x9c: {  	s7 =	simm.s32 $0x0;
	s20 =	sshll.u32 s5, $0x1;
	s5 =	sadd.s32 s21, s3  }
0x9d: {  	[timem:s7], [sflag:s22] =	dma.local [hbm:s5], s20  }
0x9e: {  	_ =	swait.ge [sflag:s22], s20  }
0x9f: {  	s4 =	ssub.s32 $0x0, s20;
	[sflag:s22] =	ssyncset.done $0x0  }
0xa0: {  	[sflag:s22] =	ssyncadd.s32 s4;
	_ =	sdelay $0x1  }
0xa1: {  	s23 =	simm.s32 $0x1B8B  }
0xa2: {  	_ =	swait.ge [sflag:s23], $0x1  }
0xa3: {  	[sflag:s23] =	ssyncset.done $0x0  }
0xa4: {  	s25 =	simm.s32 $0x1B8E;
	s24 =	sld [smem:$0x3FFE];
	[sflag:s23] =	ssyncadd.s32 $0xFFFFFFFF  }
0xa5: {  	s26 =	simm.s32 $execute0_lowered;
	[smem:$0x3FD2] =	sst s25  }
0xa6: {  	s5 =	sshll.u32 s26, $0x1;
	_ =	strace $0x80000046;
	[dreg:$0x1] =	wrdreg $0xFFFFFFFF  }
0xa7: {  	s28 =	simm.s32 $_size_execute0_lowered;
	s3 =	sadd.s32 s3, s5;
	[dreg:$0x0] =	wrdreg $0x0  }
0xa8: {  	s5 =	sshll.u32 s28, $0x1;
	[dreg:$0x2] =	wrdreg s3  }
0xa9: {  	[dreg:$0x3] =	wrdreg s5  }
0xaa: {  	[dreg:$0x4] =	wrdreg $0xC0  }
0xab: {  	_ =	task [dreg:s7], $0x5FFFF  }
0xac: {  	[dreg:$0x1] =	wrdreg $0xFFFFFFFF  }
0xad: {  	[dreg:$0x0] =	wrdreg $0x60  }
0xae: {  	[dreg:$0x2] =	wrdreg s24  }
0xaf: {  	[dreg:$0x3] =	wrdreg s2  }
0xb0: {  	[dreg:$0x4] =	wrdreg $0x27600  }
0xb1: {  	[dreg:$0x5] =	wrdreg $0x9  }
0xb2: {  	_ =	task.clear_ibuf [dreg:s7], $0x6FFFF;
	_ =	strace $0x90000046  }
0xb3: {  	s29 =	simm.s32 $0x9;
	_ =	strace $0x80000048  }
0xb4: {  	_ =	swait.ge [sflag:s29], $0x1  }
0xb5: {  	[sflag:s29] =	ssyncadd.s32 $0xFFFFFFFF  }
0xb6: {  	_ =	strace $0x90000048  }
0xb7: {  	_ =	sfence  }
0xb8: {  	s30 =	sld [smem:$0x0];
	_ =	sdelay $0x2  }
0xb9: {  	s31 =	sshll.u32 s1, $0xD;
	s1 =	sshrl.u32 s1, $0x2  }
0xba: {  	s3 =	sand.u32 $0x4000, s31;
	s1 =	sadd.s32 s1, s30  }
0xbb: {  	s0 =	sor.u32 s3, s0;
	s1 =	sshll.u32 s1, $0x11  }
0xbc: {  	s0 =	sor.u32 s1, s0  }
0xbd: {  	s0 =	sadd.s32 $0x8F2B, s0  }
0xbe: {  	[sflag:s0] =	ssyncadd.remote.s32 $0x1  }
0xbf: {  	_ =	sfence.sel $0xFFFF  }
0xc0: {  	[dreg:$0x0] =	wrdreg $0xFFFFFFFF;
	(pc) =	sbr.abs _section_cstart, $3  }
0xc1: {  	[dreg:$0x1] =	wrdreg $0xFFFFFFFF  }
0xc2: {  	_ =	task.clear_ibuf [dreg:s7], $0x2FFFF;
	_ =	strace $0x9FFFFFFF  }
0xc3: {  	(tm) =	ssettm $0x7FFFFFFF  }
tec
execute0_lowered:
.L_overlay_start_1:
0x0: {  	(tag) =	ssettag $0x1  }
0x1: {  	s4 =	rddreg [dreg:$0x0]  }
0x2: {  	s0 =	srdreg.scid;
	s1 =	rddreg [dreg:$0x1]  }
0x3: {  	s6 =	stileid.u32;
	s2 =	rddreg [dreg:$0x2];
	s3 =	simm.s32 $0x0  }
0x4: {  	s10 =	simm.s32 $0x2710;
	s11 =	simm.s32 $0x1;
	s12 =	simm.s32 $0x2  }
0x5: {  	s13 =	simm.s32 $0x3;
	s14 =	simm.s32 $0x4;
	s15 =	simm.s32 $0x5  }
0x6: {  	s16 =	simm.s32 $0x0;
	s5 =	sand.u32 $0x1, s0;
	[smem:$0x7FF] =	sst s3  }
0x7: {  	p0 =	sne.s32 s6, $0x0;
	s0 =	sshll.u32 s5, $0x4;
	s8 =	smul.u32 $0x4E2, s5  }
0x8: {  	s5 =	ssub.s32 $0x2, s5;
	s7 =	sor.u32 s6, s0;
	s0 =	rddreg [dreg:$0x3]  }
0x9: {  	s31 =	sshrl.u32 s5, $0x1;
	s7 =	smul.u32 $0x4E2, s7;
	s8 =	sadd.s32 s8, s4  }
0xa: {  	_ =	strace $0x80000047;
	s9 =	ssub.s32 s5, s31;
	s5 =	sadd.s32 $0xEA00, s8  }
0xb: {  	s6 =	smax.u32 s9, $0x1;
	s8 =	simm.s32 $0x6;
	s7 =	sadd.s32 s7, s4  }
0xc: {  	v0 =	vimm.f32 $1.000000000e+00;
	s9 =	simm.s32 $0x50;
	s4 =	sadd.s32 $0x4C00, s7;
	s7 =	sshrl.u32 @!p0 s2, $0x3  }
.LBB2_1:
0xd: {  	[tilespmem:$0x2710] =	vst v0  }
0xe: {  	[tilespmem:$0x2720] =	vst v0  }
0xf: {  	[tilespmem:$0x2730] =	vst v0  }
0x10: {  	[tilespmem:$0x2740] =	vst v0  }
0x11: {  	[tilespmem:$0x2750] =	vst v0;
	s17 =	simm.s32 @!p0 $0x1C06  }
0x12: {  	[spmem:s7], [sflag:s17] =	dma.local @!p0 [hbm:s1], $0x4E2  }
0x13: {  	s17 =	simm.s32 @!p0 $0x6  }
0x14: {  	_ =	swait.ge @!p0 [sflag:s17], $0x4E2  }
0x15: {  	[sflag:s17] =	ssyncset.done @!p0 $0x0  }
0x16: {  	[sflag:s17] =	ssyncadd.s32 @!p0 $0xFFFFFB1E  }
0x17: {  	[tilespmem:s3], [sflag:$0x6] =	stream.linear.gather [hbm4b:s4+s3], $0x2710, $0x38;
	[tilespmem:$0x29D8] =	vst v63  }
0x18: {  	_ =	swait.ge [sflag:s8], $0x2710  }
0x19: {  	[sflag:s8] =	ssyncset.done $0x0  }
0x1a: {  	[sflag:s8] =	ssyncadd.s32 $0xFFFFD8F0  }
0x1b: {  	s26 =	simm.s32 $0x0;
	[bflag:$0x0] =	sbarrier.arrive $0xFFFF  }
0x1c: {  	[spmem:s2] =	stream.indirect.scatter.add.f32 [tilespmem:s10], [sflag:$0x1], $0x1, s26, s9, $0xb8;
	[tilespmem:$0x29D8] =	vst v63  }
0x1d: {  	s28 =	simm.s32 $0x50  }
0x1e: {  	[spmem:s2] =	stream.indirect.scatter.add.f32 [tilespmem:s10], [sflag:$0x2], $0x1, s28, s9, $0xb8;
	[tilespmem:$0x29D8] =	vst v63  }
0x1f: {  	s29 =	simm.s32 $0xA0  }
0x20: {  	[spmem:s2] =	stream.indirect.scatter.add.f32 [tilespmem:s10], [sflag:$0x3], $0x1, s29, s9, $0xb8;
	[tilespmem:$0x29D8] =	vst v63  }
0x21: {  	s30 =	simm.s32 $0xF0  }
0x22: {  	[spmem:s2] =	stream.indirect.scatter.add.f32 [tilespmem:s10], [sflag:$0x4], $0x1, s30, s9, $0xb8;
	[tilespmem:$0x29D8] =	vst v63  }
0x23: {  	s31 =	simm.s32 $0x140  }
0x24: {  	[spmem:s2] =	stream.indirect.scatter.add.f32 [tilespmem:s10], [sflag:$0x5], $0x1, s31, s9, $0xb8;
	[tilespmem:$0x29D8] =	vst v63  }
0x25: {  	_ =	swait.ge [sflag:s11], $0x50  }
0x26: {  	[sflag:s11] =	ssyncset.done $0x0  }
0x27: {  	[sflag:s11] =	ssyncadd.s32 $0xFFFFFFB0  }
0x28: {  	_ =	swait.ge [sflag:s12], $0x50  }
0x29: {  	[sflag:s12] =	ssyncset.done $0x0  }
0x2a: {  	[sflag:s12] =	ssyncadd.s32 $0xFFFFFFB0  }
0x2b: {  	_ =	swait.ge [sflag:s13], $0x50  }
0x2c: {  	[sflag:s13] =	ssyncset.done $0x0  }
0x2d: {  	[sflag:s13] =	ssyncadd.s32 $0xFFFFFFB0  }
0x2e: {  	_ =	swait.ge [sflag:s14], $0x50  }
0x2f: {  	[sflag:s14] =	ssyncset.done $0x0  }
0x30: {  	[sflag:s14] =	ssyncadd.s32 $0xFFFFFFB0  }
0x31: {  	_ =	swait.ge [sflag:s15], $0x50  }
0x32: {  	s18 =	simm.s32 $0xC80;
	s17 =	simm.s32 $0x640;
	[sflag:s15] =	ssyncset.done $0x0  }
.LBB2_2:
0x33: {  	s19 =	sshra.s32 s17, $0x2  }
0x34: {  	[sflag:s15] =	ssyncadd.s32 $0xFFFFFFB0;
	s17 =	smov.u32 s18;
	s20 =	sadd.s32 $0x640, s18  }
0x35: {  	[spmem:s2] =	stream.indirect.scatter.add.f32 [tilespmem:s10], [sflag:$0x1], $0x1, s19, s9, $0xb8;
	[tilespmem:$0x29D8] =	vst v63  }
0x36: {  	p1 =	sne.s32 s18, $0x9600;
	s18 =	sadd.s32 $0x50, s19  }
0x37: {  	[spmem:s2] =	stream.indirect.scatter.add.f32 [tilespmem:s10], [sflag:$0x2], $0x1, s18, s9, $0xb8;
	[tilespmem:$0x29D8] =	vst v63  }
0x38: {  	s18 =	sadd.s32 $0xA0, s19  }
0x39: {  	[spmem:s2] =	stream.indirect.scatter.add.f32 [tilespmem:s10], [sflag:$0x3], $0x1, s18, s9, $0xb8;
	[tilespmem:$0x29D8] =	vst v63  }
0x3a: {  	s18 =	sadd.s32 $0xF0, s19  }
0x3b: {  	[spmem:s2] =	stream.indirect.scatter.add.f32 [tilespmem:s10], [sflag:$0x4], $0x1, s18, s9, $0xb8;
	[tilespmem:$0x29D8] =	vst v63  }
0x3c: {  	s18 =	sadd.s32 $0x140, s19  }
0x3d: {  	[spmem:s2] =	stream.indirect.scatter.add.f32 [tilespmem:s10], [sflag:$0x5], $0x1, s18, s9, $0xb8;
	[tilespmem:$0x29D8] =	vst v63  }
0x3e: {  	_ =	swait.ge [sflag:s11], $0x50  }
0x3f: {  	[sflag:s11] =	ssyncset.done $0x0  }
0x40: {  	[sflag:s11] =	ssyncadd.s32 $0xFFFFFFB0  }
0x41: {  	_ =	swait.ge [sflag:s12], $0x50  }
0x42: {  	[sflag:s12] =	ssyncset.done $0x0  }
0x43: {  	[sflag:s12] =	ssyncadd.s32 $0xFFFFFFB0  }
0x44: {  	_ =	swait.ge [sflag:s13], $0x50  }
0x45: {  	[sflag:s13] =	ssyncset.done $0x0  }
0x46: {  	[sflag:s13] =	ssyncadd.s32 $0xFFFFFFB0  }
.Ltmp0:
0x47: {  	_ =	swait.ge [sflag:s14], $0x50;
	(pc) =	sbr.rel @p1 .LBB2_2-.Ltmp0, $4  }
0x48: {  	[sflag:s14] =	ssyncset.done $0x0  }
0x49: {  	[sflag:s14] =	ssyncadd.s32 $0xFFFFFFB0  }
0x4a: {  	_ =	swait.ge [sflag:s15], $0x50  }
0x4b: {  	s18 =	smov.u32 s20;
	[sflag:s15] =	ssyncset.done $0x0  }
0x4c: {  	s17 =	sshra.s32 s17, $0x2;
	[sflag:s15] =	ssyncadd.s32 $0xFFFFFFB0  }
0x4d: {  	[spmem:s2] =	stream.indirect.scatter.add.f32 [tilespmem:s10], [sflag:$0x1], $0x1, s17, s9, $0xb8;
	[tilespmem:$0x29D8] =	vst v63  }
0x4e: {  	s18 =	sadd.s32 $0x50, s17  }
0x4f: {  	[spmem:s2] =	stream.indirect.scatter.add.f32 [tilespmem:s10], [sflag:$0x2], $0x1, s18, s9, $0xb8;
	[tilespmem:$0x29D8] =	vst v63  }
0x50: {  	s30 =	sadd.s32 $0xA0, s17  }
0x51: {  	[spmem:s2] =	stream.indirect.scatter.add.f32 [tilespmem:s10], [sflag:$0x3], $0x1, s30, s9, $0xb8;
	[tilespmem:$0x29D8] =	vst v63  }
0x52: {  	s31 =	sadd.s32 $0xF0, s17  }
0x53: {  	[spmem:s2] =	stream.indirect.scatter.add.f32 [tilespmem:s10], [sflag:$0x4], $0x1, s31, s9, $0xb8;
	[tilespmem:$0x29D8] =	vst v63  }
0x54: {  	s17 =	sadd.s32 $0x140, s17  }
0x55: {  	[spmem:s2] =	stream.indirect.scatter.add.f32 [tilespmem:s10], [sflag:$0x5], $0x1, s17, s9, $0xb8;
	[tilespmem:$0x29D8] =	vst v63  }
0x56: {  	_ =	swait.ge [sflag:s11], $0x50  }
0x57: {  	[sflag:s11] =	ssyncset.done $0x0  }
0x58: {  	[sflag:s11] =	ssyncadd.s32 $0xFFFFFFB0  }
0x59: {  	_ =	swait.ge [sflag:s12], $0x50  }
0x5a: {  	[sflag:s12] =	ssyncset.done $0x0  }
0x5b: {  	[sflag:s12] =	ssyncadd.s32 $0xFFFFFFB0  }
0x5c: {  	_ =	swait.ge [sflag:s13], $0x50  }
0x5d: {  	[sflag:s13] =	ssyncset.done $0x0  }
0x5e: {  	[sflag:s13] =	ssyncadd.s32 $0xFFFFFFB0  }
0x5f: {  	_ =	swait.ge [sflag:s14], $0x50  }
0x60: {  	[sflag:s14] =	ssyncset.done $0x0  }
0x61: {  	[sflag:s14] =	ssyncadd.s32 $0xFFFFFFB0  }
0x62: {  	_ =	swait.ge [sflag:s15], $0x50  }
0x63: {  	[sflag:s15] =	ssyncset.done $0x0  }
0x64: {  	s16 =	sadd.s32 $0x1, s16;
	[sflag:s15] =	ssyncadd.s32 $0xFFFFFFB0  }
0x65: {  	p1 =	sne.s32 s16, s6;
	s17 =	simm.s32 @!p0 $0x1C06;
	[bflag:$0x0] =	sbarrier.arrive $0xFFFF  }
0x66: {  	[hbm:s5], [sflag:s17] =	dma.local @!p0 [spmem:s7], $0x4E2  }
.Ltmp1:
0x67: {  	_ = 	snop;
	(pc) =	sbr.rel @p1 .LBB2_1-.Ltmp1, $4  }
0x68: {  	s17 =	simm.s32 @!p0 $0x6  }
0x69: {  	_ =	swait.ge @!p0 [sflag:s17], $0x4E2  }
0x6a: {  	[sflag:s17] =	ssyncset.done @!p0 $0x0  }
0x6b: {  	[sflag:s17] =	ssyncadd.s32 @!p0 $0xFFFFFB1E  }
0x6c: {  	_ =	sfence.sel $0x180000  }
0x6d: {  	[bflag:$0x0] =	sbarrier.arrive $0xFFFF  }
0x6e: {  	_ =	strace $0x90000047  }
0x6f: {  	s0 =	sadd.s32 @!p0 $0x100000, s0;
	[bflag:$0x2] =	sbarrier.arrive $0xFFFF  }
0x70: {  	[sflag:s0] =	ssyncadd.tile.s32 @!p0 $0x1;
	_ =	shalt  }
.Lfunc_end2:
_tile_overlayer_lowered:
.L_overlay_start_2:
0x71: {  	(tag) =	ssettag $0x2  }
0x72: {  	s0 =	rddreg [dreg:$0x0];
	s2 =	stileid.u32  }
0x73: {  	s1 =	rddreg [dreg:$0x1];
	p0 =	sne.s32 s2, $0x0  }
0x74: {  	s3 =	rddreg [dreg:$0x2];
	[bflag:$0x3] =	sbarrier.arrive $0xFFFF;
	s2 =	simm.s32 @!p0 $0x1C06  }
0x75: {  	[timem:s3], [sflag:s2] =	dma.local @!p0 [hbm:s0], s1  }
0x76: {  	s0 =	simm.s32 @!p0 $0x6  }
0x77: {  	_ =	swait.ge @!p0 [sflag:s0], s1  }
0x78: {  	s1 =	ssub.s32 @!p0 $0x0, s1;
	[sflag:s0] =	ssyncset.done @!p0 $0x0  }
0x79: {  	[sflag:s0] =	ssyncadd.s32 @!p0 s1  }
0x7a: {  	[bflag:$0x3] =	sbarrier.arrive $0xFFFF  }
0x7b: {  	_ =	shalt  }

// kernel: kernel.13.cloned.1.call-start
scs
__scs_entry_jumppad:
0x0: {  	(pc) =	sbr.rel $0x88, $3  }
0x1: {  	(tag) =	ssettag $0x0;
	lr =	simm.s32 $0x1  }
0x2: {  	[smem:$0x3F84] =	sst lr;
	_ =	strace $0xD0000000  }
0x3: {  	_ = 	snop  }
0x4: {  	_ = 	snop  }
0x5: {  	_ = 	snop  }
0x6: {  	_ = 	snop  }
0x7: {  	_ = 	snop  }
__scs_overlays_trampoline_lowered:
0x8: {  	[smem:$0x3F93] =	sst s0  }
0x9: {  	[smem:$0x3F94] =	sst s1  }
0xa: {  	[smem:$0x3F95] =	sst s2  }
0xb: {  	[smem:$0x3F96] =	sst s3  }
0xc: {  	[smem:$0x3F97] =	sst s4  }
0xd: {  	[smem:$0x3F98] =	sst s5  }
0xe: {  	[smem:$0x3F99] =	sst s6  }
0xf: {  	[smem:$0x3F9A] =	sst s7  }
0x10: {  	[smem:$0x3F9B] =	sst s8  }
0x11: {  	[smem:$0x3F9C] =	sst s9;
	s0 =	simm.s32 @!p0 $0x0  }
0x12: {  	s1 =	sld [smem:$0x3F82];
	s0 =	simm.s32 @p0 $0x1  }
0x13: {  	[smem:$0x3F9D] =	sst s0;
	s0 =	simm.s32 @!p1 $0x0  }
0x14: {  	s2 =	sld [smem:$0x3F81];
	s0 =	simm.s32 @p1 $0x1  }
0x15: {  	[smem:$0x3F9E] =	sst s0;
	s0 =	simm.s32 @!p2 $0x0  }
0x16: {  	s3 =	sld [smem:$0x3FDB];
	s0 =	simm.s32 @p2 $0x1  }
0x17: {  	s4 =	simm.s32 $0x1BF5;
	[smem:$0x3FA0] =	sst s0  }
0x18: {  	s0 =	sld [smem:$0x3F83];
	_ =	swait.ge [sflag:s4], $0x0  }
0x19: {  	s7 =	sld [smem:$0x3F84]  }
0x1a: {  	s8 =	sadd.s32 $0xFFFFE003, lr  }
0x1b: {  	s9 =	sadd.s32 $0xFFFFFEF7, lr;
	s5 =	simm.s32 $0xFFFFFFFF;
	p2 =	slt.u32 s8, $0xFFFFF086  }
0x1c: {  	p1 =	slt.u32 s9, $0xF7A;
	s5 =	simm.s32 @!p2 $0x0  }
0x1d: {  	s5 =	simm.s32 @p1 $0x1;
	p0 =	seq.s32 s7, s2  }
0x1e: {  	s7 =	smul.u32 @!p0 $0xF7A, s2;
	p2 =	seq.s32 @!p0 s5, $0x0  }
0x1f: {  	s9 =	smul.u32 $0xF7A, s1;
	s8 =	simm.s32 @!p0 $0x1BF5;
	p2 =	por !p2, p0  }
0x20: {  	[sflag:s8] =	ssyncset.s32 @!p0 $0xFFFFF086;
	s6 =	sadd.s32 @!p0 s3, s7;
	s7 =	simm.s32 @!p0 $0x108  }
0x21: {  	s3 =	sadd.s32 s3, s9;
	s6 =	sadd.s32 @!p0 $0x88, s6;
	s7 =	simm.s32 @p2 $0x1082  }
0x22: {  	[simem:s7], [sflag:s8] =	dma.local @!p0 [hbm:s6], $0xF7A  }
0x23: {  	s9 =	sor.u32 $0xD0000000, s2;
	s6 =	simm.s32 $0x108;
	_ =	swait.ge @!p0 [sflag:s8], $0x0  }
0x24: {  	s3 =	sadd.s32 $0x88, s3;
	s6 =	simm.s32 @!p1 $0x1082;
	[sflag:s4] =	ssyncset.s32 $0xFFFFF086  }
0x25: {  	[simem:s6], [sflag:s4] =	dma.local [hbm:s3], $0xF7A  }
0x26: {  	[smem:$0x3F84] =	sst s1;
	(tag) =	ssettag s2;
	_ =	strace s9  }
0x27: {  	s1 =	sld [smem:$0x3F94]  }
0x28: {  	s2 =	sld [smem:$0x3F95]  }
0x29: {  	s4 =	sld [smem:$0x3F97]  }
0x2a: {  	p0 =	seq.s32 s5, $0x0;
	s5 =	sld [smem:$0x3F98]  }
0x2b: {  	s6 =	sld [smem:$0x3F99]  }
0x2c: {  	s7 =	sld [smem:$0x3F9A]  }
0x2d: {  	s3 =	simm.s32 $0x108;
	s8 =	sld [smem:$0x3F9B]  }
0x2e: {  	s3 =	simm.s32 @!p0 $0x1082;
	s9 =	sld [smem:$0x3F9C]  }
0x2f: {  	lr =	sadd.s32 s0, s3;
	s0 =	sld [smem:$0x3F93]  }
0x30: {  	s3 =	sld [smem:$0x3F96]  }
0x31: {  	[smem:$0x3F9F] =	sst s10  }
0x32: {  	s10 =	sld [smem:$0x3F9D];
	_ =	sdelay $0x3  }
0x33: {  	p0 =	seq.s32 s10, $0x1;
	s10 =	sld [smem:$0x3F9F];
	_ =	sdelay $0x3  }
0x34: {  	[smem:$0x3F9F] =	sst s10  }
0x35: {  	s10 =	sld [smem:$0x3F9E];
	_ =	sdelay $0x3  }
0x36: {  	p1 =	seq.s32 s10, $0x1;
	s10 =	sld [smem:$0x3F9F];
	_ =	sdelay $0x3  }
0x37: {  	[smem:$0x3F9F] =	sst s10  }
0x38: {  	s10 =	sld [smem:$0x3FA0]  }
0x39: {  	_ = 	snop;
	(pc) =	sbr.ind lr, $3  }
0x3a: {  	_ = 	snop  }
0x3b: {  	_ = 	snop  }
0x3c: {  	p2 =	seq.s32 s10, $0x1;
	s10 =	sld [smem:$0x3F9F]  }
0x3d: {  	_ =	shalt  }
0x3e: {  	_ =	shalt  }
0x3f: {  	_ =	shalt  }
0x40: {  	_ =	shalt  }
0x41: {  	_ =	shalt  }
0x42: {  	_ =	shalt  }
0x43: {  	_ =	shalt  }
0x44: {  	_ =	shalt  }
0x45: {  	_ =	shalt  }
0x46: {  	_ =	shalt  }
0x47: {  	_ =	shalt  }
0x48: {  	_ =	shalt  }
0x49: {  	_ =	shalt  }
0x4a: {  	_ =	shalt  }
0x4b: {  	_ =	shalt  }
0x4c: {  	_ =	shalt  }
0x4d: {  	_ =	shalt  }
0x4e: {  	_ =	shalt  }
0x4f: {  	_ =	shalt  }
0x50: {  	_ =	shalt  }
0x51: {  	_ =	shalt  }
0x52: {  	_ =	shalt  }
0x53: {  	_ =	shalt  }
0x54: {  	_ =	shalt  }
0x55: {  	_ =	shalt  }
0x56: {  	_ =	shalt  }
0x57: {  	_ =	shalt  }
0x58: {  	_ =	shalt  }
0x59: {  	_ =	shalt  }
0x5a: {  	_ =	shalt  }
0x5b: {  	_ =	shalt  }
0x5c: {  	_ =	shalt  }
0x5d: {  	_ =	shalt  }
0x5e: {  	_ =	shalt  }
0x5f: {  	_ =	shalt  }
0x60: {  	_ =	shalt  }
0x61: {  	_ =	shalt  }
0x62: {  	_ =	shalt  }
0x63: {  	_ =	shalt  }
0x64: {  	_ =	shalt  }
0x65: {  	_ =	shalt  }
0x66: {  	_ =	shalt  }
0x67: {  	_ =	shalt  }
0x68: {  	_ =	shalt  }
0x69: {  	_ =	shalt  }
0x6a: {  	_ =	shalt  }
0x6b: {  	_ =	shalt  }
0x6c: {  	_ =	shalt  }
0x6d: {  	_ =	shalt  }
0x6e: {  	_ =	shalt  }
0x6f: {  	_ =	shalt  }
0x70: {  	_ =	shalt  }
0x71: {  	_ =	shalt  }
0x72: {  	_ =	shalt  }
0x73: {  	_ =	shalt  }
0x74: {  	_ =	shalt  }
0x75: {  	_ =	shalt  }
0x76: {  	_ =	shalt  }
0x77: {  	_ =	shalt  }
0x78: {  	_ =	shalt  }
0x79: {  	_ =	shalt  }
0x7a: {  	_ =	shalt  }
0x7b: {  	_ =	shalt  }
0x7c: {  	_ =	shalt  }
0x7d: {  	_ =	shalt  }
0x7e: {  	_ =	shalt  }
0x7f: {  	_ =	shalt  }
0x80: {  	_ =	shalt  }
0x81: {  	_ =	shalt  }
0x82: {  	_ =	shalt  }
0x83: {  	_ =	shalt  }
0x84: {  	_ =	shalt  }
0x85: {  	_ =	shalt  }
0x86: {  	_ =	shalt  }
0x87: {  	_ =	shalt  }
.Lfunc_end0:
.L_simem_size_0:
called_computation.1_lowered:
.L_overlay_start_0:
0x88: {  	s2 =	sld [smem:$0x3FD9]  }
0x89: {  	s3 =	sld [smem:$0x3FFE];
	_ =	sdelay $0x1  }
0x8a: {  	s1 =	srdreg.scid  }
0x8b: {  	s0 =	sand.u32 $0x1, s1  }
0x8c: {  	s16 =	sshll.u32 s0, $0xA;
	s2 =	sadd.s32 s3, s2  }
0x8d: {  	s2 =	sadd.s32 s2, s16  }
0x8e: {  	[smem:$0x3FAB] =	sst s2  }
0x8f: {  	_ = 	snop  }
0x90: {  	(tm) =	ssettm $0x1  }
0x91: {  	s17 =	sld [smem:$0x3FFB];
	_ =	sdelay $0x3  }
0x92: {  	_ =	strace s17  }
0x93: {  	s2 =	sld [smem:$0x3FFC];
	_ =	sdelay $0x3  }
0x94: {  	_ =	strace s2  }
0x95: {  	s2 =	sld [smem:$0x3FFD];
	_ =	sdelay $0x3  }
0x96: {  	_ =	strace s2  }
0x97: {  	_ =	strace $0x8FFFFFFF  }
0x98: {  	s18 =	sld [smem:$0x3FDB];
	_ =	sdelay $0x1  }
0x99: {  	s19 =	simm.s32 $_scs_section_size  }
0x9a: {  	s4 =	simm.s32 $_size__tile_overlayer_lowered;
	s5 =	simm.s32 $_tile_overlayer_lowered  }
0x9b: {  	s22 =	simm.s32 $0x1BFF;
	s21 =	sshll.u32 s5, $0x1;
	s2 =	sadd.s32 s19, s18  }
0x9c: {  	s6 =	simm.s32 $0x0;
	s20 =	sshll.u32 s4, $0x1;
	s4 =	sadd.s32 s21, s2  }
0x9d: {  	[timem:s6], [sflag:s22] =	dma.local [hbm:s4], s20  }
0x9e: {  	_ =	swait.ge [sflag:s22], s20  }
0x9f: {  	s3 =	ssub.s32 $0x0, s20;
	[sflag:s22] =	ssyncset.done $0x0  }
0xa0: {  	[sflag:s22] =	ssyncadd.s32 s3;
	_ =	sdelay $0x1  }
0xa1: {  	s23 =	simm.s32 $0x1B8B  }
0xa2: {  	_ =	swait.ge [sflag:s23], $0x1  }
0xa3: {  	[sflag:s23] =	ssyncset.done $0x0  }
0xa4: {  	s25 =	simm.s32 $0x1B8E;
	s24 =	sld [smem:$0x3FFE];
	[sflag:s23] =	ssyncadd.s32 $0xFFFFFFFF  }
0xa5: {  	s26 =	simm.s32 $execute0_lowered;
	[smem:$0x3FD2] =	sst s25  }
0xa6: {  	s4 =	sshll.u32 s26, $0x1;
	_ =	strace $0x80000049;
	[dreg:$0x1] =	wrdreg $0xFFFFFFFF  }
0xa7: {  	s28 =	simm.s32 $_size_execute0_lowered;
	s2 =	sadd.s32 s2, s4;
	[dreg:$0x0] =	wrdreg $0x0  }
0xa8: {  	s4 =	sshll.u32 s28, $0x1;
	[dreg:$0x2] =	wrdreg s2  }
0xa9: {  	[dreg:$0x3] =	wrdreg s4  }
0xaa: {  	[dreg:$0x4] =	wrdreg $0xC0  }
0xab: {  	_ =	task [dreg:s6], $0x5FFFF  }
0xac: {  	[dreg:$0x1] =	wrdreg $0xFFFFFFFF  }
0xad: {  	[dreg:$0x0] =	wrdreg $0x60  }
0xae: {  	[dreg:$0x2] =	wrdreg s24  }
0xaf: {  	[dreg:$0x3] =	wrdreg $0x14A000  }
0xb0: {  	[dreg:$0x4] =	wrdreg $0x9  }
0xb1: {  	_ =	task.clear_ibuf [dreg:s6], $0x5FFFF;
	_ =	strace $0x90000049  }
0xb2: {  	s29 =	simm.s32 $0x9;
	_ =	strace $0x8000004B  }
0xb3: {  	_ =	swait.ge [sflag:s29], $0x1  }
0xb4: {  	[sflag:s29] =	ssyncadd.s32 $0xFFFFFFFF  }
0xb5: {  	_ =	strace $0x9000004B  }
0xb6: {  	_ =	sfence  }
0xb7: {  	s30 =	sld [smem:$0x0];
	_ =	sdelay $0x2  }
0xb8: {  	s31 =	sshll.u32 s1, $0xD;
	s1 =	sshrl.u32 s1, $0x2  }
0xb9: {  	s3 =	sand.u32 $0x4000, s31;
	s1 =	sadd.s32 s1, s30  }
0xba: {  	s0 =	sor.u32 s3, s0;
	s1 =	sshll.u32 s1, $0x11  }
0xbb: {  	s0 =	sor.u32 s1, s0  }
0xbc: {  	s0 =	sadd.s32 $0x8F2B, s0  }
0xbd: {  	[sflag:s0] =	ssyncadd.remote.s32 $0x1  }
0xbe: {  	_ =	sfence.sel $0xFFFF  }
0xbf: {  	[dreg:$0x0] =	wrdreg $0xFFFFFFFF;
	(pc) =	sbr.abs _section_cstart, $3  }
0xc0: {  	[dreg:$0x1] =	wrdreg $0xFFFFFFFF  }
0xc1: {  	_ =	task.clear_ibuf [dreg:s6], $0x2FFFF;
	_ =	strace $0x9FFFFFFF  }
0xc2: {  	(tm) =	ssettm $0x7FFFFFFF  }
0xc3: {  	_ =	shalt  }
tec
execute0_lowered:
.L_overlay_start_1:
0x0: {  	(tag) =	ssettag $0x1  }
0x1: {  	s0 =	srdreg.scid  }
0x2: {  	s2 =	rddreg [dreg:$0x0];
	s4 =	stileid.u32  }
0x3: {  	s1 =	rddreg [dreg:$0x1];
	s6 =	simm.s32 $0x0;
	s13 =	simm.s32 $0x11  }
0x4: {  	s16 =	simm.s32 $0x7D;
	s17 =	simm.s32 $0x5000;
	s18 =	simm.s32 $0x6F40  }
0x5: {  	s19 =	simm.s32 $0x8E80;
	s20 =	simm.s32 $0xADC0;
	s28 =	simm.s32 $0x3  }
0x6: {  	s29 =	simm.s32 $0x4;
	s30 =	simm.s32 $0x5;
	s31 =	simm.s32 $0x6  }
0x7: {  	s15 =	simm.s32 $0x8;
	s11 =	simm.s32 $0xF;
	s10 =	simm.s32 $0x10  }
0x8: {  	s0 =	sand.u32 $0x1, s0;
	[smem:$0x7FF] =	sst s6;
	s21 =	smul.u32 $0x9C00, s4  }
0x9: {  	s22 =	sshll.u32 s4, $0x6;
	p0 =	sne.s32 s4, $0x0;
	s3 =	sshll.u32 s0, $0x4  }
0xa: {  	_ =	strace $0x8000004A;
	s7 =	smul.u32 $0x13880, s0;
	s0 =	ssub.s32 $0x2, s0  }
0xb: {  	s12 =	sor.u32 $0x1C11, s22;
	s22 =	simm.s32 $0xEC40;
	s3 =	sor.u32 s4, s3  }
0xc: {  	s8 =	sshrl.u32 s21, $0x3;
	s9 =	sshrl.u32 s0, $0x1;
	s6 =	sadd.s32 s21, s1  }
0xd: {  	s21 =	simm.s32 $0xCD00;
	s4 =	simm.s32 $0xD;
	[dreg:$0x5] =	wrdreg s12  }
0xe: {  	s5 =	smul.u32 $0x500, s3;
	s3 =	sadd.s32 $0x23400, s2;
	[dreg:$0x3] =	wrdreg s8  }
0xf: {  	s8 =	sadd.s32 s8, s2;
	s7 =	sadd.s32 s7, s2;
	s0 =	ssub.s32 s0, s9  }
0x10: {  	s26 =	sshrl.u32 s6, $0x3;
	s9 =	simm.s32 $0xE;
	s6 =	simm.s32 $0x0  }
0x11: {  	s8 =	sadd.s32 $0x36E00, s8;
	s25 =	sadd.s32 $0x4A800, s7;
	[dreg:$0xb] =	wrdreg s26  }
0x12: {  	s0 =	smax.u32 s0, $0x1;
	s26 =	simm.s32 $0x2;
	[dreg:$0xd] =	wrdreg s6  }
0x13: {  	s7 =	simm.s32 $0xB;
	s5 =	sadd.s32 s5, s2;
	[dreg:$0x4] =	wrdreg s8  }
0x14: {  	s8 =	sadd.s32 $0x9C000, s1;
	s2 =	sadd.s32 $0x4A600, s2;
	[dreg:$0x9] =	wrdreg s25  }
0x15: {  	[dreg:$0xa] =	wrdreg s0;
	s25 =	simm.s32 $0x1;
	s0 =	simm.s32 $0x7  }
0x16: {  	[dreg:$0x6] =	wrdreg s2;
	s23 =	sadd.s32 $0xF400, s5;
	s24 =	sadd.s32 $0x19400, s5  }
0x17: {  	s14 =	sshrl.u32 @!p0 s8, $0x3;
	s2 =	simm.s32 $0x9;
	[dreg:$0x7] =	wrdreg s23  }
0x18: {  	s5 =	simm.s32 $0xA;
	s8 =	simm.s32 $0xC;
	[dreg:$0x8] =	wrdreg s24  }
0x19: {  	s23 =	simm.s32 $0x10B80;
	s24 =	simm.s32 $0x12AC0;
	[dreg:$0xc] =	wrdreg s14  }
.LBB2_1:
0x1a: {  	s6 =	rddreg [dreg:$0x4]  }
0x1b: {  	s14 =	rddreg [dreg:$0xb]  }
0x1c: {  	[spmem:s14], [sflag:s12] =	dma.local [hbm:s6], $0x1380  }
0x1d: {  	_ =	swait.ge [sflag:s13], $0x1380  }
0x1e: {  	[sflag:s13] =	ssyncset.done $0x0;
	s6 =	rddreg [dreg:$0x6]  }
0x1f: {  	s14 =	rddreg [dreg:$0xc];
	[sflag:s13] =	ssyncadd.s32 $0xFFFFEC80  }
0x20: {  	[spmem:s14], [sflag:s12] =	dma.local @!p0 [hbm:s6], $0x80  }
0x21: {  	s6 =	simm.s32 @!p0 $0x11  }
0x22: {  	_ =	swait.ge @!p0 [sflag:s6], $0x80  }
0x23: {  	[sflag:s6] =	ssyncset.done @!p0 $0x0  }
0x24: {  	s14 =	rddreg [dreg:$0x7];
	[sflag:s6] =	ssyncadd.s32 @!p0 $0xFFFFFF80;
	s6 =	simm.s32 $0x0  }
0x25: {  	[tilespmem:s6], [sflag:$0x11] =	stream.linear.gather [hbm4b:s14+s6], $0x2800, $0x38;
	[tilespmem:$0x1E640] =	vst v63  }
0x26: {  	_ =	swait.ge [sflag:s13], $0x2800  }
0x27: {  	[sflag:s13] =	ssyncset.done $0x0  }
0x28: {  	s14 =	simm.s32 $0x2800;
	s12 =	rddreg [dreg:$0x8];
	[sflag:s13] =	ssyncadd.s32 $0xFFFFD800  }
0x29: {  	[tilespmem:s14], [sflag:$0x11] =	stream.linear.gather [hbm4b:s12+s6], $0x2800, $0x38;
	[tilespmem:$0x1E640] =	vst v63  }
0x2a: {  	_ =	swait.ge [sflag:s13], $0x2800  }
0x2b: {  	[sflag:s13] =	ssyncset.done $0x0  }
0x2c: {  	[sflag:s13] =	ssyncadd.s32 $0xFFFFD800  }
0x2d: {  	s14 =	simm.s32 $0x0;
	[bflag:$0x0] =	sbarrier.arrive $0xFFFF  }
0x2e: {  	[tilespmem:s17], [sflag:$0x1] =	stream.indirect.gather [hbm4b:s3+s16], $0x40, s14, s16, $0xb8;
	[tilespmem:$0x1E640] =	vst v63  }
0x2f: {  	s12 =	simm.s32 $0x80  }
0x30: {  	[tilespmem:s18], [sflag:$0x2] =	stream.indirect.gather [hbm4b:s3+s16], $0x40, s12, s16, $0xb8;
	[tilespmem:$0x1E640] =	vst v63  }
0x31: {  	s13 =	simm.s32 $0x100  }
0x32: {  	[tilespmem:s19], [sflag:$0x3] =	stream.indirect.gather [hbm4b:s3+s16], $0x40, s13, s16, $0xb8;
	[tilespmem:$0x1E640] =	vst v63  }
0x33: {  	s14 =	simm.s32 $0x180  }
0x34: {  	[tilespmem:s20], [sflag:$0x4] =	stream.indirect.gather [hbm4b:s3+s16], $0x40, s14, s16, $0xb8;
	[tilespmem:$0x1E640] =	vst v63  }
0x35: {  	s12 =	simm.s32 $0x200  }
0x36: {  	[tilespmem:s21], [sflag:$0x5] =	stream.indirect.gather [hbm4b:s3+s16], $0x40, s12, s16, $0xb8;
	[tilespmem:$0x1E640] =	vst v63  }
0x37: {  	s13 =	simm.s32 $0x280  }
0x38: {  	[tilespmem:s22], [sflag:$0x6] =	stream.indirect.gather [hbm4b:s3+s16], $0x40, s13, s16, $0xb8;
	[tilespmem:$0x1E640] =	vst v63  }
0x39: {  	s14 =	simm.s32 $0x300  }
0x3a: {  	[tilespmem:s23], [sflag:$0x7] =	stream.indirect.gather [hbm4b:s3+s16], $0x40, s14, s16, $0xb8;
	[tilespmem:$0x1E640] =	vst v63  }
0x3b: {  	s12 =	simm.s32 $0x380  }
0x3c: {  	[tilespmem:s24], [sflag:$0x8] =	stream.indirect.gather [hbm4b:s3+s16], $0x40, s12, s16, $0xb8;
	[tilespmem:$0x1E640] =	vst v63  }
0x3d: {  	_ =	swait.ge [sflag:s25], $0x1F40  }
0x3e: {  	[sflag:s25] =	ssyncset.done $0x0  }
0x3f: {  	s13 =	simm.s32 $0x2800;
	[sflag:s25] =	ssyncadd.s32 $0xFFFFE0C0  }
0x40: {  	[spmem:s1] =	stream.indirect.scatter.add.f32 [tilespmem:s17], [sflag:$0x9], $0x40, s13, s16, $0xb8;
	[tilespmem:$0x1E640] =	vst v63  }
0x41: {  	_ =	swait.ge [sflag:s26], $0x1F40  }
0x42: {  	[sflag:s26] =	ssyncset.done $0x0  }
0x43: {  	s14 =	simm.s32 $0x2880;
	[sflag:s26] =	ssyncadd.s32 $0xFFFFE0C0  }
0x44: {  	[spmem:s1] =	stream.indirect.scatter.add.f32 [tilespmem:s18], [sflag:$0xA], $0x40, s14, s16, $0xb8;
	[tilespmem:$0x1E640] =	vst v63  }
0x45: {  	_ =	swait.ge [sflag:s28], $0x1F40  }
0x46: {  	[sflag:s28] =	ssyncset.done $0x0  }
0x47: {  	s12 =	simm.s32 $0x2900;
	[sflag:s28] =	ssyncadd.s32 $0xFFFFE0C0  }
0x48: {  	[spmem:s1] =	stream.indirect.scatter.add.f32 [tilespmem:s19], [sflag:$0xB], $0x40, s12, s16, $0xb8;
	[tilespmem:$0x1E640] =	vst v63  }
0x49: {  	_ =	swait.ge [sflag:s29], $0x1F40  }
0x4a: {  	[sflag:s29] =	ssyncset.done $0x0  }
0x4b: {  	s13 =	simm.s32 $0x2980;
	[sflag:s29] =	ssyncadd.s32 $0xFFFFE0C0  }
0x4c: {  	[spmem:s1] =	stream.indirect.scatter.add.f32 [tilespmem:s20], [sflag:$0xC], $0x40, s13, s16, $0xb8;
	[tilespmem:$0x1E640] =	vst v63  }
0x4d: {  	_ =	swait.ge [sflag:s30], $0x1F40  }
0x4e: {  	[sflag:s30] =	ssyncset.done $0x0  }
0x4f: {  	s14 =	simm.s32 $0x2A00;
	[sflag:s30] =	ssyncadd.s32 $0xFFFFE0C0  }
0x50: {  	[spmem:s1] =	stream.indirect.scatter.add.f32 [tilespmem:s21], [sflag:$0xD], $0x40, s14, s16, $0xb8;
	[tilespmem:$0x1E640] =	vst v63  }
0x51: {  	_ =	swait.ge [sflag:s31], $0x1F40  }
0x52: {  	[sflag:s31] =	ssyncset.done $0x0  }
0x53: {  	s12 =	simm.s32 $0x2A80;
	[sflag:s31] =	ssyncadd.s32 $0xFFFFE0C0  }
0x54: {  	[spmem:s1] =	stream.indirect.scatter.add.f32 [tilespmem:s22], [sflag:$0xE], $0x40, s12, s16, $0xb8;
	[tilespmem:$0x1E640] =	vst v63  }
0x55: {  	_ =	swait.ge [sflag:s0], $0x1F40  }
0x56: {  	[sflag:s0] =	ssyncset.done $0x0  }
0x57: {  	s13 =	simm.s32 $0x2B00;
	[sflag:s0] =	ssyncadd.s32 $0xFFFFE0C0  }
0x58: {  	[spmem:s1] =	stream.indirect.scatter.add.f32 [tilespmem:s23], [sflag:$0xF], $0x40, s13, s16, $0xb8;
	[tilespmem:$0x1E640] =	vst v63  }
0x59: {  	_ =	swait.ge [sflag:s15], $0x1F40  }
0x5a: {  	[sflag:s15] =	ssyncset.done $0x0  }
0x5b: {  	s14 =	simm.s32 $0x2B80;
	[sflag:s15] =	ssyncadd.s32 $0xFFFFE0C0  }
0x5c: {  	[spmem:s1] =	stream.indirect.scatter.add.f32 [tilespmem:s24], [sflag:$0x10], $0x40, s14, s16, $0xb8;
	[tilespmem:$0x1E640] =	vst v63  }
0x5d: {  	_ =	swait.ge [sflag:s2], $0x1F40  }
0x5e: {  	[sflag:s2] =	ssyncset.done $0x0  }
0x5f: {  	[sflag:s2] =	ssyncadd.s32 $0xFFFFE0C0  }
0x60: {  	_ =	swait.ge [sflag:s5], $0x1F40  }
0x61: {  	[sflag:s5] =	ssyncset.done $0x0  }
0x62: {  	[sflag:s5] =	ssyncadd.s32 $0xFFFFE0C0  }
0x63: {  	_ =	swait.ge [sflag:s7], $0x1F40  }
0x64: {  	[sflag:s7] =	ssyncset.done $0x0  }
0x65: {  	[sflag:s7] =	ssyncadd.s32 $0xFFFFE0C0  }
0x66: {  	_ =	swait.ge [sflag:s8], $0x1F40  }
0x67: {  	[sflag:s8] =	ssyncset.done $0x0  }
0x68: {  	[sflag:s8] =	ssyncadd.s32 $0xFFFFE0C0  }
0x69: {  	_ =	swait.ge [sflag:s4], $0x1F40  }
0x6a: {  	[sflag:s4] =	ssyncset.done $0x0  }
0x6b: {  	[sflag:s4] =	ssyncadd.s32 $0xFFFFE0C0  }
0x6c: {  	_ =	swait.ge [sflag:s9], $0x1F40  }
0x6d: {  	[sflag:s9] =	ssyncset.done $0x0  }
0x6e: {  	[sflag:s9] =	ssyncadd.s32 $0xFFFFE0C0  }
0x6f: {  	_ =	swait.ge [sflag:s11], $0x1F40  }
0x70: {  	[sflag:s11] =	ssyncset.done $0x0  }
0x71: {  	[sflag:s11] =	ssyncadd.s32 $0xFFFFE0C0  }
0x72: {  	_ =	swait.ge [sflag:s10], $0x1F40  }
0x73: {  	s6 =	simm.s32 $0x2000;
	s14 =	simm.s32 $0x1000;
	[sflag:s10] =	ssyncset.done $0x0  }
.LBB2_2:
0x74: {  	s13 =	sshra.s32 s14, $0x2  }
0x75: {  	[sflag:s10] =	ssyncadd.s32 $0xFFFFE0C0;
	s14 =	smov.u32 s6;
	s12 =	sadd.s32 $0x1000, s6  }
0x76: {  	[tilespmem:s17], [sflag:$0x1] =	stream.indirect.gather [hbm4b:s3+s16], $0x40, s13, s16, $0xb8;
	[tilespmem:$0x1E640] =	vst v63  }
0x77: {  	p1 =	sne.s32 s6, $0x9000;
	s6 =	sadd.s32 $0x80, s13  }
0x78: {  	[tilespmem:s18], [sflag:$0x2] =	stream.indirect.gather [hbm4b:s3+s16], $0x40, s6, s16, $0xb8;
	[tilespmem:$0x1E640] =	vst v63  }
0x79: {  	s6 =	sadd.s32 $0x100, s13  }
0x7a: {  	[tilespmem:s19], [sflag:$0x3] =	stream.indirect.gather [hbm4b:s3+s16], $0x40, s6, s16, $0xb8;
	[tilespmem:$0x1E640] =	vst v63  }
0x7b: {  	s6 =	sadd.s32 $0x180, s13  }
0x7c: {  	[tilespmem:s20], [sflag:$0x4] =	stream.indirect.gather [hbm4b:s3+s16], $0x40, s6, s16, $0xb8;
	[tilespmem:$0x1E640] =	vst v63  }
0x7d: {  	s6 =	sadd.s32 $0x200, s13  }
0x7e: {  	[tilespmem:s21], [sflag:$0x5] =	stream.indirect.gather [hbm4b:s3+s16], $0x40, s6, s16, $0xb8;
	[tilespmem:$0x1E640] =	vst v63  }
0x7f: {  	s6 =	sadd.s32 $0x280, s13  }
0x80: {  	[tilespmem:s22], [sflag:$0x6] =	stream.indirect.gather [hbm4b:s3+s16], $0x40, s6, s16, $0xb8;
	[tilespmem:$0x1E640] =	vst v63  }
0x81: {  	s6 =	sadd.s32 $0x300, s13  }
0x82: {  	[tilespmem:s23], [sflag:$0x7] =	stream.indirect.gather [hbm4b:s3+s16], $0x40, s6, s16, $0xb8;
	[tilespmem:$0x1E640] =	vst v63  }
0x83: {  	s6 =	sadd.s32 $0x380, s13  }
0x84: {  	[tilespmem:s24], [sflag:$0x8] =	stream.indirect.gather [hbm4b:s3+s16], $0x40, s6, s16, $0xb8;
	[tilespmem:$0x1E640] =	vst v63  }
0x85: {  	_ =	swait.ge [sflag:s25], $0x1F40  }
0x86: {  	[sflag:s25] =	ssyncset.done $0x0  }
0x87: {  	s6 =	sadd.s32 $0x2800, s13;
	[sflag:s25] =	ssyncadd.s32 $0xFFFFE0C0  }
0x88: {  	[spmem:s1] =	stream.indirect.scatter.add.f32 [tilespmem:s17], [sflag:$0x9], $0x40, s6, s16, $0xb8;
	[tilespmem:$0x1E640] =	vst v63  }
0x89: {  	_ =	swait.ge [sflag:s26], $0x1F40  }
0x8a: {  	[sflag:s26] =	ssyncset.done $0x0  }
0x8b: {  	s6 =	sadd.s32 $0x2880, s13;
	[sflag:s26] =	ssyncadd.s32 $0xFFFFE0C0  }
0x8c: {  	[spmem:s1] =	stream.indirect.scatter.add.f32 [tilespmem:s18], [sflag:$0xA], $0x40, s6, s16, $0xb8;
	[tilespmem:$0x1E640] =	vst v63  }
0x8d: {  	_ =	swait.ge [sflag:s28], $0x1F40  }
0x8e: {  	[sflag:s28] =	ssyncset.done $0x0  }
0x8f: {  	s6 =	sadd.s32 $0x2900, s13;
	[sflag:s28] =	ssyncadd.s32 $0xFFFFE0C0  }
0x90: {  	[spmem:s1] =	stream.indirect.scatter.add.f32 [tilespmem:s19], [sflag:$0xB], $0x40, s6, s16, $0xb8;
	[tilespmem:$0x1E640] =	vst v63  }
0x91: {  	_ =	swait.ge [sflag:s29], $0x1F40  }
0x92: {  	[sflag:s29] =	ssyncset.done $0x0  }
0x93: {  	s6 =	sadd.s32 $0x2980, s13;
	[sflag:s29] =	ssyncadd.s32 $0xFFFFE0C0  }
0x94: {  	[spmem:s1] =	stream.indirect.scatter.add.f32 [tilespmem:s20], [sflag:$0xC], $0x40, s6, s16, $0xb8;
	[tilespmem:$0x1E640] =	vst v63  }
0x95: {  	_ =	swait.ge [sflag:s30], $0x1F40  }
0x96: {  	[sflag:s30] =	ssyncset.done $0x0  }
0x97: {  	s6 =	sadd.s32 $0x2A00, s13;
	[sflag:s30] =	ssyncadd.s32 $0xFFFFE0C0  }
0x98: {  	[spmem:s1] =	stream.indirect.scatter.add.f32 [tilespmem:s21], [sflag:$0xD], $0x40, s6, s16, $0xb8;
	[tilespmem:$0x1E640] =	vst v63  }
0x99: {  	_ =	swait.ge [sflag:s31], $0x1F40  }
0x9a: {  	[sflag:s31] =	ssyncset.done $0x0  }
0x9b: {  	s6 =	sadd.s32 $0x2A80, s13;
	[sflag:s31] =	ssyncadd.s32 $0xFFFFE0C0  }
0x9c: {  	[spmem:s1] =	stream.indirect.scatter.add.f32 [tilespmem:s22], [sflag:$0xE], $0x40, s6, s16, $0xb8;
	[tilespmem:$0x1E640] =	vst v63  }
0x9d: {  	_ =	swait.ge [sflag:s0], $0x1F40  }
0x9e: {  	[sflag:s0] =	ssyncset.done $0x0  }
0x9f: {  	s6 =	sadd.s32 $0x2B00, s13;
	[sflag:s0] =	ssyncadd.s32 $0xFFFFE0C0  }
0xa0: {  	[spmem:s1] =	stream.indirect.scatter.add.f32 [tilespmem:s23], [sflag:$0xF], $0x40, s6, s16, $0xb8;
	[tilespmem:$0x1E640] =	vst v63  }
0xa1: {  	_ =	swait.ge [sflag:s15], $0x1F40  }
0xa2: {  	[sflag:s15] =	ssyncset.done $0x0  }
0xa3: {  	s6 =	sadd.s32 $0x2B80, s13;
	[sflag:s15] =	ssyncadd.s32 $0xFFFFE0C0  }
0xa4: {  	[spmem:s1] =	stream.indirect.scatter.add.f32 [tilespmem:s24], [sflag:$0x10], $0x40, s6, s16, $0xb8;
	[tilespmem:$0x1E640] =	vst v63  }
0xa5: {  	_ =	swait.ge [sflag:s2], $0x1F40  }
0xa6: {  	[sflag:s2] =	ssyncset.done $0x0  }
0xa7: {  	[sflag:s2] =	ssyncadd.s32 $0xFFFFE0C0  }
0xa8: {  	_ =	swait.ge [sflag:s5], $0x1F40  }
0xa9: {  	[sflag:s5] =	ssyncset.done $0x0  }
0xaa: {  	[sflag:s5] =	ssyncadd.s32 $0xFFFFE0C0  }
0xab: {  	_ =	swait.ge [sflag:s7], $0x1F40  }
0xac: {  	[sflag:s7] =	ssyncset.done $0x0  }
0xad: {  	[sflag:s7] =	ssyncadd.s32 $0xFFFFE0C0  }
0xae: {  	_ =	swait.ge [sflag:s8], $0x1F40  }
0xaf: {  	[sflag:s8] =	ssyncset.done $0x0  }
0xb0: {  	[sflag:s8] =	ssyncadd.s32 $0xFFFFE0C0  }
0xb1: {  	_ =	swait.ge [sflag:s4], $0x1F40  }
0xb2: {  	[sflag:s4] =	ssyncset.done $0x0  }
0xb3: {  	[sflag:s4] =	ssyncadd.s32 $0xFFFFE0C0  }
0xb4: {  	_ =	swait.ge [sflag:s9], $0x1F40  }
0xb5: {  	[sflag:s9] =	ssyncset.done $0x0  }
0xb6: {  	[sflag:s9] =	ssyncadd.s32 $0xFFFFE0C0  }
.Ltmp0:
0xb7: {  	_ =	swait.ge [sflag:s11], $0x1F40;
	(pc) =	sbr.rel @p1 .LBB2_2-.Ltmp0, $4  }
0xb8: {  	[sflag:s11] =	ssyncset.done $0x0  }
0xb9: {  	[sflag:s11] =	ssyncadd.s32 $0xFFFFE0C0  }
0xba: {  	_ =	swait.ge [sflag:s10], $0x1F40  }
0xbb: {  	s6 =	smov.u32 s12;
	[sflag:s10] =	ssyncset.done $0x0  }
0xbc: {  	s6 =	sshra.s32 s14, $0x2;
	[sflag:s10] =	ssyncadd.s32 $0xFFFFE0C0  }
0xbd: {  	[tilespmem:s17], [sflag:$0x1] =	stream.indirect.gather [hbm4b:s3+s16], $0x40, s6, s16, $0xb8;
	[tilespmem:$0x1E640] =	vst v63  }
0xbe: {  	s12 =	sadd.s32 $0x80, s6  }
0xbf: {  	[tilespmem:s18], [sflag:$0x2] =	stream.indirect.gather [hbm4b:s3+s16], $0x40, s12, s16, $0xb8;
	[tilespmem:$0x1E640] =	vst v63  }
0xc0: {  	s14 =	sadd.s32 $0x100, s6  }
0xc1: {  	[tilespmem:s19], [sflag:$0x3] =	stream.indirect.gather [hbm4b:s3+s16], $0x40, s14, s16, $0xb8;
	[tilespmem:$0x1E640] =	vst v63  }
0xc2: {  	s13 =	sadd.s32 $0x180, s6  }
0xc3: {  	[tilespmem:s20], [sflag:$0x4] =	stream.indirect.gather [hbm4b:s3+s16], $0x40, s13, s16, $0xb8;
	[tilespmem:$0x1E640] =	vst v63  }
0xc4: {  	s14 =	sadd.s32 $0x200, s6  }
0xc5: {  	[tilespmem:s21], [sflag:$0x5] =	stream.indirect.gather [hbm4b:s3+s16], $0x40, s14, s16, $0xb8;
	[tilespmem:$0x1E640] =	vst v63  }
0xc6: {  	s13 =	sadd.s32 $0x280, s6  }
0xc7: {  	[tilespmem:s22], [sflag:$0x6] =	stream.indirect.gather [hbm4b:s3+s16], $0x40, s13, s16, $0xb8;
	[tilespmem:$0x1E640] =	vst v63  }
0xc8: {  	s14 =	sadd.s32 $0x300, s6  }
0xc9: {  	[tilespmem:s23], [sflag:$0x7] =	stream.indirect.gather [hbm4b:s3+s16], $0x40, s14, s16, $0xb8;
	[tilespmem:$0x1E640] =	vst v63  }
0xca: {  	s13 =	sadd.s32 $0x380, s6  }
0xcb: {  	[tilespmem:s24], [sflag:$0x8] =	stream.indirect.gather [hbm4b:s3+s16], $0x40, s13, s16, $0xb8;
	[tilespmem:$0x1E640] =	vst v63  }
0xcc: {  	_ =	swait.ge [sflag:s25], $0x1F40  }
0xcd: {  	[sflag:s25] =	ssyncset.done $0x0  }
0xce: {  	s14 =	sadd.s32 $0x2800, s6;
	[sflag:s25] =	ssyncadd.s32 $0xFFFFE0C0  }
0xcf: {  	[spmem:s1] =	stream.indirect.scatter.add.f32 [tilespmem:s17], [sflag:$0x9], $0x40, s14, s16, $0xb8;
	[tilespmem:$0x1E640] =	vst v63  }
0xd0: {  	_ =	swait.ge [sflag:s26], $0x1F40  }
0xd1: {  	[sflag:s26] =	ssyncset.done $0x0  }
0xd2: {  	s13 =	sadd.s32 $0x2880, s6;
	[sflag:s26] =	ssyncadd.s32 $0xFFFFE0C0  }
0xd3: {  	[spmem:s1] =	stream.indirect.scatter.add.f32 [tilespmem:s18], [sflag:$0xA], $0x40, s13, s16, $0xb8;
	[tilespmem:$0x1E640] =	vst v63  }
0xd4: {  	_ =	swait.ge [sflag:s28], $0x1F40  }
0xd5: {  	[sflag:s28] =	ssyncset.done $0x0  }
0xd6: {  	s14 =	sadd.s32 $0x2900, s6;
	[sflag:s28] =	ssyncadd.s32 $0xFFFFE0C0  }
0xd7: {  	[spmem:s1] =	stream.indirect.scatter.add.f32 [tilespmem:s19], [sflag:$0xB], $0x40, s14, s16, $0xb8;
	[tilespmem:$0x1E640] =	vst v63  }
0xd8: {  	_ =	swait.ge [sflag:s29], $0x1F40  }
0xd9: {  	[sflag:s29] =	ssyncset.done $0x0  }
0xda: {  	s13 =	sadd.s32 $0x2980, s6;
	[sflag:s29] =	ssyncadd.s32 $0xFFFFE0C0  }
0xdb: {  	[spmem:s1] =	stream.indirect.scatter.add.f32 [tilespmem:s20], [sflag:$0xC], $0x40, s13, s16, $0xb8;
	[tilespmem:$0x1E640] =	vst v63  }
0xdc: {  	_ =	swait.ge [sflag:s30], $0x1F40  }
0xdd: {  	[sflag:s30] =	ssyncset.done $0x0  }
0xde: {  	s14 =	sadd.s32 $0x2A00, s6;
	[sflag:s30] =	ssyncadd.s32 $0xFFFFE0C0  }
0xdf: {  	[spmem:s1] =	stream.indirect.scatter.add.f32 [tilespmem:s21], [sflag:$0xD], $0x40, s14, s16, $0xb8;
	[tilespmem:$0x1E640] =	vst v63  }
0xe0: {  	_ =	swait.ge [sflag:s31], $0x1F40  }
0xe1: {  	[sflag:s31] =	ssyncset.done $0x0  }
0xe2: {  	s13 =	sadd.s32 $0x2A80, s6;
	[sflag:s31] =	ssyncadd.s32 $0xFFFFE0C0  }
0xe3: {  	[spmem:s1] =	stream.indirect.scatter.add.f32 [tilespmem:s22], [sflag:$0xE], $0x40, s13, s16, $0xb8;
	[tilespmem:$0x1E640] =	vst v63  }
0xe4: {  	_ =	swait.ge [sflag:s0], $0x1F40  }
0xe5: {  	[sflag:s0] =	ssyncset.done $0x0  }
0xe6: {  	s14 =	sadd.s32 $0x2B00, s6;
	[sflag:s0] =	ssyncadd.s32 $0xFFFFE0C0  }
0xe7: {  	[spmem:s1] =	stream.indirect.scatter.add.f32 [tilespmem:s23], [sflag:$0xF], $0x40, s14, s16, $0xb8;
	[tilespmem:$0x1E640] =	vst v63  }
0xe8: {  	_ =	swait.ge [sflag:s15], $0x1F40  }
0xe9: {  	[sflag:s15] =	ssyncset.done $0x0  }
0xea: {  	s6 =	sadd.s32 $0x2B80, s6;
	[sflag:s15] =	ssyncadd.s32 $0xFFFFE0C0  }
0xeb: {  	[spmem:s1] =	stream.indirect.scatter.add.f32 [tilespmem:s24], [sflag:$0x10], $0x40, s6, s16, $0xb8;
	[tilespmem:$0x1E640] =	vst v63  }
0xec: {  	_ =	swait.ge [sflag:s2], $0x1F40  }
0xed: {  	[sflag:s2] =	ssyncset.done $0x0  }
0xee: {  	[sflag:s2] =	ssyncadd.s32 $0xFFFFE0C0  }
0xef: {  	_ =	swait.ge [sflag:s5], $0x1F40  }
0xf0: {  	[sflag:s5] =	ssyncset.done $0x0  }
0xf1: {  	[sflag:s5] =	ssyncadd.s32 $0xFFFFE0C0  }
0xf2: {  	_ =	swait.ge [sflag:s7], $0x1F40  }
0xf3: {  	[sflag:s7] =	ssyncset.done $0x0  }
0xf4: {  	[sflag:s7] =	ssyncadd.s32 $0xFFFFE0C0  }
0xf5: {  	_ =	swait.ge [sflag:s8], $0x1F40  }
0xf6: {  	[sflag:s8] =	ssyncset.done $0x0  }
0xf7: {  	[sflag:s8] =	ssyncadd.s32 $0xFFFFE0C0  }
0xf8: {  	_ =	swait.ge [sflag:s4], $0x1F40  }
0xf9: {  	[sflag:s4] =	ssyncset.done $0x0  }
0xfa: {  	[sflag:s4] =	ssyncadd.s32 $0xFFFFE0C0  }
0xfb: {  	_ =	swait.ge [sflag:s9], $0x1F40  }
0xfc: {  	[sflag:s9] =	ssyncset.done $0x0  }
0xfd: {  	[sflag:s9] =	ssyncadd.s32 $0xFFFFE0C0  }
0xfe: {  	_ =	swait.ge [sflag:s11], $0x1F40  }
0xff: {  	[sflag:s11] =	ssyncset.done $0x0  }
0x100: {  	[sflag:s11] =	ssyncadd.s32 $0xFFFFE0C0  }
0x101: {  	_ =	swait.ge [sflag:s10], $0x1F40  }
0x102: {  	[sflag:s10] =	ssyncset.done $0x0  }
0x103: {  	[sflag:s10] =	ssyncadd.s32 $0xFFFFE0C0  }
0x104: {  	[bflag:$0x0] =	sbarrier.arrive $0xFFFF  }
0x105: {  	s12 =	rddreg [dreg:$0x3]  }
0x106: {  	s13 =	rddreg [dreg:$0x9]  }
0x107: {  	s14 =	rddreg [dreg:$0xb]  }
0x108: {  	s6 =	sadd.s32 s12, s13;
	s12 =	rddreg [dreg:$0x5]  }
0x109: {  	[hbm:s6], [sflag:s12] =	dma.local [spmem:s14], $0x1380  }
0x10a: {  	s14 =	simm.s32 $0x11  }
0x10b: {  	_ =	swait.ge [sflag:s14], $0x1380  }
0x10c: {  	s6 =	sadd.s32 @!p0 $0x13800, s13;
	[sflag:s14] =	ssyncset.done $0x0  }
0x10d: {  	s13 =	simm.s32 @!p0 $0x11;
	[sflag:s14] =	ssyncadd.s32 $0xFFFFEC80;
	s14 =	rddreg [dreg:$0xc]  }
0x10e: {  	[hbm:s6], [sflag:s12] =	dma.local @!p0 [spmem:s14], $0x80  }
0x10f: {  	_ =	swait.ge @!p0 [sflag:s13], $0x80  }
0x110: {  	s14 =	rddreg [dreg:$0xd]  }
0x111: {  	s6 =	sadd.s32 $0x1, s14;
	s14 =	rddreg [dreg:$0xa]  }
0x112: {  	p1 =	sne.s32 s6, s14  }
.Ltmp1:
0x113: {  	_ = 	snop;
	(pc) =	sbr.rel @p1 .LBB2_1-.Ltmp1, $3  }
0x114: {  	_ =	sdelay $0x1  }
0x115: {  	[sflag:s13] =	ssyncset.done @!p0 $0x0;
	[dreg:$0xd] =	wrdreg s6;
	s6 =	simm.s32 @!p0 $0x11  }
0x116: {  	s13 =	simm.s32 $0x11;
	[sflag:s6] =	ssyncadd.s32 @!p0 $0xFFFFFF80  }
0x117: {  	_ =	sfence.sel $0x180000  }
0x118: {  	[bflag:$0x0] =	sbarrier.arrive $0xFFFF  }
0x119: {  	_ =	strace $0x9000004A  }
0x11a: {  	[bflag:$0x2] =	sbarrier.arrive $0xFFFF  }
0x11b: {  	s0 =	rddreg [dreg:$0x2]  }
0x11c: {  	s0 =	sadd.s32 @!p0 $0x100000, s0  }
0x11d: {  	[sflag:s0] =	ssyncadd.tile.s32 @!p0 $0x1;
	_ =	shalt  }
.Lfunc_end2:
_tile_overlayer_lowered:
.L_overlay_start_2:
0x11e: {  	(tag) =	ssettag $0x2  }
0x11f: {  	s0 =	rddreg [dreg:$0x0];
	s2 =	stileid.u32  }
0x120: {  	s1 =	rddreg [dreg:$0x1];
	p0 =	sne.s32 s2, $0x0  }
0x121: {  	s3 =	rddreg [dreg:$0x2];
	[bflag:$0x3] =	sbarrier.arrive $0xFFFF;
	s2 =	simm.s32 @!p0 $0x1C11  }
0x122: {  	[timem:s3], [sflag:s2] =	dma.local @!p0 [hbm:s0], s1  }
0x123: {  	s0 =	simm.s32 @!p0 $0x11  }
0x124: {  	_ =	swait.ge @!p0 [sflag:s0], s1  }
0x125: {  	s1 =	ssub.s32 @!p0 $0x0, s1;
	[sflag:s0] =	ssyncset.done @!p0 $0x0  }
0x126: {  	[sflag:s0] =	ssyncadd.s32 @!p0 s1  }
0x127: {  	[bflag:$0x3] =	sbarrier.arrive $0xFFFF  }
0x128: {  	_ =	shalt  }

// kernel: kernel.16.cloned.1.call-start
scs
__scs_entry_jumppad:
0x0: {  	(pc) =	sbr.rel $0x88, $3  }
0x1: {  	(tag) =	ssettag $0x0;
	lr =	simm.s32 $0x1  }
0x2: {  	[smem:$0x3F84] =	sst lr;
	_ =	strace $0xD0000000  }
0x3: {  	_ = 	snop  }
0x4: {  	_ = 	snop  }
0x5: {  	_ = 	snop  }
0x6: {  	_ = 	snop  }
0x7: {  	_ = 	snop  }
__scs_overlays_trampoline_lowered:
0x8: {  	[smem:$0x3F93] =	sst s0  }
0x9: {  	[smem:$0x3F94] =	sst s1  }
0xa: {  	[smem:$0x3F95] =	sst s2  }
0xb: {  	[smem:$0x3F96] =	sst s3  }
0xc: {  	[smem:$0x3F97] =	sst s4  }
0xd: {  	[smem:$0x3F98] =	sst s5  }
0xe: {  	[smem:$0x3F99] =	sst s6  }
0xf: {  	[smem:$0x3F9A] =	sst s7  }
0x10: {  	[smem:$0x3F9B] =	sst s8  }
0x11: {  	[smem:$0x3F9C] =	sst s9;
	s0 =	simm.s32 @!p0 $0x0  }
0x12: {  	s1 =	sld [smem:$0x3F82];
	s0 =	simm.s32 @p0 $0x1  }
0x13: {  	[smem:$0x3F9D] =	sst s0;
	s0 =	simm.s32 @!p1 $0x0  }
0x14: {  	s2 =	sld [smem:$0x3F81];
	s0 =	simm.s32 @p1 $0x1  }
0x15: {  	[smem:$0x3F9E] =	sst s0;
	s0 =	simm.s32 @!p2 $0x0  }
0x16: {  	s3 =	sld [smem:$0x3FDB];
	s0 =	simm.s32 @p2 $0x1  }
0x17: {  	s4 =	simm.s32 $0x1BF5;
	[smem:$0x3FA0] =	sst s0  }
0x18: {  	s0 =	sld [smem:$0x3F83];
	_ =	swait.ge [sflag:s4], $0x0  }
0x19: {  	s7 =	sld [smem:$0x3F84]  }
0x1a: {  	s8 =	sadd.s32 $0xFFFFE003, lr  }
0x1b: {  	s9 =	sadd.s32 $0xFFFFFEF7, lr;
	s5 =	simm.s32 $0xFFFFFFFF;
	p2 =	slt.u32 s8, $0xFFFFF086  }
0x1c: {  	p1 =	slt.u32 s9, $0xF7A;
	s5 =	simm.s32 @!p2 $0x0  }
0x1d: {  	s5 =	simm.s32 @p1 $0x1;
	p0 =	seq.s32 s7, s2  }
0x1e: {  	s7 =	smul.u32 @!p0 $0xF7A, s2;
	p2 =	seq.s32 @!p0 s5, $0x0  }
0x1f: {  	s9 =	smul.u32 $0xF7A, s1;
	s8 =	simm.s32 @!p0 $0x1BF5;
	p2 =	por !p2, p0  }
0x20: {  	[sflag:s8] =	ssyncset.s32 @!p0 $0xFFFFF086;
	s6 =	sadd.s32 @!p0 s3, s7;
	s7 =	simm.s32 @!p0 $0x108  }
0x21: {  	s3 =	sadd.s32 s3, s9;
	s6 =	sadd.s32 @!p0 $0x88, s6;
	s7 =	simm.s32 @p2 $0x1082  }
0x22: {  	[simem:s7], [sflag:s8] =	dma.local @!p0 [hbm:s6], $0xF7A  }
0x23: {  	s9 =	sor.u32 $0xD0000000, s2;
	s6 =	simm.s32 $0x108;
	_ =	swait.ge @!p0 [sflag:s8], $0x0  }
0x24: {  	s3 =	sadd.s32 $0x88, s3;
	s6 =	simm.s32 @!p1 $0x1082;
	[sflag:s4] =	ssyncset.s32 $0xFFFFF086  }
0x25: {  	[simem:s6], [sflag:s4] =	dma.local [hbm:s3], $0xF7A  }
0x26: {  	[smem:$0x3F84] =	sst s1;
	(tag) =	ssettag s2;
	_ =	strace s9  }
0x27: {  	s1 =	sld [smem:$0x3F94]  }
0x28: {  	s2 =	sld [smem:$0x3F95]  }
0x29: {  	s4 =	sld [smem:$0x3F97]  }
0x2a: {  	p0 =	seq.s32 s5, $0x0;
	s5 =	sld [smem:$0x3F98]  }
0x2b: {  	s6 =	sld [smem:$0x3F99]  }
0x2c: {  	s7 =	sld [smem:$0x3F9A]  }
0x2d: {  	s3 =	simm.s32 $0x108;
	s8 =	sld [smem:$0x3F9B]  }
0x2e: {  	s3 =	simm.s32 @!p0 $0x1082;
	s9 =	sld [smem:$0x3F9C]  }
0x2f: {  	lr =	sadd.s32 s0, s3;
	s0 =	sld [smem:$0x3F93]  }
0x30: {  	s3 =	sld [smem:$0x3F96]  }
0x31: {  	[smem:$0x3F9F] =	sst s10  }
0x32: {  	s10 =	sld [smem:$0x3F9D];
	_ =	sdelay $0x3  }
0x33: {  	p0 =	seq.s32 s10, $0x1;
	s10 =	sld [smem:$0x3F9F];
	_ =	sdelay $0x3  }
0x34: {  	[smem:$0x3F9F] =	sst s10  }
0x35: {  	s10 =	sld [smem:$0x3F9E];
	_ =	sdelay $0x3  }
0x36: {  	p1 =	seq.s32 s10, $0x1;
	s10 =	sld [smem:$0x3F9F];
	_ =	sdelay $0x3  }
0x37: {  	[smem:$0x3F9F] =	sst s10  }
0x38: {  	s10 =	sld [smem:$0x3FA0]  }
0x39: {  	_ = 	snop;
	(pc) =	sbr.ind lr, $3  }
0x3a: {  	_ = 	snop  }
0x3b: {  	_ = 	snop  }
0x3c: {  	p2 =	seq.s32 s10, $0x1;
	s10 =	sld [smem:$0x3F9F]  }
0x3d: {  	_ =	shalt  }
0x3e: {  	_ =	shalt  }
0x3f: {  	_ =	shalt  }
0x40: {  	_ =	shalt  }
0x41: {  	_ =	shalt  }
0x42: {  	_ =	shalt  }
0x43: {  	_ =	shalt  }
0x44: {  	_ =	shalt  }
0x45: {  	_ =	shalt  }
0x46: {  	_ =	shalt  }
0x47: {  	_ =	shalt  }
0x48: {  	_ =	shalt  }
0x49: {  	_ =	shalt  }
0x4a: {  	_ =	shalt  }
0x4b: {  	_ =	shalt  }
0x4c: {  	_ =	shalt  }
0x4d: {  	_ =	shalt  }
0x4e: {  	_ =	shalt  }
0x4f: {  	_ =	shalt  }
0x50: {  	_ =	shalt  }
0x51: {  	_ =	shalt  }
0x52: {  	_ =	shalt  }
0x53: {  	_ =	shalt  }
0x54: {  	_ =	shalt  }
0x55: {  	_ =	shalt  }
0x56: {  	_ =	shalt  }
0x57: {  	_ =	shalt  }
0x58: {  	_ =	shalt  }
0x59: {  	_ =	shalt  }
0x5a: {  	_ =	shalt  }
0x5b: {  	_ =	shalt  }
0x5c: {  	_ =	shalt  }
0x5d: {  	_ =	shalt  }
0x5e: {  	_ =	shalt  }
0x5f: {  	_ =	shalt  }
0x60: {  	_ =	shalt  }
0x61: {  	_ =	shalt  }
0x62: {  	_ =	shalt  }
0x63: {  	_ =	shalt  }
0x64: {  	_ =	shalt  }
0x65: {  	_ =	shalt  }
0x66: {  	_ =	shalt  }
0x67: {  	_ =	shalt  }
0x68: {  	_ =	shalt  }
0x69: {  	_ =	shalt  }
0x6a: {  	_ =	shalt  }
0x6b: {  	_ =	shalt  }
0x6c: {  	_ =	shalt  }
0x6d: {  	_ =	shalt  }
0x6e: {  	_ =	shalt  }
0x6f: {  	_ =	shalt  }
0x70: {  	_ =	shalt  }
0x71: {  	_ =	shalt  }
0x72: {  	_ =	shalt  }
0x73: {  	_ =	shalt  }
0x74: {  	_ =	shalt  }
0x75: {  	_ =	shalt  }
0x76: {  	_ =	shalt  }
0x77: {  	_ =	shalt  }
0x78: {  	_ =	shalt  }
0x79: {  	_ =	shalt  }
0x7a: {  	_ =	shalt  }
0x7b: {  	_ =	shalt  }
0x7c: {  	_ =	shalt  }
0x7d: {  	_ =	shalt  }
0x7e: {  	_ =	shalt  }
0x7f: {  	_ =	shalt  }
0x80: {  	_ =	shalt  }
0x81: {  	_ =	shalt  }
0x82: {  	_ =	shalt  }
0x83: {  	_ =	shalt  }
0x84: {  	_ =	shalt  }
0x85: {  	_ =	shalt  }
0x86: {  	_ =	shalt  }
0x87: {  	_ =	shalt  }
.Lfunc_end0:
.L_simem_size_0:
called_computation.2_lowered:
.L_overlay_start_0:
0x88: {  	s2 =	sld [smem:$0x3FD9]  }
0x89: {  	s3 =	sld [smem:$0x3FFE];
	_ =	sdelay $0x1  }
0x8a: {  	s1 =	srdreg.scid  }
0x8b: {  	s0 =	sand.u32 $0x1, s1  }
0x8c: {  	s16 =	sshll.u32 s0, $0xA;
	s2 =	sadd.s32 s3, s2  }
0x8d: {  	s2 =	sadd.s32 s2, s16  }
0x8e: {  	[smem:$0x3FAB] =	sst s2  }
0x8f: {  	_ = 	snop  }
0x90: {  	(tm) =	ssettm $0x1  }
0x91: {  	s17 =	sld [smem:$0x3FFB];
	_ =	sdelay $0x3  }
0x92: {  	_ =	strace s17  }
0x93: {  	s2 =	sld [smem:$0x3FFC];
	_ =	sdelay $0x3  }
0x94: {  	_ =	strace s2  }
0x95: {  	s2 =	sld [smem:$0x3FFD];
	_ =	sdelay $0x3  }
0x96: {  	_ =	strace s2  }
0x97: {  	_ =	strace $0x8FFFFFFF  }
0x98: {  	s18 =	sld [smem:$0x3FDB];
	_ =	sdelay $0x1  }
0x99: {  	s19 =	simm.s32 $_scs_section_size  }
0x9a: {  	s4 =	simm.s32 $_size__tile_overlayer_lowered;
	s5 =	simm.s32 $_tile_overlayer_lowered  }
0x9b: {  	s22 =	simm.s32 $0x1BFF;
	s21 =	sshll.u32 s5, $0x1;
	s2 =	sadd.s32 s19, s18  }
0x9c: {  	s6 =	simm.s32 $0x0;
	s20 =	sshll.u32 s4, $0x1;
	s4 =	sadd.s32 s21, s2  }
0x9d: {  	[timem:s6], [sflag:s22] =	dma.local [hbm:s4], s20  }
0x9e: {  	_ =	swait.ge [sflag:s22], s20  }
0x9f: {  	s3 =	ssub.s32 $0x0, s20;
	[sflag:s22] =	ssyncset.done $0x0  }
0xa0: {  	[sflag:s22] =	ssyncadd.s32 s3;
	_ =	sdelay $0x1  }
0xa1: {  	s23 =	simm.s32 $0x1B8B  }
0xa2: {  	_ =	swait.ge [sflag:s23], $0x1  }
0xa3: {  	[sflag:s23] =	ssyncset.done $0x0  }
0xa4: {  	s25 =	simm.s32 $0x1B8E;
	s24 =	sld [smem:$0x3FFE];
	[sflag:s23] =	ssyncadd.s32 $0xFFFFFFFF  }
0xa5: {  	s26 =	simm.s32 $execute0_lowered;
	[smem:$0x3FD2] =	sst s25  }
0xa6: {  	s4 =	sshll.u32 s26, $0x1;
	_ =	strace $0x8000004C;
	[dreg:$0x1] =	wrdreg $0xFFFFFFFF  }
0xa7: {  	s28 =	simm.s32 $_size_execute0_lowered;
	s2 =	sadd.s32 s2, s4;
	[dreg:$0x0] =	wrdreg $0x0  }
0xa8: {  	s4 =	sshll.u32 s28, $0x1;
	[dreg:$0x2] =	wrdreg s2  }
0xa9: {  	[dreg:$0x3] =	wrdreg s4  }
0xaa: {  	[dreg:$0x4] =	wrdreg $0xC0  }
0xab: {  	_ =	task [dreg:s6], $0x5FFFF  }
0xac: {  	[dreg:$0x1] =	wrdreg $0xFFFFFFFF  }
0xad: {  	[dreg:$0x0] =	wrdreg $0x60  }
0xae: {  	[dreg:$0x2] =	wrdreg s24  }
0xaf: {  	[dreg:$0x3] =	wrdreg $0x14A000  }
0xb0: {  	[dreg:$0x4] =	wrdreg $0x9  }
0xb1: {  	_ =	task.clear_ibuf [dreg:s6], $0x5FFFF;
	_ =	strace $0x9000004C  }
0xb2: {  	s29 =	simm.s32 $0x9;
	_ =	strace $0x8000004E  }
0xb3: {  	_ =	swait.ge [sflag:s29], $0x1  }
0xb4: {  	[sflag:s29] =	ssyncadd.s32 $0xFFFFFFFF  }
0xb5: {  	_ =	strace $0x9000004E  }
0xb6: {  	_ =	sfence  }
0xb7: {  	s30 =	sld [smem:$0x0];
	_ =	sdelay $0x2  }
0xb8: {  	s31 =	sshll.u32 s1, $0xD;
	s1 =	sshrl.u32 s1, $0x2  }
0xb9: {  	s3 =	sand.u32 $0x4000, s31;
	s1 =	sadd.s32 s1, s30  }
0xba: {  	s0 =	sor.u32 s3, s0;
	s1 =	sshll.u32 s1, $0x11  }
0xbb: {  	s0 =	sor.u32 s1, s0  }
0xbc: {  	s0 =	sadd.s32 $0x8F2B, s0  }
0xbd: {  	[sflag:s0] =	ssyncadd.remote.s32 $0x1  }
0xbe: {  	_ =	sfence.sel $0xFFFF  }
0xbf: {  	[dreg:$0x0] =	wrdreg $0xFFFFFFFF;
	(pc) =	sbr.abs _section_cstart, $3  }
0xc0: {  	[dreg:$0x1] =	wrdreg $0xFFFFFFFF  }
0xc1: {  	_ =	task.clear_ibuf [dreg:s6], $0x2FFFF;
	_ =	strace $0x9FFFFFFF  }
0xc2: {  	(tm) =	ssettm $0x7FFFFFFF  }
0xc3: {  	_ =	shalt  }
tec
execute0_lowered:
.L_overlay_start_1:
0x0: {  	(tag) =	ssettag $0x1  }
0x1: {  	s0 =	srdreg.scid  }
0x2: {  	s2 =	rddreg [dreg:$0x0];
	s4 =	stileid.u32  }
0x3: {  	s1 =	rddreg [dreg:$0x1];
	s6 =	simm.s32 $0x0;
	s13 =	simm.s32 $0x11  }
0x4: {  	s16 =	simm.s32 $0x7D;
	s17 =	simm.s32 $0x5000;
	s18 =	simm.s32 $0x6F40  }
0x5: {  	s19 =	simm.s32 $0x8E80;
	s20 =	simm.s32 $0xADC0;
	s28 =	simm.s32 $0x3  }
0x6: {  	s29 =	simm.s32 $0x4;
	s30 =	simm.s32 $0x5;
	s31 =	simm.s32 $0x6  }
0x7: {  	s15 =	simm.s32 $0x8;
	s11 =	simm.s32 $0xF;
	s10 =	simm.s32 $0x10  }
0x8: {  	s0 =	sand.u32 $0x1, s0;
	[smem:$0x7FF] =	sst s6;
	s21 =	smul.u32 $0x9C00, s4  }
0x9: {  	s22 =	sshll.u32 s4, $0x6;
	p0 =	sne.s32 s4, $0x0;
	s3 =	sshll.u32 s0, $0x4  }
0xa: {  	_ =	strace $0x8000004D;
	s7 =	smul.u32 $0x13880, s0;
	s0 =	ssub.s32 $0x2, s0  }
0xb: {  	s12 =	sor.u32 $0x1C11, s22;
	s22 =	simm.s32 $0xEC40;
	s3 =	sor.u32 s4, s3  }
0xc: {  	s8 =	sshrl.u32 s21, $0x3;
	s9 =	sshrl.u32 s0, $0x1;
	s6 =	sadd.s32 s21, s1  }
0xd: {  	s21 =	simm.s32 $0xCD00;
	s4 =	simm.s32 $0xD;
	[dreg:$0x5] =	wrdreg s12  }
0xe: {  	s5 =	smul.u32 $0x500, s3;
	s3 =	sadd.s32 $0x23400, s2;
	[dreg:$0x3] =	wrdreg s8  }
0xf: {  	s8 =	sadd.s32 s8, s2;
	s7 =	sadd.s32 s7, s2;
	s0 =	ssub.s32 s0, s9  }
0x10: {  	s26 =	sshrl.u32 s6, $0x3;
	s9 =	simm.s32 $0xE;
	s6 =	simm.s32 $0x0  }
0x11: {  	s8 =	sadd.s32 $0x36E00, s8;
	s25 =	sadd.s32 $0x4A800, s7;
	[dreg:$0xb] =	wrdreg s26  }
0x12: {  	s0 =	smax.u32 s0, $0x1;
	s26 =	simm.s32 $0x2;
	[dreg:$0xd] =	wrdreg s6  }
0x13: {  	s7 =	simm.s32 $0xB;
	s5 =	sadd.s32 s5, s2;
	[dreg:$0x4] =	wrdreg s8  }
0x14: {  	s8 =	sadd.s32 $0x9C000, s1;
	s2 =	sadd.s32 $0x4A600, s2;
	[dreg:$0x9] =	wrdreg s25  }
0x15: {  	[dreg:$0xa] =	wrdreg s0;
	s25 =	simm.s32 $0x1;
	s0 =	simm.s32 $0x7  }
0x16: {  	[dreg:$0x6] =	wrdreg s2;
	s23 =	sadd.s32 $0xF400, s5;
	s24 =	sadd.s32 $0x19400, s5  }
0x17: {  	s14 =	sshrl.u32 @!p0 s8, $0x3;
	s2 =	simm.s32 $0x9;
	[dreg:$0x7] =	wrdreg s23  }
0x18: {  	s5 =	simm.s32 $0xA;
	s8 =	simm.s32 $0xC;
	[dreg:$0x8] =	wrdreg s24  }
0x19: {  	s23 =	simm.s32 $0x10B80;
	s24 =	simm.s32 $0x12AC0;
	[dreg:$0xc] =	wrdreg s14  }
.LBB2_1:
0x1a: {  	s6 =	rddreg [dreg:$0x4]  }
0x1b: {  	s14 =	rddreg [dreg:$0xb]  }
0x1c: {  	[spmem:s14], [sflag:s12] =	dma.local [hbm:s6], $0x1380  }
0x1d: {  	_ =	swait.ge [sflag:s13], $0x1380  }
0x1e: {  	[sflag:s13] =	ssyncset.done $0x0;
	s6 =	rddreg [dreg:$0x6]  }
0x1f: {  	s14 =	rddreg [dreg:$0xc];
	[sflag:s13] =	ssyncadd.s32 $0xFFFFEC80  }
0x20: {  	[spmem:s14], [sflag:s12] =	dma.local @!p0 [hbm:s6], $0x80  }
0x21: {  	s6 =	simm.s32 @!p0 $0x11  }
0x22: {  	_ =	swait.ge @!p0 [sflag:s6], $0x80  }
0x23: {  	[sflag:s6] =	ssyncset.done @!p0 $0x0  }
0x24: {  	s14 =	rddreg [dreg:$0x7];
	[sflag:s6] =	ssyncadd.s32 @!p0 $0xFFFFFF80;
	s6 =	simm.s32 $0x0  }
0x25: {  	[tilespmem:s6], [sflag:$0x11] =	stream.linear.gather [hbm4b:s14+s6], $0x2800, $0x38;
	[tilespmem:$0x1E640] =	vst v63  }
0x26: {  	_ =	swait.ge [sflag:s13], $0x2800  }
0x27: {  	[sflag:s13] =	ssyncset.done $0x0  }
0x28: {  	s14 =	simm.s32 $0x2800;
	s12 =	rddreg [dreg:$0x8];
	[sflag:s13] =	ssyncadd.s32 $0xFFFFD800  }
0x29: {  	[tilespmem:s14], [sflag:$0x11] =	stream.linear.gather [hbm4b:s12+s6], $0x2800, $0x38;
	[tilespmem:$0x1E640] =	vst v63  }
0x2a: {  	_ =	swait.ge [sflag:s13], $0x2800  }
0x2b: {  	[sflag:s13] =	ssyncset.done $0x0  }
0x2c: {  	[sflag:s13] =	ssyncadd.s32 $0xFFFFD800  }
0x2d: {  	s14 =	simm.s32 $0x0;
	[bflag:$0x0] =	sbarrier.arrive $0xFFFF  }
0x2e: {  	[tilespmem:s17], [sflag:$0x1] =	stream.indirect.gather [hbm4b:s3+s16], $0x40, s14, s16, $0xb8;
	[tilespmem:$0x1E640] =	vst v63  }
0x2f: {  	s12 =	simm.s32 $0x80  }
0x30: {  	[tilespmem:s18], [sflag:$0x2] =	stream.indirect.gather [hbm4b:s3+s16], $0x40, s12, s16, $0xb8;
	[tilespmem:$0x1E640] =	vst v63  }
0x31: {  	s13 =	simm.s32 $0x100  }
0x32: {  	[tilespmem:s19], [sflag:$0x3] =	stream.indirect.gather [hbm4b:s3+s16], $0x40, s13, s16, $0xb8;
	[tilespmem:$0x1E640] =	vst v63  }
0x33: {  	s14 =	simm.s32 $0x180  }
0x34: {  	[tilespmem:s20], [sflag:$0x4] =	stream.indirect.gather [hbm4b:s3+s16], $0x40, s14, s16, $0xb8;
	[tilespmem:$0x1E640] =	vst v63  }
0x35: {  	s12 =	simm.s32 $0x200  }
0x36: {  	[tilespmem:s21], [sflag:$0x5] =	stream.indirect.gather [hbm4b:s3+s16], $0x40, s12, s16, $0xb8;
	[tilespmem:$0x1E640] =	vst v63  }
0x37: {  	s13 =	simm.s32 $0x280  }
0x38: {  	[tilespmem:s22], [sflag:$0x6] =	stream.indirect.gather [hbm4b:s3+s16], $0x40, s13, s16, $0xb8;
	[tilespmem:$0x1E640] =	vst v63  }
0x39: {  	s14 =	simm.s32 $0x300  }
0x3a: {  	[tilespmem:s23], [sflag:$0x7] =	stream.indirect.gather [hbm4b:s3+s16], $0x40, s14, s16, $0xb8;
	[tilespmem:$0x1E640] =	vst v63  }
0x3b: {  	s12 =	simm.s32 $0x380  }
0x3c: {  	[tilespmem:s24], [sflag:$0x8] =	stream.indirect.gather [hbm4b:s3+s16], $0x40, s12, s16, $0xb8;
	[tilespmem:$0x1E640] =	vst v63  }
0x3d: {  	_ =	swait.ge [sflag:s25], $0x1F40  }
0x3e: {  	[sflag:s25] =	ssyncset.done $0x0  }
0x3f: {  	s13 =	simm.s32 $0x2800;
	[sflag:s25] =	ssyncadd.s32 $0xFFFFE0C0  }
0x40: {  	[spmem:s1] =	stream.indirect.scatter.add.f32 [tilespmem:s17], [sflag:$0x9], $0x40, s13, s16, $0xb8;
	[tilespmem:$0x1E640] =	vst v63  }
0x41: {  	_ =	swait.ge [sflag:s26], $0x1F40  }
0x42: {  	[sflag:s26] =	ssyncset.done $0x0  }
0x43: {  	s14 =	simm.s32 $0x2880;
	[sflag:s26] =	ssyncadd.s32 $0xFFFFE0C0  }
0x44: {  	[spmem:s1] =	stream.indirect.scatter.add.f32 [tilespmem:s18], [sflag:$0xA], $0x40, s14, s16, $0xb8;
	[tilespmem:$0x1E640] =	vst v63  }
0x45: {  	_ =	swait.ge [sflag:s28], $0x1F40  }
0x46: {  	[sflag:s28] =	ssyncset.done $0x0  }
0x47: {  	s12 =	simm.s32 $0x2900;
	[sflag:s28] =	ssyncadd.s32 $0xFFFFE0C0  }
0x48: {  	[spmem:s1] =	stream.indirect.scatter.add.f32 [tilespmem:s19], [sflag:$0xB], $0x40, s12, s16, $0xb8;
	[tilespmem:$0x1E640] =	vst v63  }
0x49: {  	_ =	swait.ge [sflag:s29], $0x1F40  }
0x4a: {  	[sflag:s29] =	ssyncset.done $0x0  }
0x4b: {  	s13 =	simm.s32 $0x2980;
	[sflag:s29] =	ssyncadd.s32 $0xFFFFE0C0  }
0x4c: {  	[spmem:s1] =	stream.indirect.scatter.add.f32 [tilespmem:s20], [sflag:$0xC], $0x40, s13, s16, $0xb8;
	[tilespmem:$0x1E640] =	vst v63  }
0x4d: {  	_ =	swait.ge [sflag:s30], $0x1F40  }
0x4e: {  	[sflag:s30] =	ssyncset.done $0x0  }
0x4f: {  	s14 =	simm.s32 $0x2A00;
	[sflag:s30] =	ssyncadd.s32 $0xFFFFE0C0  }
0x50: {  	[spmem:s1] =	stream.indirect.scatter.add.f32 [tilespmem:s21], [sflag:$0xD], $0x40, s14, s16, $0xb8;
	[tilespmem:$0x1E640] =	vst v63  }
0x51: {  	_ =	swait.ge [sflag:s31], $0x1F40  }
0x52: {  	[sflag:s31] =	ssyncset.done $0x0  }
0x53: {  	s12 =	simm.s32 $0x2A80;
	[sflag:s31] =	ssyncadd.s32 $0xFFFFE0C0  }
0x54: {  	[spmem:s1] =	stream.indirect.scatter.add.f32 [tilespmem:s22], [sflag:$0xE], $0x40, s12, s16, $0xb8;
	[tilespmem:$0x1E640] =	vst v63  }
0x55: {  	_ =	swait.ge [sflag:s0], $0x1F40  }
0x56: {  	[sflag:s0] =	ssyncset.done $0x0  }
0x57: {  	s13 =	simm.s32 $0x2B00;
	[sflag:s0] =	ssyncadd.s32 $0xFFFFE0C0  }
0x58: {  	[spmem:s1] =	stream.indirect.scatter.add.f32 [tilespmem:s23], [sflag:$0xF], $0x40, s13, s16, $0xb8;
	[tilespmem:$0x1E640] =	vst v63  }
0x59: {  	_ =	swait.ge [sflag:s15], $0x1F40  }
0x5a: {  	[sflag:s15] =	ssyncset.done $0x0  }
0x5b: {  	s14 =	simm.s32 $0x2B80;
	[sflag:s15] =	ssyncadd.s32 $0xFFFFE0C0  }
0x5c: {  	[spmem:s1] =	stream.indirect.scatter.add.f32 [tilespmem:s24], [sflag:$0x10], $0x40, s14, s16, $0xb8;
	[tilespmem:$0x1E640] =	vst v63  }
0x5d: {  	_ =	swait.ge [sflag:s2], $0x1F40  }
0x5e: {  	[sflag:s2] =	ssyncset.done $0x0  }
0x5f: {  	[sflag:s2] =	ssyncadd.s32 $0xFFFFE0C0  }
0x60: {  	_ =	swait.ge [sflag:s5], $0x1F40  }
0x61: {  	[sflag:s5] =	ssyncset.done $0x0  }
0x62: {  	[sflag:s5] =	ssyncadd.s32 $0xFFFFE0C0  }
0x63: {  	_ =	swait.ge [sflag:s7], $0x1F40  }
0x64: {  	[sflag:s7] =	ssyncset.done $0x0  }
0x65: {  	[sflag:s7] =	ssyncadd.s32 $0xFFFFE0C0  }
0x66: {  	_ =	swait.ge [sflag:s8], $0x1F40  }
0x67: {  	[sflag:s8] =	ssyncset.done $0x0  }
0x68: {  	[sflag:s8] =	ssyncadd.s32 $0xFFFFE0C0  }
0x69: {  	_ =	swait.ge [sflag:s4], $0x1F40  }
0x6a: {  	[sflag:s4] =	ssyncset.done $0x0  }
0x6b: {  	[sflag:s4] =	ssyncadd.s32 $0xFFFFE0C0  }
0x6c: {  	_ =	swait.ge [sflag:s9], $0x1F40  }
0x6d: {  	[sflag:s9] =	ssyncset.done $0x0  }
0x6e: {  	[sflag:s9] =	ssyncadd.s32 $0xFFFFE0C0  }
0x6f: {  	_ =	swait.ge [sflag:s11], $0x1F40  }
0x70: {  	[sflag:s11] =	ssyncset.done $0x0  }
0x71: {  	[sflag:s11] =	ssyncadd.s32 $0xFFFFE0C0  }
0x72: {  	_ =	swait.ge [sflag:s10], $0x1F40  }
0x73: {  	s6 =	simm.s32 $0x2000;
	s14 =	simm.s32 $0x1000;
	[sflag:s10] =	ssyncset.done $0x0  }
.LBB2_2:
0x74: {  	s13 =	sshra.s32 s14, $0x2  }
0x75: {  	[sflag:s10] =	ssyncadd.s32 $0xFFFFE0C0;
	s14 =	smov.u32 s6;
	s12 =	sadd.s32 $0x1000, s6  }
0x76: {  	[tilespmem:s17], [sflag:$0x1] =	stream.indirect.gather [hbm4b:s3+s16], $0x40, s13, s16, $0xb8;
	[tilespmem:$0x1E640] =	vst v63  }
0x77: {  	p1 =	sne.s32 s6, $0x9000;
	s6 =	sadd.s32 $0x80, s13  }
0x78: {  	[tilespmem:s18], [sflag:$0x2] =	stream.indirect.gather [hbm4b:s3+s16], $0x40, s6, s16, $0xb8;
	[tilespmem:$0x1E640] =	vst v63  }
0x79: {  	s6 =	sadd.s32 $0x100, s13  }
0x7a: {  	[tilespmem:s19], [sflag:$0x3] =	stream.indirect.gather [hbm4b:s3+s16], $0x40, s6, s16, $0xb8;
	[tilespmem:$0x1E640] =	vst v63  }
0x7b: {  	s6 =	sadd.s32 $0x180, s13  }
0x7c: {  	[tilespmem:s20], [sflag:$0x4] =	stream.indirect.gather [hbm4b:s3+s16], $0x40, s6, s16, $0xb8;
	[tilespmem:$0x1E640] =	vst v63  }
0x7d: {  	s6 =	sadd.s32 $0x200, s13  }
0x7e: {  	[tilespmem:s21], [sflag:$0x5] =	stream.indirect.gather [hbm4b:s3+s16], $0x40, s6, s16, $0xb8;
	[tilespmem:$0x1E640] =	vst v63  }
0x7f: {  	s6 =	sadd.s32 $0x280, s13  }
0x80: {  	[tilespmem:s22], [sflag:$0x6] =	stream.indirect.gather [hbm4b:s3+s16], $0x40, s6, s16, $0xb8;
	[tilespmem:$0x1E640] =	vst v63  }
0x81: {  	s6 =	sadd.s32 $0x300, s13  }
0x82: {  	[tilespmem:s23], [sflag:$0x7] =	stream.indirect.gather [hbm4b:s3+s16], $0x40, s6, s16, $0xb8;
	[tilespmem:$0x1E640] =	vst v63  }
0x83: {  	s6 =	sadd.s32 $0x380, s13  }
0x84: {  	[tilespmem:s24], [sflag:$0x8] =	stream.indirect.gather [hbm4b:s3+s16], $0x40, s6, s16, $0xb8;
	[tilespmem:$0x1E640] =	vst v63  }
0x85: {  	_ =	swait.ge [sflag:s25], $0x1F40  }
0x86: {  	[sflag:s25] =	ssyncset.done $0x0  }
0x87: {  	s6 =	sadd.s32 $0x2800, s13;
	[sflag:s25] =	ssyncadd.s32 $0xFFFFE0C0  }
0x88: {  	[spmem:s1] =	stream.indirect.scatter.add.f32 [tilespmem:s17], [sflag:$0x9], $0x40, s6, s16, $0xb8;
	[tilespmem:$0x1E640] =	vst v63  }
0x89: {  	_ =	swait.ge [sflag:s26], $0x1F40  }
0x8a: {  	[sflag:s26] =	ssyncset.done $0x0  }
0x8b: {  	s6 =	sadd.s32 $0x2880, s13;
	[sflag:s26] =	ssyncadd.s32 $0xFFFFE0C0  }
0x8c: {  	[spmem:s1] =	stream.indirect.scatter.add.f32 [tilespmem:s18], [sflag:$0xA], $0x40, s6, s16, $0xb8;
	[tilespmem:$0x1E640] =	vst v63  }
0x8d: {  	_ =	swait.ge [sflag:s28], $0x1F40  }
0x8e: {  	[sflag:s28] =	ssyncset.done $0x0  }
0x8f: {  	s6 =	sadd.s32 $0x2900, s13;
	[sflag:s28] =	ssyncadd.s32 $0xFFFFE0C0  }
0x90: {  	[spmem:s1] =	stream.indirect.scatter.add.f32 [tilespmem:s19], [sflag:$0xB], $0x40, s6, s16, $0xb8;
	[tilespmem:$0x1E640] =	vst v63  }
0x91: {  	_ =	swait.ge [sflag:s29], $0x1F40  }
0x92: {  	[sflag:s29] =	ssyncset.done $0x0  }
0x93: {  	s6 =	sadd.s32 $0x2980, s13;
	[sflag:s29] =	ssyncadd.s32 $0xFFFFE0C0  }
0x94: {  	[spmem:s1] =	stream.indirect.scatter.add.f32 [tilespmem:s20], [sflag:$0xC], $0x40, s6, s16, $0xb8;
	[tilespmem:$0x1E640] =	vst v63  }
0x95: {  	_ =	swait.ge [sflag:s30], $0x1F40  }
0x96: {  	[sflag:s30] =	ssyncset.done $0x0  }
0x97: {  	s6 =	sadd.s32 $0x2A00, s13;
	[sflag:s30] =	ssyncadd.s32 $0xFFFFE0C0  }
0x98: {  	[spmem:s1] =	stream.indirect.scatter.add.f32 [tilespmem:s21], [sflag:$0xD], $0x40, s6, s16, $0xb8;
	[tilespmem:$0x1E640] =	vst v63  }
0x99: {  	_ =	swait.ge [sflag:s31], $0x1F40  }
0x9a: {  	[sflag:s31] =	ssyncset.done $0x0  }
0x9b: {  	s6 =	sadd.s32 $0x2A80, s13;
	[sflag:s31] =	ssyncadd.s32 $0xFFFFE0C0  }
0x9c: {  	[spmem:s1] =	stream.indirect.scatter.add.f32 [tilespmem:s22], [sflag:$0xE], $0x40, s6, s16, $0xb8;
	[tilespmem:$0x1E640] =	vst v63  }
0x9d: {  	_ =	swait.ge [sflag:s0], $0x1F40  }
0x9e: {  	[sflag:s0] =	ssyncset.done $0x0  }
0x9f: {  	s6 =	sadd.s32 $0x2B00, s13;
	[sflag:s0] =	ssyncadd.s32 $0xFFFFE0C0  }
0xa0: {  	[spmem:s1] =	stream.indirect.scatter.add.f32 [tilespmem:s23], [sflag:$0xF], $0x40, s6, s16, $0xb8;
	[tilespmem:$0x1E640] =	vst v63  }
0xa1: {  	_ =	swait.ge [sflag:s15], $0x1F40  }
0xa2: {  	[sflag:s15] =	ssyncset.done $0x0  }
0xa3: {  	s6 =	sadd.s32 $0x2B80, s13;
	[sflag:s15] =	ssyncadd.s32 $0xFFFFE0C0  }
0xa4: {  	[spmem:s1] =	stream.indirect.scatter.add.f32 [tilespmem:s24], [sflag:$0x10], $0x40, s6, s16, $0xb8;
	[tilespmem:$0x1E640] =	vst v63  }
0xa5: {  	_ =	swait.ge [sflag:s2], $0x1F40  }
0xa6: {  	[sflag:s2] =	ssyncset.done $0x0  }
0xa7: {  	[sflag:s2] =	ssyncadd.s32 $0xFFFFE0C0  }
0xa8: {  	_ =	swait.ge [sflag:s5], $0x1F40  }
0xa9: {  	[sflag:s5] =	ssyncset.done $0x0  }
0xaa: {  	[sflag:s5] =	ssyncadd.s32 $0xFFFFE0C0  }
0xab: {  	_ =	swait.ge [sflag:s7], $0x1F40  }
0xac: {  	[sflag:s7] =	ssyncset.done $0x0  }
0xad: {  	[sflag:s7] =	ssyncadd.s32 $0xFFFFE0C0  }
0xae: {  	_ =	swait.ge [sflag:s8], $0x1F40  }
0xaf: {  	[sflag:s8] =	ssyncset.done $0x0  }
0xb0: {  	[sflag:s8] =	ssyncadd.s32 $0xFFFFE0C0  }
0xb1: {  	_ =	swait.ge [sflag:s4], $0x1F40  }
0xb2: {  	[sflag:s4] =	ssyncset.done $0x0  }
0xb3: {  	[sflag:s4] =	ssyncadd.s32 $0xFFFFE0C0  }
0xb4: {  	_ =	swait.ge [sflag:s9], $0x1F40  }
0xb5: {  	[sflag:s9] =	ssyncset.done $0x0  }
0xb6: {  	[sflag:s9] =	ssyncadd.s32 $0xFFFFE0C0  }
.Ltmp0:
0xb7: {  	_ =	swait.ge [sflag:s11], $0x1F40;
	(pc) =	sbr.rel @p1 .LBB2_2-.Ltmp0, $4  }
0xb8: {  	[sflag:s11] =	ssyncset.done $0x0  }
0xb9: {  	[sflag:s11] =	ssyncadd.s32 $0xFFFFE0C0  }
0xba: {  	_ =	swait.ge [sflag:s10], $0x1F40  }
0xbb: {  	s6 =	smov.u32 s12;
	[sflag:s10] =	ssyncset.done $0x0  }
0xbc: {  	s6 =	sshra.s32 s14, $0x2;
	[sflag:s10] =	ssyncadd.s32 $0xFFFFE0C0  }
0xbd: {  	[tilespmem:s17], [sflag:$0x1] =	stream.indirect.gather [hbm4b:s3+s16], $0x40, s6, s16, $0xb8;
	[tilespmem:$0x1E640] =	vst v63  }
0xbe: {  	s12 =	sadd.s32 $0x80, s6  }
0xbf: {  	[tilespmem:s18], [sflag:$0x2] =	stream.indirect.gather [hbm4b:s3+s16], $0x40, s12, s16, $0xb8;
	[tilespmem:$0x1E640] =	vst v63  }
0xc0: {  	s14 =	sadd.s32 $0x100, s6  }
0xc1: {  	[tilespmem:s19], [sflag:$0x3] =	stream.indirect.gather [hbm4b:s3+s16], $0x40, s14, s16, $0xb8;
	[tilespmem:$0x1E640] =	vst v63  }
0xc2: {  	s13 =	sadd.s32 $0x180, s6  }
0xc3: {  	[tilespmem:s20], [sflag:$0x4] =	stream.indirect.gather [hbm4b:s3+s16], $0x40, s13, s16, $0xb8;
	[tilespmem:$0x1E640] =	vst v63  }
0xc4: {  	s14 =	sadd.s32 $0x200, s6  }
0xc5: {  	[tilespmem:s21], [sflag:$0x5] =	stream.indirect.gather [hbm4b:s3+s16], $0x40, s14, s16, $0xb8;
	[tilespmem:$0x1E640] =	vst v63  }
0xc6: {  	s13 =	sadd.s32 $0x280, s6  }
0xc7: {  	[tilespmem:s22], [sflag:$0x6] =	stream.indirect.gather [hbm4b:s3+s16], $0x40, s13, s16, $0xb8;
	[tilespmem:$0x1E640] =	vst v63  }
0xc8: {  	s14 =	sadd.s32 $0x300, s6  }
0xc9: {  	[tilespmem:s23], [sflag:$0x7] =	stream.indirect.gather [hbm4b:s3+s16], $0x40, s14, s16, $0xb8;
	[tilespmem:$0x1E640] =	vst v63  }
0xca: {  	s13 =	sadd.s32 $0x380, s6  }
0xcb: {  	[tilespmem:s24], [sflag:$0x8] =	stream.indirect.gather [hbm4b:s3+s16], $0x40, s13, s16, $0xb8;
	[tilespmem:$0x1E640] =	vst v63  }
0xcc: {  	_ =	swait.ge [sflag:s25], $0x1F40  }
0xcd: {  	[sflag:s25] =	ssyncset.done $0x0  }
0xce: {  	s14 =	sadd.s32 $0x2800, s6;
	[sflag:s25] =	ssyncadd.s32 $0xFFFFE0C0  }
0xcf: {  	[spmem:s1] =	stream.indirect.scatter.add.f32 [tilespmem:s17], [sflag:$0x9], $0x40, s14, s16, $0xb8;
	[tilespmem:$0x1E640] =	vst v63  }
0xd0: {  	_ =	swait.ge [sflag:s26], $0x1F40  }
0xd1: {  	[sflag:s26] =	ssyncset.done $0x0  }
0xd2: {  	s13 =	sadd.s32 $0x2880, s6;
	[sflag:s26] =	ssyncadd.s32 $0xFFFFE0C0  }
0xd3: {  	[spmem:s1] =	stream.indirect.scatter.add.f32 [tilespmem:s18], [sflag:$0xA], $0x40, s13, s16, $0xb8;
	[tilespmem:$0x1E640] =	vst v63  }
0xd4: {  	_ =	swait.ge [sflag:s28], $0x1F40  }
0xd5: {  	[sflag:s28] =	ssyncset.done $0x0  }
0xd6: {  	s14 =	sadd.s32 $0x2900, s6;
	[sflag:s28] =	ssyncadd.s32 $0xFFFFE0C0  }
0xd7: {  	[spmem:s1] =	stream.indirect.scatter.add.f32 [tilespmem:s19], [sflag:$0xB], $0x40, s14, s16, $0xb8;
	[tilespmem:$0x1E640] =	vst v63  }
0xd8: {  	_ =	swait.ge [sflag:s29], $0x1F40  }
0xd9: {  	[sflag:s29] =	ssyncset.done $0x0  }
0xda: {  	s13 =	sadd.s32 $0x2980, s6;
	[sflag:s29] =	ssyncadd.s32 $0xFFFFE0C0  }
0xdb: {  	[spmem:s1] =	stream.indirect.scatter.add.f32 [tilespmem:s20], [sflag:$0xC], $0x40, s13, s16, $0xb8;
	[tilespmem:$0x1E640] =	vst v63  }
0xdc: {  	_ =	swait.ge [sflag:s30], $0x1F40  }
0xdd: {  	[sflag:s30] =	ssyncset.done $0x0  }
0xde: {  	s14 =	sadd.s32 $0x2A00, s6;
	[sflag:s30] =	ssyncadd.s32 $0xFFFFE0C0  }
0xdf: {  	[spmem:s1] =	stream.indirect.scatter.add.f32 [tilespmem:s21], [sflag:$0xD], $0x40, s14, s16, $0xb8;
	[tilespmem:$0x1E640] =	vst v63  }
0xe0: {  	_ =	swait.ge [sflag:s31], $0x1F40  }
0xe1: {  	[sflag:s31] =	ssyncset.done $0x0  }
0xe2: {  	s13 =	sadd.s32 $0x2A80, s6;
	[sflag:s31] =	ssyncadd.s32 $0xFFFFE0C0  }
0xe3: {  	[spmem:s1] =	stream.indirect.scatter.add.f32 [tilespmem:s22], [sflag:$0xE], $0x40, s13, s16, $0xb8;
	[tilespmem:$0x1E640] =	vst v63  }
0xe4: {  	_ =	swait.ge [sflag:s0], $0x1F40  }
0xe5: {  	[sflag:s0] =	ssyncset.done $0x0  }
0xe6: {  	s14 =	sadd.s32 $0x2B00, s6;
	[sflag:s0] =	ssyncadd.s32 $0xFFFFE0C0  }
0xe7: {  	[spmem:s1] =	stream.indirect.scatter.add.f32 [tilespmem:s23], [sflag:$0xF], $0x40, s14, s16, $0xb8;
	[tilespmem:$0x1E640] =	vst v63  }
0xe8: {  	_ =	swait.ge [sflag:s15], $0x1F40  }
0xe9: {  	[sflag:s15] =	ssyncset.done $0x0  }
0xea: {  	s6 =	sadd.s32 $0x2B80, s6;
	[sflag:s15] =	ssyncadd.s32 $0xFFFFE0C0  }
0xeb: {  	[spmem:s1] =	stream.indirect.scatter.add.f32 [tilespmem:s24], [sflag:$0x10], $0x40, s6, s16, $0xb8;
	[tilespmem:$0x1E640] =	vst v63  }
0xec: {  	_ =	swait.ge [sflag:s2], $0x1F40  }
0xed: {  	[sflag:s2] =	ssyncset.done $0x0  }
0xee: {  	[sflag:s2] =	ssyncadd.s32 $0xFFFFE0C0  }
0xef: {  	_ =	swait.ge [sflag:s5], $0x1F40  }
0xf0: {  	[sflag:s5] =	ssyncset.done $0x0  }
0xf1: {  	[sflag:s5] =	ssyncadd.s32 $0xFFFFE0C0  }
0xf2: {  	_ =	swait.ge [sflag:s7], $0x1F40  }
0xf3: {  	[sflag:s7] =	ssyncset.done $0x0  }
0xf4: {  	[sflag:s7] =	ssyncadd.s32 $0xFFFFE0C0  }
0xf5: {  	_ =	swait.ge [sflag:s8], $0x1F40  }
0xf6: {  	[sflag:s8] =	ssyncset.done $0x0  }
0xf7: {  	[sflag:s8] =	ssyncadd.s32 $0xFFFFE0C0  }
0xf8: {  	_ =	swait.ge [sflag:s4], $0x1F40  }
0xf9: {  	[sflag:s4] =	ssyncset.done $0x0  }
0xfa: {  	[sflag:s4] =	ssyncadd.s32 $0xFFFFE0C0  }
0xfb: {  	_ =	swait.ge [sflag:s9], $0x1F40  }
0xfc: {  	[sflag:s9] =	ssyncset.done $0x0  }
0xfd: {  	[sflag:s9] =	ssyncadd.s32 $0xFFFFE0C0  }
0xfe: {  	_ =	swait.ge [sflag:s11], $0x1F40  }
0xff: {  	[sflag:s11] =	ssyncset.done $0x0  }
0x100: {  	[sflag:s11] =	ssyncadd.s32 $0xFFFFE0C0  }
0x101: {  	_ =	swait.ge [sflag:s10], $0x1F40  }
0x102: {  	[sflag:s10] =	ssyncset.done $0x0  }
0x103: {  	[sflag:s10] =	ssyncadd.s32 $0xFFFFE0C0  }
0x104: {  	[bflag:$0x0] =	sbarrier.arrive $0xFFFF  }
0x105: {  	s12 =	rddreg [dreg:$0x3]  }
0x106: {  	s13 =	rddreg [dreg:$0x9]  }
0x107: {  	s14 =	rddreg [dreg:$0xb]  }
0x108: {  	s6 =	sadd.s32 s12, s13;
	s12 =	rddreg [dreg:$0x5]  }
0x109: {  	[hbm:s6], [sflag:s12] =	dma.local [spmem:s14], $0x1380  }
0x10a: {  	s14 =	simm.s32 $0x11  }
0x10b: {  	_ =	swait.ge [sflag:s14], $0x1380  }
0x10c: {  	s6 =	sadd.s32 @!p0 $0x13800, s13;
	[sflag:s14] =	ssyncset.done $0x0  }
0x10d: {  	s13 =	simm.s32 @!p0 $0x11;
	[sflag:s14] =	ssyncadd.s32 $0xFFFFEC80;
	s14 =	rddreg [dreg:$0xc]  }
0x10e: {  	[hbm:s6], [sflag:s12] =	dma.local @!p0 [spmem:s14], $0x80  }
0x10f: {  	_ =	swait.ge @!p0 [sflag:s13], $0x80  }
0x110: {  	s14 =	rddreg [dreg:$0xd]  }
0x111: {  	s6 =	sadd.s32 $0x1, s14;
	s14 =	rddreg [dreg:$0xa]  }
0x112: {  	p1 =	sne.s32 s6, s14  }
.Ltmp1:
0x113: {  	_ = 	snop;
	(pc) =	sbr.rel @p1 .LBB2_1-.Ltmp1, $3  }
0x114: {  	_ =	sdelay $0x1  }
0x115: {  	[sflag:s13] =	ssyncset.done @!p0 $0x0;
	[dreg:$0xd] =	wrdreg s6;
	s6 =	simm.s32 @!p0 $0x11  }
0x116: {  	s13 =	simm.s32 $0x11;
	[sflag:s6] =	ssyncadd.s32 @!p0 $0xFFFFFF80  }
0x117: {  	_ =	sfence.sel $0x180000  }
0x118: {  	[bflag:$0x0] =	sbarrier.arrive $0xFFFF  }
0x119: {  	_ =	strace $0x9000004D  }
0x11a: {  	[bflag:$0x2] =	sbarrier.arrive $0xFFFF  }
0x11b: {  	s0 =	rddreg [dreg:$0x2]  }
0x11c: {  	s0 =	sadd.s32 @!p0 $0x100000, s0  }
0x11d: {  	[sflag:s0] =	ssyncadd.tile.s32 @!p0 $0x1;
	_ =	shalt  }
.Lfunc_end2:
_tile_overlayer_lowered:
.L_overlay_start_2:
0x11e: {  	(tag) =	ssettag $0x2  }
0x11f: {  	s0 =	rddreg [dreg:$0x0];
	s2 =	stileid.u32  }
0x120: {  	s1 =	rddreg [dreg:$0x1];
	p0 =	sne.s32 s2, $0x0  }
0x121: {  	s3 =	rddreg [dreg:$0x2];
	[bflag:$0x3] =	sbarrier.arrive $0xFFFF;
	s2 =	simm.s32 @!p0 $0x1C11  }
0x122: {  	[timem:s3], [sflag:s2] =	dma.local @!p0 [hbm:s0], s1  }
0x123: {  	s0 =	simm.s32 @!p0 $0x11  }
0x124: {  	_ =	swait.ge @!p0 [sflag:s0], s1  }
0x125: {  	s1 =	ssub.s32 @!p0 $0x0, s1;
	[sflag:s0] =	ssyncset.done @!p0 $0x0  }
0x126: {  	[sflag:s0] =	ssyncadd.s32 @!p0 s1  }
0x127: {  	[bflag:$0x3] =	sbarrier.arrive $0xFFFF  }
0x128: {  	_ =	shalt  }

// kernel: kernel.19.cloned.1.call-start
scs
__scs_entry_jumppad:
0x0: {  	(pc) =	sbr.rel $0x88, $3  }
0x1: {  	(tag) =	ssettag $0x0;
	lr =	simm.s32 $0x1  }
0x2: {  	[smem:$0x3F84] =	sst lr;
	_ =	strace $0xD0000000  }
0x3: {  	_ = 	snop  }
0x4: {  	_ = 	snop  }
0x5: {  	_ = 	snop  }
0x6: {  	_ = 	snop  }
0x7: {  	_ = 	snop  }
__scs_overlays_trampoline_lowered:
0x8: {  	[smem:$0x3F93] =	sst s0  }
0x9: {  	[smem:$0x3F94] =	sst s1  }
0xa: {  	[smem:$0x3F95] =	sst s2  }
0xb: {  	[smem:$0x3F96] =	sst s3  }
0xc: {  	[smem:$0x3F97] =	sst s4  }
0xd: {  	[smem:$0x3F98] =	sst s5  }
0xe: {  	[smem:$0x3F99] =	sst s6  }
0xf: {  	[smem:$0x3F9A] =	sst s7  }
0x10: {  	[smem:$0x3F9B] =	sst s8  }
0x11: {  	[smem:$0x3F9C] =	sst s9;
	s0 =	simm.s32 @!p0 $0x0  }
0x12: {  	s1 =	sld [smem:$0x3F82];
	s0 =	simm.s32 @p0 $0x1  }
0x13: {  	[smem:$0x3F9D] =	sst s0;
	s0 =	simm.s32 @!p1 $0x0  }
0x14: {  	s2 =	sld [smem:$0x3F81];
	s0 =	simm.s32 @p1 $0x1  }
0x15: {  	[smem:$0x3F9E] =	sst s0;
	s0 =	simm.s32 @!p2 $0x0  }
0x16: {  	s3 =	sld [smem:$0x3FDB];
	s0 =	simm.s32 @p2 $0x1  }
0x17: {  	s4 =	simm.s32 $0x1BF5;
	[smem:$0x3FA0] =	sst s0  }
0x18: {  	s0 =	sld [smem:$0x3F83];
	_ =	swait.ge [sflag:s4], $0x0  }
0x19: {  	s7 =	sld [smem:$0x3F84]  }
0x1a: {  	s8 =	sadd.s32 $0xFFFFE003, lr  }
0x1b: {  	s9 =	sadd.s32 $0xFFFFFEF7, lr;
	s5 =	simm.s32 $0xFFFFFFFF;
	p2 =	slt.u32 s8, $0xFFFFF086  }
0x1c: {  	p1 =	slt.u32 s9, $0xF7A;
	s5 =	simm.s32 @!p2 $0x0  }
0x1d: {  	s5 =	simm.s32 @p1 $0x1;
	p0 =	seq.s32 s7, s2  }
0x1e: {  	s7 =	smul.u32 @!p0 $0xF7A, s2;
	p2 =	seq.s32 @!p0 s5, $0x0  }
0x1f: {  	s9 =	smul.u32 $0xF7A, s1;
	s8 =	simm.s32 @!p0 $0x1BF5;
	p2 =	por !p2, p0  }
0x20: {  	[sflag:s8] =	ssyncset.s32 @!p0 $0xFFFFF086;
	s6 =	sadd.s32 @!p0 s3, s7;
	s7 =	simm.s32 @!p0 $0x108  }
0x21: {  	s3 =	sadd.s32 s3, s9;
	s6 =	sadd.s32 @!p0 $0x88, s6;
	s7 =	simm.s32 @p2 $0x1082  }
0x22: {  	[simem:s7], [sflag:s8] =	dma.local @!p0 [hbm:s6], $0xF7A  }
0x23: {  	s9 =	sor.u32 $0xD0000000, s2;
	s6 =	simm.s32 $0x108;
	_ =	swait.ge @!p0 [sflag:s8], $0x0  }
0x24: {  	s3 =	sadd.s32 $0x88, s3;
	s6 =	simm.s32 @!p1 $0x1082;
	[sflag:s4] =	ssyncset.s32 $0xFFFFF086  }
0x25: {  	[simem:s6], [sflag:s4] =	dma.local [hbm:s3], $0xF7A  }
0x26: {  	[smem:$0x3F84] =	sst s1;
	(tag) =	ssettag s2;
	_ =	strace s9  }
0x27: {  	s1 =	sld [smem:$0x3F94]  }
0x28: {  	s2 =	sld [smem:$0x3F95]  }
0x29: {  	s4 =	sld [smem:$0x3F97]  }
0x2a: {  	p0 =	seq.s32 s5, $0x0;
	s5 =	sld [smem:$0x3F98]  }
0x2b: {  	s6 =	sld [smem:$0x3F99]  }
0x2c: {  	s7 =	sld [smem:$0x3F9A]  }
0x2d: {  	s3 =	simm.s32 $0x108;
	s8 =	sld [smem:$0x3F9B]  }
0x2e: {  	s3 =	simm.s32 @!p0 $0x1082;
	s9 =	sld [smem:$0x3F9C]  }
0x2f: {  	lr =	sadd.s32 s0, s3;
	s0 =	sld [smem:$0x3F93]  }
0x30: {  	s3 =	sld [smem:$0x3F96]  }
0x31: {  	[smem:$0x3F9F] =	sst s10  }
0x32: {  	s10 =	sld [smem:$0x3F9D];
	_ =	sdelay $0x3  }
0x33: {  	p0 =	seq.s32 s10, $0x1;
	s10 =	sld [smem:$0x3F9F];
	_ =	sdelay $0x3  }
0x34: {  	[smem:$0x3F9F] =	sst s10  }
0x35: {  	s10 =	sld [smem:$0x3F9E];
	_ =	sdelay $0x3  }
0x36: {  	p1 =	seq.s32 s10, $0x1;
	s10 =	sld [smem:$0x3F9F];
	_ =	sdelay $0x3  }
0x37: {  	[smem:$0x3F9F] =	sst s10  }
0x38: {  	s10 =	sld [smem:$0x3FA0]  }
0x39: {  	_ = 	snop;
	(pc) =	sbr.ind lr, $3  }
0x3a: {  	_ = 	snop  }
0x3b: {  	_ = 	snop  }
0x3c: {  	p2 =	seq.s32 s10, $0x1;
	s10 =	sld [smem:$0x3F9F]  }
0x3d: {  	_ =	shalt  }
0x3e: {  	_ =	shalt  }
0x3f: {  	_ =	shalt  }
0x40: {  	_ =	shalt  }
0x41: {  	_ =	shalt  }
0x42: {  	_ =	shalt  }
0x43: {  	_ =	shalt  }
0x44: {  	_ =	shalt  }
0x45: {  	_ =	shalt  }
0x46: {  	_ =	shalt  }
0x47: {  	_ =	shalt  }
0x48: {  	_ =	shalt  }
0x49: {  	_ =	shalt  }
0x4a: {  	_ =	shalt  }
0x4b: {  	_ =	shalt  }
0x4c: {  	_ =	shalt  }
0x4d: {  	_ =	shalt  }
0x4e: {  	_ =	shalt  }
0x4f: {  	_ =	shalt  }
0x50: {  	_ =	shalt  }
0x51: {  	_ =	shalt  }
0x52: {  	_ =	shalt  }
0x53: {  	_ =	shalt  }
0x54: {  	_ =	shalt  }
0x55: {  	_ =	shalt  }
0x56: {  	_ =	shalt  }
0x57: {  	_ =	shalt  }
0x58: {  	_ =	shalt  }
0x59: {  	_ =	shalt  }
0x5a: {  	_ =	shalt  }
0x5b: {  	_ =	shalt  }
0x5c: {  	_ =	shalt  }
0x5d: {  	_ =	shalt  }
0x5e: {  	_ =	shalt  }
0x5f: {  	_ =	shalt  }
0x60: {  	_ =	shalt  }
0x61: {  	_ =	shalt  }
0x62: {  	_ =	shalt  }
0x63: {  	_ =	shalt  }
0x64: {  	_ =	shalt  }
0x65: {  	_ =	shalt  }
0x66: {  	_ =	shalt  }
0x67: {  	_ =	shalt  }
0x68: {  	_ =	shalt  }
0x69: {  	_ =	shalt  }
0x6a: {  	_ =	shalt  }
0x6b: {  	_ =	shalt  }
0x6c: {  	_ =	shalt  }
0x6d: {  	_ =	shalt  }
0x6e: {  	_ =	shalt  }
0x6f: {  	_ =	shalt  }
0x70: {  	_ =	shalt  }
0x71: {  	_ =	shalt  }
0x72: {  	_ =	shalt  }
0x73: {  	_ =	shalt  }
0x74: {  	_ =	shalt  }
0x75: {  	_ =	shalt  }
0x76: {  	_ =	shalt  }
0x77: {  	_ =	shalt  }
0x78: {  	_ =	shalt  }
0x79: {  	_ =	shalt  }
0x7a: {  	_ =	shalt  }
0x7b: {  	_ =	shalt  }
0x7c: {  	_ =	shalt  }
0x7d: {  	_ =	shalt  }
0x7e: {  	_ =	shalt  }
0x7f: {  	_ =	shalt  }
0x80: {  	_ =	shalt  }
0x81: {  	_ =	shalt  }
0x82: {  	_ =	shalt  }
0x83: {  	_ =	shalt  }
0x84: {  	_ =	shalt  }
0x85: {  	_ =	shalt  }
0x86: {  	_ =	shalt  }
0x87: {  	_ =	shalt  }
.Lfunc_end0:
.L_simem_size_0:
called_computation.3_lowered:
.L_overlay_start_0:
0x88: {  	s2 =	sld [smem:$0x3FD9]  }
0x89: {  	s3 =	sld [smem:$0x3FFE];
	_ =	sdelay $0x1  }
0x8a: {  	s1 =	srdreg.scid  }
0x8b: {  	s0 =	sand.u32 $0x1, s1  }
0x8c: {  	s16 =	sshll.u32 s0, $0xA;
	s2 =	sadd.s32 s3, s2  }
0x8d: {  	s2 =	sadd.s32 s2, s16  }
0x8e: {  	[smem:$0x3FAB] =	sst s2  }
0x8f: {  	_ = 	snop  }
0x90: {  	(tm) =	ssettm $0x1  }
0x91: {  	s17 =	sld [smem:$0x3FFB];
	_ =	sdelay $0x3  }
0x92: {  	_ =	strace s17  }
0x93: {  	s2 =	sld [smem:$0x3FFC];
	_ =	sdelay $0x3  }
0x94: {  	_ =	strace s2  }
0x95: {  	s2 =	sld [smem:$0x3FFD];
	_ =	sdelay $0x3  }
0x96: {  	_ =	strace s2  }
0x97: {  	_ =	strace $0x8FFFFFFF  }
0x98: {  	s18 =	sld [smem:$0x3FDB];
	_ =	sdelay $0x1  }
0x99: {  	s19 =	simm.s32 $_scs_section_size  }
0x9a: {  	s4 =	simm.s32 $_size__tile_overlayer_lowered;
	s5 =	simm.s32 $_tile_overlayer_lowered  }
0x9b: {  	s22 =	simm.s32 $0x1BFF;
	s21 =	sshll.u32 s5, $0x1;
	s2 =	sadd.s32 s19, s18  }
0x9c: {  	s6 =	simm.s32 $0x0;
	s20 =	sshll.u32 s4, $0x1;
	s4 =	sadd.s32 s21, s2  }
0x9d: {  	[timem:s6], [sflag:s22] =	dma.local [hbm:s4], s20  }
0x9e: {  	_ =	swait.ge [sflag:s22], s20  }
0x9f: {  	s3 =	ssub.s32 $0x0, s20;
	[sflag:s22] =	ssyncset.done $0x0  }
0xa0: {  	[sflag:s22] =	ssyncadd.s32 s3;
	_ =	sdelay $0x1  }
0xa1: {  	s23 =	simm.s32 $0x1B8B  }
0xa2: {  	_ =	swait.ge [sflag:s23], $0x1  }
0xa3: {  	[sflag:s23] =	ssyncset.done $0x0  }
0xa4: {  	s25 =	simm.s32 $0x1B8E;
	s24 =	sld [smem:$0x3FFE];
	[sflag:s23] =	ssyncadd.s32 $0xFFFFFFFF  }
0xa5: {  	s26 =	simm.s32 $execute0_lowered;
	[smem:$0x3FD2] =	sst s25  }
0xa6: {  	s4 =	sshll.u32 s26, $0x1;
	_ =	strace $0x8000004F;
	[dreg:$0x1] =	wrdreg $0xFFFFFFFF  }
0xa7: {  	s28 =	simm.s32 $_size_execute0_lowered;
	s2 =	sadd.s32 s2, s4;
	[dreg:$0x0] =	wrdreg $0x0  }
0xa8: {  	s4 =	sshll.u32 s28, $0x1;
	[dreg:$0x2] =	wrdreg s2  }
0xa9: {  	[dreg:$0x3] =	wrdreg s4  }
0xaa: {  	[dreg:$0x4] =	wrdreg $0xC0  }
0xab: {  	_ =	task [dreg:s6], $0x5FFFF  }
0xac: {  	[dreg:$0x1] =	wrdreg $0xFFFFFFFF  }
0xad: {  	[dreg:$0x0] =	wrdreg $0x60  }
0xae: {  	[dreg:$0x2] =	wrdreg s24  }
0xaf: {  	[dreg:$0x3] =	wrdreg $0x14A000  }
0xb0: {  	[dreg:$0x4] =	wrdreg $0x9  }
0xb1: {  	_ =	task.clear_ibuf [dreg:s6], $0x5FFFF;
	_ =	strace $0x9000004F  }
0xb2: {  	s29 =	simm.s32 $0x9;
	_ =	strace $0x80000051  }
0xb3: {  	_ =	swait.ge [sflag:s29], $0x1  }
0xb4: {  	[sflag:s29] =	ssyncadd.s32 $0xFFFFFFFF  }
0xb5: {  	_ =	strace $0x90000051  }
0xb6: {  	_ =	sfence  }
0xb7: {  	s30 =	sld [smem:$0x0];
	_ =	sdelay $0x2  }
0xb8: {  	s31 =	sshll.u32 s1, $0xD;
	s1 =	sshrl.u32 s1, $0x2  }
0xb9: {  	s3 =	sand.u32 $0x4000, s31;
	s1 =	sadd.s32 s1, s30  }
0xba: {  	s0 =	sor.u32 s3, s0;
	s1 =	sshll.u32 s1, $0x11  }
0xbb: {  	s0 =	sor.u32 s1, s0  }
0xbc: {  	s0 =	sadd.s32 $0x8F2B, s0  }
0xbd: {  	[sflag:s0] =	ssyncadd.remote.s32 $0x1  }
0xbe: {  	_ =	sfence.sel $0xFFFF  }
0xbf: {  	[dreg:$0x0] =	wrdreg $0xFFFFFFFF;
	(pc) =	sbr.abs _section_cstart, $3  }
0xc0: {  	[dreg:$0x1] =	wrdreg $0xFFFFFFFF  }
0xc1: {  	_ =	task.clear_ibuf [dreg:s6], $0x2FFFF;
	_ =	strace $0x9FFFFFFF  }
0xc2: {  	(tm) =	ssettm $0x7FFFFFFF  }
0xc3: {  	_ =	shalt  }
tec
execute0_lowered:
.L_overlay_start_1:
0x0: {  	(tag) =	ssettag $0x1  }
0x1: {  	s0 =	srdreg.scid  }
0x2: {  	s2 =	rddreg [dreg:$0x0];
	s4 =	stileid.u32  }
0x3: {  	s1 =	rddreg [dreg:$0x1];
	s6 =	simm.s32 $0x0;
	s13 =	simm.s32 $0x11  }
0x4: {  	s16 =	simm.s32 $0x7D;
	s17 =	simm.s32 $0x5000;
	s18 =	simm.s32 $0x6F40  }
0x5: {  	s19 =	simm.s32 $0x8E80;
	s20 =	simm.s32 $0xADC0;
	s28 =	simm.s32 $0x3  }
0x6: {  	s29 =	simm.s32 $0x4;
	s30 =	simm.s32 $0x5;
	s31 =	simm.s32 $0x6  }
0x7: {  	s15 =	simm.s32 $0x8;
	s11 =	simm.s32 $0xF;
	s10 =	simm.s32 $0x10  }
0x8: {  	s0 =	sand.u32 $0x1, s0;
	[smem:$0x7FF] =	sst s6;
	s21 =	smul.u32 $0x9C00, s4  }
0x9: {  	s22 =	sshll.u32 s4, $0x6;
	p0 =	sne.s32 s4, $0x0;
	s3 =	sshll.u32 s0, $0x4  }
0xa: {  	_ =	strace $0x80000050;
	s7 =	smul.u32 $0x13880, s0;
	s0 =	ssub.s32 $0x2, s0  }
0xb: {  	s12 =	sor.u32 $0x1C11, s22;
	s22 =	simm.s32 $0xEC40;
	s3 =	sor.u32 s4, s3  }
0xc: {  	s8 =	sshrl.u32 s21, $0x3;
	s9 =	sshrl.u32 s0, $0x1;
	s6 =	sadd.s32 s21, s1  }
0xd: {  	s21 =	simm.s32 $0xCD00;
	s4 =	simm.s32 $0xD;
	[dreg:$0x5] =	wrdreg s12  }
0xe: {  	s5 =	smul.u32 $0x500, s3;
	s3 =	sadd.s32 $0x23400, s2;
	[dreg:$0x3] =	wrdreg s8  }
0xf: {  	s8 =	sadd.s32 s8, s2;
	s7 =	sadd.s32 s7, s2;
	s0 =	ssub.s32 s0, s9  }
0x10: {  	s26 =	sshrl.u32 s6, $0x3;
	s9 =	simm.s32 $0xE;
	s6 =	simm.s32 $0x0  }
0x11: {  	s8 =	sadd.s32 $0x36E00, s8;
	s25 =	sadd.s32 $0x4A800, s7;
	[dreg:$0xb] =	wrdreg s26  }
0x12: {  	s0 =	smax.u32 s0, $0x1;
	s26 =	simm.s32 $0x2;
	[dreg:$0xd] =	wrdreg s6  }
0x13: {  	s7 =	simm.s32 $0xB;
	s5 =	sadd.s32 s5, s2;
	[dreg:$0x4] =	wrdreg s8  }
0x14: {  	s8 =	sadd.s32 $0x9C000, s1;
	s2 =	sadd.s32 $0x4A600, s2;
	[dreg:$0x9] =	wrdreg s25  }
0x15: {  	[dreg:$0xa] =	wrdreg s0;
	s25 =	simm.s32 $0x1;
	s0 =	simm.s32 $0x7  }
0x16: {  	[dreg:$0x6] =	wrdreg s2;
	s23 =	sadd.s32 $0xF400, s5;
	s24 =	sadd.s32 $0x19400, s5  }
0x17: {  	s14 =	sshrl.u32 @!p0 s8, $0x3;
	s2 =	simm.s32 $0x9;
	[dreg:$0x7] =	wrdreg s23  }
0x18: {  	s5 =	simm.s32 $0xA;
	s8 =	simm.s32 $0xC;
	[dreg:$0x8] =	wrdreg s24  }
0x19: {  	s23 =	simm.s32 $0x10B80;
	s24 =	simm.s32 $0x12AC0;
	[dreg:$0xc] =	wrdreg s14  }
.LBB2_1:
0x1a: {  	s6 =	rddreg [dreg:$0x4]  }
0x1b: {  	s14 =	rddreg [dreg:$0xb]  }
0x1c: {  	[spmem:s14], [sflag:s12] =	dma.local [hbm:s6], $0x1380  }
0x1d: {  	_ =	swait.ge [sflag:s13], $0x1380  }
0x1e: {  	[sflag:s13] =	ssyncset.done $0x0;
	s6 =	rddreg [dreg:$0x6]  }
0x1f: {  	s14 =	rddreg [dreg:$0xc];
	[sflag:s13] =	ssyncadd.s32 $0xFFFFEC80  }
0x20: {  	[spmem:s14], [sflag:s12] =	dma.local @!p0 [hbm:s6], $0x80  }
0x21: {  	s6 =	simm.s32 @!p0 $0x11  }
0x22: {  	_ =	swait.ge @!p0 [sflag:s6], $0x80  }
0x23: {  	[sflag:s6] =	ssyncset.done @!p0 $0x0  }
0x24: {  	s14 =	rddreg [dreg:$0x7];
	[sflag:s6] =	ssyncadd.s32 @!p0 $0xFFFFFF80;
	s6 =	simm.s32 $0x0  }
0x25: {  	[tilespmem:s6], [sflag:$0x11] =	stream.linear.gather [hbm4b:s14+s6], $0x2800, $0x38;
	[tilespmem:$0x1E640] =	vst v63  }
0x26: {  	_ =	swait.ge [sflag:s13], $0x2800  }
0x27: {  	[sflag:s13] =	ssyncset.done $0x0  }
0x28: {  	s14 =	simm.s32 $0x2800;
	s12 =	rddreg [dreg:$0x8];
	[sflag:s13] =	ssyncadd.s32 $0xFFFFD800  }
0x29: {  	[tilespmem:s14], [sflag:$0x11] =	stream.linear.gather [hbm4b:s12+s6], $0x2800, $0x38;
	[tilespmem:$0x1E640] =	vst v63  }
0x2a: {  	_ =	swait.ge [sflag:s13], $0x2800  }
0x2b: {  	[sflag:s13] =	ssyncset.done $0x0  }
0x2c: {  	[sflag:s13] =	ssyncadd.s32 $0xFFFFD800  }
0x2d: {  	s14 =	simm.s32 $0x0;
	[bflag:$0x0] =	sbarrier.arrive $0xFFFF  }
0x2e: {  	[tilespmem:s17], [sflag:$0x1] =	stream.indirect.gather [hbm4b:s3+s16], $0x40, s14, s16, $0xb8;
	[tilespmem:$0x1E640] =	vst v63  }
0x2f: {  	s12 =	simm.s32 $0x80  }
0x30: {  	[tilespmem:s18], [sflag:$0x2] =	stream.indirect.gather [hbm4b:s3+s16], $0x40, s12, s16, $0xb8;
	[tilespmem:$0x1E640] =	vst v63  }
0x31: {  	s13 =	simm.s32 $0x100  }
0x32: {  	[tilespmem:s19], [sflag:$0x3] =	stream.indirect.gather [hbm4b:s3+s16], $0x40, s13, s16, $0xb8;
	[tilespmem:$0x1E640] =	vst v63  }
0x33: {  	s14 =	simm.s32 $0x180  }
0x34: {  	[tilespmem:s20], [sflag:$0x4] =	stream.indirect.gather [hbm4b:s3+s16], $0x40, s14, s16, $0xb8;
	[tilespmem:$0x1E640] =	vst v63  }
0x35: {  	s12 =	simm.s32 $0x200  }
0x36: {  	[tilespmem:s21], [sflag:$0x5] =	stream.indirect.gather [hbm4b:s3+s16], $0x40, s12, s16, $0xb8;
	[tilespmem:$0x1E640] =	vst v63  }
0x37: {  	s13 =	simm.s32 $0x280  }
0x38: {  	[tilespmem:s22], [sflag:$0x6] =	stream.indirect.gather [hbm4b:s3+s16], $0x40, s13, s16, $0xb8;
	[tilespmem:$0x1E640] =	vst v63  }
0x39: {  	s14 =	simm.s32 $0x300  }
0x3a: {  	[tilespmem:s23], [sflag:$0x7] =	stream.indirect.gather [hbm4b:s3+s16], $0x40, s14, s16, $0xb8;
	[tilespmem:$0x1E640] =	vst v63  }
0x3b: {  	s12 =	simm.s32 $0x380  }
0x3c: {  	[tilespmem:s24], [sflag:$0x8] =	stream.indirect.gather [hbm4b:s3+s16], $0x40, s12, s16, $0xb8;
	[tilespmem:$0x1E640] =	vst v63  }
0x3d: {  	_ =	swait.ge [sflag:s25], $0x1F40  }
0x3e: {  	[sflag:s25] =	ssyncset.done $0x0  }
0x3f: {  	s13 =	simm.s32 $0x2800;
	[sflag:s25] =	ssyncadd.s32 $0xFFFFE0C0  }
0x40: {  	[spmem:s1] =	stream.indirect.scatter.add.f32 [tilespmem:s17], [sflag:$0x9], $0x40, s13, s16, $0xb8;
	[tilespmem:$0x1E640] =	vst v63  }
0x41: {  	_ =	swait.ge [sflag:s26], $0x1F40  }
0x42: {  	[sflag:s26] =	ssyncset.done $0x0  }
0x43: {  	s14 =	simm.s32 $0x2880;
	[sflag:s26] =	ssyncadd.s32 $0xFFFFE0C0  }
0x44: {  	[spmem:s1] =	stream.indirect.scatter.add.f32 [tilespmem:s18], [sflag:$0xA], $0x40, s14, s16, $0xb8;
	[tilespmem:$0x1E640] =	vst v63  }
0x45: {  	_ =	swait.ge [sflag:s28], $0x1F40  }
0x46: {  	[sflag:s28] =	ssyncset.done $0x0  }
0x47: {  	s12 =	simm.s32 $0x2900;
	[sflag:s28] =	ssyncadd.s32 $0xFFFFE0C0  }
0x48: {  	[spmem:s1] =	stream.indirect.scatter.add.f32 [tilespmem:s19], [sflag:$0xB], $0x40, s12, s16, $0xb8;
	[tilespmem:$0x1E640] =	vst v63  }
0x49: {  	_ =	swait.ge [sflag:s29], $0x1F40  }
0x4a: {  	[sflag:s29] =	ssyncset.done $0x0  }
0x4b: {  	s13 =	simm.s32 $0x2980;
	[sflag:s29] =	ssyncadd.s32 $0xFFFFE0C0  }
0x4c: {  	[spmem:s1] =	stream.indirect.scatter.add.f32 [tilespmem:s20], [sflag:$0xC], $0x40, s13, s16, $0xb8;
	[tilespmem:$0x1E640] =	vst v63  }
0x4d: {  	_ =	swait.ge [sflag:s30], $0x1F40  }
0x4e: {  	[sflag:s30] =	ssyncset.done $0x0  }
0x4f: {  	s14 =	simm.s32 $0x2A00;
	[sflag:s30] =	ssyncadd.s32 $0xFFFFE0C0  }
0x50: {  	[spmem:s1] =	stream.indirect.scatter.add.f32 [tilespmem:s21], [sflag:$0xD], $0x40, s14, s16, $0xb8;
	[tilespmem:$0x1E640] =	vst v63  }
0x51: {  	_ =	swait.ge [sflag:s31], $0x1F40  }
0x52: {  	[sflag:s31] =	ssyncset.done $0x0  }
0x53: {  	s12 =	simm.s32 $0x2A80;
	[sflag:s31] =	ssyncadd.s32 $0xFFFFE0C0  }
0x54: {  	[spmem:s1] =	stream.indirect.scatter.add.f32 [tilespmem:s22], [sflag:$0xE], $0x40, s12, s16, $0xb8;
	[tilespmem:$0x1E640] =	vst v63  }
0x55: {  	_ =	swait.ge [sflag:s0], $0x1F40  }
0x56: {  	[sflag:s0] =	ssyncset.done $0x0  }
0x57: {  	s13 =	simm.s32 $0x2B00;
	[sflag:s0] =	ssyncadd.s32 $0xFFFFE0C0  }
0x58: {  	[spmem:s1] =	stream.indirect.scatter.add.f32 [tilespmem:s23], [sflag:$0xF], $0x40, s13, s16, $0xb8;
	[tilespmem:$0x1E640] =	vst v63  }
0x59: {  	_ =	swait.ge [sflag:s15], $0x1F40  }
0x5a: {  	[sflag:s15] =	ssyncset.done $0x0  }
0x5b: {  	s14 =	simm.s32 $0x2B80;
	[sflag:s15] =	ssyncadd.s32 $0xFFFFE0C0  }
0x5c: {  	[spmem:s1] =	stream.indirect.scatter.add.f32 [tilespmem:s24], [sflag:$0x10], $0x40, s14, s16, $0xb8;
	[tilespmem:$0x1E640] =	vst v63  }
0x5d: {  	_ =	swait.ge [sflag:s2], $0x1F40  }
0x5e: {  	[sflag:s2] =	ssyncset.done $0x0  }
0x5f: {  	[sflag:s2] =	ssyncadd.s32 $0xFFFFE0C0  }
0x60: {  	_ =	swait.ge [sflag:s5], $0x1F40  }
0x61: {  	[sflag:s5] =	ssyncset.done $0x0  }
0x62: {  	[sflag:s5] =	ssyncadd.s32 $0xFFFFE0C0  }
0x63: {  	_ =	swait.ge [sflag:s7], $0x1F40  }
0x64: {  	[sflag:s7] =	ssyncset.done $0x0  }
0x65: {  	[sflag:s7] =	ssyncadd.s32 $0xFFFFE0C0  }
0x66: {  	_ =	swait.ge [sflag:s8], $0x1F40  }
0x67: {  	[sflag:s8] =	ssyncset.done $0x0  }
0x68: {  	[sflag:s8] =	ssyncadd.s32 $0xFFFFE0C0  }
0x69: {  	_ =	swait.ge [sflag:s4], $0x1F40  }
0x6a: {  	[sflag:s4] =	ssyncset.done $0x0  }
0x6b: {  	[sflag:s4] =	ssyncadd.s32 $0xFFFFE0C0  }
0x6c: {  	_ =	swait.ge [sflag:s9], $0x1F40  }
0x6d: {  	[sflag:s9] =	ssyncset.done $0x0  }
0x6e: {  	[sflag:s9] =	ssyncadd.s32 $0xFFFFE0C0  }
0x6f: {  	_ =	swait.ge [sflag:s11], $0x1F40  }
0x70: {  	[sflag:s11] =	ssyncset.done $0x0  }
0x71: {  	[sflag:s11] =	ssyncadd.s32 $0xFFFFE0C0  }
0x72: {  	_ =	swait.ge [sflag:s10], $0x1F40  }
0x73: {  	s6 =	simm.s32 $0x2000;
	s14 =	simm.s32 $0x1000;
	[sflag:s10] =	ssyncset.done $0x0  }
.LBB2_2:
0x74: {  	s13 =	sshra.s32 s14, $0x2  }
0x75: {  	[sflag:s10] =	ssyncadd.s32 $0xFFFFE0C0;
	s14 =	smov.u32 s6;
	s12 =	sadd.s32 $0x1000, s6  }
0x76: {  	[tilespmem:s17], [sflag:$0x1] =	stream.indirect.gather [hbm4b:s3+s16], $0x40, s13, s16, $0xb8;
	[tilespmem:$0x1E640] =	vst v63  }
0x77: {  	p1 =	sne.s32 s6, $0x9000;
	s6 =	sadd.s32 $0x80, s13  }
0x78: {  	[tilespmem:s18], [sflag:$0x2] =	stream.indirect.gather [hbm4b:s3+s16], $0x40, s6, s16, $0xb8;
	[tilespmem:$0x1E640] =	vst v63  }
0x79: {  	s6 =	sadd.s32 $0x100, s13  }
0x7a: {  	[tilespmem:s19], [sflag:$0x3] =	stream.indirect.gather [hbm4b:s3+s16], $0x40, s6, s16, $0xb8;
	[tilespmem:$0x1E640] =	vst v63  }
0x7b: {  	s6 =	sadd.s32 $0x180, s13  }
0x7c: {  	[tilespmem:s20], [sflag:$0x4] =	stream.indirect.gather [hbm4b:s3+s16], $0x40, s6, s16, $0xb8;
	[tilespmem:$0x1E640] =	vst v63  }
0x7d: {  	s6 =	sadd.s32 $0x200, s13  }
0x7e: {  	[tilespmem:s21], [sflag:$0x5] =	stream.indirect.gather [hbm4b:s3+s16], $0x40, s6, s16, $0xb8;
	[tilespmem:$0x1E640] =	vst v63  }
0x7f: {  	s6 =	sadd.s32 $0x280, s13  }
0x80: {  	[tilespmem:s22], [sflag:$0x6] =	stream.indirect.gather [hbm4b:s3+s16], $0x40, s6, s16, $0xb8;
	[tilespmem:$0x1E640] =	vst v63  }
0x81: {  	s6 =	sadd.s32 $0x300, s13  }
0x82: {  	[tilespmem:s23], [sflag:$0x7] =	stream.indirect.gather [hbm4b:s3+s16], $0x40, s6, s16, $0xb8;
	[tilespmem:$0x1E640] =	vst v63  }
0x83: {  	s6 =	sadd.s32 $0x380, s13  }
0x84: {  	[tilespmem:s24], [sflag:$0x8] =	stream.indirect.gather [hbm4b:s3+s16], $0x40, s6, s16, $0xb8;
	[tilespmem:$0x1E640] =	vst v63  }
0x85: {  	_ =	swait.ge [sflag:s25], $0x1F40  }
0x86: {  	[sflag:s25] =	ssyncset.done $0x0  }
0x87: {  	s6 =	sadd.s32 $0x2800, s13;
	[sflag:s25] =	ssyncadd.s32 $0xFFFFE0C0  }
0x88: {  	[spmem:s1] =	stream.indirect.scatter.add.f32 [tilespmem:s17], [sflag:$0x9], $0x40, s6, s16, $0xb8;
	[tilespmem:$0x1E640] =	vst v63  }
0x89: {  	_ =	swait.ge [sflag:s26], $0x1F40  }
0x8a: {  	[sflag:s26] =	ssyncset.done $0x0  }
0x8b: {  	s6 =	sadd.s32 $0x2880, s13;
	[sflag:s26] =	ssyncadd.s32 $0xFFFFE0C0  }
0x8c: {  	[spmem:s1] =	stream.indirect.scatter.add.f32 [tilespmem:s18], [sflag:$0xA], $0x40, s6, s16, $0xb8;
	[tilespmem:$0x1E640] =	vst v63  }
0x8d: {  	_ =	swait.ge [sflag:s28], $0x1F40  }
0x8e: {  	[sflag:s28] =	ssyncset.done $0x0  }
0x8f: {  	s6 =	sadd.s32 $0x2900, s13;
	[sflag:s28] =	ssyncadd.s32 $0xFFFFE0C0  }
0x90: {  	[spmem:s1] =	stream.indirect.scatter.add.f32 [tilespmem:s19], [sflag:$0xB], $0x40, s6, s16, $0xb8;
	[tilespmem:$0x1E640] =	vst v63  }
0x91: {  	_ =	swait.ge [sflag:s29], $0x1F40  }
0x92: {  	[sflag:s29] =	ssyncset.done $0x0  }
0x93: {  	s6 =	sadd.s32 $0x2980, s13;
	[sflag:s29] =	ssyncadd.s32 $0xFFFFE0C0  }
0x94: {  	[spmem:s1] =	stream.indirect.scatter.add.f32 [tilespmem:s20], [sflag:$0xC], $0x40, s6, s16, $0xb8;
	[tilespmem:$0x1E640] =	vst v63  }
0x95: {  	_ =	swait.ge [sflag:s30], $0x1F40  }
0x96: {  	[sflag:s30] =	ssyncset.done $0x0  }
0x97: {  	s6 =	sadd.s32 $0x2A00, s13;
	[sflag:s30] =	ssyncadd.s32 $0xFFFFE0C0  }
0x98: {  	[spmem:s1] =	stream.indirect.scatter.add.f32 [tilespmem:s21], [sflag:$0xD], $0x40, s6, s16, $0xb8;
	[tilespmem:$0x1E640] =	vst v63  }
0x99: {  	_ =	swait.ge [sflag:s31], $0x1F40  }
0x9a: {  	[sflag:s31] =	ssyncset.done $0x0  }
0x9b: {  	s6 =	sadd.s32 $0x2A80, s13;
	[sflag:s31] =	ssyncadd.s32 $0xFFFFE0C0  }
0x9c: {  	[spmem:s1] =	stream.indirect.scatter.add.f32 [tilespmem:s22], [sflag:$0xE], $0x40, s6, s16, $0xb8;
	[tilespmem:$0x1E640] =	vst v63  }
0x9d: {  	_ =	swait.ge [sflag:s0], $0x1F40  }
0x9e: {  	[sflag:s0] =	ssyncset.done $0x0  }
0x9f: {  	s6 =	sadd.s32 $0x2B00, s13;
	[sflag:s0] =	ssyncadd.s32 $0xFFFFE0C0  }
0xa0: {  	[spmem:s1] =	stream.indirect.scatter.add.f32 [tilespmem:s23], [sflag:$0xF], $0x40, s6, s16, $0xb8;
	[tilespmem:$0x1E640] =	vst v63  }
0xa1: {  	_ =	swait.ge [sflag:s15], $0x1F40  }
0xa2: {  	[sflag:s15] =	ssyncset.done $0x0  }
0xa3: {  	s6 =	sadd.s32 $0x2B80, s13;
	[sflag:s15] =	ssyncadd.s32 $0xFFFFE0C0  }
0xa4: {  	[spmem:s1] =	stream.indirect.scatter.add.f32 [tilespmem:s24], [sflag:$0x10], $0x40, s6, s16, $0xb8;
	[tilespmem:$0x1E640] =	vst v63  }
0xa5: {  	_ =	swait.ge [sflag:s2], $0x1F40  }
0xa6: {  	[sflag:s2] =	ssyncset.done $0x0  }
0xa7: {  	[sflag:s2] =	ssyncadd.s32 $0xFFFFE0C0  }
0xa8: {  	_ =	swait.ge [sflag:s5], $0x1F40  }
0xa9: {  	[sflag:s5] =	ssyncset.done $0x0  }
0xaa: {  	[sflag:s5] =	ssyncadd.s32 $0xFFFFE0C0  }
0xab: {  	_ =	swait.ge [sflag:s7], $0x1F40  }
0xac: {  	[sflag:s7] =	ssyncset.done $0x0  }
0xad: {  	[sflag:s7] =	ssyncadd.s32 $0xFFFFE0C0  }
0xae: {  	_ =	swait.ge [sflag:s8], $0x1F40  }
0xaf: {  	[sflag:s8] =	ssyncset.done $0x0  }
0xb0: {  	[sflag:s8] =	ssyncadd.s32 $0xFFFFE0C0  }
0xb1: {  	_ =	swait.ge [sflag:s4], $0x1F40  }
0xb2: {  	[sflag:s4] =	ssyncset.done $0x0  }
0xb3: {  	[sflag:s4] =	ssyncadd.s32 $0xFFFFE0C0  }
0xb4: {  	_ =	swait.ge [sflag:s9], $0x1F40  }
0xb5: {  	[sflag:s9] =	ssyncset.done $0x0  }
0xb6: {  	[sflag:s9] =	ssyncadd.s32 $0xFFFFE0C0  }
.Ltmp0:
0xb7: {  	_ =	swait.ge [sflag:s11], $0x1F40;
	(pc) =	sbr.rel @p1 .LBB2_2-.Ltmp0, $4  }
0xb8: {  	[sflag:s11] =	ssyncset.done $0x0  }
0xb9: {  	[sflag:s11] =	ssyncadd.s32 $0xFFFFE0C0  }
0xba: {  	_ =	swait.ge [sflag:s10], $0x1F40  }
0xbb: {  	s6 =	smov.u32 s12;
	[sflag:s10] =	ssyncset.done $0x0  }
0xbc: {  	s6 =	sshra.s32 s14, $0x2;
	[sflag:s10] =	ssyncadd.s32 $0xFFFFE0C0  }
0xbd: {  	[tilespmem:s17], [sflag:$0x1] =	stream.indirect.gather [hbm4b:s3+s16], $0x40, s6, s16, $0xb8;
	[tilespmem:$0x1E640] =	vst v63  }
0xbe: {  	s12 =	sadd.s32 $0x80, s6  }
0xbf: {  	[tilespmem:s18], [sflag:$0x2] =	stream.indirect.gather [hbm4b:s3+s16], $0x40, s12, s16, $0xb8;
	[tilespmem:$0x1E640] =	vst v63  }
0xc0: {  	s14 =	sadd.s32 $0x100, s6  }
0xc1: {  	[tilespmem:s19], [sflag:$0x3] =	stream.indirect.gather [hbm4b:s3+s16], $0x40, s14, s16, $0xb8;
	[tilespmem:$0x1E640] =	vst v63  }
0xc2: {  	s13 =	sadd.s32 $0x180, s6  }
0xc3: {  	[tilespmem:s20], [sflag:$0x4] =	stream.indirect.gather [hbm4b:s3+s16], $0x40, s13, s16, $0xb8;
	[tilespmem:$0x1E640] =	vst v63  }
0xc4: {  	s14 =	sadd.s32 $0x200, s6  }
0xc5: {  	[tilespmem:s21], [sflag:$0x5] =	stream.indirect.gather [hbm4b:s3+s16], $0x40, s14, s16, $0xb8;
	[tilespmem:$0x1E640] =	vst v63  }
0xc6: {  	s13 =	sadd.s32 $0x280, s6  }
0xc7: {  	[tilespmem:s22], [sflag:$0x6] =	stream.indirect.gather [hbm4b:s3+s16], $0x40, s13, s16, $0xb8;
	[tilespmem:$0x1E640] =	vst v63  }
0xc8: {  	s14 =	sadd.s32 $0x300, s6  }
0xc9: {  	[tilespmem:s23], [sflag:$0x7] =	stream.indirect.gather [hbm4b:s3+s16], $0x40, s14, s16, $0xb8;
	[tilespmem:$0x1E640] =	vst v63  }
0xca: {  	s13 =	sadd.s32 $0x380, s6  }
0xcb: {  	[tilespmem:s24], [sflag:$0x8] =	stream.indirect.gather [hbm4b:s3+s16], $0x40, s13, s16, $0xb8;
	[tilespmem:$0x1E640] =	vst v63  }
0xcc: {  	_ =	swait.ge [sflag:s25], $0x1F40  }
0xcd: {  	[sflag:s25] =	ssyncset.done $0x0  }
0xce: {  	s14 =	sadd.s32 $0x2800, s6;
	[sflag:s25] =	ssyncadd.s32 $0xFFFFE0C0  }
0xcf: {  	[spmem:s1] =	stream.indirect.scatter.add.f32 [tilespmem:s17], [sflag:$0x9], $0x40, s14, s16, $0xb8;
	[tilespmem:$0x1E640] =	vst v63  }
0xd0: {  	_ =	swait.ge [sflag:s26], $0x1F40  }
0xd1: {  	[sflag:s26] =	ssyncset.done $0x0  }
0xd2: {  	s13 =	sadd.s32 $0x2880, s6;
	[sflag:s26] =	ssyncadd.s32 $0xFFFFE0C0  }
0xd3: {  	[spmem:s1] =	stream.indirect.scatter.add.f32 [tilespmem:s18], [sflag:$0xA], $0x40, s13, s16, $0xb8;
	[tilespmem:$0x1E640] =	vst v63  }
0xd4: {  	_ =	swait.ge [sflag:s28], $0x1F40  }
0xd5: {  	[sflag:s28] =	ssyncset.done $0x0  }
0xd6: {  	s14 =	sadd.s32 $0x2900, s6;
	[sflag:s28] =	ssyncadd.s32 $0xFFFFE0C0  }
0xd7: {  	[spmem:s1] =	stream.indirect.scatter.add.f32 [tilespmem:s19], [sflag:$0xB], $0x40, s14, s16, $0xb8;
	[tilespmem:$0x1E640] =	vst v63  }
0xd8: {  	_ =	swait.ge [sflag:s29], $0x1F40  }
0xd9: {  	[sflag:s29] =	ssyncset.done $0x0  }
0xda: {  	s13 =	sadd.s32 $0x2980, s6;
	[sflag:s29] =	ssyncadd.s32 $0xFFFFE0C0  }
0xdb: {  	[spmem:s1] =	stream.indirect.scatter.add.f32 [tilespmem:s20], [sflag:$0xC], $0x40, s13, s16, $0xb8;
	[tilespmem:$0x1E640] =	vst v63  }
0xdc: {  	_ =	swait.ge [sflag:s30], $0x1F40  }
0xdd: {  	[sflag:s30] =	ssyncset.done $0x0  }
0xde: {  	s14 =	sadd.s32 $0x2A00, s6;
	[sflag:s30] =	ssyncadd.s32 $0xFFFFE0C0  }
0xdf: {  	[spmem:s1] =	stream.indirect.scatter.add.f32 [tilespmem:s21], [sflag:$0xD], $0x40, s14, s16, $0xb8;
	[tilespmem:$0x1E640] =	vst v63  }
0xe0: {  	_ =	swait.ge [sflag:s31], $0x1F40  }
0xe1: {  	[sflag:s31] =	ssyncset.done $0x0  }
0xe2: {  	s13 =	sadd.s32 $0x2A80, s6;
	[sflag:s31] =	ssyncadd.s32 $0xFFFFE0C0  }
0xe3: {  	[spmem:s1] =	stream.indirect.scatter.add.f32 [tilespmem:s22], [sflag:$0xE], $0x40, s13, s16, $0xb8;
	[tilespmem:$0x1E640] =	vst v63  }
0xe4: {  	_ =	swait.ge [sflag:s0], $0x1F40  }
0xe5: {  	[sflag:s0] =	ssyncset.done $0x0  }
0xe6: {  	s14 =	sadd.s32 $0x2B00, s6;
	[sflag:s0] =	ssyncadd.s32 $0xFFFFE0C0  }
0xe7: {  	[spmem:s1] =	stream.indirect.scatter.add.f32 [tilespmem:s23], [sflag:$0xF], $0x40, s14, s16, $0xb8;
	[tilespmem:$0x1E640] =	vst v63  }
0xe8: {  	_ =	swait.ge [sflag:s15], $0x1F40  }
0xe9: {  	[sflag:s15] =	ssyncset.done $0x0  }
0xea: {  	s6 =	sadd.s32 $0x2B80, s6;
	[sflag:s15] =	ssyncadd.s32 $0xFFFFE0C0  }
0xeb: {  	[spmem:s1] =	stream.indirect.scatter.add.f32 [tilespmem:s24], [sflag:$0x10], $0x40, s6, s16, $0xb8;
	[tilespmem:$0x1E640] =	vst v63  }
0xec: {  	_ =	swait.ge [sflag:s2], $0x1F40  }
0xed: {  	[sflag:s2] =	ssyncset.done $0x0  }
0xee: {  	[sflag:s2] =	ssyncadd.s32 $0xFFFFE0C0  }
0xef: {  	_ =	swait.ge [sflag:s5], $0x1F40  }
0xf0: {  	[sflag:s5] =	ssyncset.done $0x0  }
0xf1: {  	[sflag:s5] =	ssyncadd.s32 $0xFFFFE0C0  }
0xf2: {  	_ =	swait.ge [sflag:s7], $0x1F40  }
0xf3: {  	[sflag:s7] =	ssyncset.done $0x0  }
0xf4: {  	[sflag:s7] =	ssyncadd.s32 $0xFFFFE0C0  }
0xf5: {  	_ =	swait.ge [sflag:s8], $0x1F40  }
0xf6: {  	[sflag:s8] =	ssyncset.done $0x0  }
0xf7: {  	[sflag:s8] =	ssyncadd.s32 $0xFFFFE0C0  }
0xf8: {  	_ =	swait.ge [sflag:s4], $0x1F40  }
0xf9: {  	[sflag:s4] =	ssyncset.done $0x0  }
0xfa: {  	[sflag:s4] =	ssyncadd.s32 $0xFFFFE0C0  }
0xfb: {  	_ =	swait.ge [sflag:s9], $0x1F40  }
0xfc: {  	[sflag:s9] =	ssyncset.done $0x0  }
0xfd: {  	[sflag:s9] =	ssyncadd.s32 $0xFFFFE0C0  }
0xfe: {  	_ =	swait.ge [sflag:s11], $0x1F40  }
0xff: {  	[sflag:s11] =	ssyncset.done $0x0  }
0x100: {  	[sflag:s11] =	ssyncadd.s32 $0xFFFFE0C0  }
0x101: {  	_ =	swait.ge [sflag:s10], $0x1F40  }
0x102: {  	[sflag:s10] =	ssyncset.done $0x0  }
0x103: {  	[sflag:s10] =	ssyncadd.s32 $0xFFFFE0C0  }
0x104: {  	[bflag:$0x0] =	sbarrier.arrive $0xFFFF  }
0x105: {  	s12 =	rddreg [dreg:$0x3]  }
0x106: {  	s13 =	rddreg [dreg:$0x9]  }
0x107: {  	s14 =	rddreg [dreg:$0xb]  }
0x108: {  	s6 =	sadd.s32 s12, s13;
	s12 =	rddreg [dreg:$0x5]  }
0x109: {  	[hbm:s6], [sflag:s12] =	dma.local [spmem:s14], $0x1380  }
0x10a: {  	s14 =	simm.s32 $0x11  }
0x10b: {  	_ =	swait.ge [sflag:s14], $0x1380  }
0x10c: {  	s6 =	sadd.s32 @!p0 $0x13800, s13;
	[sflag:s14] =	ssyncset.done $0x0  }
0x10d: {  	s13 =	simm.s32 @!p0 $0x11;
	[sflag:s14] =	ssyncadd.s32 $0xFFFFEC80;
	s14 =	rddreg [dreg:$0xc]  }
0x10e: {  	[hbm:s6], [sflag:s12] =	dma.local @!p0 [spmem:s14], $0x80  }
0x10f: {  	_ =	swait.ge @!p0 [sflag:s13], $0x80  }
0x110: {  	s14 =	rddreg [dreg:$0xd]  }
0x111: {  	s6 =	sadd.s32 $0x1, s14;
	s14 =	rddreg [dreg:$0xa]  }
0x112: {  	p1 =	sne.s32 s6, s14  }
.Ltmp1:
0x113: {  	_ = 	snop;
	(pc) =	sbr.rel @p1 .LBB2_1-.Ltmp1, $3  }
0x114: {  	_ =	sdelay $0x1  }
0x115: {  	[sflag:s13] =	ssyncset.done @!p0 $0x0;
	[dreg:$0xd] =	wrdreg s6;
	s6 =	simm.s32 @!p0 $0x11  }
0x116: {  	s13 =	simm.s32 $0x11;
	[sflag:s6] =	ssyncadd.s32 @!p0 $0xFFFFFF80  }
0x117: {  	_ =	sfence.sel $0x180000  }
0x118: {  	[bflag:$0x0] =	sbarrier.arrive $0xFFFF  }
0x119: {  	_ =	strace $0x90000050  }
0x11a: {  	[bflag:$0x2] =	sbarrier.arrive $0xFFFF  }
0x11b: {  	s0 =	rddreg [dreg:$0x2]  }
0x11c: {  	s0 =	sadd.s32 @!p0 $0x100000, s0  }
0x11d: {  	[sflag:s0] =	ssyncadd.tile.s32 @!p0 $0x1;
	_ =	shalt  }
.Lfunc_end2:
_tile_overlayer_lowered:
.L_overlay_start_2:
0x11e: {  	(tag) =	ssettag $0x2  }
0x11f: {  	s0 =	rddreg [dreg:$0x0];
	s2 =	stileid.u32  }
0x120: {  	s1 =	rddreg [dreg:$0x1];
	p0 =	sne.s32 s2, $0x0  }
0x121: {  	s3 =	rddreg [dreg:$0x2];
	[bflag:$0x3] =	sbarrier.arrive $0xFFFF;
	s2 =	simm.s32 @!p0 $0x1C11  }
0x122: {  	[timem:s3], [sflag:s2] =	dma.local @!p0 [hbm:s0], s1  }
0x123: {  	s0 =	simm.s32 @!p0 $0x11  }
0x124: {  	_ =	swait.ge @!p0 [sflag:s0], s1  }
0x125: {  	s1 =	ssub.s32 @!p0 $0x0, s1;
	[sflag:s0] =	ssyncset.done @!p0 $0x0  }
0x126: {  	[sflag:s0] =	ssyncadd.s32 @!p0 s1  }
0x127: {  	[bflag:$0x3] =	sbarrier.arrive $0xFFFF  }
0x128: {  	_ =	shalt  }

</sc_bundles>
